<compile_context>
chip_gen: v7x
topology: tpu7x:2x2x1
jax: 0.10.2.dev20260603
libtpu: 0.0.44.dev20260713+nightly
codegen_flags: <defaults>
</compile_context>

<pallas_src>
import functools

import jax
import jax.numpy as jnp
from jax import lax
from jax.experimental import pallas as pl
from jax.experimental.pallas import tpu as pltpu
from jax.experimental.pallas import tpu_sc as plsc

VOCAB = 100000
D = 2048
SEQ = 2048
BATCH = 4
ROWS = BATCH * SEQ
NC, NS, LANES = 2, 16, 16
NW = NC * NS
POS_PER_W = SEQ // NW
PGRP = 8
NGRP = POS_PER_W // PGRP
CHUNK = 8
CPG = BATCH
NCH = NGRP * CPG
NRB = 4


def _sc_embed(table, idx4d, pos2d):
    mesh = plsc.VectorSubcoreMesh(core_axis_name="c", subcore_axis_name="s")

    @functools.partial(
        pl.kernel,
        out_type=jax.ShapeDtypeStruct((ROWS, D), jnp.float32),
        mesh=mesh,
        scratch_types=[
            pltpu.VMEM((BATCH, POS_PER_W), jnp.int32),
            pltpu.VMEM((NRB, CHUNK, D), jnp.float32),
            pltpu.VMEM((2, PGRP, D), jnp.float32),
            [pltpu.SemaphoreType.DMA] * NRB,
            [pltpu.SemaphoreType.DMA] * NRB,
            [pltpu.SemaphoreType.DMA] * 2,
        ],
    )
    def k(table_hbm, idx_hbm, pos_hbm, out_hbm,
          idx_v, rb, pb, gsem, ssem, psem):
        wid = lax.axis_index("c") * NS + lax.axis_index("s")
        pos0 = wid * POS_PER_W

        def gather_descr(t, j):
            g, b = t // CPG, t % CPG
            return pltpu.make_async_copy(
                table_hbm.at[idx_v.at[b, pl.ds(g * PGRP, PGRP)]],
                rb.at[j], gsem[j])

        def store_descr(t, j):
            g, b = t // CPG, t % CPG
            out_base = b * SEQ + pos0 + g * PGRP
            return pltpu.make_async_copy(
                rb.at[j], out_hbm.at[pl.ds(out_base, CHUNK)], ssem[j])

        def pos_descr(g, pj):
            return pltpu.make_async_copy(
                pos_hbm.at[pl.ds(pos0 + g * PGRP, PGRP)], pb.at[pj], psem[pj])

        pos_descr(0, 0).start()
        idx_cp = [pltpu.make_async_copy(
            idx_hbm.at[b, pl.ds(pos0, POS_PER_W)], idx_v.at[b], ssem[b])
            for b in range(BATCH)]
        for c in idx_cp:
            c.start()
        idx_cp[0].wait()
        gather_descr(0, 0).start()
        idx_cp[1].wait()
        gather_descr(1, 1).start()
        idx_cp[2].wait()
        idx_cp[3].wait()

        @pl.loop(0, NCH, step=2 * CPG)
        def _(tt):
            for jj in range(2 * CPG):
                t = tt + jj
                j = jj % NRB
                pg = (jj // CPG) % 2
                g = t // CPG

                if jj % CPG == 0:
                    pos_descr(g, pg).wait()

                    @pl.when(g < NGRP - 1)
                    def _():
                        pos_descr(g + 1, 1 - pg).start()

                gather_descr(t, j).wait()

                @pl.when(t + 2 < NCH)
                def _():
                    j2 = (jj + 2) % NRB

                    @pl.when(t >= 2)
                    def _():
                        store_descr(t - 2, j2).wait()

                    gather_descr(t + 2, j2).start()

                @pl.loop(0, CHUNK)
                def _(r):
                    @pl.loop(0, D, step=LANES, unroll=16)
                    def _(col):
                        plsc.addupdate(
                            rb.at[j, r, pl.ds(col, LANES)],
                            pb.at[pg, r, pl.ds(col, LANES)][...])

                store_descr(t, j).start()

        for jj in range(NRB):
            t = NCH - NRB + jj
            store_descr(t, t % NRB).wait()

    return k(table, idx4d, pos2d)


def kernel(x, table, pos_embed):
    pos2d = pos_embed.reshape(SEQ, D)
    out = _sc_embed(table, x.astype(jnp.int32), pos2d)
    return out.reshape(BATCH, SEQ, D)

# --- scband reference (transcript-rebuilt; emitter-appended) ---
"""Pipeline reference for scband-embedding-1821066133922 (READ-ONLY COPY).

The authoritative reference and input builder live on the scoring server;
editing this copy changes nothing except your own understanding.
"""

import jax, jax.numpy as jnp
import numpy as np

VOCAB = 100000
D_MODEL = 2048
SEQ_LEN = 2048
BATCH = 4
PAD_IDX = 0


def setup_inputs(seed: int = 0) -> dict:
    key = jax.random.key(seed)
    k1, k2, k3 = jax.random.split(key, 3)
    x = jax.random.randint(k1, (BATCH, SEQ_LEN), 0, VOCAB, dtype=jnp.int64 if jax.config.read('jax_enable_x64') else jnp.int32)
    table = jax.random.normal(k2, (VOCAB, D_MODEL), dtype=jnp.float32) * 0.02
    # nn.Embedding with padding_idx zeros that row
    table = table.at[PAD_IDX].set(0.0)
    # positional embedding, nn.Parameter(torch.rand(1, seq_len, d_model))
    pos_embed = jax.random.uniform(k3, (1, SEQ_LEN, D_MODEL), dtype=jnp.float32)
    return {"x": x, "table": table, "pos_embed": pos_embed}


def reference(x, table, pos_embed):
    # embedding lookup: gather rows of the table
    emb = jnp.take(table, x, axis=0)  # [B, L, d_model]
    # add positional embedding, sliced to current sequence length
    out = emb + pos_embed[:, : x.shape[1]]
    return out

if __name__ == "__main__":
    import jax
    _d = setup_inputs()
    print(jax.jit(kernel)(*tuple(_d.values())))

</pallas_src>

<mosaic_0001>
#map = affine_map<(d0, d1) -> (0, 0)>
module attributes {stable_mosaic.version = 14 : i64} {
  func.func @k(%arg0: i32, %arg1: i32, %arg2: memref<100000x2048xf32, #tpu.memory_space<hbm>>, %arg3: memref<4x2048xi32, #tpu.memory_space<hbm>>, %arg4: memref<2048x2048xf32, #tpu.memory_space<hbm>>, %arg5: memref<8192x2048xf32, #tpu.memory_space<hbm>>, %arg6: memref<4x64xi32, #tpu.memory_space<vmem>>, %arg7: memref<4x8x2048xf32, #tpu.memory_space<vmem>>, %arg8: memref<2x8x2048xf32, #tpu.memory_space<vmem>>, %arg9: memref<!tpu.dma_semaphore, #tpu.memory_space<semaphore_mem>>, %arg10: memref<!tpu.dma_semaphore, #tpu.memory_space<semaphore_mem>>, %arg11: memref<!tpu.dma_semaphore, #tpu.memory_space<semaphore_mem>>, %arg12: memref<!tpu.dma_semaphore, #tpu.memory_space<semaphore_mem>>, %arg13: memref<!tpu.dma_semaphore, #tpu.memory_space<semaphore_mem>>, %arg14: memref<!tpu.dma_semaphore, #tpu.memory_space<semaphore_mem>>, %arg15: memref<!tpu.dma_semaphore, #tpu.memory_space<semaphore_mem>>, %arg16: memref<!tpu.dma_semaphore, #tpu.memory_space<semaphore_mem>>, %arg17: memref<!tpu.dma_semaphore, #tpu.memory_space<semaphore_mem>>, %arg18: memref<!tpu.dma_semaphore, #tpu.memory_space<semaphore_mem>>) attributes {dimension_semantics = [#tpu.dimension_semantics<core_parallel>, #tpu.dimension_semantics<subcore_parallel>], iteration_bounds = array<i64: 2, 16>, scalar_prefetch = 0 : i64, scratch_operands = 13 : i64, tpu.core_type = #tpu.core_type<sc_vector_subcore>, window_params = [{transform_indices = #map}, {transform_indices = #map}, {transform_indices = #map}, {transform_indices = #map}]} {
    %mul3A = arith.constant 16 : i32
    %mul3A_0 = arith.muli %arg0, %mul3A : i32
    %add3A = arith.addi %mul3A_0, %arg1 : i32
    %mul3A_1 = arith.constant 64 : i32
    %mul3A_2 = arith.muli %add3A, %mul3A_1 : i32
    %add3A_3 = arith.constant 0 : i32
    %add3A_4 = arith.addi %mul3A_2, %add3A_3 : i32
    %dma_start3A = arith.constant 0 : i32
    %dma_start3A_5 = arith.constant 0 : i32
    %dma_start3A_6 = arith.constant 0 : i32
    %dma_start3A_7 = tpu.memref_slice %arg8[%dma_start3A, %dma_start3A_5, %dma_start3A_6] : memref<2x8x2048xf32, #tpu.memory_space<vmem>> -> memref<1x8x2048xf32, #tpu.memory_space<vmem>>
    %dma_start3A_8 = tpu.memref_squeeze %dma_start3A_7 : memref<1x8x2048xf32, #tpu.memory_space<vmem>> -> memref<8x2048xf32, #tpu.memory_space<vmem>>
    %dma_start3A_9 = arith.constant 0 : i32
    %dma_start3A_10 = tpu.memref_slice %arg4[%add3A_4, %dma_start3A_9] : memref<2048x2048xf32, #tpu.memory_space<hbm>> -> memref<8x2048xf32, #tpu.memory_space<hbm>>
    %dma_start3A_11 = arith.constant 0 : i32
    %dma_start3A_12 = arith.constant 0 : i32
    %dma_start3A_13 = tpu.memref_slice %arg8[%dma_start3A, %dma_start3A_11, %dma_start3A_12] : memref<2x8x2048xf32, #tpu.memory_space<vmem>> -> memref<1x8x2048xf32, #tpu.memory_space<vmem>>
    %dma_start3A_14 = tpu.memref_squeeze %dma_start3A_13 : memref<1x8x2048xf32, #tpu.memory_space<vmem>> -> memref<8x2048xf32, #tpu.memory_space<vmem>>
    %dma_start3A_15 = arith.constant 0 : i32
    %dma_start3A_16 = tpu.memref_slice %arg4[%add3A_4, %dma_start3A_15] : memref<2048x2048xf32, #tpu.memory_space<hbm>> -> memref<8x2048xf32, #tpu.memory_space<hbm>>
    tpu.enqueue_dma source(%dma_start3A_16 : memref<8x2048xf32, #tpu.memory_space<hbm>>) target(%dma_start3A_14 : memref<8x2048xf32, #tpu.memory_space<vmem>>) target_semaphore(%arg17 : memref<!tpu.dma_semaphore, #tpu.memory_space<semaphore_mem>>)
    %dma_start3A_17 = arith.constant 0 : i32
    %dma_start3A_18 = arith.constant 0 : i32
    %dma_start3A_19 = arith.constant 0 : i32
    %dma_start3A_20 = tpu.memref_slice %arg6[%dma_start3A_18, %dma_start3A_19] : memref<4x64xi32, #tpu.memory_space<vmem>> -> memref<1x64xi32, #tpu.memory_space<vmem>>
    %dma_start3A_21 = tpu.memref_squeeze %dma_start3A_20 : memref<1x64xi32, #tpu.memory_space<vmem>> -> memref<64xi32, #tpu.memory_space<vmem>>
    %dma_start3A_22 = tpu.memref_slice %arg3[%dma_start3A_17, %mul3A_2] : memref<4x2048xi32, #tpu.memory_space<hbm>> -> memref<1x64xi32, #tpu.memory_space<hbm>>
    %dma_start3A_23 = tpu.memref_squeeze %dma_start3A_22 : memref<1x64xi32, #tpu.memory_space<hbm>> -> memref<64xi32, #tpu.memory_space<hbm>>
    %dma_start3A_24 = arith.constant 0 : i32
    %dma_start3A_25 = tpu.memref_slice %arg6[%dma_start3A_18, %dma_start3A_24] : memref<4x64xi32, #tpu.memory_space<vmem>> -> memref<1x64xi32, #tpu.memory_space<vmem>>
    %dma_start3A_26 = tpu.memref_squeeze %dma_start3A_25 : memref<1x64xi32, #tpu.memory_space<vmem>> -> memref<64xi32, #tpu.memory_space<vmem>>
    %dma_start3A_27 = tpu.memref_slice %arg3[%dma_start3A_17, %mul3A_2] : memref<4x2048xi32, #tpu.memory_space<hbm>> -> memref<1x64xi32, #tpu.memory_space<hbm>>
    %dma_start3A_28 = tpu.memref_squeeze %dma_start3A_27 : memref<1x64xi32, #tpu.memory_space<hbm>> -> memref<64xi32, #tpu.memory_space<hbm>>
    tpu.enqueue_dma source(%dma_start3A_28 : memref<64xi32, #tpu.memory_space<hbm>>) target(%dma_start3A_26 : memref<64xi32, #tpu.memory_space<vmem>>) target_semaphore(%arg13 : memref<!tpu.dma_semaphore, #tpu.memory_space<semaphore_mem>>)
    %dma_start3A_29 = arith.constant 1 : i32
    %dma_start3A_30 = arith.constant 1 : i32
    %dma_start3A_31 = arith.constant 0 : i32
    %dma_start3A_32 = tpu.memref_slice %arg6[%dma_start3A_30, %dma_start3A_31] : memref<4x64xi32, #tpu.memory_space<vmem>> -> memref<1x64xi32, #tpu.memory_space<vmem>>
    %dma_start3A_33 = tpu.memref_squeeze %dma_start3A_32 : memref<1x64xi32, #tpu.memory_space<vmem>> -> memref<64xi32, #tpu.memory_space<vmem>>
    %dma_start3A_34 = tpu.memref_slice %arg3[%dma_start3A_29, %mul3A_2] : memref<4x2048xi32, #tpu.memory_space<hbm>> -> memref<1x64xi32, #tpu.memory_space<hbm>>
    %dma_start3A_35 = tpu.memref_squeeze %dma_start3A_34 : memref<1x64xi32, #tpu.memory_space<hbm>> -> memref<64xi32, #tpu.memory_space<hbm>>
    %dma_start3A_36 = arith.constant 0 : i32
    %dma_start3A_37 = tpu.memref_slice %arg6[%dma_start3A_30, %dma_start3A_36] : memref<4x64xi32, #tpu.memory_space<vmem>> -> memref<1x64xi32, #tpu.memory_space<vmem>>
    %dma_start3A_38 = tpu.memref_squeeze %dma_start3A_37 : memref<1x64xi32, #tpu.memory_space<vmem>> -> memref<64xi32, #tpu.memory_space<vmem>>
    %dma_start3A_39 = tpu.memref_slice %arg3[%dma_start3A_29, %mul3A_2] : memref<4x2048xi32, #tpu.memory_space<hbm>> -> memref<1x64xi32, #tpu.memory_space<hbm>>
    %dma_start3A_40 = tpu.memref_squeeze %dma_start3A_39 : memref<1x64xi32, #tpu.memory_space<hbm>> -> memref<64xi32, #tpu.memory_space<hbm>>
    tpu.enqueue_dma source(%dma_start3A_40 : memref<64xi32, #tpu.memory_space<hbm>>) target(%dma_start3A_38 : memref<64xi32, #tpu.memory_space<vmem>>) target_semaphore(%arg14 : memref<!tpu.dma_semaphore, #tpu.memory_space<semaphore_mem>>)
    %dma_start3A_41 = arith.constant 2 : i32
    %dma_start3A_42 = arith.constant 2 : i32
    %dma_start3A_43 = arith.constant 0 : i32
    %dma_start3A_44 = tpu.memref_slice %arg6[%dma_start3A_42, %dma_start3A_43] : memref<4x64xi32, #tpu.memory_space<vmem>> -> memref<1x64xi32, #tpu.memory_space<vmem>>
    %dma_start3A_45 = tpu.memref_squeeze %dma_start3A_44 : memref<1x64xi32, #tpu.memory_space<vmem>> -> memref<64xi32, #tpu.memory_space<vmem>>
    %dma_start3A_46 = tpu.memref_slice %arg3[%dma_start3A_41, %mul3A_2] : memref<4x2048xi32, #tpu.memory_space<hbm>> -> memref<1x64xi32, #tpu.memory_space<hbm>>
    %dma_start3A_47 = tpu.memref_squeeze %dma_start3A_46 : memref<1x64xi32, #tpu.memory_space<hbm>> -> memref<64xi32, #tpu.memory_space<hbm>>
    %dma_start3A_48 = arith.constant 0 : i32
    %dma_start3A_49 = tpu.memref_slice %arg6[%dma_start3A_42, %dma_start3A_48] : memref<4x64xi32, #tpu.memory_space<vmem>> -> memref<1x64xi32, #tpu.memory_space<vmem>>
    %dma_start3A_50 = tpu.memref_squeeze %dma_start3A_49 : memref<1x64xi32, #tpu.memory_space<vmem>> -> memref<64xi32, #tpu.memory_space<vmem>>
    %dma_start3A_51 = tpu.memref_slice %arg3[%dma_start3A_41, %mul3A_2] : memref<4x2048xi32, #tpu.memory_space<hbm>> -> memref<1x64xi32, #tpu.memory_space<hbm>>
    %dma_start3A_52 = tpu.memref_squeeze %dma_start3A_51 : memref<1x64xi32, #tpu.memory_space<hbm>> -> memref<64xi32, #tpu.memory_space<hbm>>
    tpu.enqueue_dma source(%dma_start3A_52 : memref<64xi32, #tpu.memory_space<hbm>>) target(%dma_start3A_50 : memref<64xi32, #tpu.memory_space<vmem>>) target_semaphore(%arg15 : memref<!tpu.dma_semaphore, #tpu.memory_space<semaphore_mem>>)
    %dma_start3A_53 = arith.constant 3 : i32
    %dma_start3A_54 = arith.constant 3 : i32
    %dma_start3A_55 = arith.constant 0 : i32
    %dma_start3A_56 = tpu.memref_slice %arg6[%dma_start3A_54, %dma_start3A_55] : memref<4x64xi32, #tpu.memory_space<vmem>> -> memref<1x64xi32, #tpu.memory_space<vmem>>
    %dma_start3A_57 = tpu.memref_squeeze %dma_start3A_56 : memref<1x64xi32, #tpu.memory_space<vmem>> -> memref<64xi32, #tpu.memory_space<vmem>>
    %dma_start3A_58 = tpu.memref_slice %arg3[%dma_start3A_53, %mul3A_2] : memref<4x2048xi32, #tpu.memory_space<hbm>> -> memref<1x64xi32, #tpu.memory_space<hbm>>
    %dma_start3A_59 = tpu.memref_squeeze %dma_start3A_58 : memref<1x64xi32, #tpu.memory_space<hbm>> -> memref<64xi32, #tpu.memory_space<hbm>>
    %dma_start3A_60 = arith.constant 0 : i32
    %dma_start3A_61 = tpu.memref_slice %arg6[%dma_start3A_54, %dma_start3A_60] : memref<4x64xi32, #tpu.memory_space<vmem>> -> memref<1x64xi32, #tpu.memory_space<vmem>>
    %dma_start3A_62 = tpu.memref_squeeze %dma_start3A_61 : memref<1x64xi32, #tpu.memory_space<vmem>> -> memref<64xi32, #tpu.memory_space<vmem>>
    %dma_start3A_63 = tpu.memref_slice %arg3[%dma_start3A_53, %mul3A_2] : memref<4x2048xi32, #tpu.memory_space<hbm>> -> memref<1x64xi32, #tpu.memory_space<hbm>>
    %dma_start3A_64 = tpu.memref_squeeze %dma_start3A_63 : memref<1x64xi32, #tpu.memory_space<hbm>> -> memref<64xi32, #tpu.memory_space<hbm>>
    tpu.enqueue_dma source(%dma_start3A_64 : memref<64xi32, #tpu.memory_space<hbm>>) target(%dma_start3A_62 : memref<64xi32, #tpu.memory_space<vmem>>) target_semaphore(%arg16 : memref<!tpu.dma_semaphore, #tpu.memory_space<semaphore_mem>>)
    %dma_wait3A = arith.constant 0 : i32
    %dma_wait3A_65 = arith.constant 0 : i32
    %dma_wait3A_66 = arith.constant 0 : i32
    %dma_wait3A_67 = tpu.memref_slice %arg6[%dma_wait3A_65, %dma_wait3A_66] : memref<4x64xi32, #tpu.memory_space<vmem>> -> memref<1x64xi32, #tpu.memory_space<vmem>>
    %dma_wait3A_68 = tpu.memref_squeeze %dma_wait3A_67 : memref<1x64xi32, #tpu.memory_space<vmem>> -> memref<64xi32, #tpu.memory_space<vmem>>
    %dma_wait3A_69 = tpu.memref_slice %arg3[%dma_wait3A, %mul3A_2] : memref<4x2048xi32, #tpu.memory_space<hbm>> -> memref<1x64xi32, #tpu.memory_space<hbm>>
    %dma_wait3A_70 = tpu.memref_squeeze %dma_wait3A_69 : memref<1x64xi32, #tpu.memory_space<hbm>> -> memref<64xi32, #tpu.memory_space<hbm>>
    %dma_wait3A_71 = arith.constant 0 : i32
    %dma_wait3A_72 = tpu.memref_slice %arg6[%dma_wait3A_65, %dma_wait3A_71] : memref<4x64xi32, #tpu.memory_space<vmem>> -> memref<1x64xi32, #tpu.memory_space<vmem>>
    %dma_wait3A_73 = tpu.memref_squeeze %dma_wait3A_72 : memref<1x64xi32, #tpu.memory_space<vmem>> -> memref<64xi32, #tpu.memory_space<vmem>>
    %dma_wait3A_74 = tpu.memref_slice %arg3[%dma_wait3A, %mul3A_2] : memref<4x2048xi32, #tpu.memory_space<hbm>> -> memref<1x64xi32, #tpu.memory_space<hbm>>
    %dma_wait3A_75 = tpu.memref_squeeze %dma_wait3A_74 : memref<1x64xi32, #tpu.memory_space<hbm>> -> memref<64xi32, #tpu.memory_space<hbm>>
    tpu.wait_dma2 semaphore(%arg13 : memref<!tpu.dma_semaphore, #tpu.memory_space<semaphore_mem>>) src(%dma_wait3A_75 : memref<64xi32, #tpu.memory_space<hbm>>) dst(%dma_wait3A_73 : memref<64xi32, #tpu.memory_space<vmem>>)
    %dma_start3A_76 = arith.constant 0 : i32
    %dma_start3A_77 = arith.constant 0 : i32
    %dma_start3A_78 = arith.constant 0 : i32
    %dma_start3A_79 = arith.constant 0 : i32
    %dma_start3A_80 = tpu.memref_slice %arg7[%dma_start3A_77, %dma_start3A_78, %dma_start3A_79] : memref<4x8x2048xf32, #tpu.memory_space<vmem>> -> memref<1x8x2048xf32, #tpu.memory_space<vmem>>
    %dma_start3A_81 = tpu.memref_squeeze %dma_start3A_80 : memref<1x8x2048xf32, #tpu.memory_space<vmem>> -> memref<8x2048xf32, #tpu.memory_space<vmem>>
    %dma_start3A_82 = arith.constant 0 : i32
    %dma_start3A_83 = tpu.memref_slice %arg6[%dma_start3A_76, %dma_start3A_82] : memref<4x64xi32, #tpu.memory_space<vmem>> -> memref<1x8xi32, #tpu.memory_space<vmem>>
    %dma_start3A_84 = tpu.memref_squeeze %dma_start3A_83 : memref<1x8xi32, #tpu.memory_space<vmem>> -> memref<8xi32, #tpu.memory_space<vmem>>
    %dma_start3A_85 = arith.constant 0 : i32
    %dma_start3A_86 = arith.constant 0 : i32
    %dma_start3A_87 = tpu.memref_slice %arg2[%dma_start3A_85, %dma_start3A_86] : memref<100000x2048xf32, #tpu.memory_space<hbm>> -> memref<100000x2048xf32, #tpu.memory_space<hbm>>
    tpu.enqueue_indirect_dma source(%dma_start3A_87 : memref<100000x2048xf32, #tpu.memory_space<hbm>>) target(%dma_start3A_81 : memref<8x2048xf32, #tpu.memory_space<vmem>>) offsets(%dma_start3A_84 : memref<8xi32, #tpu.memory_space<vmem>>) semaphore(%arg9 : memref<!tpu.dma_semaphore, #tpu.memory_space<semaphore_mem>>)
    %dma_wait3A_88 = arith.constant 1 : i32
    %dma_wait3A_89 = arith.constant 1 : i32
    %dma_wait3A_90 = arith.constant 0 : i32
    %dma_wait3A_91 = tpu.memref_slice %arg6[%dma_wait3A_89, %dma_wait3A_90] : memref<4x64xi32, #tpu.memory_space<vmem>> -> memref<1x64xi32, #tpu.memory_space<vmem>>
    %dma_wait3A_92 = tpu.memref_squeeze %dma_wait3A_91 : memref<1x64xi32, #tpu.memory_space<vmem>> -> memref<64xi32, #tpu.memory_space<vmem>>
    %dma_wait3A_93 = tpu.memref_slice %arg3[%dma_wait3A_88, %mul3A_2] : memref<4x2048xi32, #tpu.memory_space<hbm>> -> memref<1x64xi32, #tpu.memory_space<hbm>>
    %dma_wait3A_94 = tpu.memref_squeeze %dma_wait3A_93 : memref<1x64xi32, #tpu.memory_space<hbm>> -> memref<64xi32, #tpu.memory_space<hbm>>
    %dma_wait3A_95 = arith.constant 0 : i32
    %dma_wait3A_96 = tpu.memref_slice %arg6[%dma_wait3A_89, %dma_wait3A_95] : memref<4x64xi32, #tpu.memory_space<vmem>> -> memref<1x64xi32, #tpu.memory_space<vmem>>
    %dma_wait3A_97 = tpu.memref_squeeze %dma_wait3A_96 : memref<1x64xi32, #tpu.memory_space<vmem>> -> memref<64xi32, #tpu.memory_space<vmem>>
    %dma_wait3A_98 = tpu.memref_slice %arg3[%dma_wait3A_88, %mul3A_2] : memref<4x2048xi32, #tpu.memory_space<hbm>> -> memref<1x64xi32, #tpu.memory_space<hbm>>
    %dma_wait3A_99 = tpu.memref_squeeze %dma_wait3A_98 : memref<1x64xi32, #tpu.memory_space<hbm>> -> memref<64xi32, #tpu.memory_space<hbm>>
    tpu.wait_dma2 semaphore(%arg14 : memref<!tpu.dma_semaphore, #tpu.memory_space<semaphore_mem>>) src(%dma_wait3A_99 : memref<64xi32, #tpu.memory_space<hbm>>) dst(%dma_wait3A_97 : memref<64xi32, #tpu.memory_space<vmem>>)
    %dma_start3A_100 = arith.constant 1 : i32
    %dma_start3A_101 = arith.constant 1 : i32
    %dma_start3A_102 = arith.constant 0 : i32
    %dma_start3A_103 = arith.constant 0 : i32
    %dma_start3A_104 = tpu.memref_slice %arg7[%dma_start3A_101, %dma_start3A_102, %dma_start3A_103] : memref<4x8x2048xf32, #tpu.memory_space<vmem>> -> memref<1x8x2048xf32, #tpu.memory_space<vmem>>
    %dma_start3A_105 = tpu.memref_squeeze %dma_start3A_104 : memref<1x8x2048xf32, #tpu.memory_space<vmem>> -> memref<8x2048xf32, #tpu.memory_space<vmem>>
    %dma_start3A_106 = arith.constant 0 : i32
    %dma_start3A_107 = tpu.memref_slice %arg6[%dma_start3A_100, %dma_start3A_106] : memref<4x64xi32, #tpu.memory_space<vmem>> -> memref<1x8xi32, #tpu.memory_space<vmem>>
    %dma_start3A_108 = tpu.memref_squeeze %dma_start3A_107 : memref<1x8xi32, #tpu.memory_space<vmem>> -> memref<8xi32, #tpu.memory_space<vmem>>
    %dma_start3A_109 = arith.constant 0 : i32
    %dma_start3A_110 = arith.constant 0 : i32
    %dma_start3A_111 = tpu.memref_slice %arg2[%dma_start3A_109, %dma_start3A_110] : memref<100000x2048xf32, #tpu.memory_space<hbm>> -> memref<100000x2048xf32, #tpu.memory_space<hbm>>
    tpu.enqueue_indirect_dma source(%dma_start3A_111 : memref<100000x2048xf32, #tpu.memory_space<hbm>>) target(%dma_start3A_105 : memref<8x2048xf32, #tpu.memory_space<vmem>>) offsets(%dma_start3A_108 : memref<8xi32, #tpu.memory_space<vmem>>) semaphore(%arg10 : memref<!tpu.dma_semaphore, #tpu.memory_space<semaphore_mem>>)
    %dma_wait3A_112 = arith.constant 2 : i32
    %dma_wait3A_113 = arith.constant 2 : i32
    %dma_wait3A_114 = arith.constant 0 : i32
    %dma_wait3A_115 = tpu.memref_slice %arg6[%dma_wait3A_113, %dma_wait3A_114] : memref<4x64xi32, #tpu.memory_space<vmem>> -> memref<1x64xi32, #tpu.memory_space<vmem>>
    %dma_wait3A_116 = tpu.memref_squeeze %dma_wait3A_115 : memref<1x64xi32, #tpu.memory_space<vmem>> -> memref<64xi32, #tpu.memory_space<vmem>>
    %dma_wait3A_117 = tpu.memref_slice %arg3[%dma_wait3A_112, %mul3A_2] : memref<4x2048xi32, #tpu.memory_space<hbm>> -> memref<1x64xi32, #tpu.memory_space<hbm>>
    %dma_wait3A_118 = tpu.memref_squeeze %dma_wait3A_117 : memref<1x64xi32, #tpu.memory_space<hbm>> -> memref<64xi32, #tpu.memory_space<hbm>>
    %dma_wait3A_119 = arith.constant 0 : i32
    %dma_wait3A_120 = tpu.memref_slice %arg6[%dma_wait3A_113, %dma_wait3A_119] : memref<4x64xi32, #tpu.memory_space<vmem>> -> memref<1x64xi32, #tpu.memory_space<vmem>>
    %dma_wait3A_121 = tpu.memref_squeeze %dma_wait3A_120 : memref<1x64xi32, #tpu.memory_space<vmem>> -> memref<64xi32, #tpu.memory_space<vmem>>
    %dma_wait3A_122 = tpu.memref_slice %arg3[%dma_wait3A_112, %mul3A_2] : memref<4x2048xi32, #tpu.memory_space<hbm>> -> memref<1x64xi32, #tpu.memory_space<hbm>>
    %dma_wait3A_123 = tpu.memref_squeeze %dma_wait3A_122 : memref<1x64xi32, #tpu.memory_space<hbm>> -> memref<64xi32, #tpu.memory_space<hbm>>
    tpu.wait_dma2 semaphore(%arg15 : memref<!tpu.dma_semaphore, #tpu.memory_space<semaphore_mem>>) src(%dma_wait3A_123 : memref<64xi32, #tpu.memory_space<hbm>>) dst(%dma_wait3A_121 : memref<64xi32, #tpu.memory_space<vmem>>)
    %dma_wait3A_124 = arith.constant 3 : i32
    %dma_wait3A_125 = arith.constant 3 : i32
    %dma_wait3A_126 = arith.constant 0 : i32
    %dma_wait3A_127 = tpu.memref_slice %arg6[%dma_wait3A_125, %dma_wait3A_126] : memref<4x64xi32, #tpu.memory_space<vmem>> -> memref<1x64xi32, #tpu.memory_space<vmem>>
    %dma_wait3A_128 = tpu.memref_squeeze %dma_wait3A_127 : memref<1x64xi32, #tpu.memory_space<vmem>> -> memref<64xi32, #tpu.memory_space<vmem>>
    %dma_wait3A_129 = tpu.memref_slice %arg3[%dma_wait3A_124, %mul3A_2] : memref<4x2048xi32, #tpu.memory_space<hbm>> -> memref<1x64xi32, #tpu.memory_space<hbm>>
    %dma_wait3A_130 = tpu.memref_squeeze %dma_wait3A_129 : memref<1x64xi32, #tpu.memory_space<hbm>> -> memref<64xi32, #tpu.memory_space<hbm>>
    %dma_wait3A_131 = arith.constant 0 : i32
    %dma_wait3A_132 = tpu.memref_slice %arg6[%dma_wait3A_125, %dma_wait3A_131] : memref<4x64xi32, #tpu.memory_space<vmem>> -> memref<1x64xi32, #tpu.memory_space<vmem>>
    %dma_wait3A_133 = tpu.memref_squeeze %dma_wait3A_132 : memref<1x64xi32, #tpu.memory_space<vmem>> -> memref<64xi32, #tpu.memory_space<vmem>>
    %dma_wait3A_134 = tpu.memref_slice %arg3[%dma_wait3A_124, %mul3A_2] : memref<4x2048xi32, #tpu.memory_space<hbm>> -> memref<1x64xi32, #tpu.memory_space<hbm>>
    %dma_wait3A_135 = tpu.memref_squeeze %dma_wait3A_134 : memref<1x64xi32, #tpu.memory_space<hbm>> -> memref<64xi32, #tpu.memory_space<hbm>>
    tpu.wait_dma2 semaphore(%arg16 : memref<!tpu.dma_semaphore, #tpu.memory_space<semaphore_mem>>) src(%dma_wait3A_135 : memref<64xi32, #tpu.memory_space<hbm>>) dst(%dma_wait3A_133 : memref<64xi32, #tpu.memory_space<vmem>>)
    %scan3A = arith.constant 0 : i32
    %scan3A_136 = arith.constant 4 : i32
    %scan3A_137 = arith.addi %scan3A, %scan3A_136 : i32
    %scan3A_138 = arith.constant 1 : i32
    scf.for %scan3A_208 = %scan3A to %scan3A_137 step %scan3A_138  : i32 {
      %mul3A_209 = arith.constant 8 : i32
      %mul3A_210 = arith.muli %scan3A_208, %mul3A_209 : i32
      %add3A_211 = arith.constant 0 : i32
      %add3A_212 = arith.addi %add3A_211, %mul3A_210 : i32
      %add3A_213 = arith.constant 0 : i32
      %add3A_214 = arith.addi %add3A_212, %add3A_213 : i32
      %jit3A = arith.constant 4 : i32
      %div3A = arith.divsi %add3A_214, %jit3A : i32
      %sign3A = arith.constant 0 : i32
      %sign3A_215 = arith.cmpi sgt, %add3A_214, %sign3A : i32
      %sign3A_216 = arith.extui %sign3A_215 : i1 to i32
      %sign3A_217 = arith.constant 0 : i32
      %sign3A_218 = arith.cmpi slt, %add3A_214, %sign3A_217 : i32
      %sign3A_219 = arith.extui %sign3A_218 : i1 to i32
      %sign3A_220 = arith.subi %sign3A_216, %sign3A_219 : i32
      %sign3A_221 = arith.constant 0 : i32
      %sign3A_222 = arith.cmpi sgt, %jit3A, %sign3A_221 : i32
      %sign3A_223 = arith.extui %sign3A_222 : i1 to i32
      %sign3A_224 = arith.constant 0 : i32
      %sign3A_225 = arith.cmpi slt, %jit3A, %sign3A_224 : i32
      %sign3A_226 = arith.extui %sign3A_225 : i1 to i32
      %sign3A_227 = arith.subi %sign3A_223, %sign3A_226 : i32
      %ne3A = arith.cmpi ne, %sign3A_220, %sign3A_227 : i32
      %rem3A = arith.remsi %add3A_214, %jit3A : i32
      %ne3A_228 = arith.constant 0 : i32
      %ne3A_229 = arith.cmpi ne, %rem3A, %ne3A_228 : i32
      %and3A = arith.andi %ne3A, %ne3A_229 : i1
      %sub3A = arith.constant 1 : i32
      %sub3A_230 = arith.subi %div3A, %sub3A : i32
      %select_n3A = arith.select %and3A, %sub3A_230, %div3A : i32
      %mul3A_231 = arith.constant 8 : i32
      %mul3A_232 = arith.muli %select_n3A, %mul3A_231 : i32
      %add3A_233 = arith.addi %mul3A_2, %mul3A_232 : i32
      %dma_wait3A_234 = arith.constant 0 : i32
      %dma_wait3A_235 = arith.constant 0 : i32
      %dma_wait3A_236 = arith.constant 0 : i32
      %dma_wait3A_237 = tpu.memref_slice %arg8[%dma_wait3A_234, %dma_wait3A_235, %dma_wait3A_236] : memref<2x8x2048xf32, #tpu.memory_space<vmem>> -> memref<1x8x2048xf32, #tpu.memory_space<vmem>>
      %dma_wait3A_238 = tpu.memref_squeeze %dma_wait3A_237 : memref<1x8x2048xf32, #tpu.memory_space<vmem>> -> memref<8x2048xf32, #tpu.memory_space<vmem>>
      %dma_wait3A_239 = arith.constant 0 : i32
      %dma_wait3A_240 = tpu.memref_slice %arg4[%add3A_233, %dma_wait3A_239] : memref<2048x2048xf32, #tpu.memory_space<hbm>> -> memref<8x2048xf32, #tpu.memory_space<hbm>>
      %dma_wait3A_241 = arith.constant 0 : i32
      %dma_wait3A_242 = arith.constant 0 : i32
      %dma_wait3A_243 = tpu.memref_slice %arg8[%dma_wait3A_234, %dma_wait3A_241, %dma_wait3A_242] : memref<2x8x2048xf32, #tpu.memory_space<vmem>> -> memref<1x8x2048xf32, #tpu.memory_space<vmem>>
      %dma_wait3A_244 = tpu.memref_squeeze %dma_wait3A_243 : memref<1x8x2048xf32, #tpu.memory_space<vmem>> -> memref<8x2048xf32, #tpu.memory_space<vmem>>
      %dma_wait3A_245 = arith.constant 0 : i32
      %dma_wait3A_246 = tpu.memref_slice %arg4[%add3A_233, %dma_wait3A_245] : memref<2048x2048xf32, #tpu.memory_space<hbm>> -> memref<8x2048xf32, #tpu.memory_space<hbm>>
      tpu.wait_dma2 semaphore(%arg17 : memref<!tpu.dma_semaphore, #tpu.memory_space<semaphore_mem>>) src(%dma_wait3A_246 : memref<8x2048xf32, #tpu.memory_space<hbm>>) dst(%dma_wait3A_244 : memref<8x2048xf32, #tpu.memory_space<vmem>>)
      %lt3A = arith.constant 7 : i32
      %lt3A_247 = arith.cmpi slt, %select_n3A, %lt3A : i32
      %convert_element_type3A = arith.extui %lt3A_247 : i1 to i32
      %cond3A = arith.constant 0 : i32
      %cond3A_248 = arith.cmpi ne, %convert_element_type3A, %cond3A : i32
      scf.if %cond3A_248 {
        %add3A_1435 = arith.constant 1 : i32
        %add3A_1436 = arith.addi %select_n3A, %add3A_1435 : i32
        %mul3A_1437 = arith.constant 8 : i32
        %mul3A_1438 = arith.muli %add3A_1436, %mul3A_1437 : i32
        %add3A_1439 = arith.addi %mul3A_2, %mul3A_1438 : i32
        %dma_start3A_1440 = arith.constant 1 : i32
        %dma_start3A_1441 = arith.constant 0 : i32
        %dma_start3A_1442 = arith.constant 0 : i32
        %dma_start3A_1443 = tpu.memref_slice %arg8[%dma_start3A_1440, %dma_start3A_1441, %dma_start3A_1442] : memref<2x8x2048xf32, #tpu.memory_space<vmem>> -> memref<1x8x2048xf32, #tpu.memory_space<vmem>>
        %dma_start3A_1444 = tpu.memref_squeeze %dma_start3A_1443 : memref<1x8x2048xf32, #tpu.memory_space<vmem>> -> memref<8x2048xf32, #tpu.memory_space<vmem>>
        %dma_start3A_1445 = arith.constant 0 : i32
        %dma_start3A_1446 = tpu.memref_slice %arg4[%add3A_1439, %dma_start3A_1445] : memref<2048x2048xf32, #tpu.memory_space<hbm>> -> memref<8x2048xf32, #tpu.memory_space<hbm>>
        %dma_start3A_1447 = arith.constant 0 : i32
        %dma_start3A_1448 = arith.constant 0 : i32
        %dma_start3A_1449 = tpu.memref_slice %arg8[%dma_start3A_1440, %dma_start3A_1447, %dma_start3A_1448] : memref<2x8x2048xf32, #tpu.memory_space<vmem>> -> memref<1x8x2048xf32, #tpu.memory_space<vmem>>
        %dma_start3A_1450 = tpu.memref_squeeze %dma_start3A_1449 : memref<1x8x2048xf32, #tpu.memory_space<vmem>> -> memref<8x2048xf32, #tpu.memory_space<vmem>>
        %dma_start3A_1451 = arith.constant 0 : i32
        %dma_start3A_1452 = tpu.memref_slice %arg4[%add3A_1439, %dma_start3A_1451] : memref<2048x2048xf32, #tpu.memory_space<hbm>> -> memref<8x2048xf32, #tpu.memory_space<hbm>>
        tpu.enqueue_dma source(%dma_start3A_1452 : memref<8x2048xf32, #tpu.memory_space<hbm>>) target(%dma_start3A_1450 : memref<8x2048xf32, #tpu.memory_space<vmem>>) target_semaphore(%arg18 : memref<!tpu.dma_semaphore, #tpu.memory_space<semaphore_mem>>)
      } else {
      }
      %jit3A_249 = arith.constant 4 : i32
      %div3A_250 = arith.divsi %add3A_214, %jit3A_249 : i32
      %sign3A_251 = arith.constant 0 : i32
      %sign3A_252 = arith.cmpi sgt, %add3A_214, %sign3A_251 : i32
      %sign3A_253 = arith.extui %sign3A_252 : i1 to i32
      %sign3A_254 = arith.constant 0 : i32
      %sign3A_255 = arith.cmpi slt, %add3A_214, %sign3A_254 : i32
      %sign3A_256 = arith.extui %sign3A_255 : i1 to i32
      %sign3A_257 = arith.subi %sign3A_253, %sign3A_256 : i32
      %sign3A_258 = arith.constant 0 : i32
      %sign3A_259 = arith.cmpi sgt, %jit3A_249, %sign3A_258 : i32
      %sign3A_260 = arith.extui %sign3A_259 : i1 to i32
      %sign3A_261 = arith.constant 0 : i32
      %sign3A_262 = arith.cmpi slt, %jit3A_249, %sign3A_261 : i32
      %sign3A_263 = arith.extui %sign3A_262 : i1 to i32
      %sign3A_264 = arith.subi %sign3A_260, %sign3A_263 : i32
      %ne3A_265 = arith.cmpi ne, %sign3A_257, %sign3A_264 : i32
      %rem3A_266 = arith.remsi %add3A_214, %jit3A_249 : i32
      %ne3A_267 = arith.constant 0 : i32
      %ne3A_268 = arith.cmpi ne, %rem3A_266, %ne3A_267 : i32
      %and3A_269 = arith.andi %ne3A_265, %ne3A_268 : i1
      %sub3A_270 = arith.constant 1 : i32
      %sub3A_271 = arith.subi %div3A_250, %sub3A_270 : i32
      %select_n3A_272 = arith.select %and3A_269, %sub3A_271, %div3A_250 : i32
      %jit3A_273 = arith.constant 4 : i32
      %eq3A = arith.constant 0 : i32
      %eq3A_274 = arith.cmpi eq, %jit3A_273, %eq3A : i32
      %jit3A_275 = arith.constant 1 : i32
      %select_n3A_276 = arith.select %eq3A_274, %jit3A_275, %jit3A_273 : i32
      %rem3A_277 = arith.remsi %add3A_214, %select_n3A_276 : i32
      %ne3A_278 = arith.constant 0 : i32
      %ne3A_279 = arith.cmpi ne, %rem3A_277, %ne3A_278 : i32
      %lt3A_280 = arith.constant 0 : i32
      %lt3A_281 = arith.cmpi slt, %rem3A_277, %lt3A_280 : i32
      %lt3A_282 = arith.constant 0 : i32
      %lt3A_283 = arith.cmpi slt, %select_n3A_276, %lt3A_282 : i32
      %ne3A_284 = arith.xori %lt3A_281, %lt3A_283 : i1
      %and3A_285 = arith.andi %ne3A_284, %ne3A_279 : i1
      %add3A_286 = arith.addi %rem3A_277, %select_n3A_276 : i32
      %select_n3A_287 = arith.select %and3A_285, %add3A_286, %rem3A_277 : i32
      %mul3A_288 = arith.constant 8 : i32
      %mul3A_289 = arith.muli %select_n3A_272, %mul3A_288 : i32
      %dma_wait3A_290 = arith.constant 0 : i32
      %dma_wait3A_291 = arith.constant 0 : i32
      %dma_wait3A_292 = arith.constant 0 : i32
      %dma_wait3A_293 = tpu.memref_slice %arg7[%dma_wait3A_290, %dma_wait3A_291, %dma_wait3A_292] : memref<4x8x2048xf32, #tpu.memory_space<vmem>> -> memref<1x8x2048xf32, #tpu.memory_space<vmem>>
      %dma_wait3A_294 = tpu.memref_squeeze %dma_wait3A_293 : memref<1x8x2048xf32, #tpu.memory_space<vmem>> -> memref<8x2048xf32, #tpu.memory_space<vmem>>
      %dma_wait3A_295 = tpu.memref_slice %arg6[%select_n3A_287, %mul3A_289] : memref<4x64xi32, #tpu.memory_space<vmem>> -> memref<1x8xi32, #tpu.memory_space<vmem>>
      %dma_wait3A_296 = tpu.memref_squeeze %dma_wait3A_295 : memref<1x8xi32, #tpu.memory_space<vmem>> -> memref<8xi32, #tpu.memory_space<vmem>>
      %dma_wait3A_297 = arith.constant 0 : i32
      %dma_wait3A_298 = arith.constant 0 : i32
      %dma_wait3A_299 = tpu.memref_slice %arg2[%dma_wait3A_297, %dma_wait3A_298] : memref<100000x2048xf32, #tpu.memory_space<hbm>> -> memref<100000x2048xf32, #tpu.memory_space<hbm>>
      tpu.wait_indirect_dma semaphore(%arg9 : memref<!tpu.dma_semaphore, #tpu.memory_space<semaphore_mem>>) src(%dma_wait3A_299 : memref<100000x2048xf32, #tpu.memory_space<hbm>>) dst(%dma_wait3A_294 : memref<8x2048xf32, #tpu.memory_space<vmem>>)
      %add3A_300 = arith.constant 2 : i32
      %add3A_301 = arith.addi %add3A_214, %add3A_300 : i32
      %lt3A_302 = arith.constant 32 : i32
      %lt3A_303 = arith.cmpi slt, %add3A_301, %lt3A_302 : i32
      %convert_element_type3A_304 = arith.extui %lt3A_303 : i1 to i32
      %cond3A_305 = arith.constant 0 : i32
      %cond3A_306 = arith.cmpi ne, %convert_element_type3A_304, %cond3A_305 : i32
      scf.if %cond3A_306 {
        %ge3A = arith.constant 2 : i32
        %ge3A_1435 = arith.cmpi sge, %add3A_214, %ge3A : i32
        %convert_element_type3A_1436 = arith.extui %ge3A_1435 : i1 to i32
        %cond3A_1437 = arith.constant 0 : i32
        %cond3A_1438 = arith.cmpi ne, %convert_element_type3A_1436, %cond3A_1437 : i32
        scf.if %cond3A_1438 {
          %sub3A_1493 = arith.constant 2 : i32
          %sub3A_1494 = arith.subi %add3A_214, %sub3A_1493 : i32
          %jit3A_1495 = arith.constant 4 : i32
          %div3A_1496 = arith.divsi %sub3A_1494, %jit3A_1495 : i32
          %sign3A_1497 = arith.constant 0 : i32
          %sign3A_1498 = arith.cmpi sgt, %sub3A_1494, %sign3A_1497 : i32
          %sign3A_1499 = arith.extui %sign3A_1498 : i1 to i32
          %sign3A_1500 = arith.constant 0 : i32
          %sign3A_1501 = arith.cmpi slt, %sub3A_1494, %sign3A_1500 : i32
          %sign3A_1502 = arith.extui %sign3A_1501 : i1 to i32
          %sign3A_1503 = arith.subi %sign3A_1499, %sign3A_1502 : i32
          %sign3A_1504 = arith.constant 0 : i32
          %sign3A_1505 = arith.cmpi sgt, %jit3A_1495, %sign3A_1504 : i32
          %sign3A_1506 = arith.extui %sign3A_1505 : i1 to i32
          %sign3A_1507 = arith.constant 0 : i32
          %sign3A_1508 = arith.cmpi slt, %jit3A_1495, %sign3A_1507 : i32
          %sign3A_1509 = arith.extui %sign3A_1508 : i1 to i32
          %sign3A_1510 = arith.subi %sign3A_1506, %sign3A_1509 : i32
          %ne3A_1511 = arith.cmpi ne, %sign3A_1503, %sign3A_1510 : i32
          %rem3A_1512 = arith.remsi %sub3A_1494, %jit3A_1495 : i32
          %ne3A_1513 = arith.constant 0 : i32
          %ne3A_1514 = arith.cmpi ne, %rem3A_1512, %ne3A_1513 : i32
          %and3A_1515 = arith.andi %ne3A_1511, %ne3A_1514 : i1
          %sub3A_1516 = arith.constant 1 : i32
          %sub3A_1517 = arith.subi %div3A_1496, %sub3A_1516 : i32
          %select_n3A_1518 = arith.select %and3A_1515, %sub3A_1517, %div3A_1496 : i32
          %jit3A_1519 = arith.constant 4 : i32
          %eq3A_1520 = arith.constant 0 : i32
          %eq3A_1521 = arith.cmpi eq, %jit3A_1519, %eq3A_1520 : i32
          %jit3A_1522 = arith.constant 1 : i32
          %select_n3A_1523 = arith.select %eq3A_1521, %jit3A_1522, %jit3A_1519 : i32
          %rem3A_1524 = arith.remsi %sub3A_1494, %select_n3A_1523 : i32
          %ne3A_1525 = arith.constant 0 : i32
          %ne3A_1526 = arith.cmpi ne, %rem3A_1524, %ne3A_1525 : i32
          %lt3A_1527 = arith.constant 0 : i32
          %lt3A_1528 = arith.cmpi slt, %rem3A_1524, %lt3A_1527 : i32
          %lt3A_1529 = arith.constant 0 : i32
          %lt3A_1530 = arith.cmpi slt, %select_n3A_1523, %lt3A_1529 : i32
          %ne3A_1531 = arith.xori %lt3A_1528, %lt3A_1530 : i1
          %and3A_1532 = arith.andi %ne3A_1531, %ne3A_1526 : i1
          %add3A_1533 = arith.addi %rem3A_1524, %select_n3A_1523 : i32
          %select_n3A_1534 = arith.select %and3A_1532, %add3A_1533, %rem3A_1524 : i32
          %mul3A_1535 = arith.constant 2048 : i32
          %mul3A_1536 = arith.muli %select_n3A_1534, %mul3A_1535 : i32
          %add3A_1537 = arith.addi %mul3A_1536, %mul3A_2 : i32
          %mul3A_1538 = arith.constant 8 : i32
          %mul3A_1539 = arith.muli %select_n3A_1518, %mul3A_1538 : i32
          %add3A_1540 = arith.addi %add3A_1537, %mul3A_1539 : i32
          %dma_wait3A_1541 = arith.constant 2 : i32
          %dma_wait3A_1542 = arith.constant 0 : i32
          %dma_wait3A_1543 = arith.constant 0 : i32
          %dma_wait3A_1544 = tpu.memref_slice %arg7[%dma_wait3A_1541, %dma_wait3A_1542, %dma_wait3A_1543] : memref<4x8x2048xf32, #tpu.memory_space<vmem>> -> memref<1x8x2048xf32, #tpu.memory_space<vmem>>
          %dma_wait3A_1545 = tpu.memref_squeeze %dma_wait3A_1544 : memref<1x8x2048xf32, #tpu.memory_space<vmem>> -> memref<8x2048xf32, #tpu.memory_space<vmem>>
          %dma_wait3A_1546 = arith.constant 0 : i32
          %dma_wait3A_1547 = tpu.memref_slice %arg5[%add3A_1540, %dma_wait3A_1546] : memref<8192x2048xf32, #tpu.memory_space<hbm>> -> memref<8x2048xf32, #tpu.memory_space<hbm>>
          %dma_wait3A_1548 = arith.constant 0 : i32
          %dma_wait3A_1549 = tpu.memref_slice %arg5[%add3A_1540, %dma_wait3A_1548] : memref<8192x2048xf32, #tpu.memory_space<hbm>> -> memref<8x2048xf32, #tpu.memory_space<hbm>>
          %dma_wait3A_1550 = arith.constant 0 : i32
          %dma_wait3A_1551 = arith.constant 0 : i32
          %dma_wait3A_1552 = tpu.memref_slice %arg7[%dma_wait3A_1541, %dma_wait3A_1550, %dma_wait3A_1551] : memref<4x8x2048xf32, #tpu.memory_space<vmem>> -> memref<1x8x2048xf32, #tpu.memory_space<vmem>>
          %dma_wait3A_1553 = tpu.memref_squeeze %dma_wait3A_1552 : memref<1x8x2048xf32, #tpu.memory_space<vmem>> -> memref<8x2048xf32, #tpu.memory_space<vmem>>
          tpu.wait_dma2 semaphore(%arg15 : memref<!tpu.dma_semaphore, #tpu.memory_space<semaphore_mem>>) src(%dma_wait3A_1553 : memref<8x2048xf32, #tpu.memory_space<vmem>>) dst(%dma_wait3A_1549 : memref<8x2048xf32, #tpu.memory_space<hbm>>)
        } else {
        }
        %add3A_1439 = arith.constant 2 : i32
        %add3A_1440 = arith.addi %add3A_214, %add3A_1439 : i32
        %jit3A_1441 = arith.constant 4 : i32
        %div3A_1442 = arith.divsi %add3A_1440, %jit3A_1441 : i32
        %sign3A_1443 = arith.constant 0 : i32
        %sign3A_1444 = arith.cmpi sgt, %add3A_1440, %sign3A_1443 : i32
        %sign3A_1445 = arith.extui %sign3A_1444 : i1 to i32
        %sign3A_1446 = arith.constant 0 : i32
        %sign3A_1447 = arith.cmpi slt, %add3A_1440, %sign3A_1446 : i32
        %sign3A_1448 = arith.extui %sign3A_1447 : i1 to i32
        %sign3A_1449 = arith.subi %sign3A_1445, %sign3A_1448 : i32
        %sign3A_1450 = arith.constant 0 : i32
        %sign3A_1451 = arith.cmpi sgt, %jit3A_1441, %sign3A_1450 : i32
        %sign3A_1452 = arith.extui %sign3A_1451 : i1 to i32
        %sign3A_1453 = arith.constant 0 : i32
        %sign3A_1454 = arith.cmpi slt, %jit3A_1441, %sign3A_1453 : i32
        %sign3A_1455 = arith.extui %sign3A_1454 : i1 to i32
        %sign3A_1456 = arith.subi %sign3A_1452, %sign3A_1455 : i32
        %ne3A_1457 = arith.cmpi ne, %sign3A_1449, %sign3A_1456 : i32
        %rem3A_1458 = arith.remsi %add3A_1440, %jit3A_1441 : i32
        %ne3A_1459 = arith.constant 0 : i32
        %ne3A_1460 = arith.cmpi ne, %rem3A_1458, %ne3A_1459 : i32
        %and3A_1461 = arith.andi %ne3A_1457, %ne3A_1460 : i1
        %sub3A_1462 = arith.constant 1 : i32
        %sub3A_1463 = arith.subi %div3A_1442, %sub3A_1462 : i32
        %select_n3A_1464 = arith.select %and3A_1461, %sub3A_1463, %div3A_1442 : i32
        %jit3A_1465 = arith.constant 4 : i32
        %eq3A_1466 = arith.constant 0 : i32
        %eq3A_1467 = arith.cmpi eq, %jit3A_1465, %eq3A_1466 : i32
        %jit3A_1468 = arith.constant 1 : i32
        %select_n3A_1469 = arith.select %eq3A_1467, %jit3A_1468, %jit3A_1465 : i32
        %rem3A_1470 = arith.remsi %add3A_1440, %select_n3A_1469 : i32
        %ne3A_1471 = arith.constant 0 : i32
        %ne3A_1472 = arith.cmpi ne, %rem3A_1470, %ne3A_1471 : i32
        %lt3A_1473 = arith.constant 0 : i32
        %lt3A_1474 = arith.cmpi slt, %rem3A_1470, %lt3A_1473 : i32
        %lt3A_1475 = arith.constant 0 : i32
        %lt3A_1476 = arith.cmpi slt, %select_n3A_1469, %lt3A_1475 : i32
        %ne3A_1477 = arith.xori %lt3A_1474, %lt3A_1476 : i1
        %and3A_1478 = arith.andi %ne3A_1477, %ne3A_1472 : i1
        %add3A_1479 = arith.addi %rem3A_1470, %select_n3A_1469 : i32
        %select_n3A_1480 = arith.select %and3A_1478, %add3A_1479, %rem3A_1470 : i32
        %mul3A_1481 = arith.constant 8 : i32
        %mul3A_1482 = arith.muli %select_n3A_1464, %mul3A_1481 : i32
        %dma_start3A_1483 = arith.constant 2 : i32
        %dma_start3A_1484 = arith.constant 0 : i32
        %dma_start3A_1485 = arith.constant 0 : i32
        %dma_start3A_1486 = tpu.memref_slice %arg7[%dma_start3A_1483, %dma_start3A_1484, %dma_start3A_1485] : memref<4x8x2048xf32, #tpu.memory_space<vmem>> -> memref<1x8x2048xf32, #tpu.memory_space<vmem>>
        %dma_start3A_1487 = tpu.memref_squeeze %dma_start3A_1486 : memref<1x8x2048xf32, #tpu.memory_space<vmem>> -> memref<8x2048xf32, #tpu.memory_space<vmem>>
        %dma_start3A_1488 = tpu.memref_slice %arg6[%select_n3A_1480, %mul3A_1482] : memref<4x64xi32, #tpu.memory_space<vmem>> -> memref<1x8xi32, #tpu.memory_space<vmem>>
        %dma_start3A_1489 = tpu.memref_squeeze %dma_start3A_1488 : memref<1x8xi32, #tpu.memory_space<vmem>> -> memref<8xi32, #tpu.memory_space<vmem>>
        %dma_start3A_1490 = arith.constant 0 : i32
        %dma_start3A_1491 = arith.constant 0 : i32
        %dma_start3A_1492 = tpu.memref_slice %arg2[%dma_start3A_1490, %dma_start3A_1491] : memref<100000x2048xf32, #tpu.memory_space<hbm>> -> memref<100000x2048xf32, #tpu.memory_space<hbm>>
        tpu.enqueue_indirect_dma source(%dma_start3A_1492 : memref<100000x2048xf32, #tpu.memory_space<hbm>>) target(%dma_start3A_1487 : memref<8x2048xf32, #tpu.memory_space<vmem>>) offsets(%dma_start3A_1489 : memref<8xi32, #tpu.memory_space<vmem>>) semaphore(%arg11 : memref<!tpu.dma_semaphore, #tpu.memory_space<semaphore_mem>>)
      } else {
      }
      %scan3A_307 = arith.constant 0 : i32
      %scan3A_308 = arith.constant 8 : i32
      %scan3A_309 = arith.addi %scan3A_307, %scan3A_308 : i32
      %scan3A_310 = arith.constant 1 : i32
      scf.for %scan3A_1435 = %scan3A_307 to %scan3A_309 step %scan3A_310  : i32 {
        %mul3A_1436 = arith.constant 1 : i32
        %mul3A_1437 = arith.muli %scan3A_1435, %mul3A_1436 : i32
        %add3A_1438 = arith.constant 0 : i32
        %add3A_1439 = arith.addi %add3A_1438, %mul3A_1437 : i32
        %scan3A_1440 = arith.constant 0 : i32
        %scan3A_1441 = arith.constant 128 : i32
        %scan3A_1442 = arith.addi %scan3A_1440, %scan3A_1441 : i32
        %scan3A_1443 = arith.constant 16 : i32
        scf.for %scan3A_1445 = %scan3A_1440 to %scan3A_1442 step %scan3A_1443  : i32 {
          %mul3A_1446 = arith.constant 16 : i32
          %mul3A_1447 = arith.muli %scan3A_1445, %mul3A_1446 : i32
          %add3A_1448 = arith.constant 0 : i32
          %add3A_1449 = arith.addi %add3A_1448, %mul3A_1447 : i32
          %get3A = arith.constant 0 : i32
          %get3A_1450 = arith.index_cast %get3A : i32 to index
          %get3A_1451 = arith.index_cast %add3A_1439 : i32 to index
          %get3A_1452 = arith.index_cast %add3A_1449 : i32 to index
          %get3A_1453 = tpu.vector_load %arg8[%get3A_1450, %get3A_1451, %get3A_1452] {strides = array<i32>} : memref<2x8x2048xf32, #tpu.memory_space<vmem>>, vector<1x1x16xf32>,
          %get3A_1454 = vector.shape_cast %get3A_1453 : vector<1x1x16xf32> to vector<16xf32>
          %swap3A = arith.constant 0 : i32
          %swap3A_1455 = arith.index_cast %swap3A : i32 to index
          %swap3A_1456 = arith.index_cast %add3A_1439 : i32 to index
          %swap3A_1457 = arith.index_cast %add3A_1449 : i32 to index
          %swap3A_1458 = tpu.vector_load %arg7[%swap3A_1455, %swap3A_1456, %swap3A_1457] {strides = array<i32>} : memref<4x8x2048xf32, #tpu.memory_space<vmem>>, vector<1x1x16xf32>,
          %swap3A_1459 = vector.shape_cast %swap3A_1458 : vector<1x1x16xf32> to vector<16xf32>
          %swap3A_1460 = vector.shape_cast %get3A_1454 : vector<16xf32> to vector<1x1x16xf32>
          tpu.vector_store %arg7[%swap3A_1455, %swap3A_1456, %swap3A_1457], %swap3A_1460 {add = true, strides = array<i32>} : memref<4x8x2048xf32, #tpu.memory_space<vmem>>, vector<1x1x16xf32>,
          %scan3A_1461 = arith.constant 1 : i32
          %scan3A_1462 = arith.addi %scan3A_1445, %scan3A_1461 : i32
          %mul3A_1463 = arith.constant 16 : i32
          %mul3A_1464 = arith.muli %scan3A_1462, %mul3A_1463 : i32
          %add3A_1465 = arith.constant 0 : i32
          %add3A_1466 = arith.addi %add3A_1465, %mul3A_1464 : i32
          %get3A_1467 = arith.constant 0 : i32
          %get3A_1468 = arith.index_cast %get3A_1467 : i32 to index
          %get3A_1469 = arith.index_cast %add3A_1439 : i32 to index
          %get3A_1470 = arith.index_cast %add3A_1466 : i32 to index
          %get3A_1471 = tpu.vector_load %arg8[%get3A_1468, %get3A_1469, %get3A_1470] {strides = array<i32>} : memref<2x8x2048xf32, #tpu.memory_space<vmem>>, vector<1x1x16xf32>,
          %get3A_1472 = vector.shape_cast %get3A_1471 : vector<1x1x16xf32> to vector<16xf32>
          %swap3A_1473 = arith.constant 0 : i32
          %swap3A_1474 = arith.index_cast %swap3A_1473 : i32 to index
          %swap3A_1475 = arith.index_cast %add3A_1439 : i32 to index
          %swap3A_1476 = arith.index_cast %add3A_1466 : i32 to index
          %swap3A_1477 = tpu.vector_load %arg7[%swap3A_1474, %swap3A_1475, %swap3A_1476] {strides = array<i32>} : memref<4x8x2048xf32, #tpu.memory_space<vmem>>, vector<1x1x16xf32>,
          %swap3A_1478 = vector.shape_cast %swap3A_1477 : vector<1x1x16xf32> to vector<16xf32>
          %swap3A_1479 = vector.shape_cast %get3A_1472 : vector<16xf32> to vector<1x1x16xf32>
          tpu.vector_store %arg7[%swap3A_1474, %swap3A_1475, %swap3A_1476], %swap3A_1479 {add = true, strides = array<i32>} : memref<4x8x2048xf32, #tpu.memory_space<vmem>>, vector<1x1x16xf32>,
          %scan3A_1480 = arith.constant 2 : i32
          %scan3A_1481 = arith.addi %scan3A_1445, %scan3A_1480 : i32
          %mul3A_1482 = arith.constant 16 : i32
          %mul3A_1483 = arith.muli %scan3A_1481, %mul3A_1482 : i32
          %add3A_1484 = arith.constant 0 : i32
          %add3A_1485 = arith.addi %add3A_1484, %mul3A_1483 : i32
          %get3A_1486 = arith.constant 0 : i32
          %get3A_1487 = arith.index_cast %get3A_1486 : i32 to index
          %get3A_1488 = arith.index_cast %add3A_1439 : i32 to index
          %get3A_1489 = arith.index_cast %add3A_1485 : i32 to index
          %get3A_1490 = tpu.vector_load %arg8[%get3A_1487, %get3A_1488, %get3A_1489] {strides = array<i32>} : memref<2x8x2048xf32, #tpu.memory_space<vmem>>, vector<1x1x16xf32>,
          %get3A_1491 = vector.shape_cast %get3A_1490 : vector<1x1x16xf32> to vector<16xf32>
          %swap3A_1492 = arith.constant 0 : i32
          %swap3A_1493 = arith.index_cast %swap3A_1492 : i32 to index
          %swap3A_1494 = arith.index_cast %add3A_1439 : i32 to index
          %swap3A_1495 = arith.index_cast %add3A_1485 : i32 to index
          %swap3A_1496 = tpu.vector_load %arg7[%swap3A_1493, %swap3A_1494, %swap3A_1495] {strides = array<i32>} : memref<4x8x2048xf32, #tpu.memory_space<vmem>>, vector<1x1x16xf32>,
          %swap3A_1497 = vector.shape_cast %swap3A_1496 : vector<1x1x16xf32> to vector<16xf32>
          %swap3A_1498 = vector.shape_cast %get3A_1491 : vector<16xf32> to vector<1x1x16xf32>
          tpu.vector_store %arg7[%swap3A_1493, %swap3A_1494, %swap3A_1495], %swap3A_1498 {add = true, strides = array<i32>} : memref<4x8x2048xf32, #tpu.memory_space<vmem>>, vector<1x1x16xf32>,
          %scan3A_1499 = arith.constant 3 : i32
          %scan3A_1500 = arith.addi %scan3A_1445, %scan3A_1499 : i32
          %mul3A_1501 = arith.constant 16 : i32
          %mul3A_1502 = arith.muli %scan3A_1500, %mul3A_1501 : i32
          %add3A_1503 = arith.constant 0 : i32
          %add3A_1504 = arith.addi %add3A_1503, %mul3A_1502 : i32
          %get3A_1505 = arith.constant 0 : i32
          %get3A_1506 = arith.index_cast %get3A_1505 : i32 to index
          %get3A_1507 = arith.index_cast %add3A_1439 : i32 to index
          %get3A_1508 = arith.index_cast %add3A_1504 : i32 to index
          %get3A_1509 = tpu.vector_load %arg8[%get3A_1506, %get3A_1507, %get3A_1508] {strides = array<i32>} : memref<2x8x2048xf32, #tpu.memory_space<vmem>>, vector<1x1x16xf32>,
          %get3A_1510 = vector.shape_cast %get3A_1509 : vector<1x1x16xf32> to vector<16xf32>
          %swap3A_1511 = arith.constant 0 : i32
          %swap3A_1512 = arith.index_cast %swap3A_1511 : i32 to index
          %swap3A_1513 = arith.index_cast %add3A_1439 : i32 to index
          %swap3A_1514 = arith.index_cast %add3A_1504 : i32 to index
          %swap3A_1515 = tpu.vector_load %arg7[%swap3A_1512, %swap3A_1513, %swap3A_1514] {strides = array<i32>} : memref<4x8x2048xf32, #tpu.memory_space<vmem>>, vector<1x1x16xf32>,
          %swap3A_1516 = vector.shape_cast %swap3A_1515 : vector<1x1x16xf32> to vector<16xf32>
          %swap3A_1517 = vector.shape_cast %get3A_1510 : vector<16xf32> to vector<1x1x16xf32>
          tpu.vector_store %arg7[%swap3A_1512, %swap3A_1513, %swap3A_1514], %swap3A_1517 {add = true, strides = array<i32>} : memref<4x8x2048xf32, #tpu.memory_space<vmem>>, vector<1x1x16xf32>,
          %scan3A_1518 = arith.constant 4 : i32
          %scan3A_1519 = arith.addi %scan3A_1445, %scan3A_1518 : i32
          %mul3A_1520 = arith.constant 16 : i32
          %mul3A_1521 = arith.muli %scan3A_1519, %mul3A_1520 : i32
          %add3A_1522 = arith.constant 0 : i32
          %add3A_1523 = arith.addi %add3A_1522, %mul3A_1521 : i32
          %get3A_1524 = arith.constant 0 : i32
          %get3A_1525 = arith.index_cast %get3A_1524 : i32 to index
          %get3A_1526 = arith.index_cast %add3A_1439 : i32 to index
          %get3A_1527 = arith.index_cast %add3A_1523 : i32 to index
          %get3A_1528 = tpu.vector_load %arg8[%get3A_1525, %get3A_1526, %get3A_1527] {strides = array<i32>} : memref<2x8x2048xf32, #tpu.memory_space<vmem>>, vector<1x1x16xf32>,
          %get3A_1529 = vector.shape_cast %get3A_1528 : vector<1x1x16xf32> to vector<16xf32>
          %swap3A_1530 = arith.constant 0 : i32
          %swap3A_1531 = arith.index_cast %swap3A_1530 : i32 to index
          %swap3A_1532 = arith.index_cast %add3A_1439 : i32 to index
          %swap3A_1533 = arith.index_cast %add3A_1523 : i32 to index
          %swap3A_1534 = tpu.vector_load %arg7[%swap3A_1531, %swap3A_1532, %swap3A_1533] {strides = array<i32>} : memref<4x8x2048xf32, #tpu.memory_space<vmem>>, vector<1x1x16xf32>,
          %swap3A_1535 = vector.shape_cast %swap3A_1534 : vector<1x1x16xf32> to vector<16xf32>
          %swap3A_1536 = vector.shape_cast %get3A_1529 : vector<16xf32> to vector<1x1x16xf32>
          tpu.vector_store %arg7[%swap3A_1531, %swap3A_1532, %swap3A_1533], %swap3A_1536 {add = true, strides = array<i32>} : memref<4x8x2048xf32, #tpu.memory_space<vmem>>, vector<1x1x16xf32>,
          %scan3A_1537 = arith.constant 5 : i32
          %scan3A_1538 = arith.addi %scan3A_1445, %scan3A_1537 : i32
          %mul3A_1539 = arith.constant 16 : i32
          %mul3A_1540 = arith.muli %scan3A_1538, %mul3A_1539 : i32
          %add3A_1541 = arith.constant 0 : i32
          %add3A_1542 = arith.addi %add3A_1541, %mul3A_1540 : i32
          %get3A_1543 = arith.constant 0 : i32
          %get3A_1544 = arith.index_cast %get3A_1543 : i32 to index
          %get3A_1545 = arith.index_cast %add3A_1439 : i32 to index
          %get3A_1546 = arith.index_cast %add3A_1542 : i32 to index
          %get3A_1547 = tpu.vector_load %arg8[%get3A_1544, %get3A_1545, %get3A_1546] {strides = array<i32>} : memref<2x8x2048xf32, #tpu.memory_space<vmem>>, vector<1x1x16xf32>,
          %get3A_1548 = vector.shape_cast %get3A_1547 : vector<1x1x16xf32> to vector<16xf32>
          %swap3A_1549 = arith.constant 0 : i32
          %swap3A_1550 = arith.index_cast %swap3A_1549 : i32 to index
          %swap3A_1551 = arith.index_cast %add3A_1439 : i32 to index
          %swap3A_1552 = arith.index_cast %add3A_1542 : i32 to index
          %swap3A_1553 = tpu.vector_load %arg7[%swap3A_1550, %swap3A_1551, %swap3A_1552] {strides = array<i32>} : memref<4x8x2048xf32, #tpu.memory_space<vmem>>, vector<1x1x16xf32>,
          %swap3A_1554 = vector.shape_cast %swap3A_1553 : vector<1x1x16xf32> to vector<16xf32>
          %swap3A_1555 = vector.shape_cast %get3A_1548 : vector<16xf32> to vector<1x1x16xf32>
          tpu.vector_store %arg7[%swap3A_1550, %swap3A_1551, %swap3A_1552], %swap3A_1555 {add = true, strides = array<i32>} : memref<4x8x2048xf32, #tpu.memory_space<vmem>>, vector<1x1x16xf32>,
          %scan3A_1556 = arith.constant 6 : i32
          %scan3A_1557 = arith.addi %scan3A_1445, %scan3A_1556 : i32
          %mul3A_1558 = arith.constant 16 : i32
          %mul3A_1559 = arith.muli %scan3A_1557, %mul3A_1558 : i32
          %add3A_1560 = arith.constant 0 : i32
          %add3A_1561 = arith.addi %add3A_1560, %mul3A_1559 : i32
          %get3A_1562 = arith.constant 0 : i32
          %get3A_1563 = arith.index_cast %get3A_1562 : i32 to index
          %get3A_1564 = arith.index_cast %add3A_1439 : i32 to index
          %get3A_1565 = arith.index_cast %add3A_1561 : i32 to index
          %get3A_1566 = tpu.vector_load %arg8[%get3A_1563, %get3A_1564, %get3A_1565] {strides = array<i32>} : memref<2x8x2048xf32, #tpu.memory_space<vmem>>, vector<1x1x16xf32>,
          %get3A_1567 = vector.shape_cast %get3A_1566 : vector<1x1x16xf32> to vector<16xf32>
          %swap3A_1568 = arith.constant 0 : i32
          %swap3A_1569 = arith.index_cast %swap3A_1568 : i32 to index
          %swap3A_1570 = arith.index_cast %add3A_1439 : i32 to index
          %swap3A_1571 = arith.index_cast %add3A_1561 : i32 to index
          %swap3A_1572 = tpu.vector_load %arg7[%swap3A_1569, %swap3A_1570, %swap3A_1571] {strides = array<i32>} : memref<4x8x2048xf32, #tpu.memory_space<vmem>>, vector<1x1x16xf32>,
          %swap3A_1573 = vector.shape_cast %swap3A_1572 : vector<1x1x16xf32> to vector<16xf32>
          %swap3A_1574 = vector.shape_cast %get3A_1567 : vector<16xf32> to vector<1x1x16xf32>
          tpu.vector_store %arg7[%swap3A_1569, %swap3A_1570, %swap3A_1571], %swap3A_1574 {add = true, strides = array<i32>} : memref<4x8x2048xf32, #tpu.memory_space<vmem>>, vector<1x1x16xf32>,
          %scan3A_1575 = arith.constant 7 : i32
          %scan3A_1576 = arith.addi %scan3A_1445, %scan3A_1575 : i32
          %mul3A_1577 = arith.constant 16 : i32
          %mul3A_1578 = arith.muli %scan3A_1576, %mul3A_1577 : i32
          %add3A_1579 = arith.constant 0 : i32
          %add3A_1580 = arith.addi %add3A_1579, %mul3A_1578 : i32
          %get3A_1581 = arith.constant 0 : i32
          %get3A_1582 = arith.index_cast %get3A_1581 : i32 to index
          %get3A_1583 = arith.index_cast %add3A_1439 : i32 to index
          %get3A_1584 = arith.index_cast %add3A_1580 : i32 to index
          %get3A_1585 = tpu.vector_load %arg8[%get3A_1582, %get3A_1583, %get3A_1584] {strides = array<i32>} : memref<2x8x2048xf32, #tpu.memory_space<vmem>>, vector<1x1x16xf32>,
          %get3A_1586 = vector.shape_cast %get3A_1585 : vector<1x1x16xf32> to vector<16xf32>
          %swap3A_1587 = arith.constant 0 : i32
          %swap3A_1588 = arith.index_cast %swap3A_1587 : i32 to index
          %swap3A_1589 = arith.index_cast %add3A_1439 : i32 to index
          %swap3A_1590 = arith.index_cast %add3A_1580 : i32 to index
          %swap3A_1591 = tpu.vector_load %arg7[%swap3A_1588, %swap3A_1589, %swap3A_1590] {strides = array<i32>} : memref<4x8x2048xf32, #tpu.memory_space<vmem>>, vector<1x1x16xf32>,
          %swap3A_1592 = vector.shape_cast %swap3A_1591 : vector<1x1x16xf32> to vector<16xf32>
          %swap3A_1593 = vector.shape_cast %get3A_1586 : vector<16xf32> to vector<1x1x16xf32>
          tpu.vector_store %arg7[%swap3A_1588, %swap3A_1589, %swap3A_1590], %swap3A_1593 {add = true, strides = array<i32>} : memref<4x8x2048xf32, #tpu.memory_space<vmem>>, vector<1x1x16xf32>,
          %scan3A_1594 = arith.constant 8 : i32
          %scan3A_1595 = arith.addi %scan3A_1445, %scan3A_1594 : i32
          %mul3A_1596 = arith.constant 16 : i32
          %mul3A_1597 = arith.muli %scan3A_1595, %mul3A_1596 : i32
          %add3A_1598 = arith.constant 0 : i32
          %add3A_1599 = arith.addi %add3A_1598, %mul3A_1597 : i32
          %get3A_1600 = arith.constant 0 : i32
          %get3A_1601 = arith.index_cast %get3A_1600 : i32 to index
          %get3A_1602 = arith.index_cast %add3A_1439 : i32 to index
          %get3A_1603 = arith.index_cast %add3A_1599 : i32 to index
          %get3A_1604 = tpu.vector_load %arg8[%get3A_1601, %get3A_1602, %get3A_1603] {strides = array<i32>} : memref<2x8x2048xf32, #tpu.memory_space<vmem>>, vector<1x1x16xf32>,
          %get3A_1605 = vector.shape_cast %get3A_1604 : vector<1x1x16xf32> to vector<16xf32>
          %swap3A_1606 = arith.constant 0 : i32
          %swap3A_1607 = arith.index_cast %swap3A_1606 : i32 to index
          %swap3A_1608 = arith.index_cast %add3A_1439 : i32 to index
          %swap3A_1609 = arith.index_cast %add3A_1599 : i32 to index
          %swap3A_1610 = tpu.vector_load %arg7[%swap3A_1607, %swap3A_1608, %swap3A_1609] {strides = array<i32>} : memref<4x8x2048xf32, #tpu.memory_space<vmem>>, vector<1x1x16xf32>,
          %swap3A_1611 = vector.shape_cast %swap3A_1610 : vector<1x1x16xf32> to vector<16xf32>
          %swap3A_1612 = vector.shape_cast %get3A_1605 : vector<16xf32> to vector<1x1x16xf32>
          tpu.vector_store %arg7[%swap3A_1607, %swap3A_1608, %swap3A_1609], %swap3A_1612 {add = true, strides = array<i32>} : memref<4x8x2048xf32, #tpu.memory_space<vmem>>, vector<1x1x16xf32>,
          %scan3A_1613 = arith.constant 9 : i32
          %scan3A_1614 = arith.addi %scan3A_1445, %scan3A_1613 : i32
          %mul3A_1615 = arith.constant 16 : i32
          %mul3A_1616 = arith.muli %scan3A_1614, %mul3A_1615 : i32
          %add3A_1617 = arith.constant 0 : i32
          %add3A_1618 = arith.addi %add3A_1617, %mul3A_1616 : i32
          %get3A_1619 = arith.constant 0 : i32
          %get3A_1620 = arith.index_cast %get3A_1619 : i32 to index
          %get3A_1621 = arith.index_cast %add3A_1439 : i32 to index
          %get3A_1622 = arith.index_cast %add3A_1618 : i32 to index
          %get3A_1623 = tpu.vector_load %arg8[%get3A_1620, %get3A_1621, %get3A_1622] {strides = array<i32>} : memref<2x8x2048xf32, #tpu.memory_space<vmem>>, vector<1x1x16xf32>,
          %get3A_1624 = vector.shape_cast %get3A_1623 : vector<1x1x16xf32> to vector<16xf32>
          %swap3A_1625 = arith.constant 0 : i32
          %swap3A_1626 = arith.index_cast %swap3A_1625 : i32 to index
          %swap3A_1627 = arith.index_cast %add3A_1439 : i32 to index
          %swap3A_1628 = arith.index_cast %add3A_1618 : i32 to index
          %swap3A_1629 = tpu.vector_load %arg7[%swap3A_1626, %swap3A_1627, %swap3A_1628] {strides = array<i32>} : memref<4x8x2048xf32, #tpu.memory_space<vmem>>, vector<1x1x16xf32>,
          %swap3A_1630 = vector.shape_cast %swap3A_1629 : vector<1x1x16xf32> to vector<16xf32>
          %swap3A_1631 = vector.shape_cast %get3A_1624 : vector<16xf32> to vector<1x1x16xf32>
          tpu.vector_store %arg7[%swap3A_1626, %swap3A_1627, %swap3A_1628], %swap3A_1631 {add = true, strides = array<i32>} : memref<4x8x2048xf32, #tpu.memory_space<vmem>>, vector<1x1x16xf32>,
          %scan3A_1632 = arith.constant 10 : i32
          %scan3A_1633 = arith.addi %scan3A_1445, %scan3A_1632 : i32
          %mul3A_1634 = arith.constant 16 : i32
          %mul3A_1635 = arith.muli %scan3A_1633, %mul3A_1634 : i32
          %add3A_1636 = arith.constant 0 : i32
          %add3A_1637 = arith.addi %add3A_1636, %mul3A_1635 : i32
          %get3A_1638 = arith.constant 0 : i32
          %get3A_1639 = arith.index_cast %get3A_1638 : i32 to index
          %get3A_1640 = arith.index_cast %add3A_1439 : i32 to index
          %get3A_1641 = arith.index_cast %add3A_1637 : i32 to index
          %get3A_1642 = tpu.vector_load %arg8[%get3A_1639, %get3A_1640, %get3A_1641] {strides = array<i32>} : memref<2x8x2048xf32, #tpu.memory_space<vmem>>, vector<1x1x16xf32>,
          %get3A_1643 = vector.shape_cast %get3A_1642 : vector<1x1x16xf32> to vector<16xf32>
          %swap3A_1644 = arith.constant 0 : i32
          %swap3A_1645 = arith.index_cast %swap3A_1644 : i32 to index
          %swap3A_1646 = arith.index_cast %add3A_1439 : i32 to index
          %swap3A_1647 = arith.index_cast %add3A_1637 : i32 to index
          %swap3A_1648 = tpu.vector_load %arg7[%swap3A_1645, %swap3A_1646, %swap3A_1647] {strides = array<i32>} : memref<4x8x2048xf32, #tpu.memory_space<vmem>>, vector<1x1x16xf32>,
          %swap3A_1649 = vector.shape_cast %swap3A_1648 : vector<1x1x16xf32> to vector<16xf32>
          %swap3A_1650 = vector.shape_cast %get3A_1643 : vector<16xf32> to vector<1x1x16xf32>
          tpu.vector_store %arg7[%swap3A_1645, %swap3A_1646, %swap3A_1647], %swap3A_1650 {add = true, strides = array<i32>} : memref<4x8x2048xf32, #tpu.memory_space<vmem>>, vector<1x1x16xf32>,
          %scan3A_1651 = arith.constant 11 : i32
          %scan3A_1652 = arith.addi %scan3A_1445, %scan3A_1651 : i32
          %mul3A_1653 = arith.constant 16 : i32
          %mul3A_1654 = arith.muli %scan3A_1652, %mul3A_1653 : i32
          %add3A_1655 = arith.constant 0 : i32
          %add3A_1656 = arith.addi %add3A_1655, %mul3A_1654 : i32
          %get3A_1657 = arith.constant 0 : i32
          %get3A_1658 = arith.index_cast %get3A_1657 : i32 to index
          %get3A_1659 = arith.index_cast %add3A_1439 : i32 to index
          %get3A_1660 = arith.index_cast %add3A_1656 : i32 to index
          %get3A_1661 = tpu.vector_load %arg8[%get3A_1658, %get3A_1659, %get3A_1660] {strides = array<i32>} : memref<2x8x2048xf32, #tpu.memory_space<vmem>>, vector<1x1x16xf32>,
          %get3A_1662 = vector.shape_cast %get3A_1661 : vector<1x1x16xf32> to vector<16xf32>
          %swap3A_1663 = arith.constant 0 : i32
          %swap3A_1664 = arith.index_cast %swap3A_1663 : i32 to index
          %swap3A_1665 = arith.index_cast %add3A_1439 : i32 to index
          %swap3A_1666 = arith.index_cast %add3A_1656 : i32 to index
          %swap3A_1667 = tpu.vector_load %arg7[%swap3A_1664, %swap3A_1665, %swap3A_1666] {strides = array<i32>} : memref<4x8x2048xf32, #tpu.memory_space<vmem>>, vector<1x1x16xf32>,
          %swap3A_1668 = vector.shape_cast %swap3A_1667 : vector<1x1x16xf32> to vector<16xf32>
          %swap3A_1669 = vector.shape_cast %get3A_1662 : vector<16xf32> to vector<1x1x16xf32>
          tpu.vector_store %arg7[%swap3A_1664, %swap3A_1665, %swap3A_1666], %swap3A_1669 {add = true, strides = array<i32>} : memref<4x8x2048xf32, #tpu.memory_space<vmem>>, vector<1x1x16xf32>,
          %scan3A_1670 = arith.constant 12 : i32
          %scan3A_1671 = arith.addi %scan3A_1445, %scan3A_1670 : i32
          %mul3A_1672 = arith.constant 16 : i32
          %mul3A_1673 = arith.muli %scan3A_1671, %mul3A_1672 : i32
          %add3A_1674 = arith.constant 0 : i32
          %add3A_1675 = arith.addi %add3A_1674, %mul3A_1673 : i32
          %get3A_1676 = arith.constant 0 : i32
          %get3A_1677 = arith.index_cast %get3A_1676 : i32 to index
          %get3A_1678 = arith.index_cast %add3A_1439 : i32 to index
          %get3A_1679 = arith.index_cast %add3A_1675 : i32 to index
          %get3A_1680 = tpu.vector_load %arg8[%get3A_1677, %get3A_1678, %get3A_1679] {strides = array<i32>} : memref<2x8x2048xf32, #tpu.memory_space<vmem>>, vector<1x1x16xf32>,
          %get3A_1681 = vector.shape_cast %get3A_1680 : vector<1x1x16xf32> to vector<16xf32>
          %swap3A_1682 = arith.constant 0 : i32
          %swap3A_1683 = arith.index_cast %swap3A_1682 : i32 to index
          %swap3A_1684 = arith.index_cast %add3A_1439 : i32 to index
          %swap3A_1685 = arith.index_cast %add3A_1675 : i32 to index
          %swap3A_1686 = tpu.vector_load %arg7[%swap3A_1683, %swap3A_1684, %swap3A_1685] {strides = array<i32>} : memref<4x8x2048xf32, #tpu.memory_space<vmem>>, vector<1x1x16xf32>,
          %swap3A_1687 = vector.shape_cast %swap3A_1686 : vector<1x1x16xf32> to vector<16xf32>
          %swap3A_1688 = vector.shape_cast %get3A_1681 : vector<16xf32> to vector<1x1x16xf32>
          tpu.vector_store %arg7[%swap3A_1683, %swap3A_1684, %swap3A_1685], %swap3A_1688 {add = true, strides = array<i32>} : memref<4x8x2048xf32, #tpu.memory_space<vmem>>, vector<1x1x16xf32>,
          %scan3A_1689 = arith.constant 13 : i32
          %scan3A_1690 = arith.addi %scan3A_1445, %scan3A_1689 : i32
          %mul3A_1691 = arith.constant 16 : i32
          %mul3A_1692 = arith.muli %scan3A_1690, %mul3A_1691 : i32
          %add3A_1693 = arith.constant 0 : i32
          %add3A_1694 = arith.addi %add3A_1693, %mul3A_1692 : i32
          %get3A_1695 = arith.constant 0 : i32
          %get3A_1696 = arith.index_cast %get3A_1695 : i32 to index
          %get3A_1697 = arith.index_cast %add3A_1439 : i32 to index
          %get3A_1698 = arith.index_cast %add3A_1694 : i32 to index
          %get3A_1699 = tpu.vector_load %arg8[%get3A_1696, %get3A_1697, %get3A_1698] {strides = array<i32>} : memref<2x8x2048xf32, #tpu.memory_space<vmem>>, vector<1x1x16xf32>,
          %get3A_1700 = vector.shape_cast %get3A_1699 : vector<1x1x16xf32> to vector<16xf32>
          %swap3A_1701 = arith.constant 0 : i32
          %swap3A_1702 = arith.index_cast %swap3A_1701 : i32 to index
          %swap3A_1703 = arith.index_cast %add3A_1439 : i32 to index
          %swap3A_1704 = arith.index_cast %add3A_1694 : i32 to index
          %swap3A_1705 = tpu.vector_load %arg7[%swap3A_1702, %swap3A_1703, %swap3A_1704] {strides = array<i32>} : memref<4x8x2048xf32, #tpu.memory_space<vmem>>, vector<1x1x16xf32>,
          %swap3A_1706 = vector.shape_cast %swap3A_1705 : vector<1x1x16xf32> to vector<16xf32>
          %swap3A_1707 = vector.shape_cast %get3A_1700 : vector<16xf32> to vector<1x1x16xf32>
          tpu.vector_store %arg7[%swap3A_1702, %swap3A_1703, %swap3A_1704], %swap3A_1707 {add = true, strides = array<i32>} : memref<4x8x2048xf32, #tpu.memory_space<vmem>>, vector<1x1x16xf32>,
          %scan3A_1708 = arith.constant 14 : i32
          %scan3A_1709 = arith.addi %scan3A_1445, %scan3A_1708 : i32
          %mul3A_1710 = arith.constant 16 : i32
          %mul3A_1711 = arith.muli %scan3A_1709, %mul3A_1710 : i32
          %add3A_1712 = arith.constant 0 : i32
          %add3A_1713 = arith.addi %add3A_1712, %mul3A_1711 : i32
          %get3A_1714 = arith.constant 0 : i32
          %get3A_1715 = arith.index_cast %get3A_1714 : i32 to index
          %get3A_1716 = arith.index_cast %add3A_1439 : i32 to index
          %get3A_1717 = arith.index_cast %add3A_1713 : i32 to index
          %get3A_1718 = tpu.vector_load %arg8[%get3A_1715, %get3A_1716, %get3A_1717] {strides = array<i32>} : memref<2x8x2048xf32, #tpu.memory_space<vmem>>, vector<1x1x16xf32>,
          %get3A_1719 = vector.shape_cast %get3A_1718 : vector<1x1x16xf32> to vector<16xf32>
          %swap3A_1720 = arith.constant 0 : i32
          %swap3A_1721 = arith.index_cast %swap3A_1720 : i32 to index
          %swap3A_1722 = arith.index_cast %add3A_1439 : i32 to index
          %swap3A_1723 = arith.index_cast %add3A_1713 : i32 to index
          %swap3A_1724 = tpu.vector_load %arg7[%swap3A_1721, %swap3A_1722, %swap3A_1723] {strides = array<i32>} : memref<4x8x2048xf32, #tpu.memory_space<vmem>>, vector<1x1x16xf32>,
          %swap3A_1725 = vector.shape_cast %swap3A_1724 : vector<1x1x16xf32> to vector<16xf32>
          %swap3A_1726 = vector.shape_cast %get3A_1719 : vector<16xf32> to vector<1x1x16xf32>
          tpu.vector_store %arg7[%swap3A_1721, %swap3A_1722, %swap3A_1723], %swap3A_1726 {add = true, strides = array<i32>} : memref<4x8x2048xf32, #tpu.memory_space<vmem>>, vector<1x1x16xf32>,
          %scan3A_1727 = arith.constant 15 : i32
          %scan3A_1728 = arith.addi %scan3A_1445, %scan3A_1727 : i32
          %mul3A_1729 = arith.constant 16 : i32
          %mul3A_1730 = arith.muli %scan3A_1728, %mul3A_1729 : i32
          %add3A_1731 = arith.constant 0 : i32
          %add3A_1732 = arith.addi %add3A_1731, %mul3A_1730 : i32
          %get3A_1733 = arith.constant 0 : i32
          %get3A_1734 = arith.index_cast %get3A_1733 : i32 to index
          %get3A_1735 = arith.index_cast %add3A_1439 : i32 to index
          %get3A_1736 = arith.index_cast %add3A_1732 : i32 to index
          %get3A_1737 = tpu.vector_load %arg8[%get3A_1734, %get3A_1735, %get3A_1736] {strides = array<i32>} : memref<2x8x2048xf32, #tpu.memory_space<vmem>>, vector<1x1x16xf32>,
          %get3A_1738 = vector.shape_cast %get3A_1737 : vector<1x1x16xf32> to vector<16xf32>
          %swap3A_1739 = arith.constant 0 : i32
          %swap3A_1740 = arith.index_cast %swap3A_1739 : i32 to index
          %swap3A_1741 = arith.index_cast %add3A_1439 : i32 to index
          %swap3A_1742 = arith.index_cast %add3A_1732 : i32 to index
          %swap3A_1743 = tpu.vector_load %arg7[%swap3A_1740, %swap3A_1741, %swap3A_1742] {strides = array<i32>} : memref<4x8x2048xf32, #tpu.memory_space<vmem>>, vector<1x1x16xf32>,
          %swap3A_1744 = vector.shape_cast %swap3A_1743 : vector<1x1x16xf32> to vector<16xf32>
          %swap3A_1745 = vector.shape_cast %get3A_1738 : vector<16xf32> to vector<1x1x16xf32>
          tpu.vector_store %arg7[%swap3A_1740, %swap3A_1741, %swap3A_1742], %swap3A_1745 {add = true, strides = array<i32>} : memref<4x8x2048xf32, #tpu.memory_space<vmem>>, vector<1x1x16xf32>,
        }
        %scan3A_1444 = arith.constant 128 : i32
      }
      %scan3A_311 = arith.constant 8 : i32
      %jit3A_312 = arith.constant 4 : i32
      %div3A_313 = arith.divsi %add3A_214, %jit3A_312 : i32
      %sign3A_314 = arith.constant 0 : i32
      %sign3A_315 = arith.cmpi sgt, %add3A_214, %sign3A_314 : i32
      %sign3A_316 = arith.extui %sign3A_315 : i1 to i32
      %sign3A_317 = arith.constant 0 : i32
      %sign3A_318 = arith.cmpi slt, %add3A_214, %sign3A_317 : i32
      %sign3A_319 = arith.extui %sign3A_318 : i1 to i32
      %sign3A_320 = arith.subi %sign3A_316, %sign3A_319 : i32
      %sign3A_321 = arith.constant 0 : i32
      %sign3A_322 = arith.cmpi sgt, %jit3A_312, %sign3A_321 : i32
      %sign3A_323 = arith.extui %sign3A_322 : i1 to i32
      %sign3A_324 = arith.constant 0 : i32
      %sign3A_325 = arith.cmpi slt, %jit3A_312, %sign3A_324 : i32
      %sign3A_326 = arith.extui %sign3A_325 : i1 to i32
      %sign3A_327 = arith.subi %sign3A_323, %sign3A_326 : i32
      %ne3A_328 = arith.cmpi ne, %sign3A_320, %sign3A_327 : i32
      %rem3A_329 = arith.remsi %add3A_214, %jit3A_312 : i32
      %ne3A_330 = arith.constant 0 : i32
      %ne3A_331 = arith.cmpi ne, %rem3A_329, %ne3A_330 : i32
      %and3A_332 = arith.andi %ne3A_328, %ne3A_331 : i1
      %sub3A_333 = arith.constant 1 : i32
      %sub3A_334 = arith.subi %div3A_313, %sub3A_333 : i32
      %select_n3A_335 = arith.select %and3A_332, %sub3A_334, %div3A_313 : i32
      %jit3A_336 = arith.constant 4 : i32
      %eq3A_337 = arith.constant 0 : i32
      %eq3A_338 = arith.cmpi eq, %jit3A_336, %eq3A_337 : i32
      %jit3A_339 = arith.constant 1 : i32
      %select_n3A_340 = arith.select %eq3A_338, %jit3A_339, %jit3A_336 : i32
      %rem3A_341 = arith.remsi %add3A_214, %select_n3A_340 : i32
      %ne3A_342 = arith.constant 0 : i32
      %ne3A_343 = arith.cmpi ne, %rem3A_341, %ne3A_342 : i32
      %lt3A_344 = arith.constant 0 : i32
      %lt3A_345 = arith.cmpi slt, %rem3A_341, %lt3A_344 : i32
      %lt3A_346 = arith.constant 0 : i32
      %lt3A_347 = arith.cmpi slt, %select_n3A_340, %lt3A_346 : i32
      %ne3A_348 = arith.xori %lt3A_345, %lt3A_347 : i1
      %and3A_349 = arith.andi %ne3A_348, %ne3A_343 : i1
      %add3A_350 = arith.addi %rem3A_341, %select_n3A_340 : i32
      %select_n3A_351 = arith.select %and3A_349, %add3A_350, %rem3A_341 : i32
      %mul3A_352 = arith.constant 2048 : i32
      %mul3A_353 = arith.muli %select_n3A_351, %mul3A_352 : i32
      %add3A_354 = arith.addi %mul3A_353, %mul3A_2 : i32
      %mul3A_355 = arith.constant 8 : i32
      %mul3A_356 = arith.muli %select_n3A_335, %mul3A_355 : i32
      %add3A_357 = arith.addi %add3A_354, %mul3A_356 : i32
      %dma_start3A_358 = arith.constant 0 : i32
      %dma_start3A_359 = arith.constant 0 : i32
      %dma_start3A_360 = arith.constant 0 : i32
      %dma_start3A_361 = tpu.memref_slice %arg7[%dma_start3A_358, %dma_start3A_359, %dma_start3A_360] : memref<4x8x2048xf32, #tpu.memory_space<vmem>> -> memref<1x8x2048xf32, #tpu.memory_space<vmem>>
      %dma_start3A_362 = tpu.memref_squeeze %dma_start3A_361 : memref<1x8x2048xf32, #tpu.memory_space<vmem>> -> memref<8x2048xf32, #tpu.memory_space<vmem>>
      %dma_start3A_363 = arith.constant 0 : i32
      %dma_start3A_364 = tpu.memref_slice %arg5[%add3A_357, %dma_start3A_363] : memref<8192x2048xf32, #tpu.memory_space<hbm>> -> memref<8x2048xf32, #tpu.memory_space<hbm>>
      %dma_start3A_365 = arith.constant 0 : i32
      %dma_start3A_366 = tpu.memref_slice %arg5[%add3A_357, %dma_start3A_365] : memref<8192x2048xf32, #tpu.memory_space<hbm>> -> memref<8x2048xf32, #tpu.memory_space<hbm>>
      %dma_start3A_367 = arith.constant 0 : i32
      %dma_start3A_368 = arith.constant 0 : i32
      %dma_start3A_369 = tpu.memref_slice %arg7[%dma_start3A_358, %dma_start3A_367, %dma_start3A_368] : memref<4x8x2048xf32, #tpu.memory_space<vmem>> -> memref<1x8x2048xf32, #tpu.memory_space<vmem>>
      %dma_start3A_370 = tpu.memref_squeeze %dma_start3A_369 : memref<1x8x2048xf32, #tpu.memory_space<vmem>> -> memref<8x2048xf32, #tpu.memory_space<vmem>>
      tpu.enqueue_dma source(%dma_start3A_370 : memref<8x2048xf32, #tpu.memory_space<vmem>>) target(%dma_start3A_366 : memref<8x2048xf32, #tpu.memory_space<hbm>>) target_semaphore(%arg13 : memref<!tpu.dma_semaphore, #tpu.memory_space<semaphore_mem>>)
      %add3A_371 = arith.constant 1 : i32
      %add3A_372 = arith.addi %add3A_212, %add3A_371 : i32
      %jit3A_373 = arith.constant 4 : i32
      %div3A_374 = arith.divsi %add3A_372, %jit3A_373 : i32
      %sign3A_375 = arith.constant 0 : i32
      %sign3A_376 = arith.cmpi sgt, %add3A_372, %sign3A_375 : i32
      %sign3A_377 = arith.extui %sign3A_376 : i1 to i32
      %sign3A_378 = arith.constant 0 : i32
      %sign3A_379 = arith.cmpi slt, %add3A_372, %sign3A_378 : i32
      %sign3A_380 = arith.extui %sign3A_379 : i1 to i32
      %sign3A_381 = arith.subi %sign3A_377, %sign3A_380 : i32
      %sign3A_382 = arith.constant 0 : i32
      %sign3A_383 = arith.cmpi sgt, %jit3A_373, %sign3A_382 : i32
      %sign3A_384 = arith.extui %sign3A_383 : i1 to i32
      %sign3A_385 = arith.constant 0 : i32
      %sign3A_386 = arith.cmpi slt, %jit3A_373, %sign3A_385 : i32
      %sign3A_387 = arith.extui %sign3A_386 : i1 to i32
      %sign3A_388 = arith.subi %sign3A_384, %sign3A_387 : i32
      %ne3A_389 = arith.cmpi ne, %sign3A_381, %sign3A_388 : i32
      %rem3A_390 = arith.remsi %add3A_372, %jit3A_373 : i32
      %ne3A_391 = arith.constant 0 : i32
      %ne3A_392 = arith.cmpi ne, %rem3A_390, %ne3A_391 : i32
      %and3A_393 = arith.andi %ne3A_389, %ne3A_392 : i1
      %sub3A_394 = arith.constant 1 : i32
      %sub3A_395 = arith.subi %div3A_374, %sub3A_394 : i32
      %select_n3A_396 = arith.select %and3A_393, %sub3A_395, %div3A_374 : i32
      %jit3A_397 = arith.constant 4 : i32
      %div3A_398 = arith.divsi %add3A_372, %jit3A_397 : i32
      %sign3A_399 = arith.constant 0 : i32
      %sign3A_400 = arith.cmpi sgt, %add3A_372, %sign3A_399 : i32
      %sign3A_401 = arith.extui %sign3A_400 : i1 to i32
      %sign3A_402 = arith.constant 0 : i32
      %sign3A_403 = arith.cmpi slt, %add3A_372, %sign3A_402 : i32
      %sign3A_404 = arith.extui %sign3A_403 : i1 to i32
      %sign3A_405 = arith.subi %sign3A_401, %sign3A_404 : i32
      %sign3A_406 = arith.constant 0 : i32
      %sign3A_407 = arith.cmpi sgt, %jit3A_397, %sign3A_406 : i32
      %sign3A_408 = arith.extui %sign3A_407 : i1 to i32
      %sign3A_409 = arith.constant 0 : i32
      %sign3A_410 = arith.cmpi slt, %jit3A_397, %sign3A_409 : i32
      %sign3A_411 = arith.extui %sign3A_410 : i1 to i32
      %sign3A_412 = arith.subi %sign3A_408, %sign3A_411 : i32
      %ne3A_413 = arith.cmpi ne, %sign3A_405, %sign3A_412 : i32
      %rem3A_414 = arith.remsi %add3A_372, %jit3A_397 : i32
      %ne3A_415 = arith.constant 0 : i32
      %ne3A_416 = arith.cmpi ne, %rem3A_414, %ne3A_415 : i32
      %and3A_417 = arith.andi %ne3A_413, %ne3A_416 : i1
      %sub3A_418 = arith.constant 1 : i32
      %sub3A_419 = arith.subi %div3A_398, %sub3A_418 : i32
      %select_n3A_420 = arith.select %and3A_417, %sub3A_419, %div3A_398 : i32
      %jit3A_421 = arith.constant 4 : i32
      %eq3A_422 = arith.constant 0 : i32
      %eq3A_423 = arith.cmpi eq, %jit3A_421, %eq3A_422 : i32
      %jit3A_424 = arith.constant 1 : i32
      %select_n3A_425 = arith.select %eq3A_423, %jit3A_424, %jit3A_421 : i32
      %rem3A_426 = arith.remsi %add3A_372, %select_n3A_425 : i32
      %ne3A_427 = arith.constant 0 : i32
      %ne3A_428 = arith.cmpi ne, %rem3A_426, %ne3A_427 : i32
      %lt3A_429 = arith.constant 0 : i32
      %lt3A_430 = arith.cmpi slt, %rem3A_426, %lt3A_429 : i32
      %lt3A_431 = arith.constant 0 : i32
      %lt3A_432 = arith.cmpi slt, %select_n3A_425, %lt3A_431 : i32
      %ne3A_433 = arith.xori %lt3A_430, %lt3A_432 : i1
      %and3A_434 = arith.andi %ne3A_433, %ne3A_428 : i1
      %add3A_435 = arith.addi %rem3A_426, %select_n3A_425 : i32
      %select_n3A_436 = arith.select %and3A_434, %add3A_435, %rem3A_426 : i32
      %mul3A_437 = arith.constant 8 : i32
      %mul3A_438 = arith.muli %select_n3A_420, %mul3A_437 : i32
      %dma_wait3A_439 = arith.constant 1 : i32
      %dma_wait3A_440 = arith.constant 0 : i32
      %dma_wait3A_441 = arith.constant 0 : i32
      %dma_wait3A_442 = tpu.memref_slice %arg7[%dma_wait3A_439, %dma_wait3A_440, %dma_wait3A_441] : memref<4x8x2048xf32, #tpu.memory_space<vmem>> -> memref<1x8x2048xf32, #tpu.memory_space<vmem>>
      %dma_wait3A_443 = tpu.memref_squeeze %dma_wait3A_442 : memref<1x8x2048xf32, #tpu.memory_space<vmem>> -> memref<8x2048xf32, #tpu.memory_space<vmem>>
      %dma_wait3A_444 = tpu.memref_slice %arg6[%select_n3A_436, %mul3A_438] : memref<4x64xi32, #tpu.memory_space<vmem>> -> memref<1x8xi32, #tpu.memory_space<vmem>>
      %dma_wait3A_445 = tpu.memref_squeeze %dma_wait3A_444 : memref<1x8xi32, #tpu.memory_space<vmem>> -> memref<8xi32, #tpu.memory_space<vmem>>
      %dma_wait3A_446 = arith.constant 0 : i32
      %dma_wait3A_447 = arith.constant 0 : i32
      %dma_wait3A_448 = tpu.memref_slice %arg2[%dma_wait3A_446, %dma_wait3A_447] : memref<100000x2048xf32, #tpu.memory_space<hbm>> -> memref<100000x2048xf32, #tpu.memory_space<hbm>>
      tpu.wait_indirect_dma semaphore(%arg10 : memref<!tpu.dma_semaphore, #tpu.memory_space<semaphore_mem>>) src(%dma_wait3A_448 : memref<100000x2048xf32, #tpu.memory_space<hbm>>) dst(%dma_wait3A_443 : memref<8x2048xf32, #tpu.memory_space<vmem>>)
      %add3A_449 = arith.constant 2 : i32
      %add3A_450 = arith.addi %add3A_372, %add3A_449 : i32
      %lt3A_451 = arith.constant 32 : i32
      %lt3A_452 = arith.cmpi slt, %add3A_450, %lt3A_451 : i32
      %convert_element_type3A_453 = arith.extui %lt3A_452 : i1 to i32
      %cond3A_454 = arith.constant 0 : i32
      %cond3A_455 = arith.cmpi ne, %convert_element_type3A_453, %cond3A_454 : i32
      scf.if %cond3A_455 {
        %ge3A = arith.constant 2 : i32
        %ge3A_1435 = arith.cmpi sge, %add3A_372, %ge3A : i32
        %convert_element_type3A_1436 = arith.extui %ge3A_1435 : i1 to i32
        %cond3A_1437 = arith.constant 0 : i32
        %cond3A_1438 = arith.cmpi ne, %convert_element_type3A_1436, %cond3A_1437 : i32
        scf.if %cond3A_1438 {
          %sub3A_1493 = arith.constant 2 : i32
          %sub3A_1494 = arith.subi %add3A_372, %sub3A_1493 : i32
          %jit3A_1495 = arith.constant 4 : i32
          %div3A_1496 = arith.divsi %sub3A_1494, %jit3A_1495 : i32
          %sign3A_1497 = arith.constant 0 : i32
          %sign3A_1498 = arith.cmpi sgt, %sub3A_1494, %sign3A_1497 : i32
          %sign3A_1499 = arith.extui %sign3A_1498 : i1 to i32
          %sign3A_1500 = arith.constant 0 : i32
          %sign3A_1501 = arith.cmpi slt, %sub3A_1494, %sign3A_1500 : i32
          %sign3A_1502 = arith.extui %sign3A_1501 : i1 to i32
          %sign3A_1503 = arith.subi %sign3A_1499, %sign3A_1502 : i32
          %sign3A_1504 = arith.constant 0 : i32
          %sign3A_1505 = arith.cmpi sgt, %jit3A_1495, %sign3A_1504 : i32
          %sign3A_1506 = arith.extui %sign3A_1505 : i1 to i32
          %sign3A_1507 = arith.constant 0 : i32
          %sign3A_1508 = arith.cmpi slt, %jit3A_1495, %sign3A_1507 : i32
          %sign3A_1509 = arith.extui %sign3A_1508 : i1 to i32
          %sign3A_1510 = arith.subi %sign3A_1506, %sign3A_1509 : i32
          %ne3A_1511 = arith.cmpi ne, %sign3A_1503, %sign3A_1510 : i32
          %rem3A_1512 = arith.remsi %sub3A_1494, %jit3A_1495 : i32
          %ne3A_1513 = arith.constant 0 : i32
          %ne3A_1514 = arith.cmpi ne, %rem3A_1512, %ne3A_1513 : i32
          %and3A_1515 = arith.andi %ne3A_1511, %ne3A_1514 : i1
          %sub3A_1516 = arith.constant 1 : i32
          %sub3A_1517 = arith.subi %div3A_1496, %sub3A_1516 : i32
          %select_n3A_1518 = arith.select %and3A_1515, %sub3A_1517, %div3A_1496 : i32
          %jit3A_1519 = arith.constant 4 : i32
          %eq3A_1520 = arith.constant 0 : i32
          %eq3A_1521 = arith.cmpi eq, %jit3A_1519, %eq3A_1520 : i32
          %jit3A_1522 = arith.constant 1 : i32
          %select_n3A_1523 = arith.select %eq3A_1521, %jit3A_1522, %jit3A_1519 : i32
          %rem3A_1524 = arith.remsi %sub3A_1494, %select_n3A_1523 : i32
          %ne3A_1525 = arith.constant 0 : i32
          %ne3A_1526 = arith.cmpi ne, %rem3A_1524, %ne3A_1525 : i32
          %lt3A_1527 = arith.constant 0 : i32
          %lt3A_1528 = arith.cmpi slt, %rem3A_1524, %lt3A_1527 : i32
          %lt3A_1529 = arith.constant 0 : i32
          %lt3A_1530 = arith.cmpi slt, %select_n3A_1523, %lt3A_1529 : i32
          %ne3A_1531 = arith.xori %lt3A_1528, %lt3A_1530 : i1
          %and3A_1532 = arith.andi %ne3A_1531, %ne3A_1526 : i1
          %add3A_1533 = arith.addi %rem3A_1524, %select_n3A_1523 : i32
          %select_n3A_1534 = arith.select %and3A_1532, %add3A_1533, %rem3A_1524 : i32
          %mul3A_1535 = arith.constant 2048 : i32
          %mul3A_1536 = arith.muli %select_n3A_1534, %mul3A_1535 : i32
          %add3A_1537 = arith.addi %mul3A_1536, %mul3A_2 : i32
          %mul3A_1538 = arith.constant 8 : i32
          %mul3A_1539 = arith.muli %select_n3A_1518, %mul3A_1538 : i32
          %add3A_1540 = arith.addi %add3A_1537, %mul3A_1539 : i32
          %dma_wait3A_1541 = arith.constant 3 : i32
          %dma_wait3A_1542 = arith.constant 0 : i32
          %dma_wait3A_1543 = arith.constant 0 : i32
          %dma_wait3A_1544 = tpu.memref_slice %arg7[%dma_wait3A_1541, %dma_wait3A_1542, %dma_wait3A_1543] : memref<4x8x2048xf32, #tpu.memory_space<vmem>> -> memref<1x8x2048xf32, #tpu.memory_space<vmem>>
          %dma_wait3A_1545 = tpu.memref_squeeze %dma_wait3A_1544 : memref<1x8x2048xf32, #tpu.memory_space<vmem>> -> memref<8x2048xf32, #tpu.memory_space<vmem>>
          %dma_wait3A_1546 = arith.constant 0 : i32
          %dma_wait3A_1547 = tpu.memref_slice %arg5[%add3A_1540, %dma_wait3A_1546] : memref<8192x2048xf32, #tpu.memory_space<hbm>> -> memref<8x2048xf32, #tpu.memory_space<hbm>>
          %dma_wait3A_1548 = arith.constant 0 : i32
          %dma_wait3A_1549 = tpu.memref_slice %arg5[%add3A_1540, %dma_wait3A_1548] : memref<8192x2048xf32, #tpu.memory_space<hbm>> -> memref<8x2048xf32, #tpu.memory_space<hbm>>
          %dma_wait3A_1550 = arith.constant 0 : i32
          %dma_wait3A_1551 = arith.constant 0 : i32
          %dma_wait3A_1552 = tpu.memref_slice %arg7[%dma_wait3A_1541, %dma_wait3A_1550, %dma_wait3A_1551] : memref<4x8x2048xf32, #tpu.memory_space<vmem>> -> memref<1x8x2048xf32, #tpu.memory_space<vmem>>
          %dma_wait3A_1553 = tpu.memref_squeeze %dma_wait3A_1552 : memref<1x8x2048xf32, #tpu.memory_space<vmem>> -> memref<8x2048xf32, #tpu.memory_space<vmem>>
          tpu.wait_dma2 semaphore(%arg16 : memref<!tpu.dma_semaphore, #tpu.memory_space<semaphore_mem>>) src(%dma_wait3A_1553 : memref<8x2048xf32, #tpu.memory_space<vmem>>) dst(%dma_wait3A_1549 : memref<8x2048xf32, #tpu.memory_space<hbm>>)
        } else {
        }
        %add3A_1439 = arith.constant 2 : i32
        %add3A_1440 = arith.addi %add3A_372, %add3A_1439 : i32
        %jit3A_1441 = arith.constant 4 : i32
        %div3A_1442 = arith.divsi %add3A_1440, %jit3A_1441 : i32
        %sign3A_1443 = arith.constant 0 : i32
        %sign3A_1444 = arith.cmpi sgt, %add3A_1440, %sign3A_1443 : i32
        %sign3A_1445 = arith.extui %sign3A_1444 : i1 to i32
        %sign3A_1446 = arith.constant 0 : i32
        %sign3A_1447 = arith.cmpi slt, %add3A_1440, %sign3A_1446 : i32
        %sign3A_1448 = arith.extui %sign3A_1447 : i1 to i32
        %sign3A_1449 = arith.subi %sign3A_1445, %sign3A_1448 : i32
        %sign3A_1450 = arith.constant 0 : i32
        %sign3A_1451 = arith.cmpi sgt, %jit3A_1441, %sign3A_1450 : i32
        %sign3A_1452 = arith.extui %sign3A_1451 : i1 to i32
        %sign3A_1453 = arith.constant 0 : i32
        %sign3A_1454 = arith.cmpi slt, %jit3A_1441, %sign3A_1453 : i32
        %sign3A_1455 = arith.extui %sign3A_1454 : i1 to i32
        %sign3A_1456 = arith.subi %sign3A_1452, %sign3A_1455 : i32
        %ne3A_1457 = arith.cmpi ne, %sign3A_1449, %sign3A_1456 : i32
        %rem3A_1458 = arith.remsi %add3A_1440, %jit3A_1441 : i32
        %ne3A_1459 = arith.constant 0 : i32
        %ne3A_1460 = arith.cmpi ne, %rem3A_1458, %ne3A_1459 : i32
        %and3A_1461 = arith.andi %ne3A_1457, %ne3A_1460 : i1
        %sub3A_1462 = arith.constant 1 : i32
        %sub3A_1463 = arith.subi %div3A_1442, %sub3A_1462 : i32
        %select_n3A_1464 = arith.select %and3A_1461, %sub3A_1463, %div3A_1442 : i32
        %jit3A_1465 = arith.constant 4 : i32
        %eq3A_1466 = arith.constant 0 : i32
        %eq3A_1467 = arith.cmpi eq, %jit3A_1465, %eq3A_1466 : i32
        %jit3A_1468 = arith.constant 1 : i32
        %select_n3A_1469 = arith.select %eq3A_1467, %jit3A_1468, %jit3A_1465 : i32
        %rem3A_1470 = arith.remsi %add3A_1440, %select_n3A_1469 : i32
        %ne3A_1471 = arith.constant 0 : i32
        %ne3A_1472 = arith.cmpi ne, %rem3A_1470, %ne3A_1471 : i32
        %lt3A_1473 = arith.constant 0 : i32
        %lt3A_1474 = arith.cmpi slt, %rem3A_1470, %lt3A_1473 : i32
        %lt3A_1475 = arith.constant 0 : i32
        %lt3A_1476 = arith.cmpi slt, %select_n3A_1469, %lt3A_1475 : i32
        %ne3A_1477 = arith.xori %lt3A_1474, %lt3A_1476 : i1
        %and3A_1478 = arith.andi %ne3A_1477, %ne3A_1472 : i1
        %add3A_1479 = arith.addi %rem3A_1470, %select_n3A_1469 : i32
        %select_n3A_1480 = arith.select %and3A_1478, %add3A_1479, %rem3A_1470 : i32
        %mul3A_1481 = arith.constant 8 : i32
        %mul3A_1482 = arith.muli %select_n3A_1464, %mul3A_1481 : i32
        %dma_start3A_1483 = arith.constant 3 : i32
        %dma_start3A_1484 = arith.constant 0 : i32
        %dma_start3A_1485 = arith.constant 0 : i32
        %dma_start3A_1486 = tpu.memref_slice %arg7[%dma_start3A_1483, %dma_start3A_1484, %dma_start3A_1485] : memref<4x8x2048xf32, #tpu.memory_space<vmem>> -> memref<1x8x2048xf32, #tpu.memory_space<vmem>>
        %dma_start3A_1487 = tpu.memref_squeeze %dma_start3A_1486 : memref<1x8x2048xf32, #tpu.memory_space<vmem>> -> memref<8x2048xf32, #tpu.memory_space<vmem>>
        %dma_start3A_1488 = tpu.memref_slice %arg6[%select_n3A_1480, %mul3A_1482] : memref<4x64xi32, #tpu.memory_space<vmem>> -> memref<1x8xi32, #tpu.memory_space<vmem>>
        %dma_start3A_1489 = tpu.memref_squeeze %dma_start3A_1488 : memref<1x8xi32, #tpu.memory_space<vmem>> -> memref<8xi32, #tpu.memory_space<vmem>>
        %dma_start3A_1490 = arith.constant 0 : i32
        %dma_start3A_1491 = arith.constant 0 : i32
        %dma_start3A_1492 = tpu.memref_slice %arg2[%dma_start3A_1490, %dma_start3A_1491] : memref<100000x2048xf32, #tpu.memory_space<hbm>> -> memref<100000x2048xf32, #tpu.memory_space<hbm>>
        tpu.enqueue_indirect_dma source(%dma_start3A_1492 : memref<100000x2048xf32, #tpu.memory_space<hbm>>) target(%dma_start3A_1487 : memref<8x2048xf32, #tpu.memory_space<vmem>>) offsets(%dma_start3A_1489 : memref<8xi32, #tpu.memory_space<vmem>>) semaphore(%arg12 : memref<!tpu.dma_semaphore, #tpu.memory_space<semaphore_mem>>)
      } else {
      }
      %scan3A_456 = arith.constant 0 : i32
      %scan3A_457 = arith.constant 8 : i32
      %scan3A_458 = arith.addi %scan3A_456, %scan3A_457 : i32
      %scan3A_459 = arith.constant 1 : i32
      scf.for %scan3A_1435 = %scan3A_456 to %scan3A_458 step %scan3A_459  : i32 {
        %mul3A_1436 = arith.constant 1 : i32
        %mul3A_1437 = arith.muli %scan3A_1435, %mul3A_1436 : i32
        %add3A_1438 = arith.constant 0 : i32
        %add3A_1439 = arith.addi %add3A_1438, %mul3A_1437 : i32
        %scan3A_1440 = arith.constant 0 : i32
        %scan3A_1441 = arith.constant 128 : i32
        %scan3A_1442 = arith.addi %scan3A_1440, %scan3A_1441 : i32
        %scan3A_1443 = arith.constant 16 : i32
        scf.for %scan3A_1445 = %scan3A_1440 to %scan3A_1442 step %scan3A_1443  : i32 {
          %mul3A_1446 = arith.constant 16 : i32
          %mul3A_1447 = arith.muli %scan3A_1445, %mul3A_1446 : i32
          %add3A_1448 = arith.constant 0 : i32
          %add3A_1449 = arith.addi %add3A_1448, %mul3A_1447 : i32
          %get3A = arith.constant 0 : i32
          %get3A_1450 = arith.index_cast %get3A : i32 to index
          %get3A_1451 = arith.index_cast %add3A_1439 : i32 to index
          %get3A_1452 = arith.index_cast %add3A_1449 : i32 to index
          %get3A_1453 = tpu.vector_load %arg8[%get3A_1450, %get3A_1451, %get3A_1452] {strides = array<i32>} : memref<2x8x2048xf32, #tpu.memory_space<vmem>>, vector<1x1x16xf32>,
          %get3A_1454 = vector.shape_cast %get3A_1453 : vector<1x1x16xf32> to vector<16xf32>
          %swap3A = arith.constant 1 : i32
          %swap3A_1455 = arith.index_cast %swap3A : i32 to index
          %swap3A_1456 = arith.index_cast %add3A_1439 : i32 to index
          %swap3A_1457 = arith.index_cast %add3A_1449 : i32 to index
          %swap3A_1458 = tpu.vector_load %arg7[%swap3A_1455, %swap3A_1456, %swap3A_1457] {strides = array<i32>} : memref<4x8x2048xf32, #tpu.memory_space<vmem>>, vector<1x1x16xf32>,
          %swap3A_1459 = vector.shape_cast %swap3A_1458 : vector<1x1x16xf32> to vector<16xf32>
          %swap3A_1460 = vector.shape_cast %get3A_1454 : vector<16xf32> to vector<1x1x16xf32>
          tpu.vector_store %arg7[%swap3A_1455, %swap3A_1456, %swap3A_1457], %swap3A_1460 {add = true, strides = array<i32>} : memref<4x8x2048xf32, #tpu.memory_space<vmem>>, vector<1x1x16xf32>,
          %scan3A_1461 = arith.constant 1 : i32
          %scan3A_1462 = arith.addi %scan3A_1445, %scan3A_1461 : i32
          %mul3A_1463 = arith.constant 16 : i32
          %mul3A_1464 = arith.muli %scan3A_1462, %mul3A_1463 : i32
          %add3A_1465 = arith.constant 0 : i32
          %add3A_1466 = arith.addi %add3A_1465, %mul3A_1464 : i32
          %get3A_1467 = arith.constant 0 : i32
          %get3A_1468 = arith.index_cast %get3A_1467 : i32 to index
          %get3A_1469 = arith.index_cast %add3A_1439 : i32 to index
          %get3A_1470 = arith.index_cast %add3A_1466 : i32 to index
          %get3A_1471 = tpu.vector_load %arg8[%get3A_1468, %get3A_1469, %get3A_1470] {strides = array<i32>} : memref<2x8x2048xf32, #tpu.memory_space<vmem>>, vector<1x1x16xf32>,
          %get3A_1472 = vector.shape_cast %get3A_1471 : vector<1x1x16xf32> to vector<16xf32>
          %swap3A_1473 = arith.constant 1 : i32
          %swap3A_1474 = arith.index_cast %swap3A_1473 : i32 to index
          %swap3A_1475 = arith.index_cast %add3A_1439 : i32 to index
          %swap3A_1476 = arith.index_cast %add3A_1466 : i32 to index
          %swap3A_1477 = tpu.vector_load %arg7[%swap3A_1474, %swap3A_1475, %swap3A_1476] {strides = array<i32>} : memref<4x8x2048xf32, #tpu.memory_space<vmem>>, vector<1x1x16xf32>,
          %swap3A_1478 = vector.shape_cast %swap3A_1477 : vector<1x1x16xf32> to vector<16xf32>
          %swap3A_1479 = vector.shape_cast %get3A_1472 : vector<16xf32> to vector<1x1x16xf32>
          tpu.vector_store %arg7[%swap3A_1474, %swap3A_1475, %swap3A_1476], %swap3A_1479 {add = true, strides = array<i32>} : memref<4x8x2048xf32, #tpu.memory_space<vmem>>, vector<1x1x16xf32>,
          %scan3A_1480 = arith.constant 2 : i32
          %scan3A_1481 = arith.addi %scan3A_1445, %scan3A_1480 : i32
          %mul3A_1482 = arith.constant 16 : i32
          %mul3A_1483 = arith.muli %scan3A_1481, %mul3A_1482 : i32
          %add3A_1484 = arith.constant 0 : i32
          %add3A_1485 = arith.addi %add3A_1484, %mul3A_1483 : i32
          %get3A_1486 = arith.constant 0 : i32
          %get3A_1487 = arith.index_cast %get3A_1486 : i32 to index
          %get3A_1488 = arith.index_cast %add3A_1439 : i32 to index
          %get3A_1489 = arith.index_cast %add3A_1485 : i32 to index
          %get3A_1490 = tpu.vector_load %arg8[%get3A_1487, %get3A_1488, %get3A_1489] {strides = array<i32>} : memref<2x8x2048xf32, #tpu.memory_space<vmem>>, vector<1x1x16xf32>,
          %get3A_1491 = vector.shape_cast %get3A_1490 : vector<1x1x16xf32> to vector<16xf32>
          %swap3A_1492 = arith.constant 1 : i32
          %swap3A_1493 = arith.index_cast %swap3A_1492 : i32 to index
          %swap3A_1494 = arith.index_cast %add3A_1439 : i32 to index
          %swap3A_1495 = arith.index_cast %add3A_1485 : i32 to index
          %swap3A_1496 = tpu.vector_load %arg7[%swap3A_1493, %swap3A_1494, %swap3A_1495] {strides = array<i32>} : memref<4x8x2048xf32, #tpu.memory_space<vmem>>, vector<1x1x16xf32>,
          %swap3A_1497 = vector.shape_cast %swap3A_1496 : vector<1x1x16xf32> to vector<16xf32>
          %swap3A_1498 = vector.shape_cast %get3A_1491 : vector<16xf32> to vector<1x1x16xf32>
          tpu.vector_store %arg7[%swap3A_1493, %swap3A_1494, %swap3A_1495], %swap3A_1498 {add = true, strides = array<i32>} : memref<4x8x2048xf32, #tpu.memory_space<vmem>>, vector<1x1x16xf32>,
          %scan3A_1499 = arith.constant 3 : i32
          %scan3A_1500 = arith.addi %scan3A_1445, %scan3A_1499 : i32
          %mul3A_1501 = arith.constant 16 : i32
          %mul3A_1502 = arith.muli %scan3A_1500, %mul3A_1501 : i32
          %add3A_1503 = arith.constant 0 : i32
          %add3A_1504 = arith.addi %add3A_1503, %mul3A_1502 : i32
          %get3A_1505 = arith.constant 0 : i32
          %get3A_1506 = arith.index_cast %get3A_1505 : i32 to index
          %get3A_1507 = arith.index_cast %add3A_1439 : i32 to index
          %get3A_1508 = arith.index_cast %add3A_1504 : i32 to index
          %get3A_1509 = tpu.vector_load %arg8[%get3A_1506, %get3A_1507, %get3A_1508] {strides = array<i32>} : memref<2x8x2048xf32, #tpu.memory_space<vmem>>, vector<1x1x16xf32>,
          %get3A_1510 = vector.shape_cast %get3A_1509 : vector<1x1x16xf32> to vector<16xf32>
          %swap3A_1511 = arith.constant 1 : i32
          %swap3A_1512 = arith.index_cast %swap3A_1511 : i32 to index
          %swap3A_1513 = arith.index_cast %add3A_1439 : i32 to index
          %swap3A_1514 = arith.index_cast %add3A_1504 : i32 to index
          %swap3A_1515 = tpu.vector_load %arg7[%swap3A_1512, %swap3A_1513, %swap3A_1514] {strides = array<i32>} : memref<4x8x2048xf32, #tpu.memory_space<vmem>>, vector<1x1x16xf32>,
          %swap3A_1516 = vector.shape_cast %swap3A_1515 : vector<1x1x16xf32> to vector<16xf32>
          %swap3A_1517 = vector.shape_cast %get3A_1510 : vector<16xf32> to vector<1x1x16xf32>
          tpu.vector_store %arg7[%swap3A_1512, %swap3A_1513, %swap3A_1514], %swap3A_1517 {add = true, strides = array<i32>} : memref<4x8x2048xf32, #tpu.memory_space<vmem>>, vector<1x1x16xf32>,
          %scan3A_1518 = arith.constant 4 : i32
          %scan3A_1519 = arith.addi %scan3A_1445, %scan3A_1518 : i32
          %mul3A_1520 = arith.constant 16 : i32
          %mul3A_1521 = arith.muli %scan3A_1519, %mul3A_1520 : i32
          %add3A_1522 = arith.constant 0 : i32
          %add3A_1523 = arith.addi %add3A_1522, %mul3A_1521 : i32
          %get3A_1524 = arith.constant 0 : i32
          %get3A_1525 = arith.index_cast %get3A_1524 : i32 to index
          %get3A_1526 = arith.index_cast %add3A_1439 : i32 to index
          %get3A_1527 = arith.index_cast %add3A_1523 : i32 to index
          %get3A_1528 = tpu.vector_load %arg8[%get3A_1525, %get3A_1526, %get3A_1527] {strides = array<i32>} : memref<2x8x2048xf32, #tpu.memory_space<vmem>>, vector<1x1x16xf32>,
          %get3A_1529 = vector.shape_cast %get3A_1528 : vector<1x1x16xf32> to vector<16xf32>
          %swap3A_1530 = arith.constant 1 : i32
          %swap3A_1531 = arith.index_cast %swap3A_1530 : i32 to index
          %swap3A_1532 = arith.index_cast %add3A_1439 : i32 to index
          %swap3A_1533 = arith.index_cast %add3A_1523 : i32 to index
          %swap3A_1534 = tpu.vector_load %arg7[%swap3A_1531, %swap3A_1532, %swap3A_1533] {strides = array<i32>} : memref<4x8x2048xf32, #tpu.memory_space<vmem>>, vector<1x1x16xf32>,
          %swap3A_1535 = vector.shape_cast %swap3A_1534 : vector<1x1x16xf32> to vector<16xf32>
          %swap3A_1536 = vector.shape_cast %get3A_1529 : vector<16xf32> to vector<1x1x16xf32>
          tpu.vector_store %arg7[%swap3A_1531, %swap3A_1532, %swap3A_1533], %swap3A_1536 {add = true, strides = array<i32>} : memref<4x8x2048xf32, #tpu.memory_space<vmem>>, vector<1x1x16xf32>,
          %scan3A_1537 = arith.constant 5 : i32
          %scan3A_1538 = arith.addi %scan3A_1445, %scan3A_1537 : i32
          %mul3A_1539 = arith.constant 16 : i32
          %mul3A_1540 = arith.muli %scan3A_1538, %mul3A_1539 : i32
          %add3A_1541 = arith.constant 0 : i32
          %add3A_1542 = arith.addi %add3A_1541, %mul3A_1540 : i32
          %get3A_1543 = arith.constant 0 : i32
          %get3A_1544 = arith.index_cast %get3A_1543 : i32 to index
          %get3A_1545 = arith.index_cast %add3A_1439 : i32 to index
          %get3A_1546 = arith.index_cast %add3A_1542 : i32 to index
          %get3A_1547 = tpu.vector_load %arg8[%get3A_1544, %get3A_1545, %get3A_1546] {strides = array<i32>} : memref<2x8x2048xf32, #tpu.memory_space<vmem>>, vector<1x1x16xf32>,
          %get3A_1548 = vector.shape_cast %get3A_1547 : vector<1x1x16xf32> to vector<16xf32>
          %swap3A_1549 = arith.constant 1 : i32
          %swap3A_1550 = arith.index_cast %swap3A_1549 : i32 to index
          %swap3A_1551 = arith.index_cast %add3A_1439 : i32 to index
          %swap3A_1552 = arith.index_cast %add3A_1542 : i32 to index
          %swap3A_1553 = tpu.vector_load %arg7[%swap3A_1550, %swap3A_1551, %swap3A_1552] {strides = array<i32>} : memref<4x8x2048xf32, #tpu.memory_space<vmem>>, vector<1x1x16xf32>,
          %swap3A_1554 = vector.shape_cast %swap3A_1553 : vector<1x1x16xf32> to vector<16xf32>
          %swap3A_1555 = vector.shape_cast %get3A_1548 : vector<16xf32> to vector<1x1x16xf32>
          tpu.vector_store %arg7[%swap3A_1550, %swap3A_1551, %swap3A_1552], %swap3A_1555 {add = true, strides = array<i32>} : memref<4x8x2048xf32, #tpu.memory_space<vmem>>, vector<1x1x16xf32>,
          %scan3A_1556 = arith.constant 6 : i32
          %scan3A_1557 = arith.addi %scan3A_1445, %scan3A_1556 : i32
          %mul3A_1558 = arith.constant 16 : i32
          %mul3A_1559 = arith.muli %scan3A_1557, %mul3A_1558 : i32
          %add3A_1560 = arith.constant 0 : i32
          %add3A_1561 = arith.addi %add3A_1560, %mul3A_1559 : i32
          %get3A_1562 = arith.constant 0 : i32
          %get3A_1563 = arith.index_cast %get3A_1562 : i32 to index
          %get3A_1564 = arith.index_cast %add3A_1439 : i32 to index
          %get3A_1565 = arith.index_cast %add3A_1561 : i32 to index
          %get3A_1566 = tpu.vector_load %arg8[%get3A_1563, %get3A_1564, %get3A_1565] {strides = array<i32>} : memref<2x8x2048xf32, #tpu.memory_space<vmem>>, vector<1x1x16xf32>,
          %get3A_1567 = vector.shape_cast %get3A_1566 : vector<1x1x16xf32> to vector<16xf32>
          %swap3A_1568 = arith.constant 1 : i32
          %swap3A_1569 = arith.index_cast %swap3A_1568 : i32 to index
          %swap3A_1570 = arith.index_cast %add3A_1439 : i32 to index
          %swap3A_1571 = arith.index_cast %add3A_1561 : i32 to index
          %swap3A_1572 = tpu.vector_load %arg7[%swap3A_1569, %swap3A_1570, %swap3A_1571] {strides = array<i32>} : memref<4x8x2048xf32, #tpu.memory_space<vmem>>, vector<1x1x16xf32>,
          %swap3A_1573 = vector.shape_cast %swap3A_1572 : vector<1x1x16xf32> to vector<16xf32>
          %swap3A_1574 = vector.shape_cast %get3A_1567 : vector<16xf32> to vector<1x1x16xf32>
          tpu.vector_store %arg7[%swap3A_1569, %swap3A_1570, %swap3A_1571], %swap3A_1574 {add = true, strides = array<i32>} : memref<4x8x2048xf32, #tpu.memory_space<vmem>>, vector<1x1x16xf32>,
          %scan3A_1575 = arith.constant 7 : i32
          %scan3A_1576 = arith.addi %scan3A_1445, %scan3A_1575 : i32
          %mul3A_1577 = arith.constant 16 : i32
          %mul3A_1578 = arith.muli %scan3A_1576, %mul3A_1577 : i32
          %add3A_1579 = arith.constant 0 : i32
          %add3A_1580 = arith.addi %add3A_1579, %mul3A_1578 : i32
          %get3A_1581 = arith.constant 0 : i32
          %get3A_1582 = arith.index_cast %get3A_1581 : i32 to index
          %get3A_1583 = arith.index_cast %add3A_1439 : i32 to index
          %get3A_1584 = arith.index_cast %add3A_1580 : i32 to index
          %get3A_1585 = tpu.vector_load %arg8[%get3A_1582, %get3A_1583, %get3A_1584] {strides = array<i32>} : memref<2x8x2048xf32, #tpu.memory_space<vmem>>, vector<1x1x16xf32>,
          %get3A_1586 = vector.shape_cast %get3A_1585 : vector<1x1x16xf32> to vector<16xf32>
          %swap3A_1587 = arith.constant 1 : i32
          %swap3A_1588 = arith.index_cast %swap3A_1587 : i32 to index
          %swap3A_1589 = arith.index_cast %add3A_1439 : i32 to index
          %swap3A_1590 = arith.index_cast %add3A_1580 : i32 to index
          %swap3A_1591 = tpu.vector_load %arg7[%swap3A_1588, %swap3A_1589, %swap3A_1590] {strides = array<i32>} : memref<4x8x2048xf32, #tpu.memory_space<vmem>>, vector<1x1x16xf32>,
          %swap3A_1592 = vector.shape_cast %swap3A_1591 : vector<1x1x16xf32> to vector<16xf32>
          %swap3A_1593 = vector.shape_cast %get3A_1586 : vector<16xf32> to vector<1x1x16xf32>
          tpu.vector_store %arg7[%swap3A_1588, %swap3A_1589, %swap3A_1590], %swap3A_1593 {add = true, strides = array<i32>} : memref<4x8x2048xf32, #tpu.memory_space<vmem>>, vector<1x1x16xf32>,
          %scan3A_1594 = arith.constant 8 : i32
          %scan3A_1595 = arith.addi %scan3A_1445, %scan3A_1594 : i32
          %mul3A_1596 = arith.constant 16 : i32
          %mul3A_1597 = arith.muli %scan3A_1595, %mul3A_1596 : i32
          %add3A_1598 = arith.constant 0 : i32
          %add3A_1599 = arith.addi %add3A_1598, %mul3A_1597 : i32
          %get3A_1600 = arith.constant 0 : i32
          %get3A_1601 = arith.index_cast %get3A_1600 : i32 to index
          %get3A_1602 = arith.index_cast %add3A_1439 : i32 to index
          %get3A_1603 = arith.index_cast %add3A_1599 : i32 to index
          %get3A_1604 = tpu.vector_load %arg8[%get3A_1601, %get3A_1602, %get3A_1603] {strides = array<i32>} : memref<2x8x2048xf32, #tpu.memory_space<vmem>>, vector<1x1x16xf32>,
          %get3A_1605 = vector.shape_cast %get3A_1604 : vector<1x1x16xf32> to vector<16xf32>
          %swap3A_1606 = arith.constant 1 : i32
          %swap3A_1607 = arith.index_cast %swap3A_1606 : i32 to index
          %swap3A_1608 = arith.index_cast %add3A_1439 : i32 to index
          %swap3A_1609 = arith.index_cast %add3A_1599 : i32 to index
          %swap3A_1610 = tpu.vector_load %arg7[%swap3A_1607, %swap3A_1608, %swap3A_1609] {strides = array<i32>} : memref<4x8x2048xf32, #tpu.memory_space<vmem>>, vector<1x1x16xf32>,
          %swap3A_1611 = vector.shape_cast %swap3A_1610 : vector<1x1x16xf32> to vector<16xf32>
          %swap3A_1612 = vector.shape_cast %get3A_1605 : vector<16xf32> to vector<1x1x16xf32>
          tpu.vector_store %arg7[%swap3A_1607, %swap3A_1608, %swap3A_1609], %swap3A_1612 {add = true, strides = array<i32>} : memref<4x8x2048xf32, #tpu.memory_space<vmem>>, vector<1x1x16xf32>,
          %scan3A_1613 = arith.constant 9 : i32
          %scan3A_1614 = arith.addi %scan3A_1445, %scan3A_1613 : i32
          %mul3A_1615 = arith.constant 16 : i32
          %mul3A_1616 = arith.muli %scan3A_1614, %mul3A_1615 : i32
          %add3A_1617 = arith.constant 0 : i32
          %add3A_1618 = arith.addi %add3A_1617, %mul3A_1616 : i32
          %get3A_1619 = arith.constant 0 : i32
          %get3A_1620 = arith.index_cast %get3A_1619 : i32 to index
          %get3A_1621 = arith.index_cast %add3A_1439 : i32 to index
          %get3A_1622 = arith.index_cast %add3A_1618 : i32 to index
          %get3A_1623 = tpu.vector_load %arg8[%get3A_1620, %get3A_1621, %get3A_1622] {strides = array<i32>} : memref<2x8x2048xf32, #tpu.memory_space<vmem>>, vector<1x1x16xf32>,
          %get3A_1624 = vector.shape_cast %get3A_1623 : vector<1x1x16xf32> to vector<16xf32>
          %swap3A_1625 = arith.constant 1 : i32
          %swap3A_1626 = arith.index_cast %swap3A_1625 : i32 to index
          %swap3A_1627 = arith.index_cast %add3A_1439 : i32 to index
          %swap3A_1628 = arith.index_cast %add3A_1618 : i32 to index
          %swap3A_1629 = tpu.vector_load %arg7[%swap3A_1626, %swap3A_1627, %swap3A_1628] {strides = array<i32>} : memref<4x8x2048xf32, #tpu.memory_space<vmem>>, vector<1x1x16xf32>,
          %swap3A_1630 = vector.shape_cast %swap3A_1629 : vector<1x1x16xf32> to vector<16xf32>
          %swap3A_1631 = vector.shape_cast %get3A_1624 : vector<16xf32> to vector<1x1x16xf32>
          tpu.vector_store %arg7[%swap3A_1626, %swap3A_1627, %swap3A_1628], %swap3A_1631 {add = true, strides = array<i32>} : memref<4x8x2048xf32, #tpu.memory_space<vmem>>, vector<1x1x16xf32>,
          %scan3A_1632 = arith.constant 10 : i32
          %scan3A_1633 = arith.addi %scan3A_1445, %scan3A_1632 : i32
          %mul3A_1634 = arith.constant 16 : i32
          %mul3A_1635 = arith.muli %scan3A_1633, %mul3A_1634 : i32
          %add3A_1636 = arith.constant 0 : i32
          %add3A_1637 = arith.addi %add3A_1636, %mul3A_1635 : i32
          %get3A_1638 = arith.constant 0 : i32
          %get3A_1639 = arith.index_cast %get3A_1638 : i32 to index
          %get3A_1640 = arith.index_cast %add3A_1439 : i32 to index
          %get3A_1641 = arith.index_cast %add3A_1637 : i32 to index
          %get3A_1642 = tpu.vector_load %arg8[%get3A_1639, %get3A_1640, %get3A_1641] {strides = array<i32>} : memref<2x8x2048xf32, #tpu.memory_space<vmem>>, vector<1x1x16xf32>,
          %get3A_1643 = vector.shape_cast %get3A_1642 : vector<1x1x16xf32> to vector<16xf32>
          %swap3A_1644 = arith.constant 1 : i32
          %swap3A_1645 = arith.index_cast %swap3A_1644 : i32 to index
          %swap3A_1646 = arith.index_cast %add3A_1439 : i32 to index
          %swap3A_1647 = arith.index_cast %add3A_1637 : i32 to index
          %swap3A_1648 = tpu.vector_load %arg7[%swap3A_1645, %swap3A_1646, %swap3A_1647] {strides = array<i32>} : memref<4x8x2048xf32, #tpu.memory_space<vmem>>, vector<1x1x16xf32>,
          %swap3A_1649 = vector.shape_cast %swap3A_1648 : vector<1x1x16xf32> to vector<16xf32>
          %swap3A_1650 = vector.shape_cast %get3A_1643 : vector<16xf32> to vector<1x1x16xf32>
          tpu.vector_store %arg7[%swap3A_1645, %swap3A_1646, %swap3A_1647], %swap3A_1650 {add = true, strides = array<i32>} : memref<4x8x2048xf32, #tpu.memory_space<vmem>>, vector<1x1x16xf32>,
          %scan3A_1651 = arith.constant 11 : i32
          %scan3A_1652 = arith.addi %scan3A_1445, %scan3A_1651 : i32
          %mul3A_1653 = arith.constant 16 : i32
          %mul3A_1654 = arith.muli %scan3A_1652, %mul3A_1653 : i32
          %add3A_1655 = arith.constant 0 : i32
          %add3A_1656 = arith.addi %add3A_1655, %mul3A_1654 : i32
          %get3A_1657 = arith.constant 0 : i32
          %get3A_1658 = arith.index_cast %get3A_1657 : i32 to index
          %get3A_1659 = arith.index_cast %add3A_1439 : i32 to index
          %get3A_1660 = arith.index_cast %add3A_1656 : i32 to index
          %get3A_1661 = tpu.vector_load %arg8[%get3A_1658, %get3A_1659, %get3A_1660] {strides = array<i32>} : memref<2x8x2048xf32, #tpu.memory_space<vmem>>, vector<1x1x16xf32>,
          %get3A_1662 = vector.shape_cast %get3A_1661 : vector<1x1x16xf32> to vector<16xf32>
          %swap3A_1663 = arith.constant 1 : i32
          %swap3A_1664 = arith.index_cast %swap3A_1663 : i32 to index
          %swap3A_1665 = arith.index_cast %add3A_1439 : i32 to index
          %swap3A_1666 = arith.index_cast %add3A_1656 : i32 to index
          %swap3A_1667 = tpu.vector_load %arg7[%swap3A_1664, %swap3A_1665, %swap3A_1666] {strides = array<i32>} : memref<4x8x2048xf32, #tpu.memory_space<vmem>>, vector<1x1x16xf32>,
          %swap3A_1668 = vector.shape_cast %swap3A_1667 : vector<1x1x16xf32> to vector<16xf32>
          %swap3A_1669 = vector.shape_cast %get3A_1662 : vector<16xf32> to vector<1x1x16xf32>
          tpu.vector_store %arg7[%swap3A_1664, %swap3A_1665, %swap3A_1666], %swap3A_1669 {add = true, strides = array<i32>} : memref<4x8x2048xf32, #tpu.memory_space<vmem>>, vector<1x1x16xf32>,
          %scan3A_1670 = arith.constant 12 : i32
          %scan3A_1671 = arith.addi %scan3A_1445, %scan3A_1670 : i32
          %mul3A_1672 = arith.constant 16 : i32
          %mul3A_1673 = arith.muli %scan3A_1671, %mul3A_1672 : i32
          %add3A_1674 = arith.constant 0 : i32
          %add3A_1675 = arith.addi %add3A_1674, %mul3A_1673 : i32
          %get3A_1676 = arith.constant 0 : i32
          %get3A_1677 = arith.index_cast %get3A_1676 : i32 to index
          %get3A_1678 = arith.index_cast %add3A_1439 : i32 to index
          %get3A_1679 = arith.index_cast %add3A_1675 : i32 to index
          %get3A_1680 = tpu.vector_load %arg8[%get3A_1677, %get3A_1678, %get3A_1679] {strides = array<i32>} : memref<2x8x2048xf32, #tpu.memory_space<vmem>>, vector<1x1x16xf32>,
          %get3A_1681 = vector.shape_cast %get3A_1680 : vector<1x1x16xf32> to vector<16xf32>
          %swap3A_1682 = arith.constant 1 : i32
          %swap3A_1683 = arith.index_cast %swap3A_1682 : i32 to index
          %swap3A_1684 = arith.index_cast %add3A_1439 : i32 to index
          %swap3A_1685 = arith.index_cast %add3A_1675 : i32 to index
          %swap3A_1686 = tpu.vector_load %arg7[%swap3A_1683, %swap3A_1684, %swap3A_1685] {strides = array<i32>} : memref<4x8x2048xf32, #tpu.memory_space<vmem>>, vector<1x1x16xf32>,
          %swap3A_1687 = vector.shape_cast %swap3A_1686 : vector<1x1x16xf32> to vector<16xf32>
          %swap3A_1688 = vector.shape_cast %get3A_1681 : vector<16xf32> to vector<1x1x16xf32>
          tpu.vector_store %arg7[%swap3A_1683, %swap3A_1684, %swap3A_1685], %swap3A_1688 {add = true, strides = array<i32>} : memref<4x8x2048xf32, #tpu.memory_space<vmem>>, vector<1x1x16xf32>,
          %scan3A_1689 = arith.constant 13 : i32
          %scan3A_1690 = arith.addi %scan3A_1445, %scan3A_1689 : i32
          %mul3A_1691 = arith.constant 16 : i32
          %mul3A_1692 = arith.muli %scan3A_1690, %mul3A_1691 : i32
          %add3A_1693 = arith.constant 0 : i32
          %add3A_1694 = arith.addi %add3A_1693, %mul3A_1692 : i32
          %get3A_1695 = arith.constant 0 : i32
          %get3A_1696 = arith.index_cast %get3A_1695 : i32 to index
          %get3A_1697 = arith.index_cast %add3A_1439 : i32 to index
          %get3A_1698 = arith.index_cast %add3A_1694 : i32 to index
          %get3A_1699 = tpu.vector_load %arg8[%get3A_1696, %get3A_1697, %get3A_1698] {strides = array<i32>} : memref<2x8x2048xf32, #tpu.memory_space<vmem>>, vector<1x1x16xf32>,
          %get3A_1700 = vector.shape_cast %get3A_1699 : vector<1x1x16xf32> to vector<16xf32>
          %swap3A_1701 = arith.constant 1 : i32
          %swap3A_1702 = arith.index_cast %swap3A_1701 : i32 to index
          %swap3A_1703 = arith.index_cast %add3A_1439 : i32 to index
          %swap3A_1704 = arith.index_cast %add3A_1694 : i32 to index
          %swap3A_1705 = tpu.vector_load %arg7[%swap3A_1702, %swap3A_1703, %swap3A_1704] {strides = array<i32>} : memref<4x8x2048xf32, #tpu.memory_space<vmem>>, vector<1x1x16xf32>,
          %swap3A_1706 = vector.shape_cast %swap3A_1705 : vector<1x1x16xf32> to vector<16xf32>
          %swap3A_1707 = vector.shape_cast %get3A_1700 : vector<16xf32> to vector<1x1x16xf32>
          tpu.vector_store %arg7[%swap3A_1702, %swap3A_1703, %swap3A_1704], %swap3A_1707 {add = true, strides = array<i32>} : memref<4x8x2048xf32, #tpu.memory_space<vmem>>, vector<1x1x16xf32>,
          %scan3A_1708 = arith.constant 14 : i32
          %scan3A_1709 = arith.addi %scan3A_1445, %scan3A_1708 : i32
          %mul3A_1710 = arith.constant 16 : i32
          %mul3A_1711 = arith.muli %scan3A_1709, %mul3A_1710 : i32
          %add3A_1712 = arith.constant 0 : i32
          %add3A_1713 = arith.addi %add3A_1712, %mul3A_1711 : i32
          %get3A_1714 = arith.constant 0 : i32
          %get3A_1715 = arith.index_cast %get3A_1714 : i32 to index
          %get3A_1716 = arith.index_cast %add3A_1439 : i32 to index
          %get3A_1717 = arith.index_cast %add3A_1713 : i32 to index
          %get3A_1718 = tpu.vector_load %arg8[%get3A_1715, %get3A_1716, %get3A_1717] {strides = array<i32>} : memref<2x8x2048xf32, #tpu.memory_space<vmem>>, vector<1x1x16xf32>,
          %get3A_1719 = vector.shape_cast %get3A_1718 : vector<1x1x16xf32> to vector<16xf32>
          %swap3A_1720 = arith.constant 1 : i32
          %swap3A_1721 = arith.index_cast %swap3A_1720 : i32 to index
          %swap3A_1722 = arith.index_cast %add3A_1439 : i32 to index
          %swap3A_1723 = arith.index_cast %add3A_1713 : i32 to index
          %swap3A_1724 = tpu.vector_load %arg7[%swap3A_1721, %swap3A_1722, %swap3A_1723] {strides = array<i32>} : memref<4x8x2048xf32, #tpu.memory_space<vmem>>, vector<1x1x16xf32>,
          %swap3A_1725 = vector.shape_cast %swap3A_1724 : vector<1x1x16xf32> to vector<16xf32>
          %swap3A_1726 = vector.shape_cast %get3A_1719 : vector<16xf32> to vector<1x1x16xf32>
          tpu.vector_store %arg7[%swap3A_1721, %swap3A_1722, %swap3A_1723], %swap3A_1726 {add = true, strides = array<i32>} : memref<4x8x2048xf32, #tpu.memory_space<vmem>>, vector<1x1x16xf32>,
          %scan3A_1727 = arith.constant 15 : i32
          %scan3A_1728 = arith.addi %scan3A_1445, %scan3A_1727 : i32
          %mul3A_1729 = arith.constant 16 : i32
          %mul3A_1730 = arith.muli %scan3A_1728, %mul3A_1729 : i32
          %add3A_1731 = arith.constant 0 : i32
          %add3A_1732 = arith.addi %add3A_1731, %mul3A_1730 : i32
          %get3A_1733 = arith.constant 0 : i32
          %get3A_1734 = arith.index_cast %get3A_1733 : i32 to index
          %get3A_1735 = arith.index_cast %add3A_1439 : i32 to index
          %get3A_1736 = arith.index_cast %add3A_1732 : i32 to index
          %get3A_1737 = tpu.vector_load %arg8[%get3A_1734, %get3A_1735, %get3A_1736] {strides = array<i32>} : memref<2x8x2048xf32, #tpu.memory_space<vmem>>, vector<1x1x16xf32>,
          %get3A_1738 = vector.shape_cast %get3A_1737 : vector<1x1x16xf32> to vector<16xf32>
          %swap3A_1739 = arith.constant 1 : i32
          %swap3A_1740 = arith.index_cast %swap3A_1739 : i32 to index
          %swap3A_1741 = arith.index_cast %add3A_1439 : i32 to index
          %swap3A_1742 = arith.index_cast %add3A_1732 : i32 to index
          %swap3A_1743 = tpu.vector_load %arg7[%swap3A_1740, %swap3A_1741, %swap3A_1742] {strides = array<i32>} : memref<4x8x2048xf32, #tpu.memory_space<vmem>>, vector<1x1x16xf32>,
          %swap3A_1744 = vector.shape_cast %swap3A_1743 : vector<1x1x16xf32> to vector<16xf32>
          %swap3A_1745 = vector.shape_cast %get3A_1738 : vector<16xf32> to vector<1x1x16xf32>
          tpu.vector_store %arg7[%swap3A_1740, %swap3A_1741, %swap3A_1742], %swap3A_1745 {add = true, strides = array<i32>} : memref<4x8x2048xf32, #tpu.memory_space<vmem>>, vector<1x1x16xf32>,
        }
        %scan3A_1444 = arith.constant 128 : i32
      }
      %scan3A_460 = arith.constant 8 : i32
      %jit3A_461 = arith.constant 4 : i32
      %div3A_462 = arith.divsi %add3A_372, %jit3A_461 : i32
      %sign3A_463 = arith.constant 0 : i32
      %sign3A_464 = arith.cmpi sgt, %add3A_372, %sign3A_463 : i32
      %sign3A_465 = arith.extui %sign3A_464 : i1 to i32
      %sign3A_466 = arith.constant 0 : i32
      %sign3A_467 = arith.cmpi slt, %add3A_372, %sign3A_466 : i32
      %sign3A_468 = arith.extui %sign3A_467 : i1 to i32
      %sign3A_469 = arith.subi %sign3A_465, %sign3A_468 : i32
      %sign3A_470 = arith.constant 0 : i32
      %sign3A_471 = arith.cmpi sgt, %jit3A_461, %sign3A_470 : i32
      %sign3A_472 = arith.extui %sign3A_471 : i1 to i32
      %sign3A_473 = arith.constant 0 : i32
      %sign3A_474 = arith.cmpi slt, %jit3A_461, %sign3A_473 : i32
      %sign3A_475 = arith.extui %sign3A_474 : i1 to i32
      %sign3A_476 = arith.subi %sign3A_472, %sign3A_475 : i32
      %ne3A_477 = arith.cmpi ne, %sign3A_469, %sign3A_476 : i32
      %rem3A_478 = arith.remsi %add3A_372, %jit3A_461 : i32
      %ne3A_479 = arith.constant 0 : i32
      %ne3A_480 = arith.cmpi ne, %rem3A_478, %ne3A_479 : i32
      %and3A_481 = arith.andi %ne3A_477, %ne3A_480 : i1
      %sub3A_482 = arith.constant 1 : i32
      %sub3A_483 = arith.subi %div3A_462, %sub3A_482 : i32
      %select_n3A_484 = arith.select %and3A_481, %sub3A_483, %div3A_462 : i32
      %jit3A_485 = arith.constant 4 : i32
      %eq3A_486 = arith.constant 0 : i32
      %eq3A_487 = arith.cmpi eq, %jit3A_485, %eq3A_486 : i32
      %jit3A_488 = arith.constant 1 : i32
      %select_n3A_489 = arith.select %eq3A_487, %jit3A_488, %jit3A_485 : i32
      %rem3A_490 = arith.remsi %add3A_372, %select_n3A_489 : i32
      %ne3A_491 = arith.constant 0 : i32
      %ne3A_492 = arith.cmpi ne, %rem3A_490, %ne3A_491 : i32
      %lt3A_493 = arith.constant 0 : i32
      %lt3A_494 = arith.cmpi slt, %rem3A_490, %lt3A_493 : i32
      %lt3A_495 = arith.constant 0 : i32
      %lt3A_496 = arith.cmpi slt, %select_n3A_489, %lt3A_495 : i32
      %ne3A_497 = arith.xori %lt3A_494, %lt3A_496 : i1
      %and3A_498 = arith.andi %ne3A_497, %ne3A_492 : i1
      %add3A_499 = arith.addi %rem3A_490, %select_n3A_489 : i32
      %select_n3A_500 = arith.select %and3A_498, %add3A_499, %rem3A_490 : i32
      %mul3A_501 = arith.constant 2048 : i32
      %mul3A_502 = arith.muli %select_n3A_500, %mul3A_501 : i32
      %add3A_503 = arith.addi %mul3A_502, %mul3A_2 : i32
      %mul3A_504 = arith.constant 8 : i32
      %mul3A_505 = arith.muli %select_n3A_484, %mul3A_504 : i32
      %add3A_506 = arith.addi %add3A_503, %mul3A_505 : i32
      %dma_start3A_507 = arith.constant 1 : i32
      %dma_start3A_508 = arith.constant 0 : i32
      %dma_start3A_509 = arith.constant 0 : i32
      %dma_start3A_510 = tpu.memref_slice %arg7[%dma_start3A_507, %dma_start3A_508, %dma_start3A_509] : memref<4x8x2048xf32, #tpu.memory_space<vmem>> -> memref<1x8x2048xf32, #tpu.memory_space<vmem>>
      %dma_start3A_511 = tpu.memref_squeeze %dma_start3A_510 : memref<1x8x2048xf32, #tpu.memory_space<vmem>> -> memref<8x2048xf32, #tpu.memory_space<vmem>>
      %dma_start3A_512 = arith.constant 0 : i32
      %dma_start3A_513 = tpu.memref_slice %arg5[%add3A_506, %dma_start3A_512] : memref<8192x2048xf32, #tpu.memory_space<hbm>> -> memref<8x2048xf32, #tpu.memory_space<hbm>>
      %dma_start3A_514 = arith.constant 0 : i32
      %dma_start3A_515 = tpu.memref_slice %arg5[%add3A_506, %dma_start3A_514] : memref<8192x2048xf32, #tpu.memory_space<hbm>> -> memref<8x2048xf32, #tpu.memory_space<hbm>>
      %dma_start3A_516 = arith.constant 0 : i32
      %dma_start3A_517 = arith.constant 0 : i32
      %dma_start3A_518 = tpu.memref_slice %arg7[%dma_start3A_507, %dma_start3A_516, %dma_start3A_517] : memref<4x8x2048xf32, #tpu.memory_space<vmem>> -> memref<1x8x2048xf32, #tpu.memory_space<vmem>>
      %dma_start3A_519 = tpu.memref_squeeze %dma_start3A_518 : memref<1x8x2048xf32, #tpu.memory_space<vmem>> -> memref<8x2048xf32, #tpu.memory_space<vmem>>
      tpu.enqueue_dma source(%dma_start3A_519 : memref<8x2048xf32, #tpu.memory_space<vmem>>) target(%dma_start3A_515 : memref<8x2048xf32, #tpu.memory_space<hbm>>) target_semaphore(%arg14 : memref<!tpu.dma_semaphore, #tpu.memory_space<semaphore_mem>>)
      %add3A_520 = arith.constant 2 : i32
      %add3A_521 = arith.addi %add3A_212, %add3A_520 : i32
      %jit3A_522 = arith.constant 4 : i32
      %div3A_523 = arith.divsi %add3A_521, %jit3A_522 : i32
      %sign3A_524 = arith.constant 0 : i32
      %sign3A_525 = arith.cmpi sgt, %add3A_521, %sign3A_524 : i32
      %sign3A_526 = arith.extui %sign3A_525 : i1 to i32
      %sign3A_527 = arith.constant 0 : i32
      %sign3A_528 = arith.cmpi slt, %add3A_521, %sign3A_527 : i32
      %sign3A_529 = arith.extui %sign3A_528 : i1 to i32
      %sign3A_530 = arith.subi %sign3A_526, %sign3A_529 : i32
      %sign3A_531 = arith.constant 0 : i32
      %sign3A_532 = arith.cmpi sgt, %jit3A_522, %sign3A_531 : i32
      %sign3A_533 = arith.extui %sign3A_532 : i1 to i32
      %sign3A_534 = arith.constant 0 : i32
      %sign3A_535 = arith.cmpi slt, %jit3A_522, %sign3A_534 : i32
      %sign3A_536 = arith.extui %sign3A_535 : i1 to i32
      %sign3A_537 = arith.subi %sign3A_533, %sign3A_536 : i32
      %ne3A_538 = arith.cmpi ne, %sign3A_530, %sign3A_537 : i32
      %rem3A_539 = arith.remsi %add3A_521, %jit3A_522 : i32
      %ne3A_540 = arith.constant 0 : i32
      %ne3A_541 = arith.cmpi ne, %rem3A_539, %ne3A_540 : i32
      %and3A_542 = arith.andi %ne3A_538, %ne3A_541 : i1
      %sub3A_543 = arith.constant 1 : i32
      %sub3A_544 = arith.subi %div3A_523, %sub3A_543 : i32
      %select_n3A_545 = arith.select %and3A_542, %sub3A_544, %div3A_523 : i32
      %jit3A_546 = arith.constant 4 : i32
      %div3A_547 = arith.divsi %add3A_521, %jit3A_546 : i32
      %sign3A_548 = arith.constant 0 : i32
      %sign3A_549 = arith.cmpi sgt, %add3A_521, %sign3A_548 : i32
      %sign3A_550 = arith.extui %sign3A_549 : i1 to i32
      %sign3A_551 = arith.constant 0 : i32
      %sign3A_552 = arith.cmpi slt, %add3A_521, %sign3A_551 : i32
      %sign3A_553 = arith.extui %sign3A_552 : i1 to i32
      %sign3A_554 = arith.subi %sign3A_550, %sign3A_553 : i32
      %sign3A_555 = arith.constant 0 : i32
      %sign3A_556 = arith.cmpi sgt, %jit3A_546, %sign3A_555 : i32
      %sign3A_557 = arith.extui %sign3A_556 : i1 to i32
      %sign3A_558 = arith.constant 0 : i32
      %sign3A_559 = arith.cmpi slt, %jit3A_546, %sign3A_558 : i32
      %sign3A_560 = arith.extui %sign3A_559 : i1 to i32
      %sign3A_561 = arith.subi %sign3A_557, %sign3A_560 : i32
      %ne3A_562 = arith.cmpi ne, %sign3A_554, %sign3A_561 : i32
      %rem3A_563 = arith.remsi %add3A_521, %jit3A_546 : i32
      %ne3A_564 = arith.constant 0 : i32
      %ne3A_565 = arith.cmpi ne, %rem3A_563, %ne3A_564 : i32
      %and3A_566 = arith.andi %ne3A_562, %ne3A_565 : i1
      %sub3A_567 = arith.constant 1 : i32
      %sub3A_568 = arith.subi %div3A_547, %sub3A_567 : i32
      %select_n3A_569 = arith.select %and3A_566, %sub3A_568, %div3A_547 : i32
      %jit3A_570 = arith.constant 4 : i32
      %eq3A_571 = arith.constant 0 : i32
      %eq3A_572 = arith.cmpi eq, %jit3A_570, %eq3A_571 : i32
      %jit3A_573 = arith.constant 1 : i32
      %select_n3A_574 = arith.select %eq3A_572, %jit3A_573, %jit3A_570 : i32
      %rem3A_575 = arith.remsi %add3A_521, %select_n3A_574 : i32
      %ne3A_576 = arith.constant 0 : i32
      %ne3A_577 = arith.cmpi ne, %rem3A_575, %ne3A_576 : i32
      %lt3A_578 = arith.constant 0 : i32
      %lt3A_579 = arith.cmpi slt, %rem3A_575, %lt3A_578 : i32
      %lt3A_580 = arith.constant 0 : i32
      %lt3A_581 = arith.cmpi slt, %select_n3A_574, %lt3A_580 : i32
      %ne3A_582 = arith.xori %lt3A_579, %lt3A_581 : i1
      %and3A_583 = arith.andi %ne3A_582, %ne3A_577 : i1
      %add3A_584 = arith.addi %rem3A_575, %select_n3A_574 : i32
      %select_n3A_585 = arith.select %and3A_583, %add3A_584, %rem3A_575 : i32
      %mul3A_586 = arith.constant 8 : i32
      %mul3A_587 = arith.muli %select_n3A_569, %mul3A_586 : i32
      %dma_wait3A_588 = arith.constant 2 : i32
      %dma_wait3A_589 = arith.constant 0 : i32
      %dma_wait3A_590 = arith.constant 0 : i32
      %dma_wait3A_591 = tpu.memref_slice %arg7[%dma_wait3A_588, %dma_wait3A_589, %dma_wait3A_590] : memref<4x8x2048xf32, #tpu.memory_space<vmem>> -> memref<1x8x2048xf32, #tpu.memory_space<vmem>>
      %dma_wait3A_592 = tpu.memref_squeeze %dma_wait3A_591 : memref<1x8x2048xf32, #tpu.memory_space<vmem>> -> memref<8x2048xf32, #tpu.memory_space<vmem>>
      %dma_wait3A_593 = tpu.memref_slice %arg6[%select_n3A_585, %mul3A_587] : memref<4x64xi32, #tpu.memory_space<vmem>> -> memref<1x8xi32, #tpu.memory_space<vmem>>
      %dma_wait3A_594 = tpu.memref_squeeze %dma_wait3A_593 : memref<1x8xi32, #tpu.memory_space<vmem>> -> memref<8xi32, #tpu.memory_space<vmem>>
      %dma_wait3A_595 = arith.constant 0 : i32
      %dma_wait3A_596 = arith.constant 0 : i32
      %dma_wait3A_597 = tpu.memref_slice %arg2[%dma_wait3A_595, %dma_wait3A_596] : memref<100000x2048xf32, #tpu.memory_space<hbm>> -> memref<100000x2048xf32, #tpu.memory_space<hbm>>
      tpu.wait_indirect_dma semaphore(%arg11 : memref<!tpu.dma_semaphore, #tpu.memory_space<semaphore_mem>>) src(%dma_wait3A_597 : memref<100000x2048xf32, #tpu.memory_space<hbm>>) dst(%dma_wait3A_592 : memref<8x2048xf32, #tpu.memory_space<vmem>>)
      %add3A_598 = arith.constant 2 : i32
      %add3A_599 = arith.addi %add3A_521, %add3A_598 : i32
      %lt3A_600 = arith.constant 32 : i32
      %lt3A_601 = arith.cmpi slt, %add3A_599, %lt3A_600 : i32
      %convert_element_type3A_602 = arith.extui %lt3A_601 : i1 to i32
      %cond3A_603 = arith.constant 0 : i32
      %cond3A_604 = arith.cmpi ne, %convert_element_type3A_602, %cond3A_603 : i32
      scf.if %cond3A_604 {
        %ge3A = arith.constant 2 : i32
        %ge3A_1435 = arith.cmpi sge, %add3A_521, %ge3A : i32
        %convert_element_type3A_1436 = arith.extui %ge3A_1435 : i1 to i32
        %cond3A_1437 = arith.constant 0 : i32
        %cond3A_1438 = arith.cmpi ne, %convert_element_type3A_1436, %cond3A_1437 : i32
        scf.if %cond3A_1438 {
          %sub3A_1493 = arith.constant 2 : i32
          %sub3A_1494 = arith.subi %add3A_521, %sub3A_1493 : i32
          %jit3A_1495 = arith.constant 4 : i32
          %div3A_1496 = arith.divsi %sub3A_1494, %jit3A_1495 : i32
          %sign3A_1497 = arith.constant 0 : i32
          %sign3A_1498 = arith.cmpi sgt, %sub3A_1494, %sign3A_1497 : i32
          %sign3A_1499 = arith.extui %sign3A_1498 : i1 to i32
          %sign3A_1500 = arith.constant 0 : i32
          %sign3A_1501 = arith.cmpi slt, %sub3A_1494, %sign3A_1500 : i32
          %sign3A_1502 = arith.extui %sign3A_1501 : i1 to i32
          %sign3A_1503 = arith.subi %sign3A_1499, %sign3A_1502 : i32
          %sign3A_1504 = arith.constant 0 : i32
          %sign3A_1505 = arith.cmpi sgt, %jit3A_1495, %sign3A_1504 : i32
          %sign3A_1506 = arith.extui %sign3A_1505 : i1 to i32
          %sign3A_1507 = arith.constant 0 : i32
          %sign3A_1508 = arith.cmpi slt, %jit3A_1495, %sign3A_1507 : i32
          %sign3A_1509 = arith.extui %sign3A_1508 : i1 to i32
          %sign3A_1510 = arith.subi %sign3A_1506, %sign3A_1509 : i32
          %ne3A_1511 = arith.cmpi ne, %sign3A_1503, %sign3A_1510 : i32
          %rem3A_1512 = arith.remsi %sub3A_1494, %jit3A_1495 : i32
          %ne3A_1513 = arith.constant 0 : i32
          %ne3A_1514 = arith.cmpi ne, %rem3A_1512, %ne3A_1513 : i32
          %and3A_1515 = arith.andi %ne3A_1511, %ne3A_1514 : i1
          %sub3A_1516 = arith.constant 1 : i32
          %sub3A_1517 = arith.subi %div3A_1496, %sub3A_1516 : i32
          %select_n3A_1518 = arith.select %and3A_1515, %sub3A_1517, %div3A_1496 : i32
          %jit3A_1519 = arith.constant 4 : i32
          %eq3A_1520 = arith.constant 0 : i32
          %eq3A_1521 = arith.cmpi eq, %jit3A_1519, %eq3A_1520 : i32
          %jit3A_1522 = arith.constant 1 : i32
          %select_n3A_1523 = arith.select %eq3A_1521, %jit3A_1522, %jit3A_1519 : i32
          %rem3A_1524 = arith.remsi %sub3A_1494, %select_n3A_1523 : i32
          %ne3A_1525 = arith.constant 0 : i32
          %ne3A_1526 = arith.cmpi ne, %rem3A_1524, %ne3A_1525 : i32
          %lt3A_1527 = arith.constant 0 : i32
          %lt3A_1528 = arith.cmpi slt, %rem3A_1524, %lt3A_1527 : i32
          %lt3A_1529 = arith.constant 0 : i32
          %lt3A_1530 = arith.cmpi slt, %select_n3A_1523, %lt3A_1529 : i32
          %ne3A_1531 = arith.xori %lt3A_1528, %lt3A_1530 : i1
          %and3A_1532 = arith.andi %ne3A_1531, %ne3A_1526 : i1
          %add3A_1533 = arith.addi %rem3A_1524, %select_n3A_1523 : i32
          %select_n3A_1534 = arith.select %and3A_1532, %add3A_1533, %rem3A_1524 : i32
          %mul3A_1535 = arith.constant 2048 : i32
          %mul3A_1536 = arith.muli %select_n3A_1534, %mul3A_1535 : i32
          %add3A_1537 = arith.addi %mul3A_1536, %mul3A_2 : i32
          %mul3A_1538 = arith.constant 8 : i32
          %mul3A_1539 = arith.muli %select_n3A_1518, %mul3A_1538 : i32
          %add3A_1540 = arith.addi %add3A_1537, %mul3A_1539 : i32
          %dma_wait3A_1541 = arith.constant 0 : i32
          %dma_wait3A_1542 = arith.constant 0 : i32
          %dma_wait3A_1543 = arith.constant 0 : i32
          %dma_wait3A_1544 = tpu.memref_slice %arg7[%dma_wait3A_1541, %dma_wait3A_1542, %dma_wait3A_1543] : memref<4x8x2048xf32, #tpu.memory_space<vmem>> -> memref<1x8x2048xf32, #tpu.memory_space<vmem>>
          %dma_wait3A_1545 = tpu.memref_squeeze %dma_wait3A_1544 : memref<1x8x2048xf32, #tpu.memory_space<vmem>> -> memref<8x2048xf32, #tpu.memory_space<vmem>>
          %dma_wait3A_1546 = arith.constant 0 : i32
          %dma_wait3A_1547 = tpu.memref_slice %arg5[%add3A_1540, %dma_wait3A_1546] : memref<8192x2048xf32, #tpu.memory_space<hbm>> -> memref<8x2048xf32, #tpu.memory_space<hbm>>
          %dma_wait3A_1548 = arith.constant 0 : i32
          %dma_wait3A_1549 = tpu.memref_slice %arg5[%add3A_1540, %dma_wait3A_1548] : memref<8192x2048xf32, #tpu.memory_space<hbm>> -> memref<8x2048xf32, #tpu.memory_space<hbm>>
          %dma_wait3A_1550 = arith.constant 0 : i32
          %dma_wait3A_1551 = arith.constant 0 : i32
          %dma_wait3A_1552 = tpu.memref_slice %arg7[%dma_wait3A_1541, %dma_wait3A_1550, %dma_wait3A_1551] : memref<4x8x2048xf32, #tpu.memory_space<vmem>> -> memref<1x8x2048xf32, #tpu.memory_space<vmem>>
          %dma_wait3A_1553 = tpu.memref_squeeze %dma_wait3A_1552 : memref<1x8x2048xf32, #tpu.memory_space<vmem>> -> memref<8x2048xf32, #tpu.memory_space<vmem>>
          tpu.wait_dma2 semaphore(%arg13 : memref<!tpu.dma_semaphore, #tpu.memory_space<semaphore_mem>>) src(%dma_wait3A_1553 : memref<8x2048xf32, #tpu.memory_space<vmem>>) dst(%dma_wait3A_1549 : memref<8x2048xf32, #tpu.memory_space<hbm>>)
        } else {
        }
        %add3A_1439 = arith.constant 2 : i32
        %add3A_1440 = arith.addi %add3A_521, %add3A_1439 : i32
        %jit3A_1441 = arith.constant 4 : i32
        %div3A_1442 = arith.divsi %add3A_1440, %jit3A_1441 : i32
        %sign3A_1443 = arith.constant 0 : i32
        %sign3A_1444 = arith.cmpi sgt, %add3A_1440, %sign3A_1443 : i32
        %sign3A_1445 = arith.extui %sign3A_1444 : i1 to i32
        %sign3A_1446 = arith.constant 0 : i32
        %sign3A_1447 = arith.cmpi slt, %add3A_1440, %sign3A_1446 : i32
        %sign3A_1448 = arith.extui %sign3A_1447 : i1 to i32
        %sign3A_1449 = arith.subi %sign3A_1445, %sign3A_1448 : i32
        %sign3A_1450 = arith.constant 0 : i32
        %sign3A_1451 = arith.cmpi sgt, %jit3A_1441, %sign3A_1450 : i32
        %sign3A_1452 = arith.extui %sign3A_1451 : i1 to i32
        %sign3A_1453 = arith.constant 0 : i32
        %sign3A_1454 = arith.cmpi slt, %jit3A_1441, %sign3A_1453 : i32
        %sign3A_1455 = arith.extui %sign3A_1454 : i1 to i32
        %sign3A_1456 = arith.subi %sign3A_1452, %sign3A_1455 : i32
        %ne3A_1457 = arith.cmpi ne, %sign3A_1449, %sign3A_1456 : i32
        %rem3A_1458 = arith.remsi %add3A_1440, %jit3A_1441 : i32
        %ne3A_1459 = arith.constant 0 : i32
        %ne3A_1460 = arith.cmpi ne, %rem3A_1458, %ne3A_1459 : i32
        %and3A_1461 = arith.andi %ne3A_1457, %ne3A_1460 : i1
        %sub3A_1462 = arith.constant 1 : i32
        %sub3A_1463 = arith.subi %div3A_1442, %sub3A_1462 : i32
        %select_n3A_1464 = arith.select %and3A_1461, %sub3A_1463, %div3A_1442 : i32
        %jit3A_1465 = arith.constant 4 : i32
        %eq3A_1466 = arith.constant 0 : i32
        %eq3A_1467 = arith.cmpi eq, %jit3A_1465, %eq3A_1466 : i32
        %jit3A_1468 = arith.constant 1 : i32
        %select_n3A_1469 = arith.select %eq3A_1467, %jit3A_1468, %jit3A_1465 : i32
        %rem3A_1470 = arith.remsi %add3A_1440, %select_n3A_1469 : i32
        %ne3A_1471 = arith.constant 0 : i32
        %ne3A_1472 = arith.cmpi ne, %rem3A_1470, %ne3A_1471 : i32
        %lt3A_1473 = arith.constant 0 : i32
        %lt3A_1474 = arith.cmpi slt, %rem3A_1470, %lt3A_1473 : i32
        %lt3A_1475 = arith.constant 0 : i32
        %lt3A_1476 = arith.cmpi slt, %select_n3A_1469, %lt3A_1475 : i32
        %ne3A_1477 = arith.xori %lt3A_1474, %lt3A_1476 : i1
        %and3A_1478 = arith.andi %ne3A_1477, %ne3A_1472 : i1
        %add3A_1479 = arith.addi %rem3A_1470, %select_n3A_1469 : i32
        %select_n3A_1480 = arith.select %and3A_1478, %add3A_1479, %rem3A_1470 : i32
        %mul3A_1481 = arith.constant 8 : i32
        %mul3A_1482 = arith.muli %select_n3A_1464, %mul3A_1481 : i32
        %dma_start3A_1483 = arith.constant 0 : i32
        %dma_start3A_1484 = arith.constant 0 : i32
        %dma_start3A_1485 = arith.constant 0 : i32
        %dma_start3A_1486 = tpu.memref_slice %arg7[%dma_start3A_1483, %dma_start3A_1484, %dma_start3A_1485] : memref<4x8x2048xf32, #tpu.memory_space<vmem>> -> memref<1x8x2048xf32, #tpu.memory_space<vmem>>
        %dma_start3A_1487 = tpu.memref_squeeze %dma_start3A_1486 : memref<1x8x2048xf32, #tpu.memory_space<vmem>> -> memref<8x2048xf32, #tpu.memory_space<vmem>>
        %dma_start3A_1488 = tpu.memref_slice %arg6[%select_n3A_1480, %mul3A_1482] : memref<4x64xi32, #tpu.memory_space<vmem>> -> memref<1x8xi32, #tpu.memory_space<vmem>>
        %dma_start3A_1489 = tpu.memref_squeeze %dma_start3A_1488 : memref<1x8xi32, #tpu.memory_space<vmem>> -> memref<8xi32, #tpu.memory_space<vmem>>
        %dma_start3A_1490 = arith.constant 0 : i32
        %dma_start3A_1491 = arith.constant 0 : i32
        %dma_start3A_1492 = tpu.memref_slice %arg2[%dma_start3A_1490, %dma_start3A_1491] : memref<100000x2048xf32, #tpu.memory_space<hbm>> -> memref<100000x2048xf32, #tpu.memory_space<hbm>>
        tpu.enqueue_indirect_dma source(%dma_start3A_1492 : memref<100000x2048xf32, #tpu.memory_space<hbm>>) target(%dma_start3A_1487 : memref<8x2048xf32, #tpu.memory_space<vmem>>) offsets(%dma_start3A_1489 : memref<8xi32, #tpu.memory_space<vmem>>) semaphore(%arg9 : memref<!tpu.dma_semaphore, #tpu.memory_space<semaphore_mem>>)
      } else {
      }
      %scan3A_605 = arith.constant 0 : i32
      %scan3A_606 = arith.constant 8 : i32
      %scan3A_607 = arith.addi %scan3A_605, %scan3A_606 : i32
      %scan3A_608 = arith.constant 1 : i32
      scf.for %scan3A_1435 = %scan3A_605 to %scan3A_607 step %scan3A_608  : i32 {
        %mul3A_1436 = arith.constant 1 : i32
        %mul3A_1437 = arith.muli %scan3A_1435, %mul3A_1436 : i32
        %add3A_1438 = arith.constant 0 : i32
        %add3A_1439 = arith.addi %add3A_1438, %mul3A_1437 : i32
        %scan3A_1440 = arith.constant 0 : i32
        %scan3A_1441 = arith.constant 128 : i32
        %scan3A_1442 = arith.addi %scan3A_1440, %scan3A_1441 : i32
        %scan3A_1443 = arith.constant 16 : i32
        scf.for %scan3A_1445 = %scan3A_1440 to %scan3A_1442 step %scan3A_1443  : i32 {
          %mul3A_1446 = arith.constant 16 : i32
          %mul3A_1447 = arith.muli %scan3A_1445, %mul3A_1446 : i32
          %add3A_1448 = arith.constant 0 : i32
          %add3A_1449 = arith.addi %add3A_1448, %mul3A_1447 : i32
          %get3A = arith.constant 0 : i32
          %get3A_1450 = arith.index_cast %get3A : i32 to index
          %get3A_1451 = arith.index_cast %add3A_1439 : i32 to index
          %get3A_1452 = arith.index_cast %add3A_1449 : i32 to index
          %get3A_1453 = tpu.vector_load %arg8[%get3A_1450, %get3A_1451, %get3A_1452] {strides = array<i32>} : memref<2x8x2048xf32, #tpu.memory_space<vmem>>, vector<1x1x16xf32>,
          %get3A_1454 = vector.shape_cast %get3A_1453 : vector<1x1x16xf32> to vector<16xf32>
          %swap3A = arith.constant 2 : i32
          %swap3A_1455 = arith.index_cast %swap3A : i32 to index
          %swap3A_1456 = arith.index_cast %add3A_1439 : i32 to index
          %swap3A_1457 = arith.index_cast %add3A_1449 : i32 to index
          %swap3A_1458 = tpu.vector_load %arg7[%swap3A_1455, %swap3A_1456, %swap3A_1457] {strides = array<i32>} : memref<4x8x2048xf32, #tpu.memory_space<vmem>>, vector<1x1x16xf32>,
          %swap3A_1459 = vector.shape_cast %swap3A_1458 : vector<1x1x16xf32> to vector<16xf32>
          %swap3A_1460 = vector.shape_cast %get3A_1454 : vector<16xf32> to vector<1x1x16xf32>
          tpu.vector_store %arg7[%swap3A_1455, %swap3A_1456, %swap3A_1457], %swap3A_1460 {add = true, strides = array<i32>} : memref<4x8x2048xf32, #tpu.memory_space<vmem>>, vector<1x1x16xf32>,
          %scan3A_1461 = arith.constant 1 : i32
          %scan3A_1462 = arith.addi %scan3A_1445, %scan3A_1461 : i32
          %mul3A_1463 = arith.constant 16 : i32
          %mul3A_1464 = arith.muli %scan3A_1462, %mul3A_1463 : i32
          %add3A_1465 = arith.constant 0 : i32
          %add3A_1466 = arith.addi %add3A_1465, %mul3A_1464 : i32
          %get3A_1467 = arith.constant 0 : i32
          %get3A_1468 = arith.index_cast %get3A_1467 : i32 to index
          %get3A_1469 = arith.index_cast %add3A_1439 : i32 to index
          %get3A_1470 = arith.index_cast %add3A_1466 : i32 to index
          %get3A_1471 = tpu.vector_load %arg8[%get3A_1468, %get3A_1469, %get3A_1470] {strides = array<i32>} : memref<2x8x2048xf32, #tpu.memory_space<vmem>>, vector<1x1x16xf32>,
          %get3A_1472 = vector.shape_cast %get3A_1471 : vector<1x1x16xf32> to vector<16xf32>
          %swap3A_1473 = arith.constant 2 : i32
          %swap3A_1474 = arith.index_cast %swap3A_1473 : i32 to index
          %swap3A_1475 = arith.index_cast %add3A_1439 : i32 to index
          %swap3A_1476 = arith.index_cast %add3A_1466 : i32 to index
          %swap3A_1477 = tpu.vector_load %arg7[%swap3A_1474, %swap3A_1475, %swap3A_1476] {strides = array<i32>} : memref<4x8x2048xf32, #tpu.memory_space<vmem>>, vector<1x1x16xf32>,
          %swap3A_1478 = vector.shape_cast %swap3A_1477 : vector<1x1x16xf32> to vector<16xf32>
          %swap3A_1479 = vector.shape_cast %get3A_1472 : vector<16xf32> to vector<1x1x16xf32>
          tpu.vector_store %arg7[%swap3A_1474, %swap3A_1475, %swap3A_1476], %swap3A_1479 {add = true, strides = array<i32>} : memref<4x8x2048xf32, #tpu.memory_space<vmem>>, vector<1x1x16xf32>,
          %scan3A_1480 = arith.constant 2 : i32
          %scan3A_1481 = arith.addi %scan3A_1445, %scan3A_1480 : i32
          %mul3A_1482 = arith.constant 16 : i32
          %mul3A_1483 = arith.muli %scan3A_1481, %mul3A_1482 : i32
          %add3A_1484 = arith.constant 0 : i32
          %add3A_1485 = arith.addi %add3A_1484, %mul3A_1483 : i32
          %get3A_1486 = arith.constant 0 : i32
          %get3A_1487 = arith.index_cast %get3A_1486 : i32 to index
          %get3A_1488 = arith.index_cast %add3A_1439 : i32 to index
          %get3A_1489 = arith.index_cast %add3A_1485 : i32 to index
          %get3A_1490 = tpu.vector_load %arg8[%get3A_1487, %get3A_1488, %get3A_1489] {strides = array<i32>} : memref<2x8x2048xf32, #tpu.memory_space<vmem>>, vector<1x1x16xf32>,
          %get3A_1491 = vector.shape_cast %get3A_1490 : vector<1x1x16xf32> to vector<16xf32>
          %swap3A_1492 = arith.constant 2 : i32
          %swap3A_1493 = arith.index_cast %swap3A_1492 : i32 to index
          %swap3A_1494 = arith.index_cast %add3A_1439 : i32 to index
          %swap3A_1495 = arith.index_cast %add3A_1485 : i32 to index
          %swap3A_1496 = tpu.vector_load %arg7[%swap3A_1493, %swap3A_1494, %swap3A_1495] {strides = array<i32>} : memref<4x8x2048xf32, #tpu.memory_space<vmem>>, vector<1x1x16xf32>,
          %swap3A_1497 = vector.shape_cast %swap3A_1496 : vector<1x1x16xf32> to vector<16xf32>
          %swap3A_1498 = vector.shape_cast %get3A_1491 : vector<16xf32> to vector<1x1x16xf32>
          tpu.vector_store %arg7[%swap3A_1493, %swap3A_1494, %swap3A_1495], %swap3A_1498 {add = true, strides = array<i32>} : memref<4x8x2048xf32, #tpu.memory_space<vmem>>, vector<1x1x16xf32>,
          %scan3A_1499 = arith.constant 3 : i32
          %scan3A_1500 = arith.addi %scan3A_1445, %scan3A_1499 : i32
          %mul3A_1501 = arith.constant 16 : i32
          %mul3A_1502 = arith.muli %scan3A_1500, %mul3A_1501 : i32
          %add3A_1503 = arith.constant 0 : i32
          %add3A_1504 = arith.addi %add3A_1503, %mul3A_1502 : i32
          %get3A_1505 = arith.constant 0 : i32
          %get3A_1506 = arith.index_cast %get3A_1505 : i32 to index
          %get3A_1507 = arith.index_cast %add3A_1439 : i32 to index
          %get3A_1508 = arith.index_cast %add3A_1504 : i32 to index
          %get3A_1509 = tpu.vector_load %arg8[%get3A_1506, %get3A_1507, %get3A_1508] {strides = array<i32>} : memref<2x8x2048xf32, #tpu.memory_space<vmem>>, vector<1x1x16xf32>,
          %get3A_1510 = vector.shape_cast %get3A_1509 : vector<1x1x16xf32> to vector<16xf32>
          %swap3A_1511 = arith.constant 2 : i32
          %swap3A_1512 = arith.index_cast %swap3A_1511 : i32 to index
          %swap3A_1513 = arith.index_cast %add3A_1439 : i32 to index
          %swap3A_1514 = arith.index_cast %add3A_1504 : i32 to index
          %swap3A_1515 = tpu.vector_load %arg7[%swap3A_1512, %swap3A_1513, %swap3A_1514] {strides = array<i32>} : memref<4x8x2048xf32, #tpu.memory_space<vmem>>, vector<1x1x16xf32>,
          %swap3A_1516 = vector.shape_cast %swap3A_1515 : vector<1x1x16xf32> to vector<16xf32>
          %swap3A_1517 = vector.shape_cast %get3A_1510 : vector<16xf32> to vector<1x1x16xf32>
          tpu.vector_store %arg7[%swap3A_1512, %swap3A_1513, %swap3A_1514], %swap3A_1517 {add = true, strides = array<i32>} : memref<4x8x2048xf32, #tpu.memory_space<vmem>>, vector<1x1x16xf32>,
          %scan3A_1518 = arith.constant 4 : i32
          %scan3A_1519 = arith.addi %scan3A_1445, %scan3A_1518 : i32
          %mul3A_1520 = arith.constant 16 : i32
          %mul3A_1521 = arith.muli %scan3A_1519, %mul3A_1520 : i32
          %add3A_1522 = arith.constant 0 : i32
          %add3A_1523 = arith.addi %add3A_1522, %mul3A_1521 : i32
          %get3A_1524 = arith.constant 0 : i32
          %get3A_1525 = arith.index_cast %get3A_1524 : i32 to index
          %get3A_1526 = arith.index_cast %add3A_1439 : i32 to index
          %get3A_1527 = arith.index_cast %add3A_1523 : i32 to index
          %get3A_1528 = tpu.vector_load %arg8[%get3A_1525, %get3A_1526, %get3A_1527] {strides = array<i32>} : memref<2x8x2048xf32, #tpu.memory_space<vmem>>, vector<1x1x16xf32>,
          %get3A_1529 = vector.shape_cast %get3A_1528 : vector<1x1x16xf32> to vector<16xf32>
          %swap3A_1530 = arith.constant 2 : i32
          %swap3A_1531 = arith.index_cast %swap3A_1530 : i32 to index
          %swap3A_1532 = arith.index_cast %add3A_1439 : i32 to index
          %swap3A_1533 = arith.index_cast %add3A_1523 : i32 to index
          %swap3A_1534 = tpu.vector_load %arg7[%swap3A_1531, %swap3A_1532, %swap3A_1533] {strides = array<i32>} : memref<4x8x2048xf32, #tpu.memory_space<vmem>>, vector<1x1x16xf32>,
          %swap3A_1535 = vector.shape_cast %swap3A_1534 : vector<1x1x16xf32> to vector<16xf32>
          %swap3A_1536 = vector.shape_cast %get3A_1529 : vector<16xf32> to vector<1x1x16xf32>
          tpu.vector_store %arg7[%swap3A_1531, %swap3A_1532, %swap3A_1533], %swap3A_1536 {add = true, strides = array<i32>} : memref<4x8x2048xf32, #tpu.memory_space<vmem>>, vector<1x1x16xf32>,
          %scan3A_1537 = arith.constant 5 : i32
          %scan3A_1538 = arith.addi %scan3A_1445, %scan3A_1537 : i32
          %mul3A_1539 = arith.constant 16 : i32
          %mul3A_1540 = arith.muli %scan3A_1538, %mul3A_1539 : i32
          %add3A_1541 = arith.constant 0 : i32
          %add3A_1542 = arith.addi %add3A_1541, %mul3A_1540 : i32
          %get3A_1543 = arith.constant 0 : i32
          %get3A_1544 = arith.index_cast %get3A_1543 : i32 to index
          %get3A_1545 = arith.index_cast %add3A_1439 : i32 to index
          %get3A_1546 = arith.index_cast %add3A_1542 : i32 to index
          %get3A_1547 = tpu.vector_load %arg8[%get3A_1544, %get3A_1545, %get3A_1546] {strides = array<i32>} : memref<2x8x2048xf32, #tpu.memory_space<vmem>>, vector<1x1x16xf32>,
          %get3A_1548 = vector.shape_cast %get3A_1547 : vector<1x1x16xf32> to vector<16xf32>
          %swap3A_1549 = arith.constant 2 : i32
          %swap3A_1550 = arith.index_cast %swap3A_1549 : i32 to index
          %swap3A_1551 = arith.index_cast %add3A_1439 : i32 to index
          %swap3A_1552 = arith.index_cast %add3A_1542 : i32 to index
          %swap3A_1553 = tpu.vector_load %arg7[%swap3A_1550, %swap3A_1551, %swap3A_1552] {strides = array<i32>} : memref<4x8x2048xf32, #tpu.memory_space<vmem>>, vector<1x1x16xf32>,
          %swap3A_1554 = vector.shape_cast %swap3A_1553 : vector<1x1x16xf32> to vector<16xf32>
          %swap3A_1555 = vector.shape_cast %get3A_1548 : vector<16xf32> to vector<1x1x16xf32>
          tpu.vector_store %arg7[%swap3A_1550, %swap3A_1551, %swap3A_1552], %swap3A_1555 {add = true, strides = array<i32>} : memref<4x8x2048xf32, #tpu.memory_space<vmem>>, vector<1x1x16xf32>,
          %scan3A_1556 = arith.constant 6 : i32
          %scan3A_1557 = arith.addi %scan3A_1445, %scan3A_1556 : i32
          %mul3A_1558 = arith.constant 16 : i32
          %mul3A_1559 = arith.muli %scan3A_1557, %mul3A_1558 : i32
          %add3A_1560 = arith.constant 0 : i32
          %add3A_1561 = arith.addi %add3A_1560, %mul3A_1559 : i32
          %get3A_1562 = arith.constant 0 : i32
          %get3A_1563 = arith.index_cast %get3A_1562 : i32 to index
          %get3A_1564 = arith.index_cast %add3A_1439 : i32 to index
          %get3A_1565 = arith.index_cast %add3A_1561 : i32 to index
          %get3A_1566 = tpu.vector_load %arg8[%get3A_1563, %get3A_1564, %get3A_1565] {strides = array<i32>} : memref<2x8x2048xf32, #tpu.memory_space<vmem>>, vector<1x1x16xf32>,
          %get3A_1567 = vector.shape_cast %get3A_1566 : vector<1x1x16xf32> to vector<16xf32>
          %swap3A_1568 = arith.constant 2 : i32
          %swap3A_1569 = arith.index_cast %swap3A_1568 : i32 to index
          %swap3A_1570 = arith.index_cast %add3A_1439 : i32 to index
          %swap3A_1571 = arith.index_cast %add3A_1561 : i32 to index
          %swap3A_1572 = tpu.vector_load %arg7[%swap3A_1569, %swap3A_1570, %swap3A_1571] {strides = array<i32>} : memref<4x8x2048xf32, #tpu.memory_space<vmem>>, vector<1x1x16xf32>,
          %swap3A_1573 = vector.shape_cast %swap3A_1572 : vector<1x1x16xf32> to vector<16xf32>
          %swap3A_1574 = vector.shape_cast %get3A_1567 : vector<16xf32> to vector<1x1x16xf32>
          tpu.vector_store %arg7[%swap3A_1569, %swap3A_1570, %swap3A_1571], %swap3A_1574 {add = true, strides = array<i32>} : memref<4x8x2048xf32, #tpu.memory_space<vmem>>, vector<1x1x16xf32>,
          %scan3A_1575 = arith.constant 7 : i32
          %scan3A_1576 = arith.addi %scan3A_1445, %scan3A_1575 : i32
          %mul3A_1577 = arith.constant 16 : i32
          %mul3A_1578 = arith.muli %scan3A_1576, %mul3A_1577 : i32
          %add3A_1579 = arith.constant 0 : i32
          %add3A_1580 = arith.addi %add3A_1579, %mul3A_1578 : i32
          %get3A_1581 = arith.constant 0 : i32
          %get3A_1582 = arith.index_cast %get3A_1581 : i32 to index
          %get3A_1583 = arith.index_cast %add3A_1439 : i32 to index
          %get3A_1584 = arith.index_cast %add3A_1580 : i32 to index
          %get3A_1585 = tpu.vector_load %arg8[%get3A_1582, %get3A_1583, %get3A_1584] {strides = array<i32>} : memref<2x8x2048xf32, #tpu.memory_space<vmem>>, vector<1x1x16xf32>,
          %get3A_1586 = vector.shape_cast %get3A_1585 : vector<1x1x16xf32> to vector<16xf32>
          %swap3A_1587 = arith.constant 2 : i32
          %swap3A_1588 = arith.index_cast %swap3A_1587 : i32 to index
          %swap3A_1589 = arith.index_cast %add3A_1439 : i32 to index
          %swap3A_1590 = arith.index_cast %add3A_1580 : i32 to index
          %swap3A_1591 = tpu.vector_load %arg7[%swap3A_1588, %swap3A_1589, %swap3A_1590] {strides = array<i32>} : memref<4x8x2048xf32, #tpu.memory_space<vmem>>, vector<1x1x16xf32>,
          %swap3A_1592 = vector.shape_cast %swap3A_1591 : vector<1x1x16xf32> to vector<16xf32>
          %swap3A_1593 = vector.shape_cast %get3A_1586 : vector<16xf32> to vector<1x1x16xf32>
          tpu.vector_store %arg7[%swap3A_1588, %swap3A_1589, %swap3A_1590], %swap3A_1593 {add = true, strides = array<i32>} : memref<4x8x2048xf32, #tpu.memory_space<vmem>>, vector<1x1x16xf32>,
          %scan3A_1594 = arith.constant 8 : i32
          %scan3A_1595 = arith.addi %scan3A_1445, %scan3A_1594 : i32
          %mul3A_1596 = arith.constant 16 : i32
          %mul3A_1597 = arith.muli %scan3A_1595, %mul3A_1596 : i32
          %add3A_1598 = arith.constant 0 : i32
          %add3A_1599 = arith.addi %add3A_1598, %mul3A_1597 : i32
          %get3A_1600 = arith.constant 0 : i32
          %get3A_1601 = arith.index_cast %get3A_1600 : i32 to index
          %get3A_1602 = arith.index_cast %add3A_1439 : i32 to index
          %get3A_1603 = arith.index_cast %add3A_1599 : i32 to index
          %get3A_1604 = tpu.vector_load %arg8[%get3A_1601, %get3A_1602, %get3A_1603] {strides = array<i32>} : memref<2x8x2048xf32, #tpu.memory_space<vmem>>, vector<1x1x16xf32>,
          %get3A_1605 = vector.shape_cast %get3A_1604 : vector<1x1x16xf32> to vector<16xf32>
          %swap3A_1606 = arith.constant 2 : i32
          %swap3A_1607 = arith.index_cast %swap3A_1606 : i32 to index
          %swap3A_1608 = arith.index_cast %add3A_1439 : i32 to index
          %swap3A_1609 = arith.index_cast %add3A_1599 : i32 to index
          %swap3A_1610 = tpu.vector_load %arg7[%swap3A_1607, %swap3A_1608, %swap3A_1609] {strides = array<i32>} : memref<4x8x2048xf32, #tpu.memory_space<vmem>>, vector<1x1x16xf32>,
          %swap3A_1611 = vector.shape_cast %swap3A_1610 : vector<1x1x16xf32> to vector<16xf32>
          %swap3A_1612 = vector.shape_cast %get3A_1605 : vector<16xf32> to vector<1x1x16xf32>
          tpu.vector_store %arg7[%swap3A_1607, %swap3A_1608, %swap3A_1609], %swap3A_1612 {add = true, strides = array<i32>} : memref<4x8x2048xf32, #tpu.memory_space<vmem>>, vector<1x1x16xf32>,
          %scan3A_1613 = arith.constant 9 : i32
          %scan3A_1614 = arith.addi %scan3A_1445, %scan3A_1613 : i32
          %mul3A_1615 = arith.constant 16 : i32
          %mul3A_1616 = arith.muli %scan3A_1614, %mul3A_1615 : i32
          %add3A_1617 = arith.constant 0 : i32
          %add3A_1618 = arith.addi %add3A_1617, %mul3A_1616 : i32
          %get3A_1619 = arith.constant 0 : i32
          %get3A_1620 = arith.index_cast %get3A_1619 : i32 to index
          %get3A_1621 = arith.index_cast %add3A_1439 : i32 to index
          %get3A_1622 = arith.index_cast %add3A_1618 : i32 to index
          %get3A_1623 = tpu.vector_load %arg8[%get3A_1620, %get3A_1621, %get3A_1622] {strides = array<i32>} : memref<2x8x2048xf32, #tpu.memory_space<vmem>>, vector<1x1x16xf32>,
          %get3A_1624 = vector.shape_cast %get3A_1623 : vector<1x1x16xf32> to vector<16xf32>
          %swap3A_1625 = arith.constant 2 : i32
          %swap3A_1626 = arith.index_cast %swap3A_1625 : i32 to index
          %swap3A_1627 = arith.index_cast %add3A_1439 : i32 to index
          %swap3A_1628 = arith.index_cast %add3A_1618 : i32 to index
          %swap3A_1629 = tpu.vector_load %arg7[%swap3A_1626, %swap3A_1627, %swap3A_1628] {strides = array<i32>} : memref<4x8x2048xf32, #tpu.memory_space<vmem>>, vector<1x1x16xf32>,
          %swap3A_1630 = vector.shape_cast %swap3A_1629 : vector<1x1x16xf32> to vector<16xf32>
          %swap3A_1631 = vector.shape_cast %get3A_1624 : vector<16xf32> to vector<1x1x16xf32>
          tpu.vector_store %arg7[%swap3A_1626, %swap3A_1627, %swap3A_1628], %swap3A_1631 {add = true, strides = array<i32>} : memref<4x8x2048xf32, #tpu.memory_space<vmem>>, vector<1x1x16xf32>,
          %scan3A_1632 = arith.constant 10 : i32
          %scan3A_1633 = arith.addi %scan3A_1445, %scan3A_1632 : i32
          %mul3A_1634 = arith.constant 16 : i32
          %mul3A_1635 = arith.muli %scan3A_1633, %mul3A_1634 : i32
          %add3A_1636 = arith.constant 0 : i32
          %add3A_1637 = arith.addi %add3A_1636, %mul3A_1635 : i32
          %get3A_1638 = arith.constant 0 : i32
          %get3A_1639 = arith.index_cast %get3A_1638 : i32 to index
          %get3A_1640 = arith.index_cast %add3A_1439 : i32 to index
          %get3A_1641 = arith.index_cast %add3A_1637 : i32 to index
          %get3A_1642 = tpu.vector_load %arg8[%get3A_1639, %get3A_1640, %get3A_1641] {strides = array<i32>} : memref<2x8x2048xf32, #tpu.memory_space<vmem>>, vector<1x1x16xf32>,
          %get3A_1643 = vector.shape_cast %get3A_1642 : vector<1x1x16xf32> to vector<16xf32>
          %swap3A_1644 = arith.constant 2 : i32
          %swap3A_1645 = arith.index_cast %swap3A_1644 : i32 to index
          %swap3A_1646 = arith.index_cast %add3A_1439 : i32 to index
          %swap3A_1647 = arith.index_cast %add3A_1637 : i32 to index
          %swap3A_1648 = tpu.vector_load %arg7[%swap3A_1645, %swap3A_1646, %swap3A_1647] {strides = array<i32>} : memref<4x8x2048xf32, #tpu.memory_space<vmem>>, vector<1x1x16xf32>,
          %swap3A_1649 = vector.shape_cast %swap3A_1648 : vector<1x1x16xf32> to vector<16xf32>
          %swap3A_1650 = vector.shape_cast %get3A_1643 : vector<16xf32> to vector<1x1x16xf32>
          tpu.vector_store %arg7[%swap3A_1645, %swap3A_1646, %swap3A_1647], %swap3A_1650 {add = true, strides = array<i32>} : memref<4x8x2048xf32, #tpu.memory_space<vmem>>, vector<1x1x16xf32>,
          %scan3A_1651 = arith.constant 11 : i32
          %scan3A_1652 = arith.addi %scan3A_1445, %scan3A_1651 : i32
          %mul3A_1653 = arith.constant 16 : i32
          %mul3A_1654 = arith.muli %scan3A_1652, %mul3A_1653 : i32
          %add3A_1655 = arith.constant 0 : i32
          %add3A_1656 = arith.addi %add3A_1655, %mul3A_1654 : i32
          %get3A_1657 = arith.constant 0 : i32
          %get3A_1658 = arith.index_cast %get3A_1657 : i32 to index
          %get3A_1659 = arith.index_cast %add3A_1439 : i32 to index
          %get3A_1660 = arith.index_cast %add3A_1656 : i32 to index
          %get3A_1661 = tpu.vector_load %arg8[%get3A_1658, %get3A_1659, %get3A_1660] {strides = array<i32>} : memref<2x8x2048xf32, #tpu.memory_space<vmem>>, vector<1x1x16xf32>,
          %get3A_1662 = vector.shape_cast %get3A_1661 : vector<1x1x16xf32> to vector<16xf32>
          %swap3A_1663 = arith.constant 2 : i32
          %swap3A_1664 = arith.index_cast %swap3A_1663 : i32 to index
          %swap3A_1665 = arith.index_cast %add3A_1439 : i32 to index
          %swap3A_1666 = arith.index_cast %add3A_1656 : i32 to index
          %swap3A_1667 = tpu.vector_load %arg7[%swap3A_1664, %swap3A_1665, %swap3A_1666] {strides = array<i32>} : memref<4x8x2048xf32, #tpu.memory_space<vmem>>, vector<1x1x16xf32>,
          %swap3A_1668 = vector.shape_cast %swap3A_1667 : vector<1x1x16xf32> to vector<16xf32>
          %swap3A_1669 = vector.shape_cast %get3A_1662 : vector<16xf32> to vector<1x1x16xf32>
          tpu.vector_store %arg7[%swap3A_1664, %swap3A_1665, %swap3A_1666], %swap3A_1669 {add = true, strides = array<i32>} : memref<4x8x2048xf32, #tpu.memory_space<vmem>>, vector<1x1x16xf32>,
          %scan3A_1670 = arith.constant 12 : i32
          %scan3A_1671 = arith.addi %scan3A_1445, %scan3A_1670 : i32
          %mul3A_1672 = arith.constant 16 : i32
          %mul3A_1673 = arith.muli %scan3A_1671, %mul3A_1672 : i32
          %add3A_1674 = arith.constant 0 : i32
          %add3A_1675 = arith.addi %add3A_1674, %mul3A_1673 : i32
          %get3A_1676 = arith.constant 0 : i32
          %get3A_1677 = arith.index_cast %get3A_1676 : i32 to index
          %get3A_1678 = arith.index_cast %add3A_1439 : i32 to index
          %get3A_1679 = arith.index_cast %add3A_1675 : i32 to index
          %get3A_1680 = tpu.vector_load %arg8[%get3A_1677, %get3A_1678, %get3A_1679] {strides = array<i32>} : memref<2x8x2048xf32, #tpu.memory_space<vmem>>, vector<1x1x16xf32>,
          %get3A_1681 = vector.shape_cast %get3A_1680 : vector<1x1x16xf32> to vector<16xf32>
          %swap3A_1682 = arith.constant 2 : i32
          %swap3A_1683 = arith.index_cast %swap3A_1682 : i32 to index
          %swap3A_1684 = arith.index_cast %add3A_1439 : i32 to index
          %swap3A_1685 = arith.index_cast %add3A_1675 : i32 to index
          %swap3A_1686 = tpu.vector_load %arg7[%swap3A_1683, %swap3A_1684, %swap3A_1685] {strides = array<i32>} : memref<4x8x2048xf32, #tpu.memory_space<vmem>>, vector<1x1x16xf32>,
          %swap3A_1687 = vector.shape_cast %swap3A_1686 : vector<1x1x16xf32> to vector<16xf32>
          %swap3A_1688 = vector.shape_cast %get3A_1681 : vector<16xf32> to vector<1x1x16xf32>
          tpu.vector_store %arg7[%swap3A_1683, %swap3A_1684, %swap3A_1685], %swap3A_1688 {add = true, strides = array<i32>} : memref<4x8x2048xf32, #tpu.memory_space<vmem>>, vector<1x1x16xf32>,
          %scan3A_1689 = arith.constant 13 : i32
          %scan3A_1690 = arith.addi %scan3A_1445, %scan3A_1689 : i32
          %mul3A_1691 = arith.constant 16 : i32
          %mul3A_1692 = arith.muli %scan3A_1690, %mul3A_1691 : i32
          %add3A_1693 = arith.constant 0 : i32
          %add3A_1694 = arith.addi %add3A_1693, %mul3A_1692 : i32
          %get3A_1695 = arith.constant 0 : i32
          %get3A_1696 = arith.index_cast %get3A_1695 : i32 to index
          %get3A_1697 = arith.index_cast %add3A_1439 : i32 to index
          %get3A_1698 = arith.index_cast %add3A_1694 : i32 to index
          %get3A_1699 = tpu.vector_load %arg8[%get3A_1696, %get3A_1697, %get3A_1698] {strides = array<i32>} : memref<2x8x2048xf32, #tpu.memory_space<vmem>>, vector<1x1x16xf32>,
          %get3A_1700 = vector.shape_cast %get3A_1699 : vector<1x1x16xf32> to vector<16xf32>
          %swap3A_1701 = arith.constant 2 : i32
          %swap3A_1702 = arith.index_cast %swap3A_1701 : i32 to index
          %swap3A_1703 = arith.index_cast %add3A_1439 : i32 to index
          %swap3A_1704 = arith.index_cast %add3A_1694 : i32 to index
          %swap3A_1705 = tpu.vector_load %arg7[%swap3A_1702, %swap3A_1703, %swap3A_1704] {strides = array<i32>} : memref<4x8x2048xf32, #tpu.memory_space<vmem>>, vector<1x1x16xf32>,
          %swap3A_1706 = vector.shape_cast %swap3A_1705 : vector<1x1x16xf32> to vector<16xf32>
          %swap3A_1707 = vector.shape_cast %get3A_1700 : vector<16xf32> to vector<1x1x16xf32>
          tpu.vector_store %arg7[%swap3A_1702, %swap3A_1703, %swap3A_1704], %swap3A_1707 {add = true, strides = array<i32>} : memref<4x8x2048xf32, #tpu.memory_space<vmem>>, vector<1x1x16xf32>,
          %scan3A_1708 = arith.constant 14 : i32
          %scan3A_1709 = arith.addi %scan3A_1445, %scan3A_1708 : i32
          %mul3A_1710 = arith.constant 16 : i32
          %mul3A_1711 = arith.muli %scan3A_1709, %mul3A_1710 : i32
          %add3A_1712 = arith.constant 0 : i32
          %add3A_1713 = arith.addi %add3A_1712, %mul3A_1711 : i32
          %get3A_1714 = arith.constant 0 : i32
          %get3A_1715 = arith.index_cast %get3A_1714 : i32 to index
          %get3A_1716 = arith.index_cast %add3A_1439 : i32 to index
          %get3A_1717 = arith.index_cast %add3A_1713 : i32 to index
          %get3A_1718 = tpu.vector_load %arg8[%get3A_1715, %get3A_1716, %get3A_1717] {strides = array<i32>} : memref<2x8x2048xf32, #tpu.memory_space<vmem>>, vector<1x1x16xf32>,
          %get3A_1719 = vector.shape_cast %get3A_1718 : vector<1x1x16xf32> to vector<16xf32>
          %swap3A_1720 = arith.constant 2 : i32
          %swap3A_1721 = arith.index_cast %swap3A_1720 : i32 to index
          %swap3A_1722 = arith.index_cast %add3A_1439 : i32 to index
          %swap3A_1723 = arith.index_cast %add3A_1713 : i32 to index
          %swap3A_1724 = tpu.vector_load %arg7[%swap3A_1721, %swap3A_1722, %swap3A_1723] {strides = array<i32>} : memref<4x8x2048xf32, #tpu.memory_space<vmem>>, vector<1x1x16xf32>,
          %swap3A_1725 = vector.shape_cast %swap3A_1724 : vector<1x1x16xf32> to vector<16xf32>
          %swap3A_1726 = vector.shape_cast %get3A_1719 : vector<16xf32> to vector<1x1x16xf32>
          tpu.vector_store %arg7[%swap3A_1721, %swap3A_1722, %swap3A_1723], %swap3A_1726 {add = true, strides = array<i32>} : memref<4x8x2048xf32, #tpu.memory_space<vmem>>, vector<1x1x16xf32>,
          %scan3A_1727 = arith.constant 15 : i32
          %scan3A_1728 = arith.addi %scan3A_1445, %scan3A_1727 : i32
          %mul3A_1729 = arith.constant 16 : i32
          %mul3A_1730 = arith.muli %scan3A_1728, %mul3A_1729 : i32
          %add3A_1731 = arith.constant 0 : i32
          %add3A_1732 = arith.addi %add3A_1731, %mul3A_1730 : i32
          %get3A_1733 = arith.constant 0 : i32
          %get3A_1734 = arith.index_cast %get3A_1733 : i32 to index
          %get3A_1735 = arith.index_cast %add3A_1439 : i32 to index
          %get3A_1736 = arith.index_cast %add3A_1732 : i32 to index
          %get3A_1737 = tpu.vector_load %arg8[%get3A_1734, %get3A_1735, %get3A_1736] {strides = array<i32>} : memref<2x8x2048xf32, #tpu.memory_space<vmem>>, vector<1x1x16xf32>,
          %get3A_1738 = vector.shape_cast %get3A_1737 : vector<1x1x16xf32> to vector<16xf32>
          %swap3A_1739 = arith.constant 2 : i32
          %swap3A_1740 = arith.index_cast %swap3A_1739 : i32 to index
          %swap3A_1741 = arith.index_cast %add3A_1439 : i32 to index
          %swap3A_1742 = arith.index_cast %add3A_1732 : i32 to index
          %swap3A_1743 = tpu.vector_load %arg7[%swap3A_1740, %swap3A_1741, %swap3A_1742] {strides = array<i32>} : memref<4x8x2048xf32, #tpu.memory_space<vmem>>, vector<1x1x16xf32>,
          %swap3A_1744 = vector.shape_cast %swap3A_1743 : vector<1x1x16xf32> to vector<16xf32>
          %swap3A_1745 = vector.shape_cast %get3A_1738 : vector<16xf32> to vector<1x1x16xf32>
          tpu.vector_store %arg7[%swap3A_1740, %swap3A_1741, %swap3A_1742], %swap3A_1745 {add = true, strides = array<i32>} : memref<4x8x2048xf32, #tpu.memory_space<vmem>>, vector<1x1x16xf32>,
        }
        %scan3A_1444 = arith.constant 128 : i32
      }
      %scan3A_609 = arith.constant 8 : i32
      %jit3A_610 = arith.constant 4 : i32
      %div3A_611 = arith.divsi %add3A_521, %jit3A_610 : i32
      %sign3A_612 = arith.constant 0 : i32
      %sign3A_613 = arith.cmpi sgt, %add3A_521, %sign3A_612 : i32
      %sign3A_614 = arith.extui %sign3A_613 : i1 to i32
      %sign3A_615 = arith.constant 0 : i32
      %sign3A_616 = arith.cmpi slt, %add3A_521, %sign3A_615 : i32
      %sign3A_617 = arith.extui %sign3A_616 : i1 to i32
      %sign3A_618 = arith.subi %sign3A_614, %sign3A_617 : i32
      %sign3A_619 = arith.constant 0 : i32
      %sign3A_620 = arith.cmpi sgt, %jit3A_610, %sign3A_619 : i32
      %sign3A_621 = arith.extui %sign3A_620 : i1 to i32
      %sign3A_622 = arith.constant 0 : i32
      %sign3A_623 = arith.cmpi slt, %jit3A_610, %sign3A_622 : i32
      %sign3A_624 = arith.extui %sign3A_623 : i1 to i32
      %sign3A_625 = arith.subi %sign3A_621, %sign3A_624 : i32
      %ne3A_626 = arith.cmpi ne, %sign3A_618, %sign3A_625 : i32
      %rem3A_627 = arith.remsi %add3A_521, %jit3A_610 : i32
      %ne3A_628 = arith.constant 0 : i32
      %ne3A_629 = arith.cmpi ne, %rem3A_627, %ne3A_628 : i32
      %and3A_630 = arith.andi %ne3A_626, %ne3A_629 : i1
      %sub3A_631 = arith.constant 1 : i32
      %sub3A_632 = arith.subi %div3A_611, %sub3A_631 : i32
      %select_n3A_633 = arith.select %and3A_630, %sub3A_632, %div3A_611 : i32
      %jit3A_634 = arith.constant 4 : i32
      %eq3A_635 = arith.constant 0 : i32
      %eq3A_636 = arith.cmpi eq, %jit3A_634, %eq3A_635 : i32
      %jit3A_637 = arith.constant 1 : i32
      %select_n3A_638 = arith.select %eq3A_636, %jit3A_637, %jit3A_634 : i32
      %rem3A_639 = arith.remsi %add3A_521, %select_n3A_638 : i32
      %ne3A_640 = arith.constant 0 : i32
      %ne3A_641 = arith.cmpi ne, %rem3A_639, %ne3A_640 : i32
      %lt3A_642 = arith.constant 0 : i32
      %lt3A_643 = arith.cmpi slt, %rem3A_639, %lt3A_642 : i32
      %lt3A_644 = arith.constant 0 : i32
      %lt3A_645 = arith.cmpi slt, %select_n3A_638, %lt3A_644 : i32
      %ne3A_646 = arith.xori %lt3A_643, %lt3A_645 : i1
      %and3A_647 = arith.andi %ne3A_646, %ne3A_641 : i1
      %add3A_648 = arith.addi %rem3A_639, %select_n3A_638 : i32
      %select_n3A_649 = arith.select %and3A_647, %add3A_648, %rem3A_639 : i32
      %mul3A_650 = arith.constant 2048 : i32
      %mul3A_651 = arith.muli %select_n3A_649, %mul3A_650 : i32
      %add3A_652 = arith.addi %mul3A_651, %mul3A_2 : i32
      %mul3A_653 = arith.constant 8 : i32
      %mul3A_654 = arith.muli %select_n3A_633, %mul3A_653 : i32
      %add3A_655 = arith.addi %add3A_652, %mul3A_654 : i32
      %dma_start3A_656 = arith.constant 2 : i32
      %dma_start3A_657 = arith.constant 0 : i32
      %dma_start3A_658 = arith.constant 0 : i32
      %dma_start3A_659 = tpu.memref_slice %arg7[%dma_start3A_656, %dma_start3A_657, %dma_start3A_658] : memref<4x8x2048xf32, #tpu.memory_space<vmem>> -> memref<1x8x2048xf32, #tpu.memory_space<vmem>>
      %dma_start3A_660 = tpu.memref_squeeze %dma_start3A_659 : memref<1x8x2048xf32, #tpu.memory_space<vmem>> -> memref<8x2048xf32, #tpu.memory_space<vmem>>
      %dma_start3A_661 = arith.constant 0 : i32
      %dma_start3A_662 = tpu.memref_slice %arg5[%add3A_655, %dma_start3A_661] : memref<8192x2048xf32, #tpu.memory_space<hbm>> -> memref<8x2048xf32, #tpu.memory_space<hbm>>
      %dma_start3A_663 = arith.constant 0 : i32
      %dma_start3A_664 = tpu.memref_slice %arg5[%add3A_655, %dma_start3A_663] : memref<8192x2048xf32, #tpu.memory_space<hbm>> -> memref<8x2048xf32, #tpu.memory_space<hbm>>
      %dma_start3A_665 = arith.constant 0 : i32
      %dma_start3A_666 = arith.constant 0 : i32
      %dma_start3A_667 = tpu.memref_slice %arg7[%dma_start3A_656, %dma_start3A_665, %dma_start3A_666] : memref<4x8x2048xf32, #tpu.memory_space<vmem>> -> memref<1x8x2048xf32, #tpu.memory_space<vmem>>
      %dma_start3A_668 = tpu.memref_squeeze %dma_start3A_667 : memref<1x8x2048xf32, #tpu.memory_space<vmem>> -> memref<8x2048xf32, #tpu.memory_space<vmem>>
      tpu.enqueue_dma source(%dma_start3A_668 : memref<8x2048xf32, #tpu.memory_space<vmem>>) target(%dma_start3A_664 : memref<8x2048xf32, #tpu.memory_space<hbm>>) target_semaphore(%arg15 : memref<!tpu.dma_semaphore, #tpu.memory_space<semaphore_mem>>)
      %add3A_669 = arith.constant 3 : i32
      %add3A_670 = arith.addi %add3A_212, %add3A_669 : i32
      %jit3A_671 = arith.constant 4 : i32
      %div3A_672 = arith.divsi %add3A_670, %jit3A_671 : i32
      %sign3A_673 = arith.constant 0 : i32
      %sign3A_674 = arith.cmpi sgt, %add3A_670, %sign3A_673 : i32
      %sign3A_675 = arith.extui %sign3A_674 : i1 to i32
      %sign3A_676 = arith.constant 0 : i32
      %sign3A_677 = arith.cmpi slt, %add3A_670, %sign3A_676 : i32
      %sign3A_678 = arith.extui %sign3A_677 : i1 to i32
      %sign3A_679 = arith.subi %sign3A_675, %sign3A_678 : i32
      %sign3A_680 = arith.constant 0 : i32
      %sign3A_681 = arith.cmpi sgt, %jit3A_671, %sign3A_680 : i32
      %sign3A_682 = arith.extui %sign3A_681 : i1 to i32
      %sign3A_683 = arith.constant 0 : i32
      %sign3A_684 = arith.cmpi slt, %jit3A_671, %sign3A_683 : i32
      %sign3A_685 = arith.extui %sign3A_684 : i1 to i32
      %sign3A_686 = arith.subi %sign3A_682, %sign3A_685 : i32
      %ne3A_687 = arith.cmpi ne, %sign3A_679, %sign3A_686 : i32
      %rem3A_688 = arith.remsi %add3A_670, %jit3A_671 : i32
      %ne3A_689 = arith.constant 0 : i32
      %ne3A_690 = arith.cmpi ne, %rem3A_688, %ne3A_689 : i32
      %and3A_691 = arith.andi %ne3A_687, %ne3A_690 : i1
      %sub3A_692 = arith.constant 1 : i32
      %sub3A_693 = arith.subi %div3A_672, %sub3A_692 : i32
      %select_n3A_694 = arith.select %and3A_691, %sub3A_693, %div3A_672 : i32
      %jit3A_695 = arith.constant 4 : i32
      %div3A_696 = arith.divsi %add3A_670, %jit3A_695 : i32
      %sign3A_697 = arith.constant 0 : i32
      %sign3A_698 = arith.cmpi sgt, %add3A_670, %sign3A_697 : i32
      %sign3A_699 = arith.extui %sign3A_698 : i1 to i32
      %sign3A_700 = arith.constant 0 : i32
      %sign3A_701 = arith.cmpi slt, %add3A_670, %sign3A_700 : i32
      %sign3A_702 = arith.extui %sign3A_701 : i1 to i32
      %sign3A_703 = arith.subi %sign3A_699, %sign3A_702 : i32
      %sign3A_704 = arith.constant 0 : i32
      %sign3A_705 = arith.cmpi sgt, %jit3A_695, %sign3A_704 : i32
      %sign3A_706 = arith.extui %sign3A_705 : i1 to i32
      %sign3A_707 = arith.constant 0 : i32
      %sign3A_708 = arith.cmpi slt, %jit3A_695, %sign3A_707 : i32
      %sign3A_709 = arith.extui %sign3A_708 : i1 to i32
      %sign3A_710 = arith.subi %sign3A_706, %sign3A_709 : i32
      %ne3A_711 = arith.cmpi ne, %sign3A_703, %sign3A_710 : i32
      %rem3A_712 = arith.remsi %add3A_670, %jit3A_695 : i32
      %ne3A_713 = arith.constant 0 : i32
      %ne3A_714 = arith.cmpi ne, %rem3A_712, %ne3A_713 : i32
      %and3A_715 = arith.andi %ne3A_711, %ne3A_714 : i1
      %sub3A_716 = arith.constant 1 : i32
      %sub3A_717 = arith.subi %div3A_696, %sub3A_716 : i32
      %select_n3A_718 = arith.select %and3A_715, %sub3A_717, %div3A_696 : i32
      %jit3A_719 = arith.constant 4 : i32
      %eq3A_720 = arith.constant 0 : i32
      %eq3A_721 = arith.cmpi eq, %jit3A_719, %eq3A_720 : i32
      %jit3A_722 = arith.constant 1 : i32
      %select_n3A_723 = arith.select %eq3A_721, %jit3A_722, %jit3A_719 : i32
      %rem3A_724 = arith.remsi %add3A_670, %select_n3A_723 : i32
      %ne3A_725 = arith.constant 0 : i32
      %ne3A_726 = arith.cmpi ne, %rem3A_724, %ne3A_725 : i32
      %lt3A_727 = arith.constant 0 : i32
      %lt3A_728 = arith.cmpi slt, %rem3A_724, %lt3A_727 : i32
      %lt3A_729 = arith.constant 0 : i32
      %lt3A_730 = arith.cmpi slt, %select_n3A_723, %lt3A_729 : i32
      %ne3A_731 = arith.xori %lt3A_728, %lt3A_730 : i1
      %and3A_732 = arith.andi %ne3A_731, %ne3A_726 : i1
      %add3A_733 = arith.addi %rem3A_724, %select_n3A_723 : i32
      %select_n3A_734 = arith.select %and3A_732, %add3A_733, %rem3A_724 : i32
      %mul3A_735 = arith.constant 8 : i32
      %mul3A_736 = arith.muli %select_n3A_718, %mul3A_735 : i32
      %dma_wait3A_737 = arith.constant 3 : i32
      %dma_wait3A_738 = arith.constant 0 : i32
      %dma_wait3A_739 = arith.constant 0 : i32
      %dma_wait3A_740 = tpu.memref_slice %arg7[%dma_wait3A_737, %dma_wait3A_738, %dma_wait3A_739] : memref<4x8x2048xf32, #tpu.memory_space<vmem>> -> memref<1x8x2048xf32, #tpu.memory_space<vmem>>
      %dma_wait3A_741 = tpu.memref_squeeze %dma_wait3A_740 : memref<1x8x2048xf32, #tpu.memory_space<vmem>> -> memref<8x2048xf32, #tpu.memory_space<vmem>>
      %dma_wait3A_742 = tpu.memref_slice %arg6[%select_n3A_734, %mul3A_736] : memref<4x64xi32, #tpu.memory_space<vmem>> -> memref<1x8xi32, #tpu.memory_space<vmem>>
      %dma_wait3A_743 = tpu.memref_squeeze %dma_wait3A_742 : memref<1x8xi32, #tpu.memory_space<vmem>> -> memref<8xi32, #tpu.memory_space<vmem>>
      %dma_wait3A_744 = arith.constant 0 : i32
      %dma_wait3A_745 = arith.constant 0 : i32
      %dma_wait3A_746 = tpu.memref_slice %arg2[%dma_wait3A_744, %dma_wait3A_745] : memref<100000x2048xf32, #tpu.memory_space<hbm>> -> memref<100000x2048xf32, #tpu.memory_space<hbm>>
      tpu.wait_indirect_dma semaphore(%arg12 : memref<!tpu.dma_semaphore, #tpu.memory_space<semaphore_mem>>) src(%dma_wait3A_746 : memref<100000x2048xf32, #tpu.memory_space<hbm>>) dst(%dma_wait3A_741 : memref<8x2048xf32, #tpu.memory_space<vmem>>)
      %add3A_747 = arith.constant 2 : i32
      %add3A_748 = arith.addi %add3A_670, %add3A_747 : i32
      %lt3A_749 = arith.constant 32 : i32
      %lt3A_750 = arith.cmpi slt, %add3A_748, %lt3A_749 : i32
      %convert_element_type3A_751 = arith.extui %lt3A_750 : i1 to i32
      %cond3A_752 = arith.constant 0 : i32
      %cond3A_753 = arith.cmpi ne, %convert_element_type3A_751, %cond3A_752 : i32
      scf.if %cond3A_753 {
        %ge3A = arith.constant 2 : i32
        %ge3A_1435 = arith.cmpi sge, %add3A_670, %ge3A : i32
        %convert_element_type3A_1436 = arith.extui %ge3A_1435 : i1 to i32
        %cond3A_1437 = arith.constant 0 : i32
        %cond3A_1438 = arith.cmpi ne, %convert_element_type3A_1436, %cond3A_1437 : i32
        scf.if %cond3A_1438 {
          %sub3A_1493 = arith.constant 2 : i32
          %sub3A_1494 = arith.subi %add3A_670, %sub3A_1493 : i32
          %jit3A_1495 = arith.constant 4 : i32
          %div3A_1496 = arith.divsi %sub3A_1494, %jit3A_1495 : i32
          %sign3A_1497 = arith.constant 0 : i32
          %sign3A_1498 = arith.cmpi sgt, %sub3A_1494, %sign3A_1497 : i32
          %sign3A_1499 = arith.extui %sign3A_1498 : i1 to i32
          %sign3A_1500 = arith.constant 0 : i32
          %sign3A_1501 = arith.cmpi slt, %sub3A_1494, %sign3A_1500 : i32
          %sign3A_1502 = arith.extui %sign3A_1501 : i1 to i32
          %sign3A_1503 = arith.subi %sign3A_1499, %sign3A_1502 : i32
          %sign3A_1504 = arith.constant 0 : i32
          %sign3A_1505 = arith.cmpi sgt, %jit3A_1495, %sign3A_1504 : i32
          %sign3A_1506 = arith.extui %sign3A_1505 : i1 to i32
          %sign3A_1507 = arith.constant 0 : i32
          %sign3A_1508 = arith.cmpi slt, %jit3A_1495, %sign3A_1507 : i32
          %sign3A_1509 = arith.extui %sign3A_1508 : i1 to i32
          %sign3A_1510 = arith.subi %sign3A_1506, %sign3A_1509 : i32
          %ne3A_1511 = arith.cmpi ne, %sign3A_1503, %sign3A_1510 : i32
          %rem3A_1512 = arith.remsi %sub3A_1494, %jit3A_1495 : i32
          %ne3A_1513 = arith.constant 0 : i32
          %ne3A_1514 = arith.cmpi ne, %rem3A_1512, %ne3A_1513 : i32
          %and3A_1515 = arith.andi %ne3A_1511, %ne3A_1514 : i1
          %sub3A_1516 = arith.constant 1 : i32
          %sub3A_1517 = arith.subi %div3A_1496, %sub3A_1516 : i32
          %select_n3A_1518 = arith.select %and3A_1515, %sub3A_1517, %div3A_1496 : i32
          %jit3A_1519 = arith.constant 4 : i32
          %eq3A_1520 = arith.constant 0 : i32
          %eq3A_1521 = arith.cmpi eq, %jit3A_1519, %eq3A_1520 : i32
          %jit3A_1522 = arith.constant 1 : i32
          %select_n3A_1523 = arith.select %eq3A_1521, %jit3A_1522, %jit3A_1519 : i32
          %rem3A_1524 = arith.remsi %sub3A_1494, %select_n3A_1523 : i32
          %ne3A_1525 = arith.constant 0 : i32
          %ne3A_1526 = arith.cmpi ne, %rem3A_1524, %ne3A_1525 : i32
          %lt3A_1527 = arith.constant 0 : i32
          %lt3A_1528 = arith.cmpi slt, %rem3A_1524, %lt3A_1527 : i32
          %lt3A_1529 = arith.constant 0 : i32
          %lt3A_1530 = arith.cmpi slt, %select_n3A_1523, %lt3A_1529 : i32
          %ne3A_1531 = arith.xori %lt3A_1528, %lt3A_1530 : i1
          %and3A_1532 = arith.andi %ne3A_1531, %ne3A_1526 : i1
          %add3A_1533 = arith.addi %rem3A_1524, %select_n3A_1523 : i32
          %select_n3A_1534 = arith.select %and3A_1532, %add3A_1533, %rem3A_1524 : i32
          %mul3A_1535 = arith.constant 2048 : i32
          %mul3A_1536 = arith.muli %select_n3A_1534, %mul3A_1535 : i32
          %add3A_1537 = arith.addi %mul3A_1536, %mul3A_2 : i32
          %mul3A_1538 = arith.constant 8 : i32
          %mul3A_1539 = arith.muli %select_n3A_1518, %mul3A_1538 : i32
          %add3A_1540 = arith.addi %add3A_1537, %mul3A_1539 : i32
          %dma_wait3A_1541 = arith.constant 1 : i32
          %dma_wait3A_1542 = arith.constant 0 : i32
          %dma_wait3A_1543 = arith.constant 0 : i32
          %dma_wait3A_1544 = tpu.memref_slice %arg7[%dma_wait3A_1541, %dma_wait3A_1542, %dma_wait3A_1543] : memref<4x8x2048xf32, #tpu.memory_space<vmem>> -> memref<1x8x2048xf32, #tpu.memory_space<vmem>>
          %dma_wait3A_1545 = tpu.memref_squeeze %dma_wait3A_1544 : memref<1x8x2048xf32, #tpu.memory_space<vmem>> -> memref<8x2048xf32, #tpu.memory_space<vmem>>
          %dma_wait3A_1546 = arith.constant 0 : i32
          %dma_wait3A_1547 = tpu.memref_slice %arg5[%add3A_1540, %dma_wait3A_1546] : memref<8192x2048xf32, #tpu.memory_space<hbm>> -> memref<8x2048xf32, #tpu.memory_space<hbm>>
          %dma_wait3A_1548 = arith.constant 0 : i32
          %dma_wait3A_1549 = tpu.memref_slice %arg5[%add3A_1540, %dma_wait3A_1548] : memref<8192x2048xf32, #tpu.memory_space<hbm>> -> memref<8x2048xf32, #tpu.memory_space<hbm>>
          %dma_wait3A_1550 = arith.constant 0 : i32
          %dma_wait3A_1551 = arith.constant 0 : i32
          %dma_wait3A_1552 = tpu.memref_slice %arg7[%dma_wait3A_1541, %dma_wait3A_1550, %dma_wait3A_1551] : memref<4x8x2048xf32, #tpu.memory_space<vmem>> -> memref<1x8x2048xf32, #tpu.memory_space<vmem>>
          %dma_wait3A_1553 = tpu.memref_squeeze %dma_wait3A_1552 : memref<1x8x2048xf32, #tpu.memory_space<vmem>> -> memref<8x2048xf32, #tpu.memory_space<vmem>>
          tpu.wait_dma2 semaphore(%arg14 : memref<!tpu.dma_semaphore, #tpu.memory_space<semaphore_mem>>) src(%dma_wait3A_1553 : memref<8x2048xf32, #tpu.memory_space<vmem>>) dst(%dma_wait3A_1549 : memref<8x2048xf32, #tpu.memory_space<hbm>>)
        } else {
        }
        %add3A_1439 = arith.constant 2 : i32
        %add3A_1440 = arith.addi %add3A_670, %add3A_1439 : i32
        %jit3A_1441 = arith.constant 4 : i32
        %div3A_1442 = arith.divsi %add3A_1440, %jit3A_1441 : i32
        %sign3A_1443 = arith.constant 0 : i32
        %sign3A_1444 = arith.cmpi sgt, %add3A_1440, %sign3A_1443 : i32
        %sign3A_1445 = arith.extui %sign3A_1444 : i1 to i32
        %sign3A_1446 = arith.constant 0 : i32
        %sign3A_1447 = arith.cmpi slt, %add3A_1440, %sign3A_1446 : i32
        %sign3A_1448 = arith.extui %sign3A_1447 : i1 to i32
        %sign3A_1449 = arith.subi %sign3A_1445, %sign3A_1448 : i32
        %sign3A_1450 = arith.constant 0 : i32
        %sign3A_1451 = arith.cmpi sgt, %jit3A_1441, %sign3A_1450 : i32
        %sign3A_1452 = arith.extui %sign3A_1451 : i1 to i32
        %sign3A_1453 = arith.constant 0 : i32
        %sign3A_1454 = arith.cmpi slt, %jit3A_1441, %sign3A_1453 : i32
        %sign3A_1455 = arith.extui %sign3A_1454 : i1 to i32
        %sign3A_1456 = arith.subi %sign3A_1452, %sign3A_1455 : i32
        %ne3A_1457 = arith.cmpi ne, %sign3A_1449, %sign3A_1456 : i32
        %rem3A_1458 = arith.remsi %add3A_1440, %jit3A_1441 : i32
        %ne3A_1459 = arith.constant 0 : i32
        %ne3A_1460 = arith.cmpi ne, %rem3A_1458, %ne3A_1459 : i32
        %and3A_1461 = arith.andi %ne3A_1457, %ne3A_1460 : i1
        %sub3A_1462 = arith.constant 1 : i32
        %sub3A_1463 = arith.subi %div3A_1442, %sub3A_1462 : i32
        %select_n3A_1464 = arith.select %and3A_1461, %sub3A_1463, %div3A_1442 : i32
        %jit3A_1465 = arith.constant 4 : i32
        %eq3A_1466 = arith.constant 0 : i32
        %eq3A_1467 = arith.cmpi eq, %jit3A_1465, %eq3A_1466 : i32
        %jit3A_1468 = arith.constant 1 : i32
        %select_n3A_1469 = arith.select %eq3A_1467, %jit3A_1468, %jit3A_1465 : i32
        %rem3A_1470 = arith.remsi %add3A_1440, %select_n3A_1469 : i32
        %ne3A_1471 = arith.constant 0 : i32
        %ne3A_1472 = arith.cmpi ne, %rem3A_1470, %ne3A_1471 : i32
        %lt3A_1473 = arith.constant 0 : i32
        %lt3A_1474 = arith.cmpi slt, %rem3A_1470, %lt3A_1473 : i32
        %lt3A_1475 = arith.constant 0 : i32
        %lt3A_1476 = arith.cmpi slt, %select_n3A_1469, %lt3A_1475 : i32
        %ne3A_1477 = arith.xori %lt3A_1474, %lt3A_1476 : i1
        %and3A_1478 = arith.andi %ne3A_1477, %ne3A_1472 : i1
        %add3A_1479 = arith.addi %rem3A_1470, %select_n3A_1469 : i32
        %select_n3A_1480 = arith.select %and3A_1478, %add3A_1479, %rem3A_1470 : i32
        %mul3A_1481 = arith.constant 8 : i32
        %mul3A_1482 = arith.muli %select_n3A_1464, %mul3A_1481 : i32
        %dma_start3A_1483 = arith.constant 1 : i32
        %dma_start3A_1484 = arith.constant 0 : i32
        %dma_start3A_1485 = arith.constant 0 : i32
        %dma_start3A_1486 = tpu.memref_slice %arg7[%dma_start3A_1483, %dma_start3A_1484, %dma_start3A_1485] : memref<4x8x2048xf32, #tpu.memory_space<vmem>> -> memref<1x8x2048xf32, #tpu.memory_space<vmem>>
        %dma_start3A_1487 = tpu.memref_squeeze %dma_start3A_1486 : memref<1x8x2048xf32, #tpu.memory_space<vmem>> -> memref<8x2048xf32, #tpu.memory_space<vmem>>
        %dma_start3A_1488 = tpu.memref_slice %arg6[%select_n3A_1480, %mul3A_1482] : memref<4x64xi32, #tpu.memory_space<vmem>> -> memref<1x8xi32, #tpu.memory_space<vmem>>
        %dma_start3A_1489 = tpu.memref_squeeze %dma_start3A_1488 : memref<1x8xi32, #tpu.memory_space<vmem>> -> memref<8xi32, #tpu.memory_space<vmem>>
        %dma_start3A_1490 = arith.constant 0 : i32
        %dma_start3A_1491 = arith.constant 0 : i32
        %dma_start3A_1492 = tpu.memref_slice %arg2[%dma_start3A_1490, %dma_start3A_1491] : memref<100000x2048xf32, #tpu.memory_space<hbm>> -> memref<100000x2048xf32, #tpu.memory_space<hbm>>
        tpu.enqueue_indirect_dma source(%dma_start3A_1492 : memref<100000x2048xf32, #tpu.memory_space<hbm>>) target(%dma_start3A_1487 : memref<8x2048xf32, #tpu.memory_space<vmem>>) offsets(%dma_start3A_1489 : memref<8xi32, #tpu.memory_space<vmem>>) semaphore(%arg10 : memref<!tpu.dma_semaphore, #tpu.memory_space<semaphore_mem>>)
      } else {
      }
      %scan3A_754 = arith.constant 0 : i32
      %scan3A_755 = arith.constant 8 : i32
      %scan3A_756 = arith.addi %scan3A_754, %scan3A_755 : i32
      %scan3A_757 = arith.constant 1 : i32
      scf.for %scan3A_1435 = %scan3A_754 to %scan3A_756 step %scan3A_757  : i32 {
        %mul3A_1436 = arith.constant 1 : i32
        %mul3A_1437 = arith.muli %scan3A_1435, %mul3A_1436 : i32
        %add3A_1438 = arith.constant 0 : i32
        %add3A_1439 = arith.addi %add3A_1438, %mul3A_1437 : i32
        %scan3A_1440 = arith.constant 0 : i32
        %scan3A_1441 = arith.constant 128 : i32
        %scan3A_1442 = arith.addi %scan3A_1440, %scan3A_1441 : i32
        %scan3A_1443 = arith.constant 16 : i32
        scf.for %scan3A_1445 = %scan3A_1440 to %scan3A_1442 step %scan3A_1443  : i32 {
          %mul3A_1446 = arith.constant 16 : i32
          %mul3A_1447 = arith.muli %scan3A_1445, %mul3A_1446 : i32
          %add3A_1448 = arith.constant 0 : i32
          %add3A_1449 = arith.addi %add3A_1448, %mul3A_1447 : i32
          %get3A = arith.constant 0 : i32
          %get3A_1450 = arith.index_cast %get3A : i32 to index
          %get3A_1451 = arith.index_cast %add3A_1439 : i32 to index
          %get3A_1452 = arith.index_cast %add3A_1449 : i32 to index
          %get3A_1453 = tpu.vector_load %arg8[%get3A_1450, %get3A_1451, %get3A_1452] {strides = array<i32>} : memref<2x8x2048xf32, #tpu.memory_space<vmem>>, vector<1x1x16xf32>,
          %get3A_1454 = vector.shape_cast %get3A_1453 : vector<1x1x16xf32> to vector<16xf32>
          %swap3A = arith.constant 3 : i32
          %swap3A_1455 = arith.index_cast %swap3A : i32 to index
          %swap3A_1456 = arith.index_cast %add3A_1439 : i32 to index
          %swap3A_1457 = arith.index_cast %add3A_1449 : i32 to index
          %swap3A_1458 = tpu.vector_load %arg7[%swap3A_1455, %swap3A_1456, %swap3A_1457] {strides = array<i32>} : memref<4x8x2048xf32, #tpu.memory_space<vmem>>, vector<1x1x16xf32>,
          %swap3A_1459 = vector.shape_cast %swap3A_1458 : vector<1x1x16xf32> to vector<16xf32>
          %swap3A_1460 = vector.shape_cast %get3A_1454 : vector<16xf32> to vector<1x1x16xf32>
          tpu.vector_store %arg7[%swap3A_1455, %swap3A_1456, %swap3A_1457], %swap3A_1460 {add = true, strides = array<i32>} : memref<4x8x2048xf32, #tpu.memory_space<vmem>>, vector<1x1x16xf32>,
          %scan3A_1461 = arith.constant 1 : i32
          %scan3A_1462 = arith.addi %scan3A_1445, %scan3A_1461 : i32
          %mul3A_1463 = arith.constant 16 : i32
          %mul3A_1464 = arith.muli %scan3A_1462, %mul3A_1463 : i32
          %add3A_1465 = arith.constant 0 : i32
          %add3A_1466 = arith.addi %add3A_1465, %mul3A_1464 : i32
          %get3A_1467 = arith.constant 0 : i32
          %get3A_1468 = arith.index_cast %get3A_1467 : i32 to index
          %get3A_1469 = arith.index_cast %add3A_1439 : i32 to index
          %get3A_1470 = arith.index_cast %add3A_1466 : i32 to index
          %get3A_1471 = tpu.vector_load %arg8[%get3A_1468, %get3A_1469, %get3A_1470] {strides = array<i32>} : memref<2x8x2048xf32, #tpu.memory_space<vmem>>, vector<1x1x16xf32>,
          %get3A_1472 = vector.shape_cast %get3A_1471 : vector<1x1x16xf32> to vector<16xf32>
          %swap3A_1473 = arith.constant 3 : i32
          %swap3A_1474 = arith.index_cast %swap3A_1473 : i32 to index
          %swap3A_1475 = arith.index_cast %add3A_1439 : i32 to index
          %swap3A_1476 = arith.index_cast %add3A_1466 : i32 to index
          %swap3A_1477 = tpu.vector_load %arg7[%swap3A_1474, %swap3A_1475, %swap3A_1476] {strides = array<i32>} : memref<4x8x2048xf32, #tpu.memory_space<vmem>>, vector<1x1x16xf32>,
          %swap3A_1478 = vector.shape_cast %swap3A_1477 : vector<1x1x16xf32> to vector<16xf32>
          %swap3A_1479 = vector.shape_cast %get3A_1472 : vector<16xf32> to vector<1x1x16xf32>
          tpu.vector_store %arg7[%swap3A_1474, %swap3A_1475, %swap3A_1476], %swap3A_1479 {add = true, strides = array<i32>} : memref<4x8x2048xf32, #tpu.memory_space<vmem>>, vector<1x1x16xf32>,
          %scan3A_1480 = arith.constant 2 : i32
          %scan3A_1481 = arith.addi %scan3A_1445, %scan3A_1480 : i32
          %mul3A_1482 = arith.constant 16 : i32
          %mul3A_1483 = arith.muli %scan3A_1481, %mul3A_1482 : i32
          %add3A_1484 = arith.constant 0 : i32
          %add3A_1485 = arith.addi %add3A_1484, %mul3A_1483 : i32
          %get3A_1486 = arith.constant 0 : i32
          %get3A_1487 = arith.index_cast %get3A_1486 : i32 to index
          %get3A_1488 = arith.index_cast %add3A_1439 : i32 to index
          %get3A_1489 = arith.index_cast %add3A_1485 : i32 to index
          %get3A_1490 = tpu.vector_load %arg8[%get3A_1487, %get3A_1488, %get3A_1489] {strides = array<i32>} : memref<2x8x2048xf32, #tpu.memory_space<vmem>>, vector<1x1x16xf32>,
          %get3A_1491 = vector.shape_cast %get3A_1490 : vector<1x1x16xf32> to vector<16xf32>
          %swap3A_1492 = arith.constant 3 : i32
          %swap3A_1493 = arith.index_cast %swap3A_1492 : i32 to index
          %swap3A_1494 = arith.index_cast %add3A_1439 : i32 to index
          %swap3A_1495 = arith.index_cast %add3A_1485 : i32 to index
          %swap3A_1496 = tpu.vector_load %arg7[%swap3A_1493, %swap3A_1494, %swap3A_1495] {strides = array<i32>} : memref<4x8x2048xf32, #tpu.memory_space<vmem>>, vector<1x1x16xf32>,
          %swap3A_1497 = vector.shape_cast %swap3A_1496 : vector<1x1x16xf32> to vector<16xf32>
          %swap3A_1498 = vector.shape_cast %get3A_1491 : vector<16xf32> to vector<1x1x16xf32>
          tpu.vector_store %arg7[%swap3A_1493, %swap3A_1494, %swap3A_1495], %swap3A_1498 {add = true, strides = array<i32>} : memref<4x8x2048xf32, #tpu.memory_space<vmem>>, vector<1x1x16xf32>,
          %scan3A_1499 = arith.constant 3 : i32
          %scan3A_1500 = arith.addi %scan3A_1445, %scan3A_1499 : i32
          %mul3A_1501 = arith.constant 16 : i32
          %mul3A_1502 = arith.muli %scan3A_1500, %mul3A_1501 : i32
          %add3A_1503 = arith.constant 0 : i32
          %add3A_1504 = arith.addi %add3A_1503, %mul3A_1502 : i32
          %get3A_1505 = arith.constant 0 : i32
          %get3A_1506 = arith.index_cast %get3A_1505 : i32 to index
          %get3A_1507 = arith.index_cast %add3A_1439 : i32 to index
          %get3A_1508 = arith.index_cast %add3A_1504 : i32 to index
          %get3A_1509 = tpu.vector_load %arg8[%get3A_1506, %get3A_1507, %get3A_1508] {strides = array<i32>} : memref<2x8x2048xf32, #tpu.memory_space<vmem>>, vector<1x1x16xf32>,
          %get3A_1510 = vector.shape_cast %get3A_1509 : vector<1x1x16xf32> to vector<16xf32>
          %swap3A_1511 = arith.constant 3 : i32
          %swap3A_1512 = arith.index_cast %swap3A_1511 : i32 to index
          %swap3A_1513 = arith.index_cast %add3A_1439 : i32 to index
          %swap3A_1514 = arith.index_cast %add3A_1504 : i32 to index
          %swap3A_1515 = tpu.vector_load %arg7[%swap3A_1512, %swap3A_1513, %swap3A_1514] {strides = array<i32>} : memref<4x8x2048xf32, #tpu.memory_space<vmem>>, vector<1x1x16xf32>,
          %swap3A_1516 = vector.shape_cast %swap3A_1515 : vector<1x1x16xf32> to vector<16xf32>
          %swap3A_1517 = vector.shape_cast %get3A_1510 : vector<16xf32> to vector<1x1x16xf32>
          tpu.vector_store %arg7[%swap3A_1512, %swap3A_1513, %swap3A_1514], %swap3A_1517 {add = true, strides = array<i32>} : memref<4x8x2048xf32, #tpu.memory_space<vmem>>, vector<1x1x16xf32>,
          %scan3A_1518 = arith.constant 4 : i32
          %scan3A_1519 = arith.addi %scan3A_1445, %scan3A_1518 : i32
          %mul3A_1520 = arith.constant 16 : i32
          %mul3A_1521 = arith.muli %scan3A_1519, %mul3A_1520 : i32
          %add3A_1522 = arith.constant 0 : i32
          %add3A_1523 = arith.addi %add3A_1522, %mul3A_1521 : i32
          %get3A_1524 = arith.constant 0 : i32
          %get3A_1525 = arith.index_cast %get3A_1524 : i32 to index
          %get3A_1526 = arith.index_cast %add3A_1439 : i32 to index
          %get3A_1527 = arith.index_cast %add3A_1523 : i32 to index
          %get3A_1528 = tpu.vector_load %arg8[%get3A_1525, %get3A_1526, %get3A_1527] {strides = array<i32>} : memref<2x8x2048xf32, #tpu.memory_space<vmem>>, vector<1x1x16xf32>,
          %get3A_1529 = vector.shape_cast %get3A_1528 : vector<1x1x16xf32> to vector<16xf32>
          %swap3A_1530 = arith.constant 3 : i32
          %swap3A_1531 = arith.index_cast %swap3A_1530 : i32 to index
          %swap3A_1532 = arith.index_cast %add3A_1439 : i32 to index
          %swap3A_1533 = arith.index_cast %add3A_1523 : i32 to index
          %swap3A_1534 = tpu.vector_load %arg7[%swap3A_1531, %swap3A_1532, %swap3A_1533] {strides = array<i32>} : memref<4x8x2048xf32, #tpu.memory_space<vmem>>, vector<1x1x16xf32>,
          %swap3A_1535 = vector.shape_cast %swap3A_1534 : vector<1x1x16xf32> to vector<16xf32>
          %swap3A_1536 = vector.shape_cast %get3A_1529 : vector<16xf32> to vector<1x1x16xf32>
          tpu.vector_store %arg7[%swap3A_1531, %swap3A_1532, %swap3A_1533], %swap3A_1536 {add = true, strides = array<i32>} : memref<4x8x2048xf32, #tpu.memory_space<vmem>>, vector<1x1x16xf32>,
          %scan3A_1537 = arith.constant 5 : i32
          %scan3A_1538 = arith.addi %scan3A_1445, %scan3A_1537 : i32
          %mul3A_1539 = arith.constant 16 : i32
          %mul3A_1540 = arith.muli %scan3A_1538, %mul3A_1539 : i32
          %add3A_1541 = arith.constant 0 : i32
          %add3A_1542 = arith.addi %add3A_1541, %mul3A_1540 : i32
          %get3A_1543 = arith.constant 0 : i32
          %get3A_1544 = arith.index_cast %get3A_1543 : i32 to index
          %get3A_1545 = arith.index_cast %add3A_1439 : i32 to index
          %get3A_1546 = arith.index_cast %add3A_1542 : i32 to index
          %get3A_1547 = tpu.vector_load %arg8[%get3A_1544, %get3A_1545, %get3A_1546] {strides = array<i32>} : memref<2x8x2048xf32, #tpu.memory_space<vmem>>, vector<1x1x16xf32>,
          %get3A_1548 = vector.shape_cast %get3A_1547 : vector<1x1x16xf32> to vector<16xf32>
          %swap3A_1549 = arith.constant 3 : i32
          %swap3A_1550 = arith.index_cast %swap3A_1549 : i32 to index
          %swap3A_1551 = arith.index_cast %add3A_1439 : i32 to index
          %swap3A_1552 = arith.index_cast %add3A_1542 : i32 to index
          %swap3A_1553 = tpu.vector_load %arg7[%swap3A_1550, %swap3A_1551, %swap3A_1552] {strides = array<i32>} : memref<4x8x2048xf32, #tpu.memory_space<vmem>>, vector<1x1x16xf32>,
          %swap3A_1554 = vector.shape_cast %swap3A_1553 : vector<1x1x16xf32> to vector<16xf32>
          %swap3A_1555 = vector.shape_cast %get3A_1548 : vector<16xf32> to vector<1x1x16xf32>
          tpu.vector_store %arg7[%swap3A_1550, %swap3A_1551, %swap3A_1552], %swap3A_1555 {add = true, strides = array<i32>} : memref<4x8x2048xf32, #tpu.memory_space<vmem>>, vector<1x1x16xf32>,
          %scan3A_1556 = arith.constant 6 : i32
          %scan3A_1557 = arith.addi %scan3A_1445, %scan3A_1556 : i32
          %mul3A_1558 = arith.constant 16 : i32
          %mul3A_1559 = arith.muli %scan3A_1557, %mul3A_1558 : i32
          %add3A_1560 = arith.constant 0 : i32
          %add3A_1561 = arith.addi %add3A_1560, %mul3A_1559 : i32
          %get3A_1562 = arith.constant 0 : i32
          %get3A_1563 = arith.index_cast %get3A_1562 : i32 to index
          %get3A_1564 = arith.index_cast %add3A_1439 : i32 to index
          %get3A_1565 = arith.index_cast %add3A_1561 : i32 to index
          %get3A_1566 = tpu.vector_load %arg8[%get3A_1563, %get3A_1564, %get3A_1565] {strides = array<i32>} : memref<2x8x2048xf32, #tpu.memory_space<vmem>>, vector<1x1x16xf32>,
          %get3A_1567 = vector.shape_cast %get3A_1566 : vector<1x1x16xf32> to vector<16xf32>
          %swap3A_1568 = arith.constant 3 : i32
          %swap3A_1569 = arith.index_cast %swap3A_1568 : i32 to index
          %swap3A_1570 = arith.index_cast %add3A_1439 : i32 to index
          %swap3A_1571 = arith.index_cast %add3A_1561 : i32 to index
          %swap3A_1572 = tpu.vector_load %arg7[%swap3A_1569, %swap3A_1570, %swap3A_1571] {strides = array<i32>} : memref<4x8x2048xf32, #tpu.memory_space<vmem>>, vector<1x1x16xf32>,
          %swap3A_1573 = vector.shape_cast %swap3A_1572 : vector<1x1x16xf32> to vector<16xf32>
          %swap3A_1574 = vector.shape_cast %get3A_1567 : vector<16xf32> to vector<1x1x16xf32>
          tpu.vector_store %arg7[%swap3A_1569, %swap3A_1570, %swap3A_1571], %swap3A_1574 {add = true, strides = array<i32>} : memref<4x8x2048xf32, #tpu.memory_space<vmem>>, vector<1x1x16xf32>,
          %scan3A_1575 = arith.constant 7 : i32
          %scan3A_1576 = arith.addi %scan3A_1445, %scan3A_1575 : i32
          %mul3A_1577 = arith.constant 16 : i32
          %mul3A_1578 = arith.muli %scan3A_1576, %mul3A_1577 : i32
          %add3A_1579 = arith.constant 0 : i32
          %add3A_1580 = arith.addi %add3A_1579, %mul3A_1578 : i32
          %get3A_1581 = arith.constant 0 : i32
          %get3A_1582 = arith.index_cast %get3A_1581 : i32 to index
          %get3A_1583 = arith.index_cast %add3A_1439 : i32 to index
          %get3A_1584 = arith.index_cast %add3A_1580 : i32 to index
          %get3A_1585 = tpu.vector_load %arg8[%get3A_1582, %get3A_1583, %get3A_1584] {strides = array<i32>} : memref<2x8x2048xf32, #tpu.memory_space<vmem>>, vector<1x1x16xf32>,
          %get3A_1586 = vector.shape_cast %get3A_1585 : vector<1x1x16xf32> to vector<16xf32>
          %swap3A_1587 = arith.constant 3 : i32
          %swap3A_1588 = arith.index_cast %swap3A_1587 : i32 to index
          %swap3A_1589 = arith.index_cast %add3A_1439 : i32 to index
          %swap3A_1590 = arith.index_cast %add3A_1580 : i32 to index
          %swap3A_1591 = tpu.vector_load %arg7[%swap3A_1588, %swap3A_1589, %swap3A_1590] {strides = array<i32>} : memref<4x8x2048xf32, #tpu.memory_space<vmem>>, vector<1x1x16xf32>,
          %swap3A_1592 = vector.shape_cast %swap3A_1591 : vector<1x1x16xf32> to vector<16xf32>
          %swap3A_1593 = vector.shape_cast %get3A_1586 : vector<16xf32> to vector<1x1x16xf32>
          tpu.vector_store %arg7[%swap3A_1588, %swap3A_1589, %swap3A_1590], %swap3A_1593 {add = true, strides = array<i32>} : memref<4x8x2048xf32, #tpu.memory_space<vmem>>, vector<1x1x16xf32>,
          %scan3A_1594 = arith.constant 8 : i32
          %scan3A_1595 = arith.addi %scan3A_1445, %scan3A_1594 : i32
          %mul3A_1596 = arith.constant 16 : i32
          %mul3A_1597 = arith.muli %scan3A_1595, %mul3A_1596 : i32
          %add3A_1598 = arith.constant 0 : i32
          %add3A_1599 = arith.addi %add3A_1598, %mul3A_1597 : i32
          %get3A_1600 = arith.constant 0 : i32
          %get3A_1601 = arith.index_cast %get3A_1600 : i32 to index
          %get3A_1602 = arith.index_cast %add3A_1439 : i32 to index
          %get3A_1603 = arith.index_cast %add3A_1599 : i32 to index
          %get3A_1604 = tpu.vector_load %arg8[%get3A_1601, %get3A_1602, %get3A_1603] {strides = array<i32>} : memref<2x8x2048xf32, #tpu.memory_space<vmem>>, vector<1x1x16xf32>,
          %get3A_1605 = vector.shape_cast %get3A_1604 : vector<1x1x16xf32> to vector<16xf32>
          %swap3A_1606 = arith.constant 3 : i32
          %swap3A_1607 = arith.index_cast %swap3A_1606 : i32 to index
          %swap3A_1608 = arith.index_cast %add3A_1439 : i32 to index
          %swap3A_1609 = arith.index_cast %add3A_1599 : i32 to index
          %swap3A_1610 = tpu.vector_load %arg7[%swap3A_1607, %swap3A_1608, %swap3A_1609] {strides = array<i32>} : memref<4x8x2048xf32, #tpu.memory_space<vmem>>, vector<1x1x16xf32>,
          %swap3A_1611 = vector.shape_cast %swap3A_1610 : vector<1x1x16xf32> to vector<16xf32>
          %swap3A_1612 = vector.shape_cast %get3A_1605 : vector<16xf32> to vector<1x1x16xf32>
          tpu.vector_store %arg7[%swap3A_1607, %swap3A_1608, %swap3A_1609], %swap3A_1612 {add = true, strides = array<i32>} : memref<4x8x2048xf32, #tpu.memory_space<vmem>>, vector<1x1x16xf32>,
          %scan3A_1613 = arith.constant 9 : i32
          %scan3A_1614 = arith.addi %scan3A_1445, %scan3A_1613 : i32
          %mul3A_1615 = arith.constant 16 : i32
          %mul3A_1616 = arith.muli %scan3A_1614, %mul3A_1615 : i32
          %add3A_1617 = arith.constant 0 : i32
          %add3A_1618 = arith.addi %add3A_1617, %mul3A_1616 : i32
          %get3A_1619 = arith.constant 0 : i32
          %get3A_1620 = arith.index_cast %get3A_1619 : i32 to index
          %get3A_1621 = arith.index_cast %add3A_1439 : i32 to index
          %get3A_1622 = arith.index_cast %add3A_1618 : i32 to index
          %get3A_1623 = tpu.vector_load %arg8[%get3A_1620, %get3A_1621, %get3A_1622] {strides = array<i32>} : memref<2x8x2048xf32, #tpu.memory_space<vmem>>, vector<1x1x16xf32>,
          %get3A_1624 = vector.shape_cast %get3A_1623 : vector<1x1x16xf32> to vector<16xf32>
          %swap3A_1625 = arith.constant 3 : i32
          %swap3A_1626 = arith.index_cast %swap3A_1625 : i32 to index
          %swap3A_1627 = arith.index_cast %add3A_1439 : i32 to index
          %swap3A_1628 = arith.index_cast %add3A_1618 : i32 to index
          %swap3A_1629 = tpu.vector_load %arg7[%swap3A_1626, %swap3A_1627, %swap3A_1628] {strides = array<i32>} : memref<4x8x2048xf32, #tpu.memory_space<vmem>>, vector<1x1x16xf32>,
          %swap3A_1630 = vector.shape_cast %swap3A_1629 : vector<1x1x16xf32> to vector<16xf32>
          %swap3A_1631 = vector.shape_cast %get3A_1624 : vector<16xf32> to vector<1x1x16xf32>
          tpu.vector_store %arg7[%swap3A_1626, %swap3A_1627, %swap3A_1628], %swap3A_1631 {add = true, strides = array<i32>} : memref<4x8x2048xf32, #tpu.memory_space<vmem>>, vector<1x1x16xf32>,
          %scan3A_1632 = arith.constant 10 : i32
          %scan3A_1633 = arith.addi %scan3A_1445, %scan3A_1632 : i32
          %mul3A_1634 = arith.constant 16 : i32
          %mul3A_1635 = arith.muli %scan3A_1633, %mul3A_1634 : i32
          %add3A_1636 = arith.constant 0 : i32
          %add3A_1637 = arith.addi %add3A_1636, %mul3A_1635 : i32
          %get3A_1638 = arith.constant 0 : i32
          %get3A_1639 = arith.index_cast %get3A_1638 : i32 to index
          %get3A_1640 = arith.index_cast %add3A_1439 : i32 to index
          %get3A_1641 = arith.index_cast %add3A_1637 : i32 to index
          %get3A_1642 = tpu.vector_load %arg8[%get3A_1639, %get3A_1640, %get3A_1641] {strides = array<i32>} : memref<2x8x2048xf32, #tpu.memory_space<vmem>>, vector<1x1x16xf32>,
          %get3A_1643 = vector.shape_cast %get3A_1642 : vector<1x1x16xf32> to vector<16xf32>
          %swap3A_1644 = arith.constant 3 : i32
          %swap3A_1645 = arith.index_cast %swap3A_1644 : i32 to index
          %swap3A_1646 = arith.index_cast %add3A_1439 : i32 to index
          %swap3A_1647 = arith.index_cast %add3A_1637 : i32 to index
          %swap3A_1648 = tpu.vector_load %arg7[%swap3A_1645, %swap3A_1646, %swap3A_1647] {strides = array<i32>} : memref<4x8x2048xf32, #tpu.memory_space<vmem>>, vector<1x1x16xf32>,
          %swap3A_1649 = vector.shape_cast %swap3A_1648 : vector<1x1x16xf32> to vector<16xf32>
          %swap3A_1650 = vector.shape_cast %get3A_1643 : vector<16xf32> to vector<1x1x16xf32>
          tpu.vector_store %arg7[%swap3A_1645, %swap3A_1646, %swap3A_1647], %swap3A_1650 {add = true, strides = array<i32>} : memref<4x8x2048xf32, #tpu.memory_space<vmem>>, vector<1x1x16xf32>,
          %scan3A_1651 = arith.constant 11 : i32
          %scan3A_1652 = arith.addi %scan3A_1445, %scan3A_1651 : i32
          %mul3A_1653 = arith.constant 16 : i32
          %mul3A_1654 = arith.muli %scan3A_1652, %mul3A_1653 : i32
          %add3A_1655 = arith.constant 0 : i32
          %add3A_1656 = arith.addi %add3A_1655, %mul3A_1654 : i32
          %get3A_1657 = arith.constant 0 : i32
          %get3A_1658 = arith.index_cast %get3A_1657 : i32 to index
          %get3A_1659 = arith.index_cast %add3A_1439 : i32 to index
          %get3A_1660 = arith.index_cast %add3A_1656 : i32 to index
          %get3A_1661 = tpu.vector_load %arg8[%get3A_1658, %get3A_1659, %get3A_1660] {strides = array<i32>} : memref<2x8x2048xf32, #tpu.memory_space<vmem>>, vector<1x1x16xf32>,
          %get3A_1662 = vector.shape_cast %get3A_1661 : vector<1x1x16xf32> to vector<16xf32>
          %swap3A_1663 = arith.constant 3 : i32
          %swap3A_1664 = arith.index_cast %swap3A_1663 : i32 to index
          %swap3A_1665 = arith.index_cast %add3A_1439 : i32 to index
          %swap3A_1666 = arith.index_cast %add3A_1656 : i32 to index
          %swap3A_1667 = tpu.vector_load %arg7[%swap3A_1664, %swap3A_1665, %swap3A_1666] {strides = array<i32>} : memref<4x8x2048xf32, #tpu.memory_space<vmem>>, vector<1x1x16xf32>,
          %swap3A_1668 = vector.shape_cast %swap3A_1667 : vector<1x1x16xf32> to vector<16xf32>
          %swap3A_1669 = vector.shape_cast %get3A_1662 : vector<16xf32> to vector<1x1x16xf32>
          tpu.vector_store %arg7[%swap3A_1664, %swap3A_1665, %swap3A_1666], %swap3A_1669 {add = true, strides = array<i32>} : memref<4x8x2048xf32, #tpu.memory_space<vmem>>, vector<1x1x16xf32>,
          %scan3A_1670 = arith.constant 12 : i32
          %scan3A_1671 = arith.addi %scan3A_1445, %scan3A_1670 : i32
          %mul3A_1672 = arith.constant 16 : i32
          %mul3A_1673 = arith.muli %scan3A_1671, %mul3A_1672 : i32
          %add3A_1674 = arith.constant 0 : i32
          %add3A_1675 = arith.addi %add3A_1674, %mul3A_1673 : i32
          %get3A_1676 = arith.constant 0 : i32
          %get3A_1677 = arith.index_cast %get3A_1676 : i32 to index
          %get3A_1678 = arith.index_cast %add3A_1439 : i32 to index
          %get3A_1679 = arith.index_cast %add3A_1675 : i32 to index
          %get3A_1680 = tpu.vector_load %arg8[%get3A_1677, %get3A_1678, %get3A_1679] {strides = array<i32>} : memref<2x8x2048xf32, #tpu.memory_space<vmem>>, vector<1x1x16xf32>,
          %get3A_1681 = vector.shape_cast %get3A_1680 : vector<1x1x16xf32> to vector<16xf32>
          %swap3A_1682 = arith.constant 3 : i32
          %swap3A_1683 = arith.index_cast %swap3A_1682 : i32 to index
          %swap3A_1684 = arith.index_cast %add3A_1439 : i32 to index
          %swap3A_1685 = arith.index_cast %add3A_1675 : i32 to index
          %swap3A_1686 = tpu.vector_load %arg7[%swap3A_1683, %swap3A_1684, %swap3A_1685] {strides = array<i32>} : memref<4x8x2048xf32, #tpu.memory_space<vmem>>, vector<1x1x16xf32>,
          %swap3A_1687 = vector.shape_cast %swap3A_1686 : vector<1x1x16xf32> to vector<16xf32>
          %swap3A_1688 = vector.shape_cast %get3A_1681 : vector<16xf32> to vector<1x1x16xf32>
          tpu.vector_store %arg7[%swap3A_1683, %swap3A_1684, %swap3A_1685], %swap3A_1688 {add = true, strides = array<i32>} : memref<4x8x2048xf32, #tpu.memory_space<vmem>>, vector<1x1x16xf32>,
          %scan3A_1689 = arith.constant 13 : i32
          %scan3A_1690 = arith.addi %scan3A_1445, %scan3A_1689 : i32
          %mul3A_1691 = arith.constant 16 : i32
          %mul3A_1692 = arith.muli %scan3A_1690, %mul3A_1691 : i32
          %add3A_1693 = arith.constant 0 : i32
          %add3A_1694 = arith.addi %add3A_1693, %mul3A_1692 : i32
          %get3A_1695 = arith.constant 0 : i32
          %get3A_1696 = arith.index_cast %get3A_1695 : i32 to index
          %get3A_1697 = arith.index_cast %add3A_1439 : i32 to index
          %get3A_1698 = arith.index_cast %add3A_1694 : i32 to index
          %get3A_1699 = tpu.vector_load %arg8[%get3A_1696, %get3A_1697, %get3A_1698] {strides = array<i32>} : memref<2x8x2048xf32, #tpu.memory_space<vmem>>, vector<1x1x16xf32>,
          %get3A_1700 = vector.shape_cast %get3A_1699 : vector<1x1x16xf32> to vector<16xf32>
          %swap3A_1701 = arith.constant 3 : i32
          %swap3A_1702 = arith.index_cast %swap3A_1701 : i32 to index
          %swap3A_1703 = arith.index_cast %add3A_1439 : i32 to index
          %swap3A_1704 = arith.index_cast %add3A_1694 : i32 to index
          %swap3A_1705 = tpu.vector_load %arg7[%swap3A_1702, %swap3A_1703, %swap3A_1704] {strides = array<i32>} : memref<4x8x2048xf32, #tpu.memory_space<vmem>>, vector<1x1x16xf32>,
          %swap3A_1706 = vector.shape_cast %swap3A_1705 : vector<1x1x16xf32> to vector<16xf32>
          %swap3A_1707 = vector.shape_cast %get3A_1700 : vector<16xf32> to vector<1x1x16xf32>
          tpu.vector_store %arg7[%swap3A_1702, %swap3A_1703, %swap3A_1704], %swap3A_1707 {add = true, strides = array<i32>} : memref<4x8x2048xf32, #tpu.memory_space<vmem>>, vector<1x1x16xf32>,
          %scan3A_1708 = arith.constant 14 : i32
          %scan3A_1709 = arith.addi %scan3A_1445, %scan3A_1708 : i32
          %mul3A_1710 = arith.constant 16 : i32
          %mul3A_1711 = arith.muli %scan3A_1709, %mul3A_1710 : i32
          %add3A_1712 = arith.constant 0 : i32
          %add3A_1713 = arith.addi %add3A_1712, %mul3A_1711 : i32
          %get3A_1714 = arith.constant 0 : i32
          %get3A_1715 = arith.index_cast %get3A_1714 : i32 to index
          %get3A_1716 = arith.index_cast %add3A_1439 : i32 to index
          %get3A_1717 = arith.index_cast %add3A_1713 : i32 to index
          %get3A_1718 = tpu.vector_load %arg8[%get3A_1715, %get3A_1716, %get3A_1717] {strides = array<i32>} : memref<2x8x2048xf32, #tpu.memory_space<vmem>>, vector<1x1x16xf32>,
          %get3A_1719 = vector.shape_cast %get3A_1718 : vector<1x1x16xf32> to vector<16xf32>
          %swap3A_1720 = arith.constant 3 : i32
          %swap3A_1721 = arith.index_cast %swap3A_1720 : i32 to index
          %swap3A_1722 = arith.index_cast %add3A_1439 : i32 to index
          %swap3A_1723 = arith.index_cast %add3A_1713 : i32 to index
          %swap3A_1724 = tpu.vector_load %arg7[%swap3A_1721, %swap3A_1722, %swap3A_1723] {strides = array<i32>} : memref<4x8x2048xf32, #tpu.memory_space<vmem>>, vector<1x1x16xf32>,
          %swap3A_1725 = vector.shape_cast %swap3A_1724 : vector<1x1x16xf32> to vector<16xf32>
          %swap3A_1726 = vector.shape_cast %get3A_1719 : vector<16xf32> to vector<1x1x16xf32>
          tpu.vector_store %arg7[%swap3A_1721, %swap3A_1722, %swap3A_1723], %swap3A_1726 {add = true, strides = array<i32>} : memref<4x8x2048xf32, #tpu.memory_space<vmem>>, vector<1x1x16xf32>,
          %scan3A_1727 = arith.constant 15 : i32
          %scan3A_1728 = arith.addi %scan3A_1445, %scan3A_1727 : i32
          %mul3A_1729 = arith.constant 16 : i32
          %mul3A_1730 = arith.muli %scan3A_1728, %mul3A_1729 : i32
          %add3A_1731 = arith.constant 0 : i32
          %add3A_1732 = arith.addi %add3A_1731, %mul3A_1730 : i32
          %get3A_1733 = arith.constant 0 : i32
          %get3A_1734 = arith.index_cast %get3A_1733 : i32 to index
          %get3A_1735 = arith.index_cast %add3A_1439 : i32 to index
          %get3A_1736 = arith.index_cast %add3A_1732 : i32 to index
          %get3A_1737 = tpu.vector_load %arg8[%get3A_1734, %get3A_1735, %get3A_1736] {strides = array<i32>} : memref<2x8x2048xf32, #tpu.memory_space<vmem>>, vector<1x1x16xf32>,
          %get3A_1738 = vector.shape_cast %get3A_1737 : vector<1x1x16xf32> to vector<16xf32>
          %swap3A_1739 = arith.constant 3 : i32
          %swap3A_1740 = arith.index_cast %swap3A_1739 : i32 to index
          %swap3A_1741 = arith.index_cast %add3A_1439 : i32 to index
          %swap3A_1742 = arith.index_cast %add3A_1732 : i32 to index
          %swap3A_1743 = tpu.vector_load %arg7[%swap3A_1740, %swap3A_1741, %swap3A_1742] {strides = array<i32>} : memref<4x8x2048xf32, #tpu.memory_space<vmem>>, vector<1x1x16xf32>,
          %swap3A_1744 = vector.shape_cast %swap3A_1743 : vector<1x1x16xf32> to vector<16xf32>
          %swap3A_1745 = vector.shape_cast %get3A_1738 : vector<16xf32> to vector<1x1x16xf32>
          tpu.vector_store %arg7[%swap3A_1740, %swap3A_1741, %swap3A_1742], %swap3A_1745 {add = true, strides = array<i32>} : memref<4x8x2048xf32, #tpu.memory_space<vmem>>, vector<1x1x16xf32>,
        }
        %scan3A_1444 = arith.constant 128 : i32
      }
      %scan3A_758 = arith.constant 8 : i32
      %jit3A_759 = arith.constant 4 : i32
      %div3A_760 = arith.divsi %add3A_670, %jit3A_759 : i32
      %sign3A_761 = arith.constant 0 : i32
      %sign3A_762 = arith.cmpi sgt, %add3A_670, %sign3A_761 : i32
      %sign3A_763 = arith.extui %sign3A_762 : i1 to i32
      %sign3A_764 = arith.constant 0 : i32
      %sign3A_765 = arith.cmpi slt, %add3A_670, %sign3A_764 : i32
      %sign3A_766 = arith.extui %sign3A_765 : i1 to i32
      %sign3A_767 = arith.subi %sign3A_763, %sign3A_766 : i32
      %sign3A_768 = arith.constant 0 : i32
      %sign3A_769 = arith.cmpi sgt, %jit3A_759, %sign3A_768 : i32
      %sign3A_770 = arith.extui %sign3A_769 : i1 to i32
      %sign3A_771 = arith.constant 0 : i32
      %sign3A_772 = arith.cmpi slt, %jit3A_759, %sign3A_771 : i32
      %sign3A_773 = arith.extui %sign3A_772 : i1 to i32
      %sign3A_774 = arith.subi %sign3A_770, %sign3A_773 : i32
      %ne3A_775 = arith.cmpi ne, %sign3A_767, %sign3A_774 : i32
      %rem3A_776 = arith.remsi %add3A_670, %jit3A_759 : i32
      %ne3A_777 = arith.constant 0 : i32
      %ne3A_778 = arith.cmpi ne, %rem3A_776, %ne3A_777 : i32
      %and3A_779 = arith.andi %ne3A_775, %ne3A_778 : i1
      %sub3A_780 = arith.constant 1 : i32
      %sub3A_781 = arith.subi %div3A_760, %sub3A_780 : i32
      %select_n3A_782 = arith.select %and3A_779, %sub3A_781, %div3A_760 : i32
      %jit3A_783 = arith.constant 4 : i32
      %eq3A_784 = arith.constant 0 : i32
      %eq3A_785 = arith.cmpi eq, %jit3A_783, %eq3A_784 : i32
      %jit3A_786 = arith.constant 1 : i32
      %select_n3A_787 = arith.select %eq3A_785, %jit3A_786, %jit3A_783 : i32
      %rem3A_788 = arith.remsi %add3A_670, %select_n3A_787 : i32
      %ne3A_789 = arith.constant 0 : i32
      %ne3A_790 = arith.cmpi ne, %rem3A_788, %ne3A_789 : i32
      %lt3A_791 = arith.constant 0 : i32
      %lt3A_792 = arith.cmpi slt, %rem3A_788, %lt3A_791 : i32
      %lt3A_793 = arith.constant 0 : i32
      %lt3A_794 = arith.cmpi slt, %select_n3A_787, %lt3A_793 : i32
      %ne3A_795 = arith.xori %lt3A_792, %lt3A_794 : i1
      %and3A_796 = arith.andi %ne3A_795, %ne3A_790 : i1
      %add3A_797 = arith.addi %rem3A_788, %select_n3A_787 : i32
      %select_n3A_798 = arith.select %and3A_796, %add3A_797, %rem3A_788 : i32
      %mul3A_799 = arith.constant 2048 : i32
      %mul3A_800 = arith.muli %select_n3A_798, %mul3A_799 : i32
      %add3A_801 = arith.addi %mul3A_800, %mul3A_2 : i32
      %mul3A_802 = arith.constant 8 : i32
      %mul3A_803 = arith.muli %select_n3A_782, %mul3A_802 : i32
      %add3A_804 = arith.addi %add3A_801, %mul3A_803 : i32
      %dma_start3A_805 = arith.constant 3 : i32
      %dma_start3A_806 = arith.constant 0 : i32
      %dma_start3A_807 = arith.constant 0 : i32
      %dma_start3A_808 = tpu.memref_slice %arg7[%dma_start3A_805, %dma_start3A_806, %dma_start3A_807] : memref<4x8x2048xf32, #tpu.memory_space<vmem>> -> memref<1x8x2048xf32, #tpu.memory_space<vmem>>
      %dma_start3A_809 = tpu.memref_squeeze %dma_start3A_808 : memref<1x8x2048xf32, #tpu.memory_space<vmem>> -> memref<8x2048xf32, #tpu.memory_space<vmem>>
      %dma_start3A_810 = arith.constant 0 : i32
      %dma_start3A_811 = tpu.memref_slice %arg5[%add3A_804, %dma_start3A_810] : memref<8192x2048xf32, #tpu.memory_space<hbm>> -> memref<8x2048xf32, #tpu.memory_space<hbm>>
      %dma_start3A_812 = arith.constant 0 : i32
      %dma_start3A_813 = tpu.memref_slice %arg5[%add3A_804, %dma_start3A_812] : memref<8192x2048xf32, #tpu.memory_space<hbm>> -> memref<8x2048xf32, #tpu.memory_space<hbm>>
      %dma_start3A_814 = arith.constant 0 : i32
      %dma_start3A_815 = arith.constant 0 : i32
      %dma_start3A_816 = tpu.memref_slice %arg7[%dma_start3A_805, %dma_start3A_814, %dma_start3A_815] : memref<4x8x2048xf32, #tpu.memory_space<vmem>> -> memref<1x8x2048xf32, #tpu.memory_space<vmem>>
      %dma_start3A_817 = tpu.memref_squeeze %dma_start3A_816 : memref<1x8x2048xf32, #tpu.memory_space<vmem>> -> memref<8x2048xf32, #tpu.memory_space<vmem>>
      tpu.enqueue_dma source(%dma_start3A_817 : memref<8x2048xf32, #tpu.memory_space<vmem>>) target(%dma_start3A_813 : memref<8x2048xf32, #tpu.memory_space<hbm>>) target_semaphore(%arg16 : memref<!tpu.dma_semaphore, #tpu.memory_space<semaphore_mem>>)
      %add3A_818 = arith.constant 4 : i32
      %add3A_819 = arith.addi %add3A_212, %add3A_818 : i32
      %jit3A_820 = arith.constant 4 : i32
      %div3A_821 = arith.divsi %add3A_819, %jit3A_820 : i32
      %sign3A_822 = arith.constant 0 : i32
      %sign3A_823 = arith.cmpi sgt, %add3A_819, %sign3A_822 : i32
      %sign3A_824 = arith.extui %sign3A_823 : i1 to i32
      %sign3A_825 = arith.constant 0 : i32
      %sign3A_826 = arith.cmpi slt, %add3A_819, %sign3A_825 : i32
      %sign3A_827 = arith.extui %sign3A_826 : i1 to i32
      %sign3A_828 = arith.subi %sign3A_824, %sign3A_827 : i32
      %sign3A_829 = arith.constant 0 : i32
      %sign3A_830 = arith.cmpi sgt, %jit3A_820, %sign3A_829 : i32
      %sign3A_831 = arith.extui %sign3A_830 : i1 to i32
      %sign3A_832 = arith.constant 0 : i32
      %sign3A_833 = arith.cmpi slt, %jit3A_820, %sign3A_832 : i32
      %sign3A_834 = arith.extui %sign3A_833 : i1 to i32
      %sign3A_835 = arith.subi %sign3A_831, %sign3A_834 : i32
      %ne3A_836 = arith.cmpi ne, %sign3A_828, %sign3A_835 : i32
      %rem3A_837 = arith.remsi %add3A_819, %jit3A_820 : i32
      %ne3A_838 = arith.constant 0 : i32
      %ne3A_839 = arith.cmpi ne, %rem3A_837, %ne3A_838 : i32
      %and3A_840 = arith.andi %ne3A_836, %ne3A_839 : i1
      %sub3A_841 = arith.constant 1 : i32
      %sub3A_842 = arith.subi %div3A_821, %sub3A_841 : i32
      %select_n3A_843 = arith.select %and3A_840, %sub3A_842, %div3A_821 : i32
      %mul3A_844 = arith.constant 8 : i32
      %mul3A_845 = arith.muli %select_n3A_843, %mul3A_844 : i32
      %add3A_846 = arith.addi %mul3A_2, %mul3A_845 : i32
      %dma_wait3A_847 = arith.constant 1 : i32
      %dma_wait3A_848 = arith.constant 0 : i32
      %dma_wait3A_849 = arith.constant 0 : i32
      %dma_wait3A_850 = tpu.memref_slice %arg8[%dma_wait3A_847, %dma_wait3A_848, %dma_wait3A_849] : memref<2x8x2048xf32, #tpu.memory_space<vmem>> -> memref<1x8x2048xf32, #tpu.memory_space<vmem>>
      %dma_wait3A_851 = tpu.memref_squeeze %dma_wait3A_850 : memref<1x8x2048xf32, #tpu.memory_space<vmem>> -> memref<8x2048xf32, #tpu.memory_space<vmem>>
      %dma_wait3A_852 = arith.constant 0 : i32
      %dma_wait3A_853 = tpu.memref_slice %arg4[%add3A_846, %dma_wait3A_852] : memref<2048x2048xf32, #tpu.memory_space<hbm>> -> memref<8x2048xf32, #tpu.memory_space<hbm>>
      %dma_wait3A_854 = arith.constant 0 : i32
      %dma_wait3A_855 = arith.constant 0 : i32
      %dma_wait3A_856 = tpu.memref_slice %arg8[%dma_wait3A_847, %dma_wait3A_854, %dma_wait3A_855] : memref<2x8x2048xf32, #tpu.memory_space<vmem>> -> memref<1x8x2048xf32, #tpu.memory_space<vmem>>
      %dma_wait3A_857 = tpu.memref_squeeze %dma_wait3A_856 : memref<1x8x2048xf32, #tpu.memory_space<vmem>> -> memref<8x2048xf32, #tpu.memory_space<vmem>>
      %dma_wait3A_858 = arith.constant 0 : i32
      %dma_wait3A_859 = tpu.memref_slice %arg4[%add3A_846, %dma_wait3A_858] : memref<2048x2048xf32, #tpu.memory_space<hbm>> -> memref<8x2048xf32, #tpu.memory_space<hbm>>
      tpu.wait_dma2 semaphore(%arg18 : memref<!tpu.dma_semaphore, #tpu.memory_space<semaphore_mem>>) src(%dma_wait3A_859 : memref<8x2048xf32, #tpu.memory_space<hbm>>) dst(%dma_wait3A_857 : memref<8x2048xf32, #tpu.memory_space<vmem>>)
      %lt3A_860 = arith.constant 7 : i32
      %lt3A_861 = arith.cmpi slt, %select_n3A_843, %lt3A_860 : i32
      %convert_element_type3A_862 = arith.extui %lt3A_861 : i1 to i32
      %cond3A_863 = arith.constant 0 : i32
      %cond3A_864 = arith.cmpi ne, %convert_element_type3A_862, %cond3A_863 : i32
      scf.if %cond3A_864 {
        %add3A_1435 = arith.constant 1 : i32
        %add3A_1436 = arith.addi %select_n3A_843, %add3A_1435 : i32
        %mul3A_1437 = arith.constant 8 : i32
        %mul3A_1438 = arith.muli %add3A_1436, %mul3A_1437 : i32
        %add3A_1439 = arith.addi %mul3A_2, %mul3A_1438 : i32
        %dma_start3A_1440 = arith.constant 0 : i32
        %dma_start3A_1441 = arith.constant 0 : i32
        %dma_start3A_1442 = arith.constant 0 : i32
        %dma_start3A_1443 = tpu.memref_slice %arg8[%dma_start3A_1440, %dma_start3A_1441, %dma_start3A_1442] : memref<2x8x2048xf32, #tpu.memory_space<vmem>> -> memref<1x8x2048xf32, #tpu.memory_space<vmem>>
        %dma_start3A_1444 = tpu.memref_squeeze %dma_start3A_1443 : memref<1x8x2048xf32, #tpu.memory_space<vmem>> -> memref<8x2048xf32, #tpu.memory_space<vmem>>
        %dma_start3A_1445 = arith.constant 0 : i32
        %dma_start3A_1446 = tpu.memref_slice %arg4[%add3A_1439, %dma_start3A_1445] : memref<2048x2048xf32, #tpu.memory_space<hbm>> -> memref<8x2048xf32, #tpu.memory_space<hbm>>
        %dma_start3A_1447 = arith.constant 0 : i32
        %dma_start3A_1448 = arith.constant 0 : i32
        %dma_start3A_1449 = tpu.memref_slice %arg8[%dma_start3A_1440, %dma_start3A_1447, %dma_start3A_1448] : memref<2x8x2048xf32, #tpu.memory_space<vmem>> -> memref<1x8x2048xf32, #tpu.memory_space<vmem>>
        %dma_start3A_1450 = tpu.memref_squeeze %dma_start3A_1449 : memref<1x8x2048xf32, #tpu.memory_space<vmem>> -> memref<8x2048xf32, #tpu.memory_space<vmem>>
        %dma_start3A_1451 = arith.constant 0 : i32
        %dma_start3A_1452 = tpu.memref_slice %arg4[%add3A_1439, %dma_start3A_1451] : memref<2048x2048xf32, #tpu.memory_space<hbm>> -> memref<8x2048xf32, #tpu.memory_space<hbm>>
        tpu.enqueue_dma source(%dma_start3A_1452 : memref<8x2048xf32, #tpu.memory_space<hbm>>) target(%dma_start3A_1450 : memref<8x2048xf32, #tpu.memory_space<vmem>>) target_semaphore(%arg17 : memref<!tpu.dma_semaphore, #tpu.memory_space<semaphore_mem>>)
      } else {
      }
      %jit3A_865 = arith.constant 4 : i32
      %div3A_866 = arith.divsi %add3A_819, %jit3A_865 : i32
      %sign3A_867 = arith.constant 0 : i32
      %sign3A_868 = arith.cmpi sgt, %add3A_819, %sign3A_867 : i32
      %sign3A_869 = arith.extui %sign3A_868 : i1 to i32
      %sign3A_870 = arith.constant 0 : i32
      %sign3A_871 = arith.cmpi slt, %add3A_819, %sign3A_870 : i32
      %sign3A_872 = arith.extui %sign3A_871 : i1 to i32
      %sign3A_873 = arith.subi %sign3A_869, %sign3A_872 : i32
      %sign3A_874 = arith.constant 0 : i32
      %sign3A_875 = arith.cmpi sgt, %jit3A_865, %sign3A_874 : i32
      %sign3A_876 = arith.extui %sign3A_875 : i1 to i32
      %sign3A_877 = arith.constant 0 : i32
      %sign3A_878 = arith.cmpi slt, %jit3A_865, %sign3A_877 : i32
      %sign3A_879 = arith.extui %sign3A_878 : i1 to i32
      %sign3A_880 = arith.subi %sign3A_876, %sign3A_879 : i32
      %ne3A_881 = arith.cmpi ne, %sign3A_873, %sign3A_880 : i32
      %rem3A_882 = arith.remsi %add3A_819, %jit3A_865 : i32
      %ne3A_883 = arith.constant 0 : i32
      %ne3A_884 = arith.cmpi ne, %rem3A_882, %ne3A_883 : i32
      %and3A_885 = arith.andi %ne3A_881, %ne3A_884 : i1
      %sub3A_886 = arith.constant 1 : i32
      %sub3A_887 = arith.subi %div3A_866, %sub3A_886 : i32
      %select_n3A_888 = arith.select %and3A_885, %sub3A_887, %div3A_866 : i32
      %jit3A_889 = arith.constant 4 : i32
      %eq3A_890 = arith.constant 0 : i32
      %eq3A_891 = arith.cmpi eq, %jit3A_889, %eq3A_890 : i32
      %jit3A_892 = arith.constant 1 : i32
      %select_n3A_893 = arith.select %eq3A_891, %jit3A_892, %jit3A_889 : i32
      %rem3A_894 = arith.remsi %add3A_819, %select_n3A_893 : i32
      %ne3A_895 = arith.constant 0 : i32
      %ne3A_896 = arith.cmpi ne, %rem3A_894, %ne3A_895 : i32
      %lt3A_897 = arith.constant 0 : i32
      %lt3A_898 = arith.cmpi slt, %rem3A_894, %lt3A_897 : i32
      %lt3A_899 = arith.constant 0 : i32
      %lt3A_900 = arith.cmpi slt, %select_n3A_893, %lt3A_899 : i32
      %ne3A_901 = arith.xori %lt3A_898, %lt3A_900 : i1
      %and3A_902 = arith.andi %ne3A_901, %ne3A_896 : i1
      %add3A_903 = arith.addi %rem3A_894, %select_n3A_893 : i32
      %select_n3A_904 = arith.select %and3A_902, %add3A_903, %rem3A_894 : i32
      %mul3A_905 = arith.constant 8 : i32
      %mul3A_906 = arith.muli %select_n3A_888, %mul3A_905 : i32
      %dma_wait3A_907 = arith.constant 0 : i32
      %dma_wait3A_908 = arith.constant 0 : i32
      %dma_wait3A_909 = arith.constant 0 : i32
      %dma_wait3A_910 = tpu.memref_slice %arg7[%dma_wait3A_907, %dma_wait3A_908, %dma_wait3A_909] : memref<4x8x2048xf32, #tpu.memory_space<vmem>> -> memref<1x8x2048xf32, #tpu.memory_space<vmem>>
      %dma_wait3A_911 = tpu.memref_squeeze %dma_wait3A_910 : memref<1x8x2048xf32, #tpu.memory_space<vmem>> -> memref<8x2048xf32, #tpu.memory_space<vmem>>
      %dma_wait3A_912 = tpu.memref_slice %arg6[%select_n3A_904, %mul3A_906] : memref<4x64xi32, #tpu.memory_space<vmem>> -> memref<1x8xi32, #tpu.memory_space<vmem>>
      %dma_wait3A_913 = tpu.memref_squeeze %dma_wait3A_912 : memref<1x8xi32, #tpu.memory_space<vmem>> -> memref<8xi32, #tpu.memory_space<vmem>>
      %dma_wait3A_914 = arith.constant 0 : i32
      %dma_wait3A_915 = arith.constant 0 : i32
      %dma_wait3A_916 = tpu.memref_slice %arg2[%dma_wait3A_914, %dma_wait3A_915] : memref<100000x2048xf32, #tpu.memory_space<hbm>> -> memref<100000x2048xf32, #tpu.memory_space<hbm>>
      tpu.wait_indirect_dma semaphore(%arg9 : memref<!tpu.dma_semaphore, #tpu.memory_space<semaphore_mem>>) src(%dma_wait3A_916 : memref<100000x2048xf32, #tpu.memory_space<hbm>>) dst(%dma_wait3A_911 : memref<8x2048xf32, #tpu.memory_space<vmem>>)
      %add3A_917 = arith.constant 2 : i32
      %add3A_918 = arith.addi %add3A_819, %add3A_917 : i32
      %lt3A_919 = arith.constant 32 : i32
      %lt3A_920 = arith.cmpi slt, %add3A_918, %lt3A_919 : i32
      %convert_element_type3A_921 = arith.extui %lt3A_920 : i1 to i32
      %cond3A_922 = arith.constant 0 : i32
      %cond3A_923 = arith.cmpi ne, %convert_element_type3A_921, %cond3A_922 : i32
      scf.if %cond3A_923 {
        %ge3A = arith.constant 2 : i32
        %ge3A_1435 = arith.cmpi sge, %add3A_819, %ge3A : i32
        %convert_element_type3A_1436 = arith.extui %ge3A_1435 : i1 to i32
        %cond3A_1437 = arith.constant 0 : i32
        %cond3A_1438 = arith.cmpi ne, %convert_element_type3A_1436, %cond3A_1437 : i32
        scf.if %cond3A_1438 {
          %sub3A_1493 = arith.constant 2 : i32
          %sub3A_1494 = arith.subi %add3A_819, %sub3A_1493 : i32
          %jit3A_1495 = arith.constant 4 : i32
          %div3A_1496 = arith.divsi %sub3A_1494, %jit3A_1495 : i32
          %sign3A_1497 = arith.constant 0 : i32
          %sign3A_1498 = arith.cmpi sgt, %sub3A_1494, %sign3A_1497 : i32
          %sign3A_1499 = arith.extui %sign3A_1498 : i1 to i32
          %sign3A_1500 = arith.constant 0 : i32
          %sign3A_1501 = arith.cmpi slt, %sub3A_1494, %sign3A_1500 : i32
          %sign3A_1502 = arith.extui %sign3A_1501 : i1 to i32
          %sign3A_1503 = arith.subi %sign3A_1499, %sign3A_1502 : i32
          %sign3A_1504 = arith.constant 0 : i32
          %sign3A_1505 = arith.cmpi sgt, %jit3A_1495, %sign3A_1504 : i32
          %sign3A_1506 = arith.extui %sign3A_1505 : i1 to i32
          %sign3A_1507 = arith.constant 0 : i32
          %sign3A_1508 = arith.cmpi slt, %jit3A_1495, %sign3A_1507 : i32
          %sign3A_1509 = arith.extui %sign3A_1508 : i1 to i32
          %sign3A_1510 = arith.subi %sign3A_1506, %sign3A_1509 : i32
          %ne3A_1511 = arith.cmpi ne, %sign3A_1503, %sign3A_1510 : i32
          %rem3A_1512 = arith.remsi %sub3A_1494, %jit3A_1495 : i32
          %ne3A_1513 = arith.constant 0 : i32
          %ne3A_1514 = arith.cmpi ne, %rem3A_1512, %ne3A_1513 : i32
          %and3A_1515 = arith.andi %ne3A_1511, %ne3A_1514 : i1
          %sub3A_1516 = arith.constant 1 : i32
          %sub3A_1517 = arith.subi %div3A_1496, %sub3A_1516 : i32
          %select_n3A_1518 = arith.select %and3A_1515, %sub3A_1517, %div3A_1496 : i32
          %jit3A_1519 = arith.constant 4 : i32
          %eq3A_1520 = arith.constant 0 : i32
          %eq3A_1521 = arith.cmpi eq, %jit3A_1519, %eq3A_1520 : i32
          %jit3A_1522 = arith.constant 1 : i32
          %select_n3A_1523 = arith.select %eq3A_1521, %jit3A_1522, %jit3A_1519 : i32
          %rem3A_1524 = arith.remsi %sub3A_1494, %select_n3A_1523 : i32
          %ne3A_1525 = arith.constant 0 : i32
          %ne3A_1526 = arith.cmpi ne, %rem3A_1524, %ne3A_1525 : i32
          %lt3A_1527 = arith.constant 0 : i32
          %lt3A_1528 = arith.cmpi slt, %rem3A_1524, %lt3A_1527 : i32
          %lt3A_1529 = arith.constant 0 : i32
          %lt3A_1530 = arith.cmpi slt, %select_n3A_1523, %lt3A_1529 : i32
          %ne3A_1531 = arith.xori %lt3A_1528, %lt3A_1530 : i1
          %and3A_1532 = arith.andi %ne3A_1531, %ne3A_1526 : i1
          %add3A_1533 = arith.addi %rem3A_1524, %select_n3A_1523 : i32
          %select_n3A_1534 = arith.select %and3A_1532, %add3A_1533, %rem3A_1524 : i32
          %mul3A_1535 = arith.constant 2048 : i32
          %mul3A_1536 = arith.muli %select_n3A_1534, %mul3A_1535 : i32
          %add3A_1537 = arith.addi %mul3A_1536, %mul3A_2 : i32
          %mul3A_1538 = arith.constant 8 : i32
          %mul3A_1539 = arith.muli %select_n3A_1518, %mul3A_1538 : i32
          %add3A_1540 = arith.addi %add3A_1537, %mul3A_1539 : i32
          %dma_wait3A_1541 = arith.constant 2 : i32
          %dma_wait3A_1542 = arith.constant 0 : i32
          %dma_wait3A_1543 = arith.constant 0 : i32
          %dma_wait3A_1544 = tpu.memref_slice %arg7[%dma_wait3A_1541, %dma_wait3A_1542, %dma_wait3A_1543] : memref<4x8x2048xf32, #tpu.memory_space<vmem>> -> memref<1x8x2048xf32, #tpu.memory_space<vmem>>
          %dma_wait3A_1545 = tpu.memref_squeeze %dma_wait3A_1544 : memref<1x8x2048xf32, #tpu.memory_space<vmem>> -> memref<8x2048xf32, #tpu.memory_space<vmem>>
          %dma_wait3A_1546 = arith.constant 0 : i32
          %dma_wait3A_1547 = tpu.memref_slice %arg5[%add3A_1540, %dma_wait3A_1546] : memref<8192x2048xf32, #tpu.memory_space<hbm>> -> memref<8x2048xf32, #tpu.memory_space<hbm>>
          %dma_wait3A_1548 = arith.constant 0 : i32
          %dma_wait3A_1549 = tpu.memref_slice %arg5[%add3A_1540, %dma_wait3A_1548] : memref<8192x2048xf32, #tpu.memory_space<hbm>> -> memref<8x2048xf32, #tpu.memory_space<hbm>>
          %dma_wait3A_1550 = arith.constant 0 : i32
          %dma_wait3A_1551 = arith.constant 0 : i32
          %dma_wait3A_1552 = tpu.memref_slice %arg7[%dma_wait3A_1541, %dma_wait3A_1550, %dma_wait3A_1551] : memref<4x8x2048xf32, #tpu.memory_space<vmem>> -> memref<1x8x2048xf32, #tpu.memory_space<vmem>>
          %dma_wait3A_1553 = tpu.memref_squeeze %dma_wait3A_1552 : memref<1x8x2048xf32, #tpu.memory_space<vmem>> -> memref<8x2048xf32, #tpu.memory_space<vmem>>
          tpu.wait_dma2 semaphore(%arg15 : memref<!tpu.dma_semaphore, #tpu.memory_space<semaphore_mem>>) src(%dma_wait3A_1553 : memref<8x2048xf32, #tpu.memory_space<vmem>>) dst(%dma_wait3A_1549 : memref<8x2048xf32, #tpu.memory_space<hbm>>)
        } else {
        }
        %add3A_1439 = arith.constant 2 : i32
        %add3A_1440 = arith.addi %add3A_819, %add3A_1439 : i32
        %jit3A_1441 = arith.constant 4 : i32
        %div3A_1442 = arith.divsi %add3A_1440, %jit3A_1441 : i32
        %sign3A_1443 = arith.constant 0 : i32
        %sign3A_1444 = arith.cmpi sgt, %add3A_1440, %sign3A_1443 : i32
        %sign3A_1445 = arith.extui %sign3A_1444 : i1 to i32
        %sign3A_1446 = arith.constant 0 : i32
        %sign3A_1447 = arith.cmpi slt, %add3A_1440, %sign3A_1446 : i32
        %sign3A_1448 = arith.extui %sign3A_1447 : i1 to i32
        %sign3A_1449 = arith.subi %sign3A_1445, %sign3A_1448 : i32
        %sign3A_1450 = arith.constant 0 : i32
        %sign3A_1451 = arith.cmpi sgt, %jit3A_1441, %sign3A_1450 : i32
        %sign3A_1452 = arith.extui %sign3A_1451 : i1 to i32
        %sign3A_1453 = arith.constant 0 : i32
        %sign3A_1454 = arith.cmpi slt, %jit3A_1441, %sign3A_1453 : i32
        %sign3A_1455 = arith.extui %sign3A_1454 : i1 to i32
        %sign3A_1456 = arith.subi %sign3A_1452, %sign3A_1455 : i32
        %ne3A_1457 = arith.cmpi ne, %sign3A_1449, %sign3A_1456 : i32
        %rem3A_1458 = arith.remsi %add3A_1440, %jit3A_1441 : i32
        %ne3A_1459 = arith.constant 0 : i32
        %ne3A_1460 = arith.cmpi ne, %rem3A_1458, %ne3A_1459 : i32
        %and3A_1461 = arith.andi %ne3A_1457, %ne3A_1460 : i1
        %sub3A_1462 = arith.constant 1 : i32
        %sub3A_1463 = arith.subi %div3A_1442, %sub3A_1462 : i32
        %select_n3A_1464 = arith.select %and3A_1461, %sub3A_1463, %div3A_1442 : i32
        %jit3A_1465 = arith.constant 4 : i32
        %eq3A_1466 = arith.constant 0 : i32
        %eq3A_1467 = arith.cmpi eq, %jit3A_1465, %eq3A_1466 : i32
        %jit3A_1468 = arith.constant 1 : i32
        %select_n3A_1469 = arith.select %eq3A_1467, %jit3A_1468, %jit3A_1465 : i32
        %rem3A_1470 = arith.remsi %add3A_1440, %select_n3A_1469 : i32
        %ne3A_1471 = arith.constant 0 : i32
        %ne3A_1472 = arith.cmpi ne, %rem3A_1470, %ne3A_1471 : i32
        %lt3A_1473 = arith.constant 0 : i32
        %lt3A_1474 = arith.cmpi slt, %rem3A_1470, %lt3A_1473 : i32
        %lt3A_1475 = arith.constant 0 : i32
        %lt3A_1476 = arith.cmpi slt, %select_n3A_1469, %lt3A_1475 : i32
        %ne3A_1477 = arith.xori %lt3A_1474, %lt3A_1476 : i1
        %and3A_1478 = arith.andi %ne3A_1477, %ne3A_1472 : i1
        %add3A_1479 = arith.addi %rem3A_1470, %select_n3A_1469 : i32
        %select_n3A_1480 = arith.select %and3A_1478, %add3A_1479, %rem3A_1470 : i32
        %mul3A_1481 = arith.constant 8 : i32
        %mul3A_1482 = arith.muli %select_n3A_1464, %mul3A_1481 : i32
        %dma_start3A_1483 = arith.constant 2 : i32
        %dma_start3A_1484 = arith.constant 0 : i32
        %dma_start3A_1485 = arith.constant 0 : i32
        %dma_start3A_1486 = tpu.memref_slice %arg7[%dma_start3A_1483, %dma_start3A_1484, %dma_start3A_1485] : memref<4x8x2048xf32, #tpu.memory_space<vmem>> -> memref<1x8x2048xf32, #tpu.memory_space<vmem>>
        %dma_start3A_1487 = tpu.memref_squeeze %dma_start3A_1486 : memref<1x8x2048xf32, #tpu.memory_space<vmem>> -> memref<8x2048xf32, #tpu.memory_space<vmem>>
        %dma_start3A_1488 = tpu.memref_slice %arg6[%select_n3A_1480, %mul3A_1482] : memref<4x64xi32, #tpu.memory_space<vmem>> -> memref<1x8xi32, #tpu.memory_space<vmem>>
        %dma_start3A_1489 = tpu.memref_squeeze %dma_start3A_1488 : memref<1x8xi32, #tpu.memory_space<vmem>> -> memref<8xi32, #tpu.memory_space<vmem>>
        %dma_start3A_1490 = arith.constant 0 : i32
        %dma_start3A_1491 = arith.constant 0 : i32
        %dma_start3A_1492 = tpu.memref_slice %arg2[%dma_start3A_1490, %dma_start3A_1491] : memref<100000x2048xf32, #tpu.memory_space<hbm>> -> memref<100000x2048xf32, #tpu.memory_space<hbm>>
        tpu.enqueue_indirect_dma source(%dma_start3A_1492 : memref<100000x2048xf32, #tpu.memory_space<hbm>>) target(%dma_start3A_1487 : memref<8x2048xf32, #tpu.memory_space<vmem>>) offsets(%dma_start3A_1489 : memref<8xi32, #tpu.memory_space<vmem>>) semaphore(%arg11 : memref<!tpu.dma_semaphore, #tpu.memory_space<semaphore_mem>>)
      } else {
      }
      %scan3A_924 = arith.constant 0 : i32
      %scan3A_925 = arith.constant 8 : i32
      %scan3A_926 = arith.addi %scan3A_924, %scan3A_925 : i32
      %scan3A_927 = arith.constant 1 : i32
      scf.for %scan3A_1435 = %scan3A_924 to %scan3A_926 step %scan3A_927  : i32 {
        %mul3A_1436 = arith.constant 1 : i32
        %mul3A_1437 = arith.muli %scan3A_1435, %mul3A_1436 : i32
        %add3A_1438 = arith.constant 0 : i32
        %add3A_1439 = arith.addi %add3A_1438, %mul3A_1437 : i32
        %scan3A_1440 = arith.constant 0 : i32
        %scan3A_1441 = arith.constant 128 : i32
        %scan3A_1442 = arith.addi %scan3A_1440, %scan3A_1441 : i32
        %scan3A_1443 = arith.constant 16 : i32
        scf.for %scan3A_1445 = %scan3A_1440 to %scan3A_1442 step %scan3A_1443  : i32 {
          %mul3A_1446 = arith.constant 16 : i32
          %mul3A_1447 = arith.muli %scan3A_1445, %mul3A_1446 : i32
          %add3A_1448 = arith.constant 0 : i32
          %add3A_1449 = arith.addi %add3A_1448, %mul3A_1447 : i32
          %get3A = arith.constant 1 : i32
          %get3A_1450 = arith.index_cast %get3A : i32 to index
          %get3A_1451 = arith.index_cast %add3A_1439 : i32 to index
          %get3A_1452 = arith.index_cast %add3A_1449 : i32 to index
          %get3A_1453 = tpu.vector_load %arg8[%get3A_1450, %get3A_1451, %get3A_1452] {strides = array<i32>} : memref<2x8x2048xf32, #tpu.memory_space<vmem>>, vector<1x1x16xf32>,
          %get3A_1454 = vector.shape_cast %get3A_1453 : vector<1x1x16xf32> to vector<16xf32>
          %swap3A = arith.constant 0 : i32
          %swap3A_1455 = arith.index_cast %swap3A : i32 to index
          %swap3A_1456 = arith.index_cast %add3A_1439 : i32 to index
          %swap3A_1457 = arith.index_cast %add3A_1449 : i32 to index
          %swap3A_1458 = tpu.vector_load %arg7[%swap3A_1455, %swap3A_1456, %swap3A_1457] {strides = array<i32>} : memref<4x8x2048xf32, #tpu.memory_space<vmem>>, vector<1x1x16xf32>,
          %swap3A_1459 = vector.shape_cast %swap3A_1458 : vector<1x1x16xf32> to vector<16xf32>
          %swap3A_1460 = vector.shape_cast %get3A_1454 : vector<16xf32> to vector<1x1x16xf32>
          tpu.vector_store %arg7[%swap3A_1455, %swap3A_1456, %swap3A_1457], %swap3A_1460 {add = true, strides = array<i32>} : memref<4x8x2048xf32, #tpu.memory_space<vmem>>, vector<1x1x16xf32>,
          %scan3A_1461 = arith.constant 1 : i32
          %scan3A_1462 = arith.addi %scan3A_1445, %scan3A_1461 : i32
          %mul3A_1463 = arith.constant 16 : i32
          %mul3A_1464 = arith.muli %scan3A_1462, %mul3A_1463 : i32
          %add3A_1465 = arith.constant 0 : i32
          %add3A_1466 = arith.addi %add3A_1465, %mul3A_1464 : i32
          %get3A_1467 = arith.constant 1 : i32
          %get3A_1468 = arith.index_cast %get3A_1467 : i32 to index
          %get3A_1469 = arith.index_cast %add3A_1439 : i32 to index
          %get3A_1470 = arith.index_cast %add3A_1466 : i32 to index
          %get3A_1471 = tpu.vector_load %arg8[%get3A_1468, %get3A_1469, %get3A_1470] {strides = array<i32>} : memref<2x8x2048xf32, #tpu.memory_space<vmem>>, vector<1x1x16xf32>,
          %get3A_1472 = vector.shape_cast %get3A_1471 : vector<1x1x16xf32> to vector<16xf32>
          %swap3A_1473 = arith.constant 0 : i32
          %swap3A_1474 = arith.index_cast %swap3A_1473 : i32 to index
          %swap3A_1475 = arith.index_cast %add3A_1439 : i32 to index
          %swap3A_1476 = arith.index_cast %add3A_1466 : i32 to index
          %swap3A_1477 = tpu.vector_load %arg7[%swap3A_1474, %swap3A_1475, %swap3A_1476] {strides = array<i32>} : memref<4x8x2048xf32, #tpu.memory_space<vmem>>, vector<1x1x16xf32>,
          %swap3A_1478 = vector.shape_cast %swap3A_1477 : vector<1x1x16xf32> to vector<16xf32>
          %swap3A_1479 = vector.shape_cast %get3A_1472 : vector<16xf32> to vector<1x1x16xf32>
          tpu.vector_store %arg7[%swap3A_1474, %swap3A_1475, %swap3A_1476], %swap3A_1479 {add = true, strides = array<i32>} : memref<4x8x2048xf32, #tpu.memory_space<vmem>>, vector<1x1x16xf32>,
          %scan3A_1480 = arith.constant 2 : i32
          %scan3A_1481 = arith.addi %scan3A_1445, %scan3A_1480 : i32
          %mul3A_1482 = arith.constant 16 : i32
          %mul3A_1483 = arith.muli %scan3A_1481, %mul3A_1482 : i32
          %add3A_1484 = arith.constant 0 : i32
          %add3A_1485 = arith.addi %add3A_1484, %mul3A_1483 : i32
          %get3A_1486 = arith.constant 1 : i32
          %get3A_1487 = arith.index_cast %get3A_1486 : i32 to index
          %get3A_1488 = arith.index_cast %add3A_1439 : i32 to index
          %get3A_1489 = arith.index_cast %add3A_1485 : i32 to index
          %get3A_1490 = tpu.vector_load %arg8[%get3A_1487, %get3A_1488, %get3A_1489] {strides = array<i32>} : memref<2x8x2048xf32, #tpu.memory_space<vmem>>, vector<1x1x16xf32>,
          %get3A_1491 = vector.shape_cast %get3A_1490 : vector<1x1x16xf32> to vector<16xf32>
          %swap3A_1492 = arith.constant 0 : i32
          %swap3A_1493 = arith.index_cast %swap3A_1492 : i32 to index
          %swap3A_1494 = arith.index_cast %add3A_1439 : i32 to index
          %swap3A_1495 = arith.index_cast %add3A_1485 : i32 to index
          %swap3A_1496 = tpu.vector_load %arg7[%swap3A_1493, %swap3A_1494, %swap3A_1495] {strides = array<i32>} : memref<4x8x2048xf32, #tpu.memory_space<vmem>>, vector<1x1x16xf32>,
          %swap3A_1497 = vector.shape_cast %swap3A_1496 : vector<1x1x16xf32> to vector<16xf32>
          %swap3A_1498 = vector.shape_cast %get3A_1491 : vector<16xf32> to vector<1x1x16xf32>
          tpu.vector_store %arg7[%swap3A_1493, %swap3A_1494, %swap3A_1495], %swap3A_1498 {add = true, strides = array<i32>} : memref<4x8x2048xf32, #tpu.memory_space<vmem>>, vector<1x1x16xf32>,
          %scan3A_1499 = arith.constant 3 : i32
          %scan3A_1500 = arith.addi %scan3A_1445, %scan3A_1499 : i32
          %mul3A_1501 = arith.constant 16 : i32
          %mul3A_1502 = arith.muli %scan3A_1500, %mul3A_1501 : i32
          %add3A_1503 = arith.constant 0 : i32
          %add3A_1504 = arith.addi %add3A_1503, %mul3A_1502 : i32
          %get3A_1505 = arith.constant 1 : i32
          %get3A_1506 = arith.index_cast %get3A_1505 : i32 to index
          %get3A_1507 = arith.index_cast %add3A_1439 : i32 to index
          %get3A_1508 = arith.index_cast %add3A_1504 : i32 to index
          %get3A_1509 = tpu.vector_load %arg8[%get3A_1506, %get3A_1507, %get3A_1508] {strides = array<i32>} : memref<2x8x2048xf32, #tpu.memory_space<vmem>>, vector<1x1x16xf32>,
          %get3A_1510 = vector.shape_cast %get3A_1509 : vector<1x1x16xf32> to vector<16xf32>
          %swap3A_1511 = arith.constant 0 : i32
          %swap3A_1512 = arith.index_cast %swap3A_1511 : i32 to index
          %swap3A_1513 = arith.index_cast %add3A_1439 : i32 to index
          %swap3A_1514 = arith.index_cast %add3A_1504 : i32 to index
          %swap3A_1515 = tpu.vector_load %arg7[%swap3A_1512, %swap3A_1513, %swap3A_1514] {strides = array<i32>} : memref<4x8x2048xf32, #tpu.memory_space<vmem>>, vector<1x1x16xf32>,
          %swap3A_1516 = vector.shape_cast %swap3A_1515 : vector<1x1x16xf32> to vector<16xf32>
          %swap3A_1517 = vector.shape_cast %get3A_1510 : vector<16xf32> to vector<1x1x16xf32>
          tpu.vector_store %arg7[%swap3A_1512, %swap3A_1513, %swap3A_1514], %swap3A_1517 {add = true, strides = array<i32>} : memref<4x8x2048xf32, #tpu.memory_space<vmem>>, vector<1x1x16xf32>,
          %scan3A_1518 = arith.constant 4 : i32
          %scan3A_1519 = arith.addi %scan3A_1445, %scan3A_1518 : i32
          %mul3A_1520 = arith.constant 16 : i32
          %mul3A_1521 = arith.muli %scan3A_1519, %mul3A_1520 : i32
          %add3A_1522 = arith.constant 0 : i32
          %add3A_1523 = arith.addi %add3A_1522, %mul3A_1521 : i32
          %get3A_1524 = arith.constant 1 : i32
          %get3A_1525 = arith.index_cast %get3A_1524 : i32 to index
          %get3A_1526 = arith.index_cast %add3A_1439 : i32 to index
          %get3A_1527 = arith.index_cast %add3A_1523 : i32 to index
          %get3A_1528 = tpu.vector_load %arg8[%get3A_1525, %get3A_1526, %get3A_1527] {strides = array<i32>} : memref<2x8x2048xf32, #tpu.memory_space<vmem>>, vector<1x1x16xf32>,
          %get3A_1529 = vector.shape_cast %get3A_1528 : vector<1x1x16xf32> to vector<16xf32>
          %swap3A_1530 = arith.constant 0 : i32
          %swap3A_1531 = arith.index_cast %swap3A_1530 : i32 to index
          %swap3A_1532 = arith.index_cast %add3A_1439 : i32 to index
          %swap3A_1533 = arith.index_cast %add3A_1523 : i32 to index
          %swap3A_1534 = tpu.vector_load %arg7[%swap3A_1531, %swap3A_1532, %swap3A_1533] {strides = array<i32>} : memref<4x8x2048xf32, #tpu.memory_space<vmem>>, vector<1x1x16xf32>,
          %swap3A_1535 = vector.shape_cast %swap3A_1534 : vector<1x1x16xf32> to vector<16xf32>
          %swap3A_1536 = vector.shape_cast %get3A_1529 : vector<16xf32> to vector<1x1x16xf32>
          tpu.vector_store %arg7[%swap3A_1531, %swap3A_1532, %swap3A_1533], %swap3A_1536 {add = true, strides = array<i32>} : memref<4x8x2048xf32, #tpu.memory_space<vmem>>, vector<1x1x16xf32>,
          %scan3A_1537 = arith.constant 5 : i32
          %scan3A_1538 = arith.addi %scan3A_1445, %scan3A_1537 : i32
          %mul3A_1539 = arith.constant 16 : i32
          %mul3A_1540 = arith.muli %scan3A_1538, %mul3A_1539 : i32
          %add3A_1541 = arith.constant 0 : i32
          %add3A_1542 = arith.addi %add3A_1541, %mul3A_1540 : i32
          %get3A_1543 = arith.constant 1 : i32
          %get3A_1544 = arith.index_cast %get3A_1543 : i32 to index
          %get3A_1545 = arith.index_cast %add3A_1439 : i32 to index
          %get3A_1546 = arith.index_cast %add3A_1542 : i32 to index
          %get3A_1547 = tpu.vector_load %arg8[%get3A_1544, %get3A_1545, %get3A_1546] {strides = array<i32>} : memref<2x8x2048xf32, #tpu.memory_space<vmem>>, vector<1x1x16xf32>,
          %get3A_1548 = vector.shape_cast %get3A_1547 : vector<1x1x16xf32> to vector<16xf32>
          %swap3A_1549 = arith.constant 0 : i32
          %swap3A_1550 = arith.index_cast %swap3A_1549 : i32 to index
          %swap3A_1551 = arith.index_cast %add3A_1439 : i32 to index
          %swap3A_1552 = arith.index_cast %add3A_1542 : i32 to index
          %swap3A_1553 = tpu.vector_load %arg7[%swap3A_1550, %swap3A_1551, %swap3A_1552] {strides = array<i32>} : memref<4x8x2048xf32, #tpu.memory_space<vmem>>, vector<1x1x16xf32>,
          %swap3A_1554 = vector.shape_cast %swap3A_1553 : vector<1x1x16xf32> to vector<16xf32>
          %swap3A_1555 = vector.shape_cast %get3A_1548 : vector<16xf32> to vector<1x1x16xf32>
          tpu.vector_store %arg7[%swap3A_1550, %swap3A_1551, %swap3A_1552], %swap3A_1555 {add = true, strides = array<i32>} : memref<4x8x2048xf32, #tpu.memory_space<vmem>>, vector<1x1x16xf32>,
          %scan3A_1556 = arith.constant 6 : i32
          %scan3A_1557 = arith.addi %scan3A_1445, %scan3A_1556 : i32
          %mul3A_1558 = arith.constant 16 : i32
          %mul3A_1559 = arith.muli %scan3A_1557, %mul3A_1558 : i32
          %add3A_1560 = arith.constant 0 : i32
          %add3A_1561 = arith.addi %add3A_1560, %mul3A_1559 : i32
          %get3A_1562 = arith.constant 1 : i32
          %get3A_1563 = arith.index_cast %get3A_1562 : i32 to index
          %get3A_1564 = arith.index_cast %add3A_1439 : i32 to index
          %get3A_1565 = arith.index_cast %add3A_1561 : i32 to index
          %get3A_1566 = tpu.vector_load %arg8[%get3A_1563, %get3A_1564, %get3A_1565] {strides = array<i32>} : memref<2x8x2048xf32, #tpu.memory_space<vmem>>, vector<1x1x16xf32>,
          %get3A_1567 = vector.shape_cast %get3A_1566 : vector<1x1x16xf32> to vector<16xf32>
          %swap3A_1568 = arith.constant 0 : i32
          %swap3A_1569 = arith.index_cast %swap3A_1568 : i32 to index
          %swap3A_1570 = arith.index_cast %add3A_1439 : i32 to index
          %swap3A_1571 = arith.index_cast %add3A_1561 : i32 to index
          %swap3A_1572 = tpu.vector_load %arg7[%swap3A_1569, %swap3A_1570, %swap3A_1571] {strides = array<i32>} : memref<4x8x2048xf32, #tpu.memory_space<vmem>>, vector<1x1x16xf32>,
          %swap3A_1573 = vector.shape_cast %swap3A_1572 : vector<1x1x16xf32> to vector<16xf32>
          %swap3A_1574 = vector.shape_cast %get3A_1567 : vector<16xf32> to vector<1x1x16xf32>
          tpu.vector_store %arg7[%swap3A_1569, %swap3A_1570, %swap3A_1571], %swap3A_1574 {add = true, strides = array<i32>} : memref<4x8x2048xf32, #tpu.memory_space<vmem>>, vector<1x1x16xf32>,
          %scan3A_1575 = arith.constant 7 : i32
          %scan3A_1576 = arith.addi %scan3A_1445, %scan3A_1575 : i32
          %mul3A_1577 = arith.constant 16 : i32
          %mul3A_1578 = arith.muli %scan3A_1576, %mul3A_1577 : i32
          %add3A_1579 = arith.constant 0 : i32
          %add3A_1580 = arith.addi %add3A_1579, %mul3A_1578 : i32
          %get3A_1581 = arith.constant 1 : i32
          %get3A_1582 = arith.index_cast %get3A_1581 : i32 to index
          %get3A_1583 = arith.index_cast %add3A_1439 : i32 to index
          %get3A_1584 = arith.index_cast %add3A_1580 : i32 to index
          %get3A_1585 = tpu.vector_load %arg8[%get3A_1582, %get3A_1583, %get3A_1584] {strides = array<i32>} : memref<2x8x2048xf32, #tpu.memory_space<vmem>>, vector<1x1x16xf32>,
          %get3A_1586 = vector.shape_cast %get3A_1585 : vector<1x1x16xf32> to vector<16xf32>
          %swap3A_1587 = arith.constant 0 : i32
          %swap3A_1588 = arith.index_cast %swap3A_1587 : i32 to index
          %swap3A_1589 = arith.index_cast %add3A_1439 : i32 to index
          %swap3A_1590 = arith.index_cast %add3A_1580 : i32 to index
          %swap3A_1591 = tpu.vector_load %arg7[%swap3A_1588, %swap3A_1589, %swap3A_1590] {strides = array<i32>} : memref<4x8x2048xf32, #tpu.memory_space<vmem>>, vector<1x1x16xf32>,
          %swap3A_1592 = vector.shape_cast %swap3A_1591 : vector<1x1x16xf32> to vector<16xf32>
          %swap3A_1593 = vector.shape_cast %get3A_1586 : vector<16xf32> to vector<1x1x16xf32>
          tpu.vector_store %arg7[%swap3A_1588, %swap3A_1589, %swap3A_1590], %swap3A_1593 {add = true, strides = array<i32>} : memref<4x8x2048xf32, #tpu.memory_space<vmem>>, vector<1x1x16xf32>,
          %scan3A_1594 = arith.constant 8 : i32
          %scan3A_1595 = arith.addi %scan3A_1445, %scan3A_1594 : i32
          %mul3A_1596 = arith.constant 16 : i32
          %mul3A_1597 = arith.muli %scan3A_1595, %mul3A_1596 : i32
          %add3A_1598 = arith.constant 0 : i32
          %add3A_1599 = arith.addi %add3A_1598, %mul3A_1597 : i32
          %get3A_1600 = arith.constant 1 : i32
          %get3A_1601 = arith.index_cast %get3A_1600 : i32 to index
          %get3A_1602 = arith.index_cast %add3A_1439 : i32 to index
          %get3A_1603 = arith.index_cast %add3A_1599 : i32 to index
          %get3A_1604 = tpu.vector_load %arg8[%get3A_1601, %get3A_1602, %get3A_1603] {strides = array<i32>} : memref<2x8x2048xf32, #tpu.memory_space<vmem>>, vector<1x1x16xf32>,
          %get3A_1605 = vector.shape_cast %get3A_1604 : vector<1x1x16xf32> to vector<16xf32>
          %swap3A_1606 = arith.constant 0 : i32
          %swap3A_1607 = arith.index_cast %swap3A_1606 : i32 to index
          %swap3A_1608 = arith.index_cast %add3A_1439 : i32 to index
          %swap3A_1609 = arith.index_cast %add3A_1599 : i32 to index
          %swap3A_1610 = tpu.vector_load %arg7[%swap3A_1607, %swap3A_1608, %swap3A_1609] {strides = array<i32>} : memref<4x8x2048xf32, #tpu.memory_space<vmem>>, vector<1x1x16xf32>,
          %swap3A_1611 = vector.shape_cast %swap3A_1610 : vector<1x1x16xf32> to vector<16xf32>
          %swap3A_1612 = vector.shape_cast %get3A_1605 : vector<16xf32> to vector<1x1x16xf32>
          tpu.vector_store %arg7[%swap3A_1607, %swap3A_1608, %swap3A_1609], %swap3A_1612 {add = true, strides = array<i32>} : memref<4x8x2048xf32, #tpu.memory_space<vmem>>, vector<1x1x16xf32>,
          %scan3A_1613 = arith.constant 9 : i32
          %scan3A_1614 = arith.addi %scan3A_1445, %scan3A_1613 : i32
          %mul3A_1615 = arith.constant 16 : i32
          %mul3A_1616 = arith.muli %scan3A_1614, %mul3A_1615 : i32
          %add3A_1617 = arith.constant 0 : i32
          %add3A_1618 = arith.addi %add3A_1617, %mul3A_1616 : i32
          %get3A_1619 = arith.constant 1 : i32
          %get3A_1620 = arith.index_cast %get3A_1619 : i32 to index
          %get3A_1621 = arith.index_cast %add3A_1439 : i32 to index
          %get3A_1622 = arith.index_cast %add3A_1618 : i32 to index
          %get3A_1623 = tpu.vector_load %arg8[%get3A_1620, %get3A_1621, %get3A_1622] {strides = array<i32>} : memref<2x8x2048xf32, #tpu.memory_space<vmem>>, vector<1x1x16xf32>,
          %get3A_1624 = vector.shape_cast %get3A_1623 : vector<1x1x16xf32> to vector<16xf32>
          %swap3A_1625 = arith.constant 0 : i32
          %swap3A_1626 = arith.index_cast %swap3A_1625 : i32 to index
          %swap3A_1627 = arith.index_cast %add3A_1439 : i32 to index
          %swap3A_1628 = arith.index_cast %add3A_1618 : i32 to index
          %swap3A_1629 = tpu.vector_load %arg7[%swap3A_1626, %swap3A_1627, %swap3A_1628] {strides = array<i32>} : memref<4x8x2048xf32, #tpu.memory_space<vmem>>, vector<1x1x16xf32>,
          %swap3A_1630 = vector.shape_cast %swap3A_1629 : vector<1x1x16xf32> to vector<16xf32>
          %swap3A_1631 = vector.shape_cast %get3A_1624 : vector<16xf32> to vector<1x1x16xf32>
          tpu.vector_store %arg7[%swap3A_1626, %swap3A_1627, %swap3A_1628], %swap3A_1631 {add = true, strides = array<i32>} : memref<4x8x2048xf32, #tpu.memory_space<vmem>>, vector<1x1x16xf32>,
          %scan3A_1632 = arith.constant 10 : i32
          %scan3A_1633 = arith.addi %scan3A_1445, %scan3A_1632 : i32
          %mul3A_1634 = arith.constant 16 : i32
          %mul3A_1635 = arith.muli %scan3A_1633, %mul3A_1634 : i32
          %add3A_1636 = arith.constant 0 : i32
          %add3A_1637 = arith.addi %add3A_1636, %mul3A_1635 : i32
          %get3A_1638 = arith.constant 1 : i32
          %get3A_1639 = arith.index_cast %get3A_1638 : i32 to index
          %get3A_1640 = arith.index_cast %add3A_1439 : i32 to index
          %get3A_1641 = arith.index_cast %add3A_1637 : i32 to index
          %get3A_1642 = tpu.vector_load %arg8[%get3A_1639, %get3A_1640, %get3A_1641] {strides = array<i32>} : memref<2x8x2048xf32, #tpu.memory_space<vmem>>, vector<1x1x16xf32>,
          %get3A_1643 = vector.shape_cast %get3A_1642 : vector<1x1x16xf32> to vector<16xf32>
          %swap3A_1644 = arith.constant 0 : i32
          %swap3A_1645 = arith.index_cast %swap3A_1644 : i32 to index
          %swap3A_1646 = arith.index_cast %add3A_1439 : i32 to index
          %swap3A_1647 = arith.index_cast %add3A_1637 : i32 to index
          %swap3A_1648 = tpu.vector_load %arg7[%swap3A_1645, %swap3A_1646, %swap3A_1647] {strides = array<i32>} : memref<4x8x2048xf32, #tpu.memory_space<vmem>>, vector<1x1x16xf32>,
          %swap3A_1649 = vector.shape_cast %swap3A_1648 : vector<1x1x16xf32> to vector<16xf32>
          %swap3A_1650 = vector.shape_cast %get3A_1643 : vector<16xf32> to vector<1x1x16xf32>
          tpu.vector_store %arg7[%swap3A_1645, %swap3A_1646, %swap3A_1647], %swap3A_1650 {add = true, strides = array<i32>} : memref<4x8x2048xf32, #tpu.memory_space<vmem>>, vector<1x1x16xf32>,
          %scan3A_1651 = arith.constant 11 : i32
          %scan3A_1652 = arith.addi %scan3A_1445, %scan3A_1651 : i32
          %mul3A_1653 = arith.constant 16 : i32
          %mul3A_1654 = arith.muli %scan3A_1652, %mul3A_1653 : i32
          %add3A_1655 = arith.constant 0 : i32
          %add3A_1656 = arith.addi %add3A_1655, %mul3A_1654 : i32
          %get3A_1657 = arith.constant 1 : i32
          %get3A_1658 = arith.index_cast %get3A_1657 : i32 to index
          %get3A_1659 = arith.index_cast %add3A_1439 : i32 to index
          %get3A_1660 = arith.index_cast %add3A_1656 : i32 to index
          %get3A_1661 = tpu.vector_load %arg8[%get3A_1658, %get3A_1659, %get3A_1660] {strides = array<i32>} : memref<2x8x2048xf32, #tpu.memory_space<vmem>>, vector<1x1x16xf32>,
          %get3A_1662 = vector.shape_cast %get3A_1661 : vector<1x1x16xf32> to vector<16xf32>
          %swap3A_1663 = arith.constant 0 : i32
          %swap3A_1664 = arith.index_cast %swap3A_1663 : i32 to index
          %swap3A_1665 = arith.index_cast %add3A_1439 : i32 to index
          %swap3A_1666 = arith.index_cast %add3A_1656 : i32 to index
          %swap3A_1667 = tpu.vector_load %arg7[%swap3A_1664, %swap3A_1665, %swap3A_1666] {strides = array<i32>} : memref<4x8x2048xf32, #tpu.memory_space<vmem>>, vector<1x1x16xf32>,
          %swap3A_1668 = vector.shape_cast %swap3A_1667 : vector<1x1x16xf32> to vector<16xf32>
          %swap3A_1669 = vector.shape_cast %get3A_1662 : vector<16xf32> to vector<1x1x16xf32>
          tpu.vector_store %arg7[%swap3A_1664, %swap3A_1665, %swap3A_1666], %swap3A_1669 {add = true, strides = array<i32>} : memref<4x8x2048xf32, #tpu.memory_space<vmem>>, vector<1x1x16xf32>,
          %scan3A_1670 = arith.constant 12 : i32
          %scan3A_1671 = arith.addi %scan3A_1445, %scan3A_1670 : i32
          %mul3A_1672 = arith.constant 16 : i32
          %mul3A_1673 = arith.muli %scan3A_1671, %mul3A_1672 : i32
          %add3A_1674 = arith.constant 0 : i32
          %add3A_1675 = arith.addi %add3A_1674, %mul3A_1673 : i32
          %get3A_1676 = arith.constant 1 : i32
          %get3A_1677 = arith.index_cast %get3A_1676 : i32 to index
          %get3A_1678 = arith.index_cast %add3A_1439 : i32 to index
          %get3A_1679 = arith.index_cast %add3A_1675 : i32 to index
          %get3A_1680 = tpu.vector_load %arg8[%get3A_1677, %get3A_1678, %get3A_1679] {strides = array<i32>} : memref<2x8x2048xf32, #tpu.memory_space<vmem>>, vector<1x1x16xf32>,
          %get3A_1681 = vector.shape_cast %get3A_1680 : vector<1x1x16xf32> to vector<16xf32>
          %swap3A_1682 = arith.constant 0 : i32
          %swap3A_1683 = arith.index_cast %swap3A_1682 : i32 to index
          %swap3A_1684 = arith.index_cast %add3A_1439 : i32 to index
          %swap3A_1685 = arith.index_cast %add3A_1675 : i32 to index
          %swap3A_1686 = tpu.vector_load %arg7[%swap3A_1683, %swap3A_1684, %swap3A_1685] {strides = array<i32>} : memref<4x8x2048xf32, #tpu.memory_space<vmem>>, vector<1x1x16xf32>,
          %swap3A_1687 = vector.shape_cast %swap3A_1686 : vector<1x1x16xf32> to vector<16xf32>
          %swap3A_1688 = vector.shape_cast %get3A_1681 : vector<16xf32> to vector<1x1x16xf32>
          tpu.vector_store %arg7[%swap3A_1683, %swap3A_1684, %swap3A_1685], %swap3A_1688 {add = true, strides = array<i32>} : memref<4x8x2048xf32, #tpu.memory_space<vmem>>, vector<1x1x16xf32>,
          %scan3A_1689 = arith.constant 13 : i32
          %scan3A_1690 = arith.addi %scan3A_1445, %scan3A_1689 : i32
          %mul3A_1691 = arith.constant 16 : i32
          %mul3A_1692 = arith.muli %scan3A_1690, %mul3A_1691 : i32
          %add3A_1693 = arith.constant 0 : i32
          %add3A_1694 = arith.addi %add3A_1693, %mul3A_1692 : i32
          %get3A_1695 = arith.constant 1 : i32
          %get3A_1696 = arith.index_cast %get3A_1695 : i32 to index
          %get3A_1697 = arith.index_cast %add3A_1439 : i32 to index
          %get3A_1698 = arith.index_cast %add3A_1694 : i32 to index
          %get3A_1699 = tpu.vector_load %arg8[%get3A_1696, %get3A_1697, %get3A_1698] {strides = array<i32>} : memref<2x8x2048xf32, #tpu.memory_space<vmem>>, vector<1x1x16xf32>,
          %get3A_1700 = vector.shape_cast %get3A_1699 : vector<1x1x16xf32> to vector<16xf32>
          %swap3A_1701 = arith.constant 0 : i32
          %swap3A_1702 = arith.index_cast %swap3A_1701 : i32 to index
          %swap3A_1703 = arith.index_cast %add3A_1439 : i32 to index
          %swap3A_1704 = arith.index_cast %add3A_1694 : i32 to index
          %swap3A_1705 = tpu.vector_load %arg7[%swap3A_1702, %swap3A_1703, %swap3A_1704] {strides = array<i32>} : memref<4x8x2048xf32, #tpu.memory_space<vmem>>, vector<1x1x16xf32>,
          %swap3A_1706 = vector.shape_cast %swap3A_1705 : vector<1x1x16xf32> to vector<16xf32>
          %swap3A_1707 = vector.shape_cast %get3A_1700 : vector<16xf32> to vector<1x1x16xf32>
          tpu.vector_store %arg7[%swap3A_1702, %swap3A_1703, %swap3A_1704], %swap3A_1707 {add = true, strides = array<i32>} : memref<4x8x2048xf32, #tpu.memory_space<vmem>>, vector<1x1x16xf32>,
          %scan3A_1708 = arith.constant 14 : i32
          %scan3A_1709 = arith.addi %scan3A_1445, %scan3A_1708 : i32
          %mul3A_1710 = arith.constant 16 : i32
          %mul3A_1711 = arith.muli %scan3A_1709, %mul3A_1710 : i32
          %add3A_1712 = arith.constant 0 : i32
          %add3A_1713 = arith.addi %add3A_1712, %mul3A_1711 : i32
          %get3A_1714 = arith.constant 1 : i32
          %get3A_1715 = arith.index_cast %get3A_1714 : i32 to index
          %get3A_1716 = arith.index_cast %add3A_1439 : i32 to index
          %get3A_1717 = arith.index_cast %add3A_1713 : i32 to index
          %get3A_1718 = tpu.vector_load %arg8[%get3A_1715, %get3A_1716, %get3A_1717] {strides = array<i32>} : memref<2x8x2048xf32, #tpu.memory_space<vmem>>, vector<1x1x16xf32>,
          %get3A_1719 = vector.shape_cast %get3A_1718 : vector<1x1x16xf32> to vector<16xf32>
          %swap3A_1720 = arith.constant 0 : i32
          %swap3A_1721 = arith.index_cast %swap3A_1720 : i32 to index
          %swap3A_1722 = arith.index_cast %add3A_1439 : i32 to index
          %swap3A_1723 = arith.index_cast %add3A_1713 : i32 to index
          %swap3A_1724 = tpu.vector_load %arg7[%swap3A_1721, %swap3A_1722, %swap3A_1723] {strides = array<i32>} : memref<4x8x2048xf32, #tpu.memory_space<vmem>>, vector<1x1x16xf32>,
          %swap3A_1725 = vector.shape_cast %swap3A_1724 : vector<1x1x16xf32> to vector<16xf32>
          %swap3A_1726 = vector.shape_cast %get3A_1719 : vector<16xf32> to vector<1x1x16xf32>
          tpu.vector_store %arg7[%swap3A_1721, %swap3A_1722, %swap3A_1723], %swap3A_1726 {add = true, strides = array<i32>} : memref<4x8x2048xf32, #tpu.memory_space<vmem>>, vector<1x1x16xf32>,
          %scan3A_1727 = arith.constant 15 : i32
          %scan3A_1728 = arith.addi %scan3A_1445, %scan3A_1727 : i32
          %mul3A_1729 = arith.constant 16 : i32
          %mul3A_1730 = arith.muli %scan3A_1728, %mul3A_1729 : i32
          %add3A_1731 = arith.constant 0 : i32
          %add3A_1732 = arith.addi %add3A_1731, %mul3A_1730 : i32
          %get3A_1733 = arith.constant 1 : i32
          %get3A_1734 = arith.index_cast %get3A_1733 : i32 to index
          %get3A_1735 = arith.index_cast %add3A_1439 : i32 to index
          %get3A_1736 = arith.index_cast %add3A_1732 : i32 to index
          %get3A_1737 = tpu.vector_load %arg8[%get3A_1734, %get3A_1735, %get3A_1736] {strides = array<i32>} : memref<2x8x2048xf32, #tpu.memory_space<vmem>>, vector<1x1x16xf32>,
          %get3A_1738 = vector.shape_cast %get3A_1737 : vector<1x1x16xf32> to vector<16xf32>
          %swap3A_1739 = arith.constant 0 : i32
          %swap3A_1740 = arith.index_cast %swap3A_1739 : i32 to index
          %swap3A_1741 = arith.index_cast %add3A_1439 : i32 to index
          %swap3A_1742 = arith.index_cast %add3A_1732 : i32 to index
          %swap3A_1743 = tpu.vector_load %arg7[%swap3A_1740, %swap3A_1741, %swap3A_1742] {strides = array<i32>} : memref<4x8x2048xf32, #tpu.memory_space<vmem>>, vector<1x1x16xf32>,
          %swap3A_1744 = vector.shape_cast %swap3A_1743 : vector<1x1x16xf32> to vector<16xf32>
          %swap3A_1745 = vector.shape_cast %get3A_1738 : vector<16xf32> to vector<1x1x16xf32>
          tpu.vector_store %arg7[%swap3A_1740, %swap3A_1741, %swap3A_1742], %swap3A_1745 {add = true, strides = array<i32>} : memref<4x8x2048xf32, #tpu.memory_space<vmem>>, vector<1x1x16xf32>,
        }
        %scan3A_1444 = arith.constant 128 : i32
      }
      %scan3A_928 = arith.constant 8 : i32
      %jit3A_929 = arith.constant 4 : i32
      %div3A_930 = arith.divsi %add3A_819, %jit3A_929 : i32
      %sign3A_931 = arith.constant 0 : i32
      %sign3A_932 = arith.cmpi sgt, %add3A_819, %sign3A_931 : i32
      %sign3A_933 = arith.extui %sign3A_932 : i1 to i32
      %sign3A_934 = arith.constant 0 : i32
      %sign3A_935 = arith.cmpi slt, %add3A_819, %sign3A_934 : i32
      %sign3A_936 = arith.extui %sign3A_935 : i1 to i32
      %sign3A_937 = arith.subi %sign3A_933, %sign3A_936 : i32
      %sign3A_938 = arith.constant 0 : i32
      %sign3A_939 = arith.cmpi sgt, %jit3A_929, %sign3A_938 : i32
      %sign3A_940 = arith.extui %sign3A_939 : i1 to i32
      %sign3A_941 = arith.constant 0 : i32
      %sign3A_942 = arith.cmpi slt, %jit3A_929, %sign3A_941 : i32
      %sign3A_943 = arith.extui %sign3A_942 : i1 to i32
      %sign3A_944 = arith.subi %sign3A_940, %sign3A_943 : i32
      %ne3A_945 = arith.cmpi ne, %sign3A_937, %sign3A_944 : i32
      %rem3A_946 = arith.remsi %add3A_819, %jit3A_929 : i32
      %ne3A_947 = arith.constant 0 : i32
      %ne3A_948 = arith.cmpi ne, %rem3A_946, %ne3A_947 : i32
      %and3A_949 = arith.andi %ne3A_945, %ne3A_948 : i1
      %sub3A_950 = arith.constant 1 : i32
      %sub3A_951 = arith.subi %div3A_930, %sub3A_950 : i32
      %select_n3A_952 = arith.select %and3A_949, %sub3A_951, %div3A_930 : i32
      %jit3A_953 = arith.constant 4 : i32
      %eq3A_954 = arith.constant 0 : i32
      %eq3A_955 = arith.cmpi eq, %jit3A_953, %eq3A_954 : i32
      %jit3A_956 = arith.constant 1 : i32
      %select_n3A_957 = arith.select %eq3A_955, %jit3A_956, %jit3A_953 : i32
      %rem3A_958 = arith.remsi %add3A_819, %select_n3A_957 : i32
      %ne3A_959 = arith.constant 0 : i32
      %ne3A_960 = arith.cmpi ne, %rem3A_958, %ne3A_959 : i32
      %lt3A_961 = arith.constant 0 : i32
      %lt3A_962 = arith.cmpi slt, %rem3A_958, %lt3A_961 : i32
      %lt3A_963 = arith.constant 0 : i32
      %lt3A_964 = arith.cmpi slt, %select_n3A_957, %lt3A_963 : i32
      %ne3A_965 = arith.xori %lt3A_962, %lt3A_964 : i1
      %and3A_966 = arith.andi %ne3A_965, %ne3A_960 : i1
      %add3A_967 = arith.addi %rem3A_958, %select_n3A_957 : i32
      %select_n3A_968 = arith.select %and3A_966, %add3A_967, %rem3A_958 : i32
      %mul3A_969 = arith.constant 2048 : i32
      %mul3A_970 = arith.muli %select_n3A_968, %mul3A_969 : i32
      %add3A_971 = arith.addi %mul3A_970, %mul3A_2 : i32
      %mul3A_972 = arith.constant 8 : i32
      %mul3A_973 = arith.muli %select_n3A_952, %mul3A_972 : i32
      %add3A_974 = arith.addi %add3A_971, %mul3A_973 : i32
      %dma_start3A_975 = arith.constant 0 : i32
      %dma_start3A_976 = arith.constant 0 : i32
      %dma_start3A_977 = arith.constant 0 : i32
      %dma_start3A_978 = tpu.memref_slice %arg7[%dma_start3A_975, %dma_start3A_976, %dma_start3A_977] : memref<4x8x2048xf32, #tpu.memory_space<vmem>> -> memref<1x8x2048xf32, #tpu.memory_space<vmem>>
      %dma_start3A_979 = tpu.memref_squeeze %dma_start3A_978 : memref<1x8x2048xf32, #tpu.memory_space<vmem>> -> memref<8x2048xf32, #tpu.memory_space<vmem>>
      %dma_start3A_980 = arith.constant 0 : i32
      %dma_start3A_981 = tpu.memref_slice %arg5[%add3A_974, %dma_start3A_980] : memref<8192x2048xf32, #tpu.memory_space<hbm>> -> memref<8x2048xf32, #tpu.memory_space<hbm>>
      %dma_start3A_982 = arith.constant 0 : i32
      %dma_start3A_983 = tpu.memref_slice %arg5[%add3A_974, %dma_start3A_982] : memref<8192x2048xf32, #tpu.memory_space<hbm>> -> memref<8x2048xf32, #tpu.memory_space<hbm>>
      %dma_start3A_984 = arith.constant 0 : i32
      %dma_start3A_985 = arith.constant 0 : i32
      %dma_start3A_986 = tpu.memref_slice %arg7[%dma_start3A_975, %dma_start3A_984, %dma_start3A_985] : memref<4x8x2048xf32, #tpu.memory_space<vmem>> -> memref<1x8x2048xf32, #tpu.memory_space<vmem>>
      %dma_start3A_987 = tpu.memref_squeeze %dma_start3A_986 : memref<1x8x2048xf32, #tpu.memory_space<vmem>> -> memref<8x2048xf32, #tpu.memory_space<vmem>>
      tpu.enqueue_dma source(%dma_start3A_987 : memref<8x2048xf32, #tpu.memory_space<vmem>>) target(%dma_start3A_983 : memref<8x2048xf32, #tpu.memory_space<hbm>>) target_semaphore(%arg13 : memref<!tpu.dma_semaphore, #tpu.memory_space<semaphore_mem>>)
      %add3A_988 = arith.constant 5 : i32
      %add3A_989 = arith.addi %add3A_212, %add3A_988 : i32
      %jit3A_990 = arith.constant 4 : i32
      %div3A_991 = arith.divsi %add3A_989, %jit3A_990 : i32
      %sign3A_992 = arith.constant 0 : i32
      %sign3A_993 = arith.cmpi sgt, %add3A_989, %sign3A_992 : i32
      %sign3A_994 = arith.extui %sign3A_993 : i1 to i32
      %sign3A_995 = arith.constant 0 : i32
      %sign3A_996 = arith.cmpi slt, %add3A_989, %sign3A_995 : i32
      %sign3A_997 = arith.extui %sign3A_996 : i1 to i32
      %sign3A_998 = arith.subi %sign3A_994, %sign3A_997 : i32
      %sign3A_999 = arith.constant 0 : i32
      %sign3A_1000 = arith.cmpi sgt, %jit3A_990, %sign3A_999 : i32
      %sign3A_1001 = arith.extui %sign3A_1000 : i1 to i32
      %sign3A_1002 = arith.constant 0 : i32
      %sign3A_1003 = arith.cmpi slt, %jit3A_990, %sign3A_1002 : i32
      %sign3A_1004 = arith.extui %sign3A_1003 : i1 to i32
      %sign3A_1005 = arith.subi %sign3A_1001, %sign3A_1004 : i32
      %ne3A_1006 = arith.cmpi ne, %sign3A_998, %sign3A_1005 : i32
      %rem3A_1007 = arith.remsi %add3A_989, %jit3A_990 : i32
      %ne3A_1008 = arith.constant 0 : i32
      %ne3A_1009 = arith.cmpi ne, %rem3A_1007, %ne3A_1008 : i32
      %and3A_1010 = arith.andi %ne3A_1006, %ne3A_1009 : i1
      %sub3A_1011 = arith.constant 1 : i32
      %sub3A_1012 = arith.subi %div3A_991, %sub3A_1011 : i32
      %select_n3A_1013 = arith.select %and3A_1010, %sub3A_1012, %div3A_991 : i32
      %jit3A_1014 = arith.constant 4 : i32
      %div3A_1015 = arith.divsi %add3A_989, %jit3A_1014 : i32
      %sign3A_1016 = arith.constant 0 : i32
      %sign3A_1017 = arith.cmpi sgt, %add3A_989, %sign3A_1016 : i32
      %sign3A_1018 = arith.extui %sign3A_1017 : i1 to i32
      %sign3A_1019 = arith.constant 0 : i32
      %sign3A_1020 = arith.cmpi slt, %add3A_989, %sign3A_1019 : i32
      %sign3A_1021 = arith.extui %sign3A_1020 : i1 to i32
      %sign3A_1022 = arith.subi %sign3A_1018, %sign3A_1021 : i32
      %sign3A_1023 = arith.constant 0 : i32
      %sign3A_1024 = arith.cmpi sgt, %jit3A_1014, %sign3A_1023 : i32
      %sign3A_1025 = arith.extui %sign3A_1024 : i1 to i32
      %sign3A_1026 = arith.constant 0 : i32
      %sign3A_1027 = arith.cmpi slt, %jit3A_1014, %sign3A_1026 : i32
      %sign3A_1028 = arith.extui %sign3A_1027 : i1 to i32
      %sign3A_1029 = arith.subi %sign3A_1025, %sign3A_1028 : i32
      %ne3A_1030 = arith.cmpi ne, %sign3A_1022, %sign3A_1029 : i32
      %rem3A_1031 = arith.remsi %add3A_989, %jit3A_1014 : i32
      %ne3A_1032 = arith.constant 0 : i32
      %ne3A_1033 = arith.cmpi ne, %rem3A_1031, %ne3A_1032 : i32
      %and3A_1034 = arith.andi %ne3A_1030, %ne3A_1033 : i1
      %sub3A_1035 = arith.constant 1 : i32
      %sub3A_1036 = arith.subi %div3A_1015, %sub3A_1035 : i32
      %select_n3A_1037 = arith.select %and3A_1034, %sub3A_1036, %div3A_1015 : i32
      %jit3A_1038 = arith.constant 4 : i32
      %eq3A_1039 = arith.constant 0 : i32
      %eq3A_1040 = arith.cmpi eq, %jit3A_1038, %eq3A_1039 : i32
      %jit3A_1041 = arith.constant 1 : i32
      %select_n3A_1042 = arith.select %eq3A_1040, %jit3A_1041, %jit3A_1038 : i32
      %rem3A_1043 = arith.remsi %add3A_989, %select_n3A_1042 : i32
      %ne3A_1044 = arith.constant 0 : i32
      %ne3A_1045 = arith.cmpi ne, %rem3A_1043, %ne3A_1044 : i32
      %lt3A_1046 = arith.constant 0 : i32
      %lt3A_1047 = arith.cmpi slt, %rem3A_1043, %lt3A_1046 : i32
      %lt3A_1048 = arith.constant 0 : i32
      %lt3A_1049 = arith.cmpi slt, %select_n3A_1042, %lt3A_1048 : i32
      %ne3A_1050 = arith.xori %lt3A_1047, %lt3A_1049 : i1
      %and3A_1051 = arith.andi %ne3A_1050, %ne3A_1045 : i1
      %add3A_1052 = arith.addi %rem3A_1043, %select_n3A_1042 : i32
      %select_n3A_1053 = arith.select %and3A_1051, %add3A_1052, %rem3A_1043 : i32
      %mul3A_1054 = arith.constant 8 : i32
      %mul3A_1055 = arith.muli %select_n3A_1037, %mul3A_1054 : i32
      %dma_wait3A_1056 = arith.constant 1 : i32
      %dma_wait3A_1057 = arith.constant 0 : i32
      %dma_wait3A_1058 = arith.constant 0 : i32
      %dma_wait3A_1059 = tpu.memref_slice %arg7[%dma_wait3A_1056, %dma_wait3A_1057, %dma_wait3A_1058] : memref<4x8x2048xf32, #tpu.memory_space<vmem>> -> memref<1x8x2048xf32, #tpu.memory_space<vmem>>
      %dma_wait3A_1060 = tpu.memref_squeeze %dma_wait3A_1059 : memref<1x8x2048xf32, #tpu.memory_space<vmem>> -> memref<8x2048xf32, #tpu.memory_space<vmem>>
      %dma_wait3A_1061 = tpu.memref_slice %arg6[%select_n3A_1053, %mul3A_1055] : memref<4x64xi32, #tpu.memory_space<vmem>> -> memref<1x8xi32, #tpu.memory_space<vmem>>
      %dma_wait3A_1062 = tpu.memref_squeeze %dma_wait3A_1061 : memref<1x8xi32, #tpu.memory_space<vmem>> -> memref<8xi32, #tpu.memory_space<vmem>>
      %dma_wait3A_1063 = arith.constant 0 : i32
      %dma_wait3A_1064 = arith.constant 0 : i32
      %dma_wait3A_1065 = tpu.memref_slice %arg2[%dma_wait3A_1063, %dma_wait3A_1064] : memref<100000x2048xf32, #tpu.memory_space<hbm>> -> memref<100000x2048xf32, #tpu.memory_space<hbm>>
      tpu.wait_indirect_dma semaphore(%arg10 : memref<!tpu.dma_semaphore, #tpu.memory_space<semaphore_mem>>) src(%dma_wait3A_1065 : memref<100000x2048xf32, #tpu.memory_space<hbm>>) dst(%dma_wait3A_1060 : memref<8x2048xf32, #tpu.memory_space<vmem>>)
      %add3A_1066 = arith.constant 2 : i32
      %add3A_1067 = arith.addi %add3A_989, %add3A_1066 : i32
      %lt3A_1068 = arith.constant 32 : i32
      %lt3A_1069 = arith.cmpi slt, %add3A_1067, %lt3A_1068 : i32
      %convert_element_type3A_1070 = arith.extui %lt3A_1069 : i1 to i32
      %cond3A_1071 = arith.constant 0 : i32
      %cond3A_1072 = arith.cmpi ne, %convert_element_type3A_1070, %cond3A_1071 : i32
      scf.if %cond3A_1072 {
        %ge3A = arith.constant 2 : i32
        %ge3A_1435 = arith.cmpi sge, %add3A_989, %ge3A : i32
        %convert_element_type3A_1436 = arith.extui %ge3A_1435 : i1 to i32
        %cond3A_1437 = arith.constant 0 : i32
        %cond3A_1438 = arith.cmpi ne, %convert_element_type3A_1436, %cond3A_1437 : i32
        scf.if %cond3A_1438 {
          %sub3A_1493 = arith.constant 2 : i32
          %sub3A_1494 = arith.subi %add3A_989, %sub3A_1493 : i32
          %jit3A_1495 = arith.constant 4 : i32
          %div3A_1496 = arith.divsi %sub3A_1494, %jit3A_1495 : i32
          %sign3A_1497 = arith.constant 0 : i32
          %sign3A_1498 = arith.cmpi sgt, %sub3A_1494, %sign3A_1497 : i32
          %sign3A_1499 = arith.extui %sign3A_1498 : i1 to i32
          %sign3A_1500 = arith.constant 0 : i32
          %sign3A_1501 = arith.cmpi slt, %sub3A_1494, %sign3A_1500 : i32
          %sign3A_1502 = arith.extui %sign3A_1501 : i1 to i32
          %sign3A_1503 = arith.subi %sign3A_1499, %sign3A_1502 : i32
          %sign3A_1504 = arith.constant 0 : i32
          %sign3A_1505 = arith.cmpi sgt, %jit3A_1495, %sign3A_1504 : i32
          %sign3A_1506 = arith.extui %sign3A_1505 : i1 to i32
          %sign3A_1507 = arith.constant 0 : i32
          %sign3A_1508 = arith.cmpi slt, %jit3A_1495, %sign3A_1507 : i32
          %sign3A_1509 = arith.extui %sign3A_1508 : i1 to i32
          %sign3A_1510 = arith.subi %sign3A_1506, %sign3A_1509 : i32
          %ne3A_1511 = arith.cmpi ne, %sign3A_1503, %sign3A_1510 : i32
          %rem3A_1512 = arith.remsi %sub3A_1494, %jit3A_1495 : i32
          %ne3A_1513 = arith.constant 0 : i32
          %ne3A_1514 = arith.cmpi ne, %rem3A_1512, %ne3A_1513 : i32
          %and3A_1515 = arith.andi %ne3A_1511, %ne3A_1514 : i1
          %sub3A_1516 = arith.constant 1 : i32
          %sub3A_1517 = arith.subi %div3A_1496, %sub3A_1516 : i32
          %select_n3A_1518 = arith.select %and3A_1515, %sub3A_1517, %div3A_1496 : i32
          %jit3A_1519 = arith.constant 4 : i32
          %eq3A_1520 = arith.constant 0 : i32
          %eq3A_1521 = arith.cmpi eq, %jit3A_1519, %eq3A_1520 : i32
          %jit3A_1522 = arith.constant 1 : i32
          %select_n3A_1523 = arith.select %eq3A_1521, %jit3A_1522, %jit3A_1519 : i32
          %rem3A_1524 = arith.remsi %sub3A_1494, %select_n3A_1523 : i32
          %ne3A_1525 = arith.constant 0 : i32
          %ne3A_1526 = arith.cmpi ne, %rem3A_1524, %ne3A_1525 : i32
          %lt3A_1527 = arith.constant 0 : i32
          %lt3A_1528 = arith.cmpi slt, %rem3A_1524, %lt3A_1527 : i32
          %lt3A_1529 = arith.constant 0 : i32
          %lt3A_1530 = arith.cmpi slt, %select_n3A_1523, %lt3A_1529 : i32
          %ne3A_1531 = arith.xori %lt3A_1528, %lt3A_1530 : i1
          %and3A_1532 = arith.andi %ne3A_1531, %ne3A_1526 : i1
          %add3A_1533 = arith.addi %rem3A_1524, %select_n3A_1523 : i32
          %select_n3A_1534 = arith.select %and3A_1532, %add3A_1533, %rem3A_1524 : i32
          %mul3A_1535 = arith.constant 2048 : i32
          %mul3A_1536 = arith.muli %select_n3A_1534, %mul3A_1535 : i32
          %add3A_1537 = arith.addi %mul3A_1536, %mul3A_2 : i32
          %mul3A_1538 = arith.constant 8 : i32
          %mul3A_1539 = arith.muli %select_n3A_1518, %mul3A_1538 : i32
          %add3A_1540 = arith.addi %add3A_1537, %mul3A_1539 : i32
          %dma_wait3A_1541 = arith.constant 3 : i32
          %dma_wait3A_1542 = arith.constant 0 : i32
          %dma_wait3A_1543 = arith.constant 0 : i32
          %dma_wait3A_1544 = tpu.memref_slice %arg7[%dma_wait3A_1541, %dma_wait3A_1542, %dma_wait3A_1543] : memref<4x8x2048xf32, #tpu.memory_space<vmem>> -> memref<1x8x2048xf32, #tpu.memory_space<vmem>>
          %dma_wait3A_1545 = tpu.memref_squeeze %dma_wait3A_1544 : memref<1x8x2048xf32, #tpu.memory_space<vmem>> -> memref<8x2048xf32, #tpu.memory_space<vmem>>
          %dma_wait3A_1546 = arith.constant 0 : i32
          %dma_wait3A_1547 = tpu.memref_slice %arg5[%add3A_1540, %dma_wait3A_1546] : memref<8192x2048xf32, #tpu.memory_space<hbm>> -> memref<8x2048xf32, #tpu.memory_space<hbm>>
          %dma_wait3A_1548 = arith.constant 0 : i32
          %dma_wait3A_1549 = tpu.memref_slice %arg5[%add3A_1540, %dma_wait3A_1548] : memref<8192x2048xf32, #tpu.memory_space<hbm>> -> memref<8x2048xf32, #tpu.memory_space<hbm>>
          %dma_wait3A_1550 = arith.constant 0 : i32
          %dma_wait3A_1551 = arith.constant 0 : i32
          %dma_wait3A_1552 = tpu.memref_slice %arg7[%dma_wait3A_1541, %dma_wait3A_1550, %dma_wait3A_1551] : memref<4x8x2048xf32, #tpu.memory_space<vmem>> -> memref<1x8x2048xf32, #tpu.memory_space<vmem>>
          %dma_wait3A_1553 = tpu.memref_squeeze %dma_wait3A_1552 : memref<1x8x2048xf32, #tpu.memory_space<vmem>> -> memref<8x2048xf32, #tpu.memory_space<vmem>>
          tpu.wait_dma2 semaphore(%arg16 : memref<!tpu.dma_semaphore, #tpu.memory_space<semaphore_mem>>) src(%dma_wait3A_1553 : memref<8x2048xf32, #tpu.memory_space<vmem>>) dst(%dma_wait3A_1549 : memref<8x2048xf32, #tpu.memory_space<hbm>>)
        } else {
        }
        %add3A_1439 = arith.constant 2 : i32
        %add3A_1440 = arith.addi %add3A_989, %add3A_1439 : i32
        %jit3A_1441 = arith.constant 4 : i32
        %div3A_1442 = arith.divsi %add3A_1440, %jit3A_1441 : i32
        %sign3A_1443 = arith.constant 0 : i32
        %sign3A_1444 = arith.cmpi sgt, %add3A_1440, %sign3A_1443 : i32
        %sign3A_1445 = arith.extui %sign3A_1444 : i1 to i32
        %sign3A_1446 = arith.constant 0 : i32
        %sign3A_1447 = arith.cmpi slt, %add3A_1440, %sign3A_1446 : i32
        %sign3A_1448 = arith.extui %sign3A_1447 : i1 to i32
        %sign3A_1449 = arith.subi %sign3A_1445, %sign3A_1448 : i32
        %sign3A_1450 = arith.constant 0 : i32
        %sign3A_1451 = arith.cmpi sgt, %jit3A_1441, %sign3A_1450 : i32
        %sign3A_1452 = arith.extui %sign3A_1451 : i1 to i32
        %sign3A_1453 = arith.constant 0 : i32
        %sign3A_1454 = arith.cmpi slt, %jit3A_1441, %sign3A_1453 : i32
        %sign3A_1455 = arith.extui %sign3A_1454 : i1 to i32
        %sign3A_1456 = arith.subi %sign3A_1452, %sign3A_1455 : i32
        %ne3A_1457 = arith.cmpi ne, %sign3A_1449, %sign3A_1456 : i32
        %rem3A_1458 = arith.remsi %add3A_1440, %jit3A_1441 : i32
        %ne3A_1459 = arith.constant 0 : i32
        %ne3A_1460 = arith.cmpi ne, %rem3A_1458, %ne3A_1459 : i32
        %and3A_1461 = arith.andi %ne3A_1457, %ne3A_1460 : i1
        %sub3A_1462 = arith.constant 1 : i32
        %sub3A_1463 = arith.subi %div3A_1442, %sub3A_1462 : i32
        %select_n3A_1464 = arith.select %and3A_1461, %sub3A_1463, %div3A_1442 : i32
        %jit3A_1465 = arith.constant 4 : i32
        %eq3A_1466 = arith.constant 0 : i32
        %eq3A_1467 = arith.cmpi eq, %jit3A_1465, %eq3A_1466 : i32
        %jit3A_1468 = arith.constant 1 : i32
        %select_n3A_1469 = arith.select %eq3A_1467, %jit3A_1468, %jit3A_1465 : i32
        %rem3A_1470 = arith.remsi %add3A_1440, %select_n3A_1469 : i32
        %ne3A_1471 = arith.constant 0 : i32
        %ne3A_1472 = arith.cmpi ne, %rem3A_1470, %ne3A_1471 : i32
        %lt3A_1473 = arith.constant 0 : i32
        %lt3A_1474 = arith.cmpi slt, %rem3A_1470, %lt3A_1473 : i32
        %lt3A_1475 = arith.constant 0 : i32
        %lt3A_1476 = arith.cmpi slt, %select_n3A_1469, %lt3A_1475 : i32
        %ne3A_1477 = arith.xori %lt3A_1474, %lt3A_1476 : i1
        %and3A_1478 = arith.andi %ne3A_1477, %ne3A_1472 : i1
        %add3A_1479 = arith.addi %rem3A_1470, %select_n3A_1469 : i32
        %select_n3A_1480 = arith.select %and3A_1478, %add3A_1479, %rem3A_1470 : i32
        %mul3A_1481 = arith.constant 8 : i32
        %mul3A_1482 = arith.muli %select_n3A_1464, %mul3A_1481 : i32
        %dma_start3A_1483 = arith.constant 3 : i32
        %dma_start3A_1484 = arith.constant 0 : i32
        %dma_start3A_1485 = arith.constant 0 : i32
        %dma_start3A_1486 = tpu.memref_slice %arg7[%dma_start3A_1483, %dma_start3A_1484, %dma_start3A_1485] : memref<4x8x2048xf32, #tpu.memory_space<vmem>> -> memref<1x8x2048xf32, #tpu.memory_space<vmem>>
        %dma_start3A_1487 = tpu.memref_squeeze %dma_start3A_1486 : memref<1x8x2048xf32, #tpu.memory_space<vmem>> -> memref<8x2048xf32, #tpu.memory_space<vmem>>
        %dma_start3A_1488 = tpu.memref_slice %arg6[%select_n3A_1480, %mul3A_1482] : memref<4x64xi32, #tpu.memory_space<vmem>> -> memref<1x8xi32, #tpu.memory_space<vmem>>
        %dma_start3A_1489 = tpu.memref_squeeze %dma_start3A_1488 : memref<1x8xi32, #tpu.memory_space<vmem>> -> memref<8xi32, #tpu.memory_space<vmem>>
        %dma_start3A_1490 = arith.constant 0 : i32
        %dma_start3A_1491 = arith.constant 0 : i32
        %dma_start3A_1492 = tpu.memref_slice %arg2[%dma_start3A_1490, %dma_start3A_1491] : memref<100000x2048xf32, #tpu.memory_space<hbm>> -> memref<100000x2048xf32, #tpu.memory_space<hbm>>
        tpu.enqueue_indirect_dma source(%dma_start3A_1492 : memref<100000x2048xf32, #tpu.memory_space<hbm>>) target(%dma_start3A_1487 : memref<8x2048xf32, #tpu.memory_space<vmem>>) offsets(%dma_start3A_1489 : memref<8xi32, #tpu.memory_space<vmem>>) semaphore(%arg12 : memref<!tpu.dma_semaphore, #tpu.memory_space<semaphore_mem>>)
      } else {
      }
      %scan3A_1073 = arith.constant 0 : i32
      %scan3A_1074 = arith.constant 8 : i32
      %scan3A_1075 = arith.addi %scan3A_1073, %scan3A_1074 : i32
      %scan3A_1076 = arith.constant 1 : i32
      scf.for %scan3A_1435 = %scan3A_1073 to %scan3A_1075 step %scan3A_1076  : i32 {
        %mul3A_1436 = arith.constant 1 : i32
        %mul3A_1437 = arith.muli %scan3A_1435, %mul3A_1436 : i32
        %add3A_1438 = arith.constant 0 : i32
        %add3A_1439 = arith.addi %add3A_1438, %mul3A_1437 : i32
        %scan3A_1440 = arith.constant 0 : i32
        %scan3A_1441 = arith.constant 128 : i32
        %scan3A_1442 = arith.addi %scan3A_1440, %scan3A_1441 : i32
        %scan3A_1443 = arith.constant 16 : i32
        scf.for %scan3A_1445 = %scan3A_1440 to %scan3A_1442 step %scan3A_1443  : i32 {
          %mul3A_1446 = arith.constant 16 : i32
          %mul3A_1447 = arith.muli %scan3A_1445, %mul3A_1446 : i32
          %add3A_1448 = arith.constant 0 : i32
          %add3A_1449 = arith.addi %add3A_1448, %mul3A_1447 : i32
          %get3A = arith.constant 1 : i32
          %get3A_1450 = arith.index_cast %get3A : i32 to index
          %get3A_1451 = arith.index_cast %add3A_1439 : i32 to index
          %get3A_1452 = arith.index_cast %add3A_1449 : i32 to index
          %get3A_1453 = tpu.vector_load %arg8[%get3A_1450, %get3A_1451, %get3A_1452] {strides = array<i32>} : memref<2x8x2048xf32, #tpu.memory_space<vmem>>, vector<1x1x16xf32>,
          %get3A_1454 = vector.shape_cast %get3A_1453 : vector<1x1x16xf32> to vector<16xf32>
          %swap3A = arith.constant 1 : i32
          %swap3A_1455 = arith.index_cast %swap3A : i32 to index
          %swap3A_1456 = arith.index_cast %add3A_1439 : i32 to index
          %swap3A_1457 = arith.index_cast %add3A_1449 : i32 to index
          %swap3A_1458 = tpu.vector_load %arg7[%swap3A_1455, %swap3A_1456, %swap3A_1457] {strides = array<i32>} : memref<4x8x2048xf32, #tpu.memory_space<vmem>>, vector<1x1x16xf32>,
          %swap3A_1459 = vector.shape_cast %swap3A_1458 : vector<1x1x16xf32> to vector<16xf32>
          %swap3A_1460 = vector.shape_cast %get3A_1454 : vector<16xf32> to vector<1x1x16xf32>
          tpu.vector_store %arg7[%swap3A_1455, %swap3A_1456, %swap3A_1457], %swap3A_1460 {add = true, strides = array<i32>} : memref<4x8x2048xf32, #tpu.memory_space<vmem>>, vector<1x1x16xf32>,
          %scan3A_1461 = arith.constant 1 : i32
          %scan3A_1462 = arith.addi %scan3A_1445, %scan3A_1461 : i32
          %mul3A_1463 = arith.constant 16 : i32
          %mul3A_1464 = arith.muli %scan3A_1462, %mul3A_1463 : i32
          %add3A_1465 = arith.constant 0 : i32
          %add3A_1466 = arith.addi %add3A_1465, %mul3A_1464 : i32
          %get3A_1467 = arith.constant 1 : i32
          %get3A_1468 = arith.index_cast %get3A_1467 : i32 to index
          %get3A_1469 = arith.index_cast %add3A_1439 : i32 to index
          %get3A_1470 = arith.index_cast %add3A_1466 : i32 to index
          %get3A_1471 = tpu.vector_load %arg8[%get3A_1468, %get3A_1469, %get3A_1470] {strides = array<i32>} : memref<2x8x2048xf32, #tpu.memory_space<vmem>>, vector<1x1x16xf32>,
          %get3A_1472 = vector.shape_cast %get3A_1471 : vector<1x1x16xf32> to vector<16xf32>
          %swap3A_1473 = arith.constant 1 : i32
          %swap3A_1474 = arith.index_cast %swap3A_1473 : i32 to index
          %swap3A_1475 = arith.index_cast %add3A_1439 : i32 to index
          %swap3A_1476 = arith.index_cast %add3A_1466 : i32 to index
          %swap3A_1477 = tpu.vector_load %arg7[%swap3A_1474, %swap3A_1475, %swap3A_1476] {strides = array<i32>} : memref<4x8x2048xf32, #tpu.memory_space<vmem>>, vector<1x1x16xf32>,
          %swap3A_1478 = vector.shape_cast %swap3A_1477 : vector<1x1x16xf32> to vector<16xf32>
          %swap3A_1479 = vector.shape_cast %get3A_1472 : vector<16xf32> to vector<1x1x16xf32>
          tpu.vector_store %arg7[%swap3A_1474, %swap3A_1475, %swap3A_1476], %swap3A_1479 {add = true, strides = array<i32>} : memref<4x8x2048xf32, #tpu.memory_space<vmem>>, vector<1x1x16xf32>,
          %scan3A_1480 = arith.constant 2 : i32
          %scan3A_1481 = arith.addi %scan3A_1445, %scan3A_1480 : i32
          %mul3A_1482 = arith.constant 16 : i32
          %mul3A_1483 = arith.muli %scan3A_1481, %mul3A_1482 : i32
          %add3A_1484 = arith.constant 0 : i32
          %add3A_1485 = arith.addi %add3A_1484, %mul3A_1483 : i32
          %get3A_1486 = arith.constant 1 : i32
          %get3A_1487 = arith.index_cast %get3A_1486 : i32 to index
          %get3A_1488 = arith.index_cast %add3A_1439 : i32 to index
          %get3A_1489 = arith.index_cast %add3A_1485 : i32 to index
          %get3A_1490 = tpu.vector_load %arg8[%get3A_1487, %get3A_1488, %get3A_1489] {strides = array<i32>} : memref<2x8x2048xf32, #tpu.memory_space<vmem>>, vector<1x1x16xf32>,
          %get3A_1491 = vector.shape_cast %get3A_1490 : vector<1x1x16xf32> to vector<16xf32>
          %swap3A_1492 = arith.constant 1 : i32
          %swap3A_1493 = arith.index_cast %swap3A_1492 : i32 to index
          %swap3A_1494 = arith.index_cast %add3A_1439 : i32 to index
          %swap3A_1495 = arith.index_cast %add3A_1485 : i32 to index
          %swap3A_1496 = tpu.vector_load %arg7[%swap3A_1493, %swap3A_1494, %swap3A_1495] {strides = array<i32>} : memref<4x8x2048xf32, #tpu.memory_space<vmem>>, vector<1x1x16xf32>,
          %swap3A_1497 = vector.shape_cast %swap3A_1496 : vector<1x1x16xf32> to vector<16xf32>
          %swap3A_1498 = vector.shape_cast %get3A_1491 : vector<16xf32> to vector<1x1x16xf32>
          tpu.vector_store %arg7[%swap3A_1493, %swap3A_1494, %swap3A_1495], %swap3A_1498 {add = true, strides = array<i32>} : memref<4x8x2048xf32, #tpu.memory_space<vmem>>, vector<1x1x16xf32>,
          %scan3A_1499 = arith.constant 3 : i32
          %scan3A_1500 = arith.addi %scan3A_1445, %scan3A_1499 : i32
          %mul3A_1501 = arith.constant 16 : i32
          %mul3A_1502 = arith.muli %scan3A_1500, %mul3A_1501 : i32
          %add3A_1503 = arith.constant 0 : i32
          %add3A_1504 = arith.addi %add3A_1503, %mul3A_1502 : i32
          %get3A_1505 = arith.constant 1 : i32
          %get3A_1506 = arith.index_cast %get3A_1505 : i32 to index
          %get3A_1507 = arith.index_cast %add3A_1439 : i32 to index
          %get3A_1508 = arith.index_cast %add3A_1504 : i32 to index
          %get3A_1509 = tpu.vector_load %arg8[%get3A_1506, %get3A_1507, %get3A_1508] {strides = array<i32>} : memref<2x8x2048xf32, #tpu.memory_space<vmem>>, vector<1x1x16xf32>,
          %get3A_1510 = vector.shape_cast %get3A_1509 : vector<1x1x16xf32> to vector<16xf32>
          %swap3A_1511 = arith.constant 1 : i32
          %swap3A_1512 = arith.index_cast %swap3A_1511 : i32 to index
          %swap3A_1513 = arith.index_cast %add3A_1439 : i32 to index
          %swap3A_1514 = arith.index_cast %add3A_1504 : i32 to index
          %swap3A_1515 = tpu.vector_load %arg7[%swap3A_1512, %swap3A_1513, %swap3A_1514] {strides = array<i32>} : memref<4x8x2048xf32, #tpu.memory_space<vmem>>, vector<1x1x16xf32>,
          %swap3A_1516 = vector.shape_cast %swap3A_1515 : vector<1x1x16xf32> to vector<16xf32>
          %swap3A_1517 = vector.shape_cast %get3A_1510 : vector<16xf32> to vector<1x1x16xf32>
          tpu.vector_store %arg7[%swap3A_1512, %swap3A_1513, %swap3A_1514], %swap3A_1517 {add = true, strides = array<i32>} : memref<4x8x2048xf32, #tpu.memory_space<vmem>>, vector<1x1x16xf32>,
          %scan3A_1518 = arith.constant 4 : i32
          %scan3A_1519 = arith.addi %scan3A_1445, %scan3A_1518 : i32
          %mul3A_1520 = arith.constant 16 : i32
          %mul3A_1521 = arith.muli %scan3A_1519, %mul3A_1520 : i32
          %add3A_1522 = arith.constant 0 : i32
          %add3A_1523 = arith.addi %add3A_1522, %mul3A_1521 : i32
          %get3A_1524 = arith.constant 1 : i32
          %get3A_1525 = arith.index_cast %get3A_1524 : i32 to index
          %get3A_1526 = arith.index_cast %add3A_1439 : i32 to index
          %get3A_1527 = arith.index_cast %add3A_1523 : i32 to index
          %get3A_1528 = tpu.vector_load %arg8[%get3A_1525, %get3A_1526, %get3A_1527] {strides = array<i32>} : memref<2x8x2048xf32, #tpu.memory_space<vmem>>, vector<1x1x16xf32>,
          %get3A_1529 = vector.shape_cast %get3A_1528 : vector<1x1x16xf32> to vector<16xf32>
          %swap3A_1530 = arith.constant 1 : i32
          %swap3A_1531 = arith.index_cast %swap3A_1530 : i32 to index
          %swap3A_1532 = arith.index_cast %add3A_1439 : i32 to index
          %swap3A_1533 = arith.index_cast %add3A_1523 : i32 to index
          %swap3A_1534 = tpu.vector_load %arg7[%swap3A_1531, %swap3A_1532, %swap3A_1533] {strides = array<i32>} : memref<4x8x2048xf32, #tpu.memory_space<vmem>>, vector<1x1x16xf32>,
          %swap3A_1535 = vector.shape_cast %swap3A_1534 : vector<1x1x16xf32> to vector<16xf32>
          %swap3A_1536 = vector.shape_cast %get3A_1529 : vector<16xf32> to vector<1x1x16xf32>
          tpu.vector_store %arg7[%swap3A_1531, %swap3A_1532, %swap3A_1533], %swap3A_1536 {add = true, strides = array<i32>} : memref<4x8x2048xf32, #tpu.memory_space<vmem>>, vector<1x1x16xf32>,
          %scan3A_1537 = arith.constant 5 : i32
          %scan3A_1538 = arith.addi %scan3A_1445, %scan3A_1537 : i32
          %mul3A_1539 = arith.constant 16 : i32
          %mul3A_1540 = arith.muli %scan3A_1538, %mul3A_1539 : i32
          %add3A_1541 = arith.constant 0 : i32
          %add3A_1542 = arith.addi %add3A_1541, %mul3A_1540 : i32
          %get3A_1543 = arith.constant 1 : i32
          %get3A_1544 = arith.index_cast %get3A_1543 : i32 to index
          %get3A_1545 = arith.index_cast %add3A_1439 : i32 to index
          %get3A_1546 = arith.index_cast %add3A_1542 : i32 to index
          %get3A_1547 = tpu.vector_load %arg8[%get3A_1544, %get3A_1545, %get3A_1546] {strides = array<i32>} : memref<2x8x2048xf32, #tpu.memory_space<vmem>>, vector<1x1x16xf32>,
          %get3A_1548 = vector.shape_cast %get3A_1547 : vector<1x1x16xf32> to vector<16xf32>
          %swap3A_1549 = arith.constant 1 : i32
          %swap3A_1550 = arith.index_cast %swap3A_1549 : i32 to index
          %swap3A_1551 = arith.index_cast %add3A_1439 : i32 to index
          %swap3A_1552 = arith.index_cast %add3A_1542 : i32 to index
          %swap3A_1553 = tpu.vector_load %arg7[%swap3A_1550, %swap3A_1551, %swap3A_1552] {strides = array<i32>} : memref<4x8x2048xf32, #tpu.memory_space<vmem>>, vector<1x1x16xf32>,
          %swap3A_1554 = vector.shape_cast %swap3A_1553 : vector<1x1x16xf32> to vector<16xf32>
          %swap3A_1555 = vector.shape_cast %get3A_1548 : vector<16xf32> to vector<1x1x16xf32>
          tpu.vector_store %arg7[%swap3A_1550, %swap3A_1551, %swap3A_1552], %swap3A_1555 {add = true, strides = array<i32>} : memref<4x8x2048xf32, #tpu.memory_space<vmem>>, vector<1x1x16xf32>,
          %scan3A_1556 = arith.constant 6 : i32
          %scan3A_1557 = arith.addi %scan3A_1445, %scan3A_1556 : i32
          %mul3A_1558 = arith.constant 16 : i32
          %mul3A_1559 = arith.muli %scan3A_1557, %mul3A_1558 : i32
          %add3A_1560 = arith.constant 0 : i32
          %add3A_1561 = arith.addi %add3A_1560, %mul3A_1559 : i32
          %get3A_1562 = arith.constant 1 : i32
          %get3A_1563 = arith.index_cast %get3A_1562 : i32 to index
          %get3A_1564 = arith.index_cast %add3A_1439 : i32 to index
          %get3A_1565 = arith.index_cast %add3A_1561 : i32 to index
          %get3A_1566 = tpu.vector_load %arg8[%get3A_1563, %get3A_1564, %get3A_1565] {strides = array<i32>} : memref<2x8x2048xf32, #tpu.memory_space<vmem>>, vector<1x1x16xf32>,
          %get3A_1567 = vector.shape_cast %get3A_1566 : vector<1x1x16xf32> to vector<16xf32>
          %swap3A_1568 = arith.constant 1 : i32
          %swap3A_1569 = arith.index_cast %swap3A_1568 : i32 to index
          %swap3A_1570 = arith.index_cast %add3A_1439 : i32 to index
          %swap3A_1571 = arith.index_cast %add3A_1561 : i32 to index
          %swap3A_1572 = tpu.vector_load %arg7[%swap3A_1569, %swap3A_1570, %swap3A_1571] {strides = array<i32>} : memref<4x8x2048xf32, #tpu.memory_space<vmem>>, vector<1x1x16xf32>,
          %swap3A_1573 = vector.shape_cast %swap3A_1572 : vector<1x1x16xf32> to vector<16xf32>
          %swap3A_1574 = vector.shape_cast %get3A_1567 : vector<16xf32> to vector<1x1x16xf32>
          tpu.vector_store %arg7[%swap3A_1569, %swap3A_1570, %swap3A_1571], %swap3A_1574 {add = true, strides = array<i32>} : memref<4x8x2048xf32, #tpu.memory_space<vmem>>, vector<1x1x16xf32>,
          %scan3A_1575 = arith.constant 7 : i32
          %scan3A_1576 = arith.addi %scan3A_1445, %scan3A_1575 : i32
          %mul3A_1577 = arith.constant 16 : i32
          %mul3A_1578 = arith.muli %scan3A_1576, %mul3A_1577 : i32
          %add3A_1579 = arith.constant 0 : i32
          %add3A_1580 = arith.addi %add3A_1579, %mul3A_1578 : i32
          %get3A_1581 = arith.constant 1 : i32
          %get3A_1582 = arith.index_cast %get3A_1581 : i32 to index
          %get3A_1583 = arith.index_cast %add3A_1439 : i32 to index
          %get3A_1584 = arith.index_cast %add3A_1580 : i32 to index
          %get3A_1585 = tpu.vector_load %arg8[%get3A_1582, %get3A_1583, %get3A_1584] {strides = array<i32>} : memref<2x8x2048xf32, #tpu.memory_space<vmem>>, vector<1x1x16xf32>,
          %get3A_1586 = vector.shape_cast %get3A_1585 : vector<1x1x16xf32> to vector<16xf32>
          %swap3A_1587 = arith.constant 1 : i32
          %swap3A_1588 = arith.index_cast %swap3A_1587 : i32 to index
          %swap3A_1589 = arith.index_cast %add3A_1439 : i32 to index
          %swap3A_1590 = arith.index_cast %add3A_1580 : i32 to index
          %swap3A_1591 = tpu.vector_load %arg7[%swap3A_1588, %swap3A_1589, %swap3A_1590] {strides = array<i32>} : memref<4x8x2048xf32, #tpu.memory_space<vmem>>, vector<1x1x16xf32>,
          %swap3A_1592 = vector.shape_cast %swap3A_1591 : vector<1x1x16xf32> to vector<16xf32>
          %swap3A_1593 = vector.shape_cast %get3A_1586 : vector<16xf32> to vector<1x1x16xf32>
          tpu.vector_store %arg7[%swap3A_1588, %swap3A_1589, %swap3A_1590], %swap3A_1593 {add = true, strides = array<i32>} : memref<4x8x2048xf32, #tpu.memory_space<vmem>>, vector<1x1x16xf32>,
          %scan3A_1594 = arith.constant 8 : i32
          %scan3A_1595 = arith.addi %scan3A_1445, %scan3A_1594 : i32
          %mul3A_1596 = arith.constant 16 : i32
          %mul3A_1597 = arith.muli %scan3A_1595, %mul3A_1596 : i32
          %add3A_1598 = arith.constant 0 : i32
          %add3A_1599 = arith.addi %add3A_1598, %mul3A_1597 : i32
          %get3A_1600 = arith.constant 1 : i32
          %get3A_1601 = arith.index_cast %get3A_1600 : i32 to index
          %get3A_1602 = arith.index_cast %add3A_1439 : i32 to index
          %get3A_1603 = arith.index_cast %add3A_1599 : i32 to index
          %get3A_1604 = tpu.vector_load %arg8[%get3A_1601, %get3A_1602, %get3A_1603] {strides = array<i32>} : memref<2x8x2048xf32, #tpu.memory_space<vmem>>, vector<1x1x16xf32>,
          %get3A_1605 = vector.shape_cast %get3A_1604 : vector<1x1x16xf32> to vector<16xf32>
          %swap3A_1606 = arith.constant 1 : i32
          %swap3A_1607 = arith.index_cast %swap3A_1606 : i32 to index
          %swap3A_1608 = arith.index_cast %add3A_1439 : i32 to index
          %swap3A_1609 = arith.index_cast %add3A_1599 : i32 to index
          %swap3A_1610 = tpu.vector_load %arg7[%swap3A_1607, %swap3A_1608, %swap3A_1609] {strides = array<i32>} : memref<4x8x2048xf32, #tpu.memory_space<vmem>>, vector<1x1x16xf32>,
          %swap3A_1611 = vector.shape_cast %swap3A_1610 : vector<1x1x16xf32> to vector<16xf32>
          %swap3A_1612 = vector.shape_cast %get3A_1605 : vector<16xf32> to vector<1x1x16xf32>
          tpu.vector_store %arg7[%swap3A_1607, %swap3A_1608, %swap3A_1609], %swap3A_1612 {add = true, strides = array<i32>} : memref<4x8x2048xf32, #tpu.memory_space<vmem>>, vector<1x1x16xf32>,
          %scan3A_1613 = arith.constant 9 : i32
          %scan3A_1614 = arith.addi %scan3A_1445, %scan3A_1613 : i32
          %mul3A_1615 = arith.constant 16 : i32
          %mul3A_1616 = arith.muli %scan3A_1614, %mul3A_1615 : i32
          %add3A_1617 = arith.constant 0 : i32
          %add3A_1618 = arith.addi %add3A_1617, %mul3A_1616 : i32
          %get3A_1619 = arith.constant 1 : i32
          %get3A_1620 = arith.index_cast %get3A_1619 : i32 to index
          %get3A_1621 = arith.index_cast %add3A_1439 : i32 to index
          %get3A_1622 = arith.index_cast %add3A_1618 : i32 to index
          %get3A_1623 = tpu.vector_load %arg8[%get3A_1620, %get3A_1621, %get3A_1622] {strides = array<i32>} : memref<2x8x2048xf32, #tpu.memory_space<vmem>>, vector<1x1x16xf32>,
          %get3A_1624 = vector.shape_cast %get3A_1623 : vector<1x1x16xf32> to vector<16xf32>
          %swap3A_1625 = arith.constant 1 : i32
          %swap3A_1626 = arith.index_cast %swap3A_1625 : i32 to index
          %swap3A_1627 = arith.index_cast %add3A_1439 : i32 to index
          %swap3A_1628 = arith.index_cast %add3A_1618 : i32 to index
          %swap3A_1629 = tpu.vector_load %arg7[%swap3A_1626, %swap3A_1627, %swap3A_1628] {strides = array<i32>} : memref<4x8x2048xf32, #tpu.memory_space<vmem>>, vector<1x1x16xf32>,
          %swap3A_1630 = vector.shape_cast %swap3A_1629 : vector<1x1x16xf32> to vector<16xf32>
          %swap3A_1631 = vector.shape_cast %get3A_1624 : vector<16xf32> to vector<1x1x16xf32>
          tpu.vector_store %arg7[%swap3A_1626, %swap3A_1627, %swap3A_1628], %swap3A_1631 {add = true, strides = array<i32>} : memref<4x8x2048xf32, #tpu.memory_space<vmem>>, vector<1x1x16xf32>,
          %scan3A_1632 = arith.constant 10 : i32
          %scan3A_1633 = arith.addi %scan3A_1445, %scan3A_1632 : i32
          %mul3A_1634 = arith.constant 16 : i32
          %mul3A_1635 = arith.muli %scan3A_1633, %mul3A_1634 : i32
          %add3A_1636 = arith.constant 0 : i32
          %add3A_1637 = arith.addi %add3A_1636, %mul3A_1635 : i32
          %get3A_1638 = arith.constant 1 : i32
          %get3A_1639 = arith.index_cast %get3A_1638 : i32 to index
          %get3A_1640 = arith.index_cast %add3A_1439 : i32 to index
          %get3A_1641 = arith.index_cast %add3A_1637 : i32 to index
          %get3A_1642 = tpu.vector_load %arg8[%get3A_1639, %get3A_1640, %get3A_1641] {strides = array<i32>} : memref<2x8x2048xf32, #tpu.memory_space<vmem>>, vector<1x1x16xf32>,
          %get3A_1643 = vector.shape_cast %get3A_1642 : vector<1x1x16xf32> to vector<16xf32>
          %swap3A_1644 = arith.constant 1 : i32
          %swap3A_1645 = arith.index_cast %swap3A_1644 : i32 to index
          %swap3A_1646 = arith.index_cast %add3A_1439 : i32 to index
          %swap3A_1647 = arith.index_cast %add3A_1637 : i32 to index
          %swap3A_1648 = tpu.vector_load %arg7[%swap3A_1645, %swap3A_1646, %swap3A_1647] {strides = array<i32>} : memref<4x8x2048xf32, #tpu.memory_space<vmem>>, vector<1x1x16xf32>,
          %swap3A_1649 = vector.shape_cast %swap3A_1648 : vector<1x1x16xf32> to vector<16xf32>
          %swap3A_1650 = vector.shape_cast %get3A_1643 : vector<16xf32> to vector<1x1x16xf32>
          tpu.vector_store %arg7[%swap3A_1645, %swap3A_1646, %swap3A_1647], %swap3A_1650 {add = true, strides = array<i32>} : memref<4x8x2048xf32, #tpu.memory_space<vmem>>, vector<1x1x16xf32>,
          %scan3A_1651 = arith.constant 11 : i32
          %scan3A_1652 = arith.addi %scan3A_1445, %scan3A_1651 : i32
          %mul3A_1653 = arith.constant 16 : i32
          %mul3A_1654 = arith.muli %scan3A_1652, %mul3A_1653 : i32
          %add3A_1655 = arith.constant 0 : i32
          %add3A_1656 = arith.addi %add3A_1655, %mul3A_1654 : i32
          %get3A_1657 = arith.constant 1 : i32
          %get3A_1658 = arith.index_cast %get3A_1657 : i32 to index
          %get3A_1659 = arith.index_cast %add3A_1439 : i32 to index
          %get3A_1660 = arith.index_cast %add3A_1656 : i32 to index
          %get3A_1661 = tpu.vector_load %arg8[%get3A_1658, %get3A_1659, %get3A_1660] {strides = array<i32>} : memref<2x8x2048xf32, #tpu.memory_space<vmem>>, vector<1x1x16xf32>,
          %get3A_1662 = vector.shape_cast %get3A_1661 : vector<1x1x16xf32> to vector<16xf32>
          %swap3A_1663 = arith.constant 1 : i32
          %swap3A_1664 = arith.index_cast %swap3A_1663 : i32 to index
          %swap3A_1665 = arith.index_cast %add3A_1439 : i32 to index
          %swap3A_1666 = arith.index_cast %add3A_1656 : i32 to index
          %swap3A_1667 = tpu.vector_load %arg7[%swap3A_1664, %swap3A_1665, %swap3A_1666] {strides = array<i32>} : memref<4x8x2048xf32, #tpu.memory_space<vmem>>, vector<1x1x16xf32>,
          %swap3A_1668 = vector.shape_cast %swap3A_1667 : vector<1x1x16xf32> to vector<16xf32>
          %swap3A_1669 = vector.shape_cast %get3A_1662 : vector<16xf32> to vector<1x1x16xf32>
          tpu.vector_store %arg7[%swap3A_1664, %swap3A_1665, %swap3A_1666], %swap3A_1669 {add = true, strides = array<i32>} : memref<4x8x2048xf32, #tpu.memory_space<vmem>>, vector<1x1x16xf32>,
          %scan3A_1670 = arith.constant 12 : i32
          %scan3A_1671 = arith.addi %scan3A_1445, %scan3A_1670 : i32
          %mul3A_1672 = arith.constant 16 : i32
          %mul3A_1673 = arith.muli %scan3A_1671, %mul3A_1672 : i32
          %add3A_1674 = arith.constant 0 : i32
          %add3A_1675 = arith.addi %add3A_1674, %mul3A_1673 : i32
          %get3A_1676 = arith.constant 1 : i32
          %get3A_1677 = arith.index_cast %get3A_1676 : i32 to index
          %get3A_1678 = arith.index_cast %add3A_1439 : i32 to index
          %get3A_1679 = arith.index_cast %add3A_1675 : i32 to index
          %get3A_1680 = tpu.vector_load %arg8[%get3A_1677, %get3A_1678, %get3A_1679] {strides = array<i32>} : memref<2x8x2048xf32, #tpu.memory_space<vmem>>, vector<1x1x16xf32>,
          %get3A_1681 = vector.shape_cast %get3A_1680 : vector<1x1x16xf32> to vector<16xf32>
          %swap3A_1682 = arith.constant 1 : i32
          %swap3A_1683 = arith.index_cast %swap3A_1682 : i32 to index
          %swap3A_1684 = arith.index_cast %add3A_1439 : i32 to index
          %swap3A_1685 = arith.index_cast %add3A_1675 : i32 to index
          %swap3A_1686 = tpu.vector_load %arg7[%swap3A_1683, %swap3A_1684, %swap3A_1685] {strides = array<i32>} : memref<4x8x2048xf32, #tpu.memory_space<vmem>>, vector<1x1x16xf32>,
          %swap3A_1687 = vector.shape_cast %swap3A_1686 : vector<1x1x16xf32> to vector<16xf32>
          %swap3A_1688 = vector.shape_cast %get3A_1681 : vector<16xf32> to vector<1x1x16xf32>
          tpu.vector_store %arg7[%swap3A_1683, %swap3A_1684, %swap3A_1685], %swap3A_1688 {add = true, strides = array<i32>} : memref<4x8x2048xf32, #tpu.memory_space<vmem>>, vector<1x1x16xf32>,
          %scan3A_1689 = arith.constant 13 : i32
          %scan3A_1690 = arith.addi %scan3A_1445, %scan3A_1689 : i32
          %mul3A_1691 = arith.constant 16 : i32
          %mul3A_1692 = arith.muli %scan3A_1690, %mul3A_1691 : i32
          %add3A_1693 = arith.constant 0 : i32
          %add3A_1694 = arith.addi %add3A_1693, %mul3A_1692 : i32
          %get3A_1695 = arith.constant 1 : i32
          %get3A_1696 = arith.index_cast %get3A_1695 : i32 to index
          %get3A_1697 = arith.index_cast %add3A_1439 : i32 to index
          %get3A_1698 = arith.index_cast %add3A_1694 : i32 to index
          %get3A_1699 = tpu.vector_load %arg8[%get3A_1696, %get3A_1697, %get3A_1698] {strides = array<i32>} : memref<2x8x2048xf32, #tpu.memory_space<vmem>>, vector<1x1x16xf32>,
          %get3A_1700 = vector.shape_cast %get3A_1699 : vector<1x1x16xf32> to vector<16xf32>
          %swap3A_1701 = arith.constant 1 : i32
          %swap3A_1702 = arith.index_cast %swap3A_1701 : i32 to index
          %swap3A_1703 = arith.index_cast %add3A_1439 : i32 to index
          %swap3A_1704 = arith.index_cast %add3A_1694 : i32 to index
          %swap3A_1705 = tpu.vector_load %arg7[%swap3A_1702, %swap3A_1703, %swap3A_1704] {strides = array<i32>} : memref<4x8x2048xf32, #tpu.memory_space<vmem>>, vector<1x1x16xf32>,
          %swap3A_1706 = vector.shape_cast %swap3A_1705 : vector<1x1x16xf32> to vector<16xf32>
          %swap3A_1707 = vector.shape_cast %get3A_1700 : vector<16xf32> to vector<1x1x16xf32>
          tpu.vector_store %arg7[%swap3A_1702, %swap3A_1703, %swap3A_1704], %swap3A_1707 {add = true, strides = array<i32>} : memref<4x8x2048xf32, #tpu.memory_space<vmem>>, vector<1x1x16xf32>,
          %scan3A_1708 = arith.constant 14 : i32
          %scan3A_1709 = arith.addi %scan3A_1445, %scan3A_1708 : i32
          %mul3A_1710 = arith.constant 16 : i32
          %mul3A_1711 = arith.muli %scan3A_1709, %mul3A_1710 : i32
          %add3A_1712 = arith.constant 0 : i32
          %add3A_1713 = arith.addi %add3A_1712, %mul3A_1711 : i32
          %get3A_1714 = arith.constant 1 : i32
          %get3A_1715 = arith.index_cast %get3A_1714 : i32 to index
          %get3A_1716 = arith.index_cast %add3A_1439 : i32 to index
          %get3A_1717 = arith.index_cast %add3A_1713 : i32 to index
          %get3A_1718 = tpu.vector_load %arg8[%get3A_1715, %get3A_1716, %get3A_1717] {strides = array<i32>} : memref<2x8x2048xf32, #tpu.memory_space<vmem>>, vector<1x1x16xf32>,
          %get3A_1719 = vector.shape_cast %get3A_1718 : vector<1x1x16xf32> to vector<16xf32>
          %swap3A_1720 = arith.constant 1 : i32
          %swap3A_1721 = arith.index_cast %swap3A_1720 : i32 to index
          %swap3A_1722 = arith.index_cast %add3A_1439 : i32 to index
          %swap3A_1723 = arith.index_cast %add3A_1713 : i32 to index
          %swap3A_1724 = tpu.vector_load %arg7[%swap3A_1721, %swap3A_1722, %swap3A_1723] {strides = array<i32>} : memref<4x8x2048xf32, #tpu.memory_space<vmem>>, vector<1x1x16xf32>,
          %swap3A_1725 = vector.shape_cast %swap3A_1724 : vector<1x1x16xf32> to vector<16xf32>
          %swap3A_1726 = vector.shape_cast %get3A_1719 : vector<16xf32> to vector<1x1x16xf32>
          tpu.vector_store %arg7[%swap3A_1721, %swap3A_1722, %swap3A_1723], %swap3A_1726 {add = true, strides = array<i32>} : memref<4x8x2048xf32, #tpu.memory_space<vmem>>, vector<1x1x16xf32>,
          %scan3A_1727 = arith.constant 15 : i32
          %scan3A_1728 = arith.addi %scan3A_1445, %scan3A_1727 : i32
          %mul3A_1729 = arith.constant 16 : i32
          %mul3A_1730 = arith.muli %scan3A_1728, %mul3A_1729 : i32
          %add3A_1731 = arith.constant 0 : i32
          %add3A_1732 = arith.addi %add3A_1731, %mul3A_1730 : i32
          %get3A_1733 = arith.constant 1 : i32
          %get3A_1734 = arith.index_cast %get3A_1733 : i32 to index
          %get3A_1735 = arith.index_cast %add3A_1439 : i32 to index
          %get3A_1736 = arith.index_cast %add3A_1732 : i32 to index
          %get3A_1737 = tpu.vector_load %arg8[%get3A_1734, %get3A_1735, %get3A_1736] {strides = array<i32>} : memref<2x8x2048xf32, #tpu.memory_space<vmem>>, vector<1x1x16xf32>,
          %get3A_1738 = vector.shape_cast %get3A_1737 : vector<1x1x16xf32> to vector<16xf32>
          %swap3A_1739 = arith.constant 1 : i32
          %swap3A_1740 = arith.index_cast %swap3A_1739 : i32 to index
          %swap3A_1741 = arith.index_cast %add3A_1439 : i32 to index
          %swap3A_1742 = arith.index_cast %add3A_1732 : i32 to index
          %swap3A_1743 = tpu.vector_load %arg7[%swap3A_1740, %swap3A_1741, %swap3A_1742] {strides = array<i32>} : memref<4x8x2048xf32, #tpu.memory_space<vmem>>, vector<1x1x16xf32>,
          %swap3A_1744 = vector.shape_cast %swap3A_1743 : vector<1x1x16xf32> to vector<16xf32>
          %swap3A_1745 = vector.shape_cast %get3A_1738 : vector<16xf32> to vector<1x1x16xf32>
          tpu.vector_store %arg7[%swap3A_1740, %swap3A_1741, %swap3A_1742], %swap3A_1745 {add = true, strides = array<i32>} : memref<4x8x2048xf32, #tpu.memory_space<vmem>>, vector<1x1x16xf32>,
        }
        %scan3A_1444 = arith.constant 128 : i32
      }
      %scan3A_1077 = arith.constant 8 : i32
      %jit3A_1078 = arith.constant 4 : i32
      %div3A_1079 = arith.divsi %add3A_989, %jit3A_1078 : i32
      %sign3A_1080 = arith.constant 0 : i32
      %sign3A_1081 = arith.cmpi sgt, %add3A_989, %sign3A_1080 : i32
      %sign3A_1082 = arith.extui %sign3A_1081 : i1 to i32
      %sign3A_1083 = arith.constant 0 : i32
      %sign3A_1084 = arith.cmpi slt, %add3A_989, %sign3A_1083 : i32
      %sign3A_1085 = arith.extui %sign3A_1084 : i1 to i32
      %sign3A_1086 = arith.subi %sign3A_1082, %sign3A_1085 : i32
      %sign3A_1087 = arith.constant 0 : i32
      %sign3A_1088 = arith.cmpi sgt, %jit3A_1078, %sign3A_1087 : i32
      %sign3A_1089 = arith.extui %sign3A_1088 : i1 to i32
      %sign3A_1090 = arith.constant 0 : i32
      %sign3A_1091 = arith.cmpi slt, %jit3A_1078, %sign3A_1090 : i32
      %sign3A_1092 = arith.extui %sign3A_1091 : i1 to i32
      %sign3A_1093 = arith.subi %sign3A_1089, %sign3A_1092 : i32
      %ne3A_1094 = arith.cmpi ne, %sign3A_1086, %sign3A_1093 : i32
      %rem3A_1095 = arith.remsi %add3A_989, %jit3A_1078 : i32
      %ne3A_1096 = arith.constant 0 : i32
      %ne3A_1097 = arith.cmpi ne, %rem3A_1095, %ne3A_1096 : i32
      %and3A_1098 = arith.andi %ne3A_1094, %ne3A_1097 : i1
      %sub3A_1099 = arith.constant 1 : i32
      %sub3A_1100 = arith.subi %div3A_1079, %sub3A_1099 : i32
      %select_n3A_1101 = arith.select %and3A_1098, %sub3A_1100, %div3A_1079 : i32
      %jit3A_1102 = arith.constant 4 : i32
      %eq3A_1103 = arith.constant 0 : i32
      %eq3A_1104 = arith.cmpi eq, %jit3A_1102, %eq3A_1103 : i32
      %jit3A_1105 = arith.constant 1 : i32
      %select_n3A_1106 = arith.select %eq3A_1104, %jit3A_1105, %jit3A_1102 : i32
      %rem3A_1107 = arith.remsi %add3A_989, %select_n3A_1106 : i32
      %ne3A_1108 = arith.constant 0 : i32
      %ne3A_1109 = arith.cmpi ne, %rem3A_1107, %ne3A_1108 : i32
      %lt3A_1110 = arith.constant 0 : i32
      %lt3A_1111 = arith.cmpi slt, %rem3A_1107, %lt3A_1110 : i32
      %lt3A_1112 = arith.constant 0 : i32
      %lt3A_1113 = arith.cmpi slt, %select_n3A_1106, %lt3A_1112 : i32
      %ne3A_1114 = arith.xori %lt3A_1111, %lt3A_1113 : i1
      %and3A_1115 = arith.andi %ne3A_1114, %ne3A_1109 : i1
      %add3A_1116 = arith.addi %rem3A_1107, %select_n3A_1106 : i32
      %select_n3A_1117 = arith.select %and3A_1115, %add3A_1116, %rem3A_1107 : i32
      %mul3A_1118 = arith.constant 2048 : i32
      %mul3A_1119 = arith.muli %select_n3A_1117, %mul3A_1118 : i32
      %add3A_1120 = arith.addi %mul3A_1119, %mul3A_2 : i32
      %mul3A_1121 = arith.constant 8 : i32
      %mul3A_1122 = arith.muli %select_n3A_1101, %mul3A_1121 : i32
      %add3A_1123 = arith.addi %add3A_1120, %mul3A_1122 : i32
      %dma_start3A_1124 = arith.constant 1 : i32
      %dma_start3A_1125 = arith.constant 0 : i32
      %dma_start3A_1126 = arith.constant 0 : i32
      %dma_start3A_1127 = tpu.memref_slice %arg7[%dma_start3A_1124, %dma_start3A_1125, %dma_start3A_1126] : memref<4x8x2048xf32, #tpu.memory_space<vmem>> -> memref<1x8x2048xf32, #tpu.memory_space<vmem>>
      %dma_start3A_1128 = tpu.memref_squeeze %dma_start3A_1127 : memref<1x8x2048xf32, #tpu.memory_space<vmem>> -> memref<8x2048xf32, #tpu.memory_space<vmem>>
      %dma_start3A_1129 = arith.constant 0 : i32
      %dma_start3A_1130 = tpu.memref_slice %arg5[%add3A_1123, %dma_start3A_1129] : memref<8192x2048xf32, #tpu.memory_space<hbm>> -> memref<8x2048xf32, #tpu.memory_space<hbm>>
      %dma_start3A_1131 = arith.constant 0 : i32
      %dma_start3A_1132 = tpu.memref_slice %arg5[%add3A_1123, %dma_start3A_1131] : memref<8192x2048xf32, #tpu.memory_space<hbm>> -> memref<8x2048xf32, #tpu.memory_space<hbm>>
      %dma_start3A_1133 = arith.constant 0 : i32
      %dma_start3A_1134 = arith.constant 0 : i32
      %dma_start3A_1135 = tpu.memref_slice %arg7[%dma_start3A_1124, %dma_start3A_1133, %dma_start3A_1134] : memref<4x8x2048xf32, #tpu.memory_space<vmem>> -> memref<1x8x2048xf32, #tpu.memory_space<vmem>>
      %dma_start3A_1136 = tpu.memref_squeeze %dma_start3A_1135 : memref<1x8x2048xf32, #tpu.memory_space<vmem>> -> memref<8x2048xf32, #tpu.memory_space<vmem>>
      tpu.enqueue_dma source(%dma_start3A_1136 : memref<8x2048xf32, #tpu.memory_space<vmem>>) target(%dma_start3A_1132 : memref<8x2048xf32, #tpu.memory_space<hbm>>) target_semaphore(%arg14 : memref<!tpu.dma_semaphore, #tpu.memory_space<semaphore_mem>>)
      %add3A_1137 = arith.constant 6 : i32
      %add3A_1138 = arith.addi %add3A_212, %add3A_1137 : i32
      %jit3A_1139 = arith.constant 4 : i32
      %div3A_1140 = arith.divsi %add3A_1138, %jit3A_1139 : i32
      %sign3A_1141 = arith.constant 0 : i32
      %sign3A_1142 = arith.cmpi sgt, %add3A_1138, %sign3A_1141 : i32
      %sign3A_1143 = arith.extui %sign3A_1142 : i1 to i32
      %sign3A_1144 = arith.constant 0 : i32
      %sign3A_1145 = arith.cmpi slt, %add3A_1138, %sign3A_1144 : i32
      %sign3A_1146 = arith.extui %sign3A_1145 : i1 to i32
      %sign3A_1147 = arith.subi %sign3A_1143, %sign3A_1146 : i32
      %sign3A_1148 = arith.constant 0 : i32
      %sign3A_1149 = arith.cmpi sgt, %jit3A_1139, %sign3A_1148 : i32
      %sign3A_1150 = arith.extui %sign3A_1149 : i1 to i32
      %sign3A_1151 = arith.constant 0 : i32
      %sign3A_1152 = arith.cmpi slt, %jit3A_1139, %sign3A_1151 : i32
      %sign3A_1153 = arith.extui %sign3A_1152 : i1 to i32
      %sign3A_1154 = arith.subi %sign3A_1150, %sign3A_1153 : i32
      %ne3A_1155 = arith.cmpi ne, %sign3A_1147, %sign3A_1154 : i32
      %rem3A_1156 = arith.remsi %add3A_1138, %jit3A_1139 : i32
      %ne3A_1157 = arith.constant 0 : i32
      %ne3A_1158 = arith.cmpi ne, %rem3A_1156, %ne3A_1157 : i32
      %and3A_1159 = arith.andi %ne3A_1155, %ne3A_1158 : i1
      %sub3A_1160 = arith.constant 1 : i32
      %sub3A_1161 = arith.subi %div3A_1140, %sub3A_1160 : i32
      %select_n3A_1162 = arith.select %and3A_1159, %sub3A_1161, %div3A_1140 : i32
      %jit3A_1163 = arith.constant 4 : i32
      %div3A_1164 = arith.divsi %add3A_1138, %jit3A_1163 : i32
      %sign3A_1165 = arith.constant 0 : i32
      %sign3A_1166 = arith.cmpi sgt, %add3A_1138, %sign3A_1165 : i32
      %sign3A_1167 = arith.extui %sign3A_1166 : i1 to i32
      %sign3A_1168 = arith.constant 0 : i32
      %sign3A_1169 = arith.cmpi slt, %add3A_1138, %sign3A_1168 : i32
      %sign3A_1170 = arith.extui %sign3A_1169 : i1 to i32
      %sign3A_1171 = arith.subi %sign3A_1167, %sign3A_1170 : i32
      %sign3A_1172 = arith.constant 0 : i32
      %sign3A_1173 = arith.cmpi sgt, %jit3A_1163, %sign3A_1172 : i32
      %sign3A_1174 = arith.extui %sign3A_1173 : i1 to i32
      %sign3A_1175 = arith.constant 0 : i32
      %sign3A_1176 = arith.cmpi slt, %jit3A_1163, %sign3A_1175 : i32
      %sign3A_1177 = arith.extui %sign3A_1176 : i1 to i32
      %sign3A_1178 = arith.subi %sign3A_1174, %sign3A_1177 : i32
      %ne3A_1179 = arith.cmpi ne, %sign3A_1171, %sign3A_1178 : i32
      %rem3A_1180 = arith.remsi %add3A_1138, %jit3A_1163 : i32
      %ne3A_1181 = arith.constant 0 : i32
      %ne3A_1182 = arith.cmpi ne, %rem3A_1180, %ne3A_1181 : i32
      %and3A_1183 = arith.andi %ne3A_1179, %ne3A_1182 : i1
      %sub3A_1184 = arith.constant 1 : i32
      %sub3A_1185 = arith.subi %div3A_1164, %sub3A_1184 : i32
      %select_n3A_1186 = arith.select %and3A_1183, %sub3A_1185, %div3A_1164 : i32
      %jit3A_1187 = arith.constant 4 : i32
      %eq3A_1188 = arith.constant 0 : i32
      %eq3A_1189 = arith.cmpi eq, %jit3A_1187, %eq3A_1188 : i32
      %jit3A_1190 = arith.constant 1 : i32
      %select_n3A_1191 = arith.select %eq3A_1189, %jit3A_1190, %jit3A_1187 : i32
      %rem3A_1192 = arith.remsi %add3A_1138, %select_n3A_1191 : i32
      %ne3A_1193 = arith.constant 0 : i32
      %ne3A_1194 = arith.cmpi ne, %rem3A_1192, %ne3A_1193 : i32
      %lt3A_1195 = arith.constant 0 : i32
      %lt3A_1196 = arith.cmpi slt, %rem3A_1192, %lt3A_1195 : i32
      %lt3A_1197 = arith.constant 0 : i32
      %lt3A_1198 = arith.cmpi slt, %select_n3A_1191, %lt3A_1197 : i32
      %ne3A_1199 = arith.xori %lt3A_1196, %lt3A_1198 : i1
      %and3A_1200 = arith.andi %ne3A_1199, %ne3A_1194 : i1
      %add3A_1201 = arith.addi %rem3A_1192, %select_n3A_1191 : i32
      %select_n3A_1202 = arith.select %and3A_1200, %add3A_1201, %rem3A_1192 : i32
      %mul3A_1203 = arith.constant 8 : i32
      %mul3A_1204 = arith.muli %select_n3A_1186, %mul3A_1203 : i32
      %dma_wait3A_1205 = arith.constant 2 : i32
      %dma_wait3A_1206 = arith.constant 0 : i32
      %dma_wait3A_1207 = arith.constant 0 : i32
      %dma_wait3A_1208 = tpu.memref_slice %arg7[%dma_wait3A_1205, %dma_wait3A_1206, %dma_wait3A_1207] : memref<4x8x2048xf32, #tpu.memory_space<vmem>> -> memref<1x8x2048xf32, #tpu.memory_space<vmem>>
      %dma_wait3A_1209 = tpu.memref_squeeze %dma_wait3A_1208 : memref<1x8x2048xf32, #tpu.memory_space<vmem>> -> memref<8x2048xf32, #tpu.memory_space<vmem>>
      %dma_wait3A_1210 = tpu.memref_slice %arg6[%select_n3A_1202, %mul3A_1204] : memref<4x64xi32, #tpu.memory_space<vmem>> -> memref<1x8xi32, #tpu.memory_space<vmem>>
      %dma_wait3A_1211 = tpu.memref_squeeze %dma_wait3A_1210 : memref<1x8xi32, #tpu.memory_space<vmem>> -> memref<8xi32, #tpu.memory_space<vmem>>
      %dma_wait3A_1212 = arith.constant 0 : i32
      %dma_wait3A_1213 = arith.constant 0 : i32
      %dma_wait3A_1214 = tpu.memref_slice %arg2[%dma_wait3A_1212, %dma_wait3A_1213] : memref<100000x2048xf32, #tpu.memory_space<hbm>> -> memref<100000x2048xf32, #tpu.memory_space<hbm>>
      tpu.wait_indirect_dma semaphore(%arg11 : memref<!tpu.dma_semaphore, #tpu.memory_space<semaphore_mem>>) src(%dma_wait3A_1214 : memref<100000x2048xf32, #tpu.memory_space<hbm>>) dst(%dma_wait3A_1209 : memref<8x2048xf32, #tpu.memory_space<vmem>>)
      %add3A_1215 = arith.constant 2 : i32
      %add3A_1216 = arith.addi %add3A_1138, %add3A_1215 : i32
      %lt3A_1217 = arith.constant 32 : i32
      %lt3A_1218 = arith.cmpi slt, %add3A_1216, %lt3A_1217 : i32
      %convert_element_type3A_1219 = arith.extui %lt3A_1218 : i1 to i32
      %cond3A_1220 = arith.constant 0 : i32
      %cond3A_1221 = arith.cmpi ne, %convert_element_type3A_1219, %cond3A_1220 : i32
      scf.if %cond3A_1221 {
        %ge3A = arith.constant 2 : i32
        %ge3A_1435 = arith.cmpi sge, %add3A_1138, %ge3A : i32
        %convert_element_type3A_1436 = arith.extui %ge3A_1435 : i1 to i32
        %cond3A_1437 = arith.constant 0 : i32
        %cond3A_1438 = arith.cmpi ne, %convert_element_type3A_1436, %cond3A_1437 : i32
        scf.if %cond3A_1438 {
          %sub3A_1493 = arith.constant 2 : i32
          %sub3A_1494 = arith.subi %add3A_1138, %sub3A_1493 : i32
          %jit3A_1495 = arith.constant 4 : i32
          %div3A_1496 = arith.divsi %sub3A_1494, %jit3A_1495 : i32
          %sign3A_1497 = arith.constant 0 : i32
          %sign3A_1498 = arith.cmpi sgt, %sub3A_1494, %sign3A_1497 : i32
          %sign3A_1499 = arith.extui %sign3A_1498 : i1 to i32
          %sign3A_1500 = arith.constant 0 : i32
          %sign3A_1501 = arith.cmpi slt, %sub3A_1494, %sign3A_1500 : i32
          %sign3A_1502 = arith.extui %sign3A_1501 : i1 to i32
          %sign3A_1503 = arith.subi %sign3A_1499, %sign3A_1502 : i32
          %sign3A_1504 = arith.constant 0 : i32
          %sign3A_1505 = arith.cmpi sgt, %jit3A_1495, %sign3A_1504 : i32
          %sign3A_1506 = arith.extui %sign3A_1505 : i1 to i32
          %sign3A_1507 = arith.constant 0 : i32
          %sign3A_1508 = arith.cmpi slt, %jit3A_1495, %sign3A_1507 : i32
          %sign3A_1509 = arith.extui %sign3A_1508 : i1 to i32
          %sign3A_1510 = arith.subi %sign3A_1506, %sign3A_1509 : i32
          %ne3A_1511 = arith.cmpi ne, %sign3A_1503, %sign3A_1510 : i32
          %rem3A_1512 = arith.remsi %sub3A_1494, %jit3A_1495 : i32
          %ne3A_1513 = arith.constant 0 : i32
          %ne3A_1514 = arith.cmpi ne, %rem3A_1512, %ne3A_1513 : i32
          %and3A_1515 = arith.andi %ne3A_1511, %ne3A_1514 : i1
          %sub3A_1516 = arith.constant 1 : i32
          %sub3A_1517 = arith.subi %div3A_1496, %sub3A_1516 : i32
          %select_n3A_1518 = arith.select %and3A_1515, %sub3A_1517, %div3A_1496 : i32
          %jit3A_1519 = arith.constant 4 : i32
          %eq3A_1520 = arith.constant 0 : i32
          %eq3A_1521 = arith.cmpi eq, %jit3A_1519, %eq3A_1520 : i32
          %jit3A_1522 = arith.constant 1 : i32
          %select_n3A_1523 = arith.select %eq3A_1521, %jit3A_1522, %jit3A_1519 : i32
          %rem3A_1524 = arith.remsi %sub3A_1494, %select_n3A_1523 : i32
          %ne3A_1525 = arith.constant 0 : i32
          %ne3A_1526 = arith.cmpi ne, %rem3A_1524, %ne3A_1525 : i32
          %lt3A_1527 = arith.constant 0 : i32
          %lt3A_1528 = arith.cmpi slt, %rem3A_1524, %lt3A_1527 : i32
          %lt3A_1529 = arith.constant 0 : i32
          %lt3A_1530 = arith.cmpi slt, %select_n3A_1523, %lt3A_1529 : i32
          %ne3A_1531 = arith.xori %lt3A_1528, %lt3A_1530 : i1
          %and3A_1532 = arith.andi %ne3A_1531, %ne3A_1526 : i1
          %add3A_1533 = arith.addi %rem3A_1524, %select_n3A_1523 : i32
          %select_n3A_1534 = arith.select %and3A_1532, %add3A_1533, %rem3A_1524 : i32
          %mul3A_1535 = arith.constant 2048 : i32
          %mul3A_1536 = arith.muli %select_n3A_1534, %mul3A_1535 : i32
          %add3A_1537 = arith.addi %mul3A_1536, %mul3A_2 : i32
          %mul3A_1538 = arith.constant 8 : i32
          %mul3A_1539 = arith.muli %select_n3A_1518, %mul3A_1538 : i32
          %add3A_1540 = arith.addi %add3A_1537, %mul3A_1539 : i32
          %dma_wait3A_1541 = arith.constant 0 : i32
          %dma_wait3A_1542 = arith.constant 0 : i32
          %dma_wait3A_1543 = arith.constant 0 : i32
          %dma_wait3A_1544 = tpu.memref_slice %arg7[%dma_wait3A_1541, %dma_wait3A_1542, %dma_wait3A_1543] : memref<4x8x2048xf32, #tpu.memory_space<vmem>> -> memref<1x8x2048xf32, #tpu.memory_space<vmem>>
          %dma_wait3A_1545 = tpu.memref_squeeze %dma_wait3A_1544 : memref<1x8x2048xf32, #tpu.memory_space<vmem>> -> memref<8x2048xf32, #tpu.memory_space<vmem>>
          %dma_wait3A_1546 = arith.constant 0 : i32
          %dma_wait3A_1547 = tpu.memref_slice %arg5[%add3A_1540, %dma_wait3A_1546] : memref<8192x2048xf32, #tpu.memory_space<hbm>> -> memref<8x2048xf32, #tpu.memory_space<hbm>>
          %dma_wait3A_1548 = arith.constant 0 : i32
          %dma_wait3A_1549 = tpu.memref_slice %arg5[%add3A_1540, %dma_wait3A_1548] : memref<8192x2048xf32, #tpu.memory_space<hbm>> -> memref<8x2048xf32, #tpu.memory_space<hbm>>
          %dma_wait3A_1550 = arith.constant 0 : i32
          %dma_wait3A_1551 = arith.constant 0 : i32
          %dma_wait3A_1552 = tpu.memref_slice %arg7[%dma_wait3A_1541, %dma_wait3A_1550, %dma_wait3A_1551] : memref<4x8x2048xf32, #tpu.memory_space<vmem>> -> memref<1x8x2048xf32, #tpu.memory_space<vmem>>
          %dma_wait3A_1553 = tpu.memref_squeeze %dma_wait3A_1552 : memref<1x8x2048xf32, #tpu.memory_space<vmem>> -> memref<8x2048xf32, #tpu.memory_space<vmem>>
          tpu.wait_dma2 semaphore(%arg13 : memref<!tpu.dma_semaphore, #tpu.memory_space<semaphore_mem>>) src(%dma_wait3A_1553 : memref<8x2048xf32, #tpu.memory_space<vmem>>) dst(%dma_wait3A_1549 : memref<8x2048xf32, #tpu.memory_space<hbm>>)
        } else {
        }
        %add3A_1439 = arith.constant 2 : i32
        %add3A_1440 = arith.addi %add3A_1138, %add3A_1439 : i32
        %jit3A_1441 = arith.constant 4 : i32
        %div3A_1442 = arith.divsi %add3A_1440, %jit3A_1441 : i32
        %sign3A_1443 = arith.constant 0 : i32
        %sign3A_1444 = arith.cmpi sgt, %add3A_1440, %sign3A_1443 : i32
        %sign3A_1445 = arith.extui %sign3A_1444 : i1 to i32
        %sign3A_1446 = arith.constant 0 : i32
        %sign3A_1447 = arith.cmpi slt, %add3A_1440, %sign3A_1446 : i32
        %sign3A_1448 = arith.extui %sign3A_1447 : i1 to i32
        %sign3A_1449 = arith.subi %sign3A_1445, %sign3A_1448 : i32
        %sign3A_1450 = arith.constant 0 : i32
        %sign3A_1451 = arith.cmpi sgt, %jit3A_1441, %sign3A_1450 : i32
        %sign3A_1452 = arith.extui %sign3A_1451 : i1 to i32
        %sign3A_1453 = arith.constant 0 : i32
        %sign3A_1454 = arith.cmpi slt, %jit3A_1441, %sign3A_1453 : i32
        %sign3A_1455 = arith.extui %sign3A_1454 : i1 to i32
        %sign3A_1456 = arith.subi %sign3A_1452, %sign3A_1455 : i32
        %ne3A_1457 = arith.cmpi ne, %sign3A_1449, %sign3A_1456 : i32
        %rem3A_1458 = arith.remsi %add3A_1440, %jit3A_1441 : i32
        %ne3A_1459 = arith.constant 0 : i32
        %ne3A_1460 = arith.cmpi ne, %rem3A_1458, %ne3A_1459 : i32
        %and3A_1461 = arith.andi %ne3A_1457, %ne3A_1460 : i1
        %sub3A_1462 = arith.constant 1 : i32
        %sub3A_1463 = arith.subi %div3A_1442, %sub3A_1462 : i32
        %select_n3A_1464 = arith.select %and3A_1461, %sub3A_1463, %div3A_1442 : i32
        %jit3A_1465 = arith.constant 4 : i32
        %eq3A_1466 = arith.constant 0 : i32
        %eq3A_1467 = arith.cmpi eq, %jit3A_1465, %eq3A_1466 : i32
        %jit3A_1468 = arith.constant 1 : i32
        %select_n3A_1469 = arith.select %eq3A_1467, %jit3A_1468, %jit3A_1465 : i32
        %rem3A_1470 = arith.remsi %add3A_1440, %select_n3A_1469 : i32
        %ne3A_1471 = arith.constant 0 : i32
        %ne3A_1472 = arith.cmpi ne, %rem3A_1470, %ne3A_1471 : i32
        %lt3A_1473 = arith.constant 0 : i32
        %lt3A_1474 = arith.cmpi slt, %rem3A_1470, %lt3A_1473 : i32
        %lt3A_1475 = arith.constant 0 : i32
        %lt3A_1476 = arith.cmpi slt, %select_n3A_1469, %lt3A_1475 : i32
        %ne3A_1477 = arith.xori %lt3A_1474, %lt3A_1476 : i1
        %and3A_1478 = arith.andi %ne3A_1477, %ne3A_1472 : i1
        %add3A_1479 = arith.addi %rem3A_1470, %select_n3A_1469 : i32
        %select_n3A_1480 = arith.select %and3A_1478, %add3A_1479, %rem3A_1470 : i32
        %mul3A_1481 = arith.constant 8 : i32
        %mul3A_1482 = arith.muli %select_n3A_1464, %mul3A_1481 : i32
        %dma_start3A_1483 = arith.constant 0 : i32
        %dma_start3A_1484 = arith.constant 0 : i32
        %dma_start3A_1485 = arith.constant 0 : i32
        %dma_start3A_1486 = tpu.memref_slice %arg7[%dma_start3A_1483, %dma_start3A_1484, %dma_start3A_1485] : memref<4x8x2048xf32, #tpu.memory_space<vmem>> -> memref<1x8x2048xf32, #tpu.memory_space<vmem>>
        %dma_start3A_1487 = tpu.memref_squeeze %dma_start3A_1486 : memref<1x8x2048xf32, #tpu.memory_space<vmem>> -> memref<8x2048xf32, #tpu.memory_space<vmem>>
        %dma_start3A_1488 = tpu.memref_slice %arg6[%select_n3A_1480, %mul3A_1482] : memref<4x64xi32, #tpu.memory_space<vmem>> -> memref<1x8xi32, #tpu.memory_space<vmem>>
        %dma_start3A_1489 = tpu.memref_squeeze %dma_start3A_1488 : memref<1x8xi32, #tpu.memory_space<vmem>> -> memref<8xi32, #tpu.memory_space<vmem>>
        %dma_start3A_1490 = arith.constant 0 : i32
        %dma_start3A_1491 = arith.constant 0 : i32
        %dma_start3A_1492 = tpu.memref_slice %arg2[%dma_start3A_1490, %dma_start3A_1491] : memref<100000x2048xf32, #tpu.memory_space<hbm>> -> memref<100000x2048xf32, #tpu.memory_space<hbm>>
        tpu.enqueue_indirect_dma source(%dma_start3A_1492 : memref<100000x2048xf32, #tpu.memory_space<hbm>>) target(%dma_start3A_1487 : memref<8x2048xf32, #tpu.memory_space<vmem>>) offsets(%dma_start3A_1489 : memref<8xi32, #tpu.memory_space<vmem>>) semaphore(%arg9 : memref<!tpu.dma_semaphore, #tpu.memory_space<semaphore_mem>>)
      } else {
      }
      %scan3A_1222 = arith.constant 0 : i32
      %scan3A_1223 = arith.constant 8 : i32
      %scan3A_1224 = arith.addi %scan3A_1222, %scan3A_1223 : i32
      %scan3A_1225 = arith.constant 1 : i32
      scf.for %scan3A_1435 = %scan3A_1222 to %scan3A_1224 step %scan3A_1225  : i32 {
        %mul3A_1436 = arith.constant 1 : i32
        %mul3A_1437 = arith.muli %scan3A_1435, %mul3A_1436 : i32
        %add3A_1438 = arith.constant 0 : i32
        %add3A_1439 = arith.addi %add3A_1438, %mul3A_1437 : i32
        %scan3A_1440 = arith.constant 0 : i32
        %scan3A_1441 = arith.constant 128 : i32
        %scan3A_1442 = arith.addi %scan3A_1440, %scan3A_1441 : i32
        %scan3A_1443 = arith.constant 16 : i32
        scf.for %scan3A_1445 = %scan3A_1440 to %scan3A_1442 step %scan3A_1443  : i32 {
          %mul3A_1446 = arith.constant 16 : i32
          %mul3A_1447 = arith.muli %scan3A_1445, %mul3A_1446 : i32
          %add3A_1448 = arith.constant 0 : i32
          %add3A_1449 = arith.addi %add3A_1448, %mul3A_1447 : i32
          %get3A = arith.constant 1 : i32
          %get3A_1450 = arith.index_cast %get3A : i32 to index
          %get3A_1451 = arith.index_cast %add3A_1439 : i32 to index
          %get3A_1452 = arith.index_cast %add3A_1449 : i32 to index
          %get3A_1453 = tpu.vector_load %arg8[%get3A_1450, %get3A_1451, %get3A_1452] {strides = array<i32>} : memref<2x8x2048xf32, #tpu.memory_space<vmem>>, vector<1x1x16xf32>,
          %get3A_1454 = vector.shape_cast %get3A_1453 : vector<1x1x16xf32> to vector<16xf32>
          %swap3A = arith.constant 2 : i32
          %swap3A_1455 = arith.index_cast %swap3A : i32 to index
          %swap3A_1456 = arith.index_cast %add3A_1439 : i32 to index
          %swap3A_1457 = arith.index_cast %add3A_1449 : i32 to index
          %swap3A_1458 = tpu.vector_load %arg7[%swap3A_1455, %swap3A_1456, %swap3A_1457] {strides = array<i32>} : memref<4x8x2048xf32, #tpu.memory_space<vmem>>, vector<1x1x16xf32>,
          %swap3A_1459 = vector.shape_cast %swap3A_1458 : vector<1x1x16xf32> to vector<16xf32>
          %swap3A_1460 = vector.shape_cast %get3A_1454 : vector<16xf32> to vector<1x1x16xf32>
          tpu.vector_store %arg7[%swap3A_1455, %swap3A_1456, %swap3A_1457], %swap3A_1460 {add = true, strides = array<i32>} : memref<4x8x2048xf32, #tpu.memory_space<vmem>>, vector<1x1x16xf32>,
          %scan3A_1461 = arith.constant 1 : i32
          %scan3A_1462 = arith.addi %scan3A_1445, %scan3A_1461 : i32
          %mul3A_1463 = arith.constant 16 : i32
          %mul3A_1464 = arith.muli %scan3A_1462, %mul3A_1463 : i32
          %add3A_1465 = arith.constant 0 : i32
          %add3A_1466 = arith.addi %add3A_1465, %mul3A_1464 : i32
          %get3A_1467 = arith.constant 1 : i32
          %get3A_1468 = arith.index_cast %get3A_1467 : i32 to index
          %get3A_1469 = arith.index_cast %add3A_1439 : i32 to index
          %get3A_1470 = arith.index_cast %add3A_1466 : i32 to index
          %get3A_1471 = tpu.vector_load %arg8[%get3A_1468, %get3A_1469, %get3A_1470] {strides = array<i32>} : memref<2x8x2048xf32, #tpu.memory_space<vmem>>, vector<1x1x16xf32>,
          %get3A_1472 = vector.shape_cast %get3A_1471 : vector<1x1x16xf32> to vector<16xf32>
          %swap3A_1473 = arith.constant 2 : i32
          %swap3A_1474 = arith.index_cast %swap3A_1473 : i32 to index
          %swap3A_1475 = arith.index_cast %add3A_1439 : i32 to index
          %swap3A_1476 = arith.index_cast %add3A_1466 : i32 to index
          %swap3A_1477 = tpu.vector_load %arg7[%swap3A_1474, %swap3A_1475, %swap3A_1476] {strides = array<i32>} : memref<4x8x2048xf32, #tpu.memory_space<vmem>>, vector<1x1x16xf32>,
          %swap3A_1478 = vector.shape_cast %swap3A_1477 : vector<1x1x16xf32> to vector<16xf32>
          %swap3A_1479 = vector.shape_cast %get3A_1472 : vector<16xf32> to vector<1x1x16xf32>
          tpu.vector_store %arg7[%swap3A_1474, %swap3A_1475, %swap3A_1476], %swap3A_1479 {add = true, strides = array<i32>} : memref<4x8x2048xf32, #tpu.memory_space<vmem>>, vector<1x1x16xf32>,
          %scan3A_1480 = arith.constant 2 : i32
          %scan3A_1481 = arith.addi %scan3A_1445, %scan3A_1480 : i32
          %mul3A_1482 = arith.constant 16 : i32
          %mul3A_1483 = arith.muli %scan3A_1481, %mul3A_1482 : i32
          %add3A_1484 = arith.constant 0 : i32
          %add3A_1485 = arith.addi %add3A_1484, %mul3A_1483 : i32
          %get3A_1486 = arith.constant 1 : i32
          %get3A_1487 = arith.index_cast %get3A_1486 : i32 to index
          %get3A_1488 = arith.index_cast %add3A_1439 : i32 to index
          %get3A_1489 = arith.index_cast %add3A_1485 : i32 to index
          %get3A_1490 = tpu.vector_load %arg8[%get3A_1487, %get3A_1488, %get3A_1489] {strides = array<i32>} : memref<2x8x2048xf32, #tpu.memory_space<vmem>>, vector<1x1x16xf32>,
          %get3A_1491 = vector.shape_cast %get3A_1490 : vector<1x1x16xf32> to vector<16xf32>
          %swap3A_1492 = arith.constant 2 : i32
          %swap3A_1493 = arith.index_cast %swap3A_1492 : i32 to index
          %swap3A_1494 = arith.index_cast %add3A_1439 : i32 to index
          %swap3A_1495 = arith.index_cast %add3A_1485 : i32 to index
          %swap3A_1496 = tpu.vector_load %arg7[%swap3A_1493, %swap3A_1494, %swap3A_1495] {strides = array<i32>} : memref<4x8x2048xf32, #tpu.memory_space<vmem>>, vector<1x1x16xf32>,
          %swap3A_1497 = vector.shape_cast %swap3A_1496 : vector<1x1x16xf32> to vector<16xf32>
          %swap3A_1498 = vector.shape_cast %get3A_1491 : vector<16xf32> to vector<1x1x16xf32>
          tpu.vector_store %arg7[%swap3A_1493, %swap3A_1494, %swap3A_1495], %swap3A_1498 {add = true, strides = array<i32>} : memref<4x8x2048xf32, #tpu.memory_space<vmem>>, vector<1x1x16xf32>,
          %scan3A_1499 = arith.constant 3 : i32
          %scan3A_1500 = arith.addi %scan3A_1445, %scan3A_1499 : i32
          %mul3A_1501 = arith.constant 16 : i32
          %mul3A_1502 = arith.muli %scan3A_1500, %mul3A_1501 : i32
          %add3A_1503 = arith.constant 0 : i32
          %add3A_1504 = arith.addi %add3A_1503, %mul3A_1502 : i32
          %get3A_1505 = arith.constant 1 : i32
          %get3A_1506 = arith.index_cast %get3A_1505 : i32 to index
          %get3A_1507 = arith.index_cast %add3A_1439 : i32 to index
          %get3A_1508 = arith.index_cast %add3A_1504 : i32 to index
          %get3A_1509 = tpu.vector_load %arg8[%get3A_1506, %get3A_1507, %get3A_1508] {strides = array<i32>} : memref<2x8x2048xf32, #tpu.memory_space<vmem>>, vector<1x1x16xf32>,
          %get3A_1510 = vector.shape_cast %get3A_1509 : vector<1x1x16xf32> to vector<16xf32>
          %swap3A_1511 = arith.constant 2 : i32
          %swap3A_1512 = arith.index_cast %swap3A_1511 : i32 to index
          %swap3A_1513 = arith.index_cast %add3A_1439 : i32 to index
          %swap3A_1514 = arith.index_cast %add3A_1504 : i32 to index
          %swap3A_1515 = tpu.vector_load %arg7[%swap3A_1512, %swap3A_1513, %swap3A_1514] {strides = array<i32>} : memref<4x8x2048xf32, #tpu.memory_space<vmem>>, vector<1x1x16xf32>,
          %swap3A_1516 = vector.shape_cast %swap3A_1515 : vector<1x1x16xf32> to vector<16xf32>
          %swap3A_1517 = vector.shape_cast %get3A_1510 : vector<16xf32> to vector<1x1x16xf32>
          tpu.vector_store %arg7[%swap3A_1512, %swap3A_1513, %swap3A_1514], %swap3A_1517 {add = true, strides = array<i32>} : memref<4x8x2048xf32, #tpu.memory_space<vmem>>, vector<1x1x16xf32>,
          %scan3A_1518 = arith.constant 4 : i32
          %scan3A_1519 = arith.addi %scan3A_1445, %scan3A_1518 : i32
          %mul3A_1520 = arith.constant 16 : i32
          %mul3A_1521 = arith.muli %scan3A_1519, %mul3A_1520 : i32
          %add3A_1522 = arith.constant 0 : i32
          %add3A_1523 = arith.addi %add3A_1522, %mul3A_1521 : i32
          %get3A_1524 = arith.constant 1 : i32
          %get3A_1525 = arith.index_cast %get3A_1524 : i32 to index
          %get3A_1526 = arith.index_cast %add3A_1439 : i32 to index
          %get3A_1527 = arith.index_cast %add3A_1523 : i32 to index
          %get3A_1528 = tpu.vector_load %arg8[%get3A_1525, %get3A_1526, %get3A_1527] {strides = array<i32>} : memref<2x8x2048xf32, #tpu.memory_space<vmem>>, vector<1x1x16xf32>,
          %get3A_1529 = vector.shape_cast %get3A_1528 : vector<1x1x16xf32> to vector<16xf32>
          %swap3A_1530 = arith.constant 2 : i32
          %swap3A_1531 = arith.index_cast %swap3A_1530 : i32 to index
          %swap3A_1532 = arith.index_cast %add3A_1439 : i32 to index
          %swap3A_1533 = arith.index_cast %add3A_1523 : i32 to index
          %swap3A_1534 = tpu.vector_load %arg7[%swap3A_1531, %swap3A_1532, %swap3A_1533] {strides = array<i32>} : memref<4x8x2048xf32, #tpu.memory_space<vmem>>, vector<1x1x16xf32>,
          %swap3A_1535 = vector.shape_cast %swap3A_1534 : vector<1x1x16xf32> to vector<16xf32>
          %swap3A_1536 = vector.shape_cast %get3A_1529 : vector<16xf32> to vector<1x1x16xf32>
          tpu.vector_store %arg7[%swap3A_1531, %swap3A_1532, %swap3A_1533], %swap3A_1536 {add = true, strides = array<i32>} : memref<4x8x2048xf32, #tpu.memory_space<vmem>>, vector<1x1x16xf32>,
          %scan3A_1537 = arith.constant 5 : i32
          %scan3A_1538 = arith.addi %scan3A_1445, %scan3A_1537 : i32
          %mul3A_1539 = arith.constant 16 : i32
          %mul3A_1540 = arith.muli %scan3A_1538, %mul3A_1539 : i32
          %add3A_1541 = arith.constant 0 : i32
          %add3A_1542 = arith.addi %add3A_1541, %mul3A_1540 : i32
          %get3A_1543 = arith.constant 1 : i32
          %get3A_1544 = arith.index_cast %get3A_1543 : i32 to index
          %get3A_1545 = arith.index_cast %add3A_1439 : i32 to index
          %get3A_1546 = arith.index_cast %add3A_1542 : i32 to index
          %get3A_1547 = tpu.vector_load %arg8[%get3A_1544, %get3A_1545, %get3A_1546] {strides = array<i32>} : memref<2x8x2048xf32, #tpu.memory_space<vmem>>, vector<1x1x16xf32>,
          %get3A_1548 = vector.shape_cast %get3A_1547 : vector<1x1x16xf32> to vector<16xf32>
          %swap3A_1549 = arith.constant 2 : i32
          %swap3A_1550 = arith.index_cast %swap3A_1549 : i32 to index
          %swap3A_1551 = arith.index_cast %add3A_1439 : i32 to index
          %swap3A_1552 = arith.index_cast %add3A_1542 : i32 to index
          %swap3A_1553 = tpu.vector_load %arg7[%swap3A_1550, %swap3A_1551, %swap3A_1552] {strides = array<i32>} : memref<4x8x2048xf32, #tpu.memory_space<vmem>>, vector<1x1x16xf32>,
          %swap3A_1554 = vector.shape_cast %swap3A_1553 : vector<1x1x16xf32> to vector<16xf32>
          %swap3A_1555 = vector.shape_cast %get3A_1548 : vector<16xf32> to vector<1x1x16xf32>
          tpu.vector_store %arg7[%swap3A_1550, %swap3A_1551, %swap3A_1552], %swap3A_1555 {add = true, strides = array<i32>} : memref<4x8x2048xf32, #tpu.memory_space<vmem>>, vector<1x1x16xf32>,
          %scan3A_1556 = arith.constant 6 : i32
          %scan3A_1557 = arith.addi %scan3A_1445, %scan3A_1556 : i32
          %mul3A_1558 = arith.constant 16 : i32
          %mul3A_1559 = arith.muli %scan3A_1557, %mul3A_1558 : i32
          %add3A_1560 = arith.constant 0 : i32
          %add3A_1561 = arith.addi %add3A_1560, %mul3A_1559 : i32
          %get3A_1562 = arith.constant 1 : i32
          %get3A_1563 = arith.index_cast %get3A_1562 : i32 to index
          %get3A_1564 = arith.index_cast %add3A_1439 : i32 to index
          %get3A_1565 = arith.index_cast %add3A_1561 : i32 to index
          %get3A_1566 = tpu.vector_load %arg8[%get3A_1563, %get3A_1564, %get3A_1565] {strides = array<i32>} : memref<2x8x2048xf32, #tpu.memory_space<vmem>>, vector<1x1x16xf32>,
          %get3A_1567 = vector.shape_cast %get3A_1566 : vector<1x1x16xf32> to vector<16xf32>
          %swap3A_1568 = arith.constant 2 : i32
          %swap3A_1569 = arith.index_cast %swap3A_1568 : i32 to index
          %swap3A_1570 = arith.index_cast %add3A_1439 : i32 to index
          %swap3A_1571 = arith.index_cast %add3A_1561 : i32 to index
          %swap3A_1572 = tpu.vector_load %arg7[%swap3A_1569, %swap3A_1570, %swap3A_1571] {strides = array<i32>} : memref<4x8x2048xf32, #tpu.memory_space<vmem>>, vector<1x1x16xf32>,
          %swap3A_1573 = vector.shape_cast %swap3A_1572 : vector<1x1x16xf32> to vector<16xf32>
          %swap3A_1574 = vector.shape_cast %get3A_1567 : vector<16xf32> to vector<1x1x16xf32>
          tpu.vector_store %arg7[%swap3A_1569, %swap3A_1570, %swap3A_1571], %swap3A_1574 {add = true, strides = array<i32>} : memref<4x8x2048xf32, #tpu.memory_space<vmem>>, vector<1x1x16xf32>,
          %scan3A_1575 = arith.constant 7 : i32
          %scan3A_1576 = arith.addi %scan3A_1445, %scan3A_1575 : i32
          %mul3A_1577 = arith.constant 16 : i32
          %mul3A_1578 = arith.muli %scan3A_1576, %mul3A_1577 : i32
          %add3A_1579 = arith.constant 0 : i32
          %add3A_1580 = arith.addi %add3A_1579, %mul3A_1578 : i32
          %get3A_1581 = arith.constant 1 : i32
          %get3A_1582 = arith.index_cast %get3A_1581 : i32 to index
          %get3A_1583 = arith.index_cast %add3A_1439 : i32 to index
          %get3A_1584 = arith.index_cast %add3A_1580 : i32 to index
          %get3A_1585 = tpu.vector_load %arg8[%get3A_1582, %get3A_1583, %get3A_1584] {strides = array<i32>} : memref<2x8x2048xf32, #tpu.memory_space<vmem>>, vector<1x1x16xf32>,
          %get3A_1586 = vector.shape_cast %get3A_1585 : vector<1x1x16xf32> to vector<16xf32>
          %swap3A_1587 = arith.constant 2 : i32
          %swap3A_1588 = arith.index_cast %swap3A_1587 : i32 to index
          %swap3A_1589 = arith.index_cast %add3A_1439 : i32 to index
          %swap3A_1590 = arith.index_cast %add3A_1580 : i32 to index
          %swap3A_1591 = tpu.vector_load %arg7[%swap3A_1588, %swap3A_1589, %swap3A_1590] {strides = array<i32>} : memref<4x8x2048xf32, #tpu.memory_space<vmem>>, vector<1x1x16xf32>,
          %swap3A_1592 = vector.shape_cast %swap3A_1591 : vector<1x1x16xf32> to vector<16xf32>
          %swap3A_1593 = vector.shape_cast %get3A_1586 : vector<16xf32> to vector<1x1x16xf32>
          tpu.vector_store %arg7[%swap3A_1588, %swap3A_1589, %swap3A_1590], %swap3A_1593 {add = true, strides = array<i32>} : memref<4x8x2048xf32, #tpu.memory_space<vmem>>, vector<1x1x16xf32>,
          %scan3A_1594 = arith.constant 8 : i32
          %scan3A_1595 = arith.addi %scan3A_1445, %scan3A_1594 : i32
          %mul3A_1596 = arith.constant 16 : i32
          %mul3A_1597 = arith.muli %scan3A_1595, %mul3A_1596 : i32
          %add3A_1598 = arith.constant 0 : i32
          %add3A_1599 = arith.addi %add3A_1598, %mul3A_1597 : i32
          %get3A_1600 = arith.constant 1 : i32
          %get3A_1601 = arith.index_cast %get3A_1600 : i32 to index
          %get3A_1602 = arith.index_cast %add3A_1439 : i32 to index
          %get3A_1603 = arith.index_cast %add3A_1599 : i32 to index
          %get3A_1604 = tpu.vector_load %arg8[%get3A_1601, %get3A_1602, %get3A_1603] {strides = array<i32>} : memref<2x8x2048xf32, #tpu.memory_space<vmem>>, vector<1x1x16xf32>,
          %get3A_1605 = vector.shape_cast %get3A_1604 : vector<1x1x16xf32> to vector<16xf32>
          %swap3A_1606 = arith.constant 2 : i32
          %swap3A_1607 = arith.index_cast %swap3A_1606 : i32 to index
          %swap3A_1608 = arith.index_cast %add3A_1439 : i32 to index
          %swap3A_1609 = arith.index_cast %add3A_1599 : i32 to index
          %swap3A_1610 = tpu.vector_load %arg7[%swap3A_1607, %swap3A_1608, %swap3A_1609] {strides = array<i32>} : memref<4x8x2048xf32, #tpu.memory_space<vmem>>, vector<1x1x16xf32>,
          %swap3A_1611 = vector.shape_cast %swap3A_1610 : vector<1x1x16xf32> to vector<16xf32>
          %swap3A_1612 = vector.shape_cast %get3A_1605 : vector<16xf32> to vector<1x1x16xf32>
          tpu.vector_store %arg7[%swap3A_1607, %swap3A_1608, %swap3A_1609], %swap3A_1612 {add = true, strides = array<i32>} : memref<4x8x2048xf32, #tpu.memory_space<vmem>>, vector<1x1x16xf32>,
          %scan3A_1613 = arith.constant 9 : i32
          %scan3A_1614 = arith.addi %scan3A_1445, %scan3A_1613 : i32
          %mul3A_1615 = arith.constant 16 : i32
          %mul3A_1616 = arith.muli %scan3A_1614, %mul3A_1615 : i32
          %add3A_1617 = arith.constant 0 : i32
          %add3A_1618 = arith.addi %add3A_1617, %mul3A_1616 : i32
          %get3A_1619 = arith.constant 1 : i32
          %get3A_1620 = arith.index_cast %get3A_1619 : i32 to index
          %get3A_1621 = arith.index_cast %add3A_1439 : i32 to index
          %get3A_1622 = arith.index_cast %add3A_1618 : i32 to index
          %get3A_1623 = tpu.vector_load %arg8[%get3A_1620, %get3A_1621, %get3A_1622] {strides = array<i32>} : memref<2x8x2048xf32, #tpu.memory_space<vmem>>, vector<1x1x16xf32>,
          %get3A_1624 = vector.shape_cast %get3A_1623 : vector<1x1x16xf32> to vector<16xf32>
          %swap3A_1625 = arith.constant 2 : i32
          %swap3A_1626 = arith.index_cast %swap3A_1625 : i32 to index
          %swap3A_1627 = arith.index_cast %add3A_1439 : i32 to index
          %swap3A_1628 = arith.index_cast %add3A_1618 : i32 to index
          %swap3A_1629 = tpu.vector_load %arg7[%swap3A_1626, %swap3A_1627, %swap3A_1628] {strides = array<i32>} : memref<4x8x2048xf32, #tpu.memory_space<vmem>>, vector<1x1x16xf32>,
          %swap3A_1630 = vector.shape_cast %swap3A_1629 : vector<1x1x16xf32> to vector<16xf32>
          %swap3A_1631 = vector.shape_cast %get3A_1624 : vector<16xf32> to vector<1x1x16xf32>
          tpu.vector_store %arg7[%swap3A_1626, %swap3A_1627, %swap3A_1628], %swap3A_1631 {add = true, strides = array<i32>} : memref<4x8x2048xf32, #tpu.memory_space<vmem>>, vector<1x1x16xf32>,
          %scan3A_1632 = arith.constant 10 : i32
          %scan3A_1633 = arith.addi %scan3A_1445, %scan3A_1632 : i32
          %mul3A_1634 = arith.constant 16 : i32
          %mul3A_1635 = arith.muli %scan3A_1633, %mul3A_1634 : i32
          %add3A_1636 = arith.constant 0 : i32
          %add3A_1637 = arith.addi %add3A_1636, %mul3A_1635 : i32
          %get3A_1638 = arith.constant 1 : i32
          %get3A_1639 = arith.index_cast %get3A_1638 : i32 to index
          %get3A_1640 = arith.index_cast %add3A_1439 : i32 to index
          %get3A_1641 = arith.index_cast %add3A_1637 : i32 to index
          %get3A_1642 = tpu.vector_load %arg8[%get3A_1639, %get3A_1640, %get3A_1641] {strides = array<i32>} : memref<2x8x2048xf32, #tpu.memory_space<vmem>>, vector<1x1x16xf32>,
          %get3A_1643 = vector.shape_cast %get3A_1642 : vector<1x1x16xf32> to vector<16xf32>
          %swap3A_1644 = arith.constant 2 : i32
          %swap3A_1645 = arith.index_cast %swap3A_1644 : i32 to index
          %swap3A_1646 = arith.index_cast %add3A_1439 : i32 to index
          %swap3A_1647 = arith.index_cast %add3A_1637 : i32 to index
          %swap3A_1648 = tpu.vector_load %arg7[%swap3A_1645, %swap3A_1646, %swap3A_1647] {strides = array<i32>} : memref<4x8x2048xf32, #tpu.memory_space<vmem>>, vector<1x1x16xf32>,
          %swap3A_1649 = vector.shape_cast %swap3A_1648 : vector<1x1x16xf32> to vector<16xf32>
          %swap3A_1650 = vector.shape_cast %get3A_1643 : vector<16xf32> to vector<1x1x16xf32>
          tpu.vector_store %arg7[%swap3A_1645, %swap3A_1646, %swap3A_1647], %swap3A_1650 {add = true, strides = array<i32>} : memref<4x8x2048xf32, #tpu.memory_space<vmem>>, vector<1x1x16xf32>,
          %scan3A_1651 = arith.constant 11 : i32
          %scan3A_1652 = arith.addi %scan3A_1445, %scan3A_1651 : i32
          %mul3A_1653 = arith.constant 16 : i32
          %mul3A_1654 = arith.muli %scan3A_1652, %mul3A_1653 : i32
          %add3A_1655 = arith.constant 0 : i32
          %add3A_1656 = arith.addi %add3A_1655, %mul3A_1654 : i32
          %get3A_1657 = arith.constant 1 : i32
          %get3A_1658 = arith.index_cast %get3A_1657 : i32 to index
          %get3A_1659 = arith.index_cast %add3A_1439 : i32 to index
          %get3A_1660 = arith.index_cast %add3A_1656 : i32 to index
          %get3A_1661 = tpu.vector_load %arg8[%get3A_1658, %get3A_1659, %get3A_1660] {strides = array<i32>} : memref<2x8x2048xf32, #tpu.memory_space<vmem>>, vector<1x1x16xf32>,
          %get3A_1662 = vector.shape_cast %get3A_1661 : vector<1x1x16xf32> to vector<16xf32>
          %swap3A_1663 = arith.constant 2 : i32
          %swap3A_1664 = arith.index_cast %swap3A_1663 : i32 to index
          %swap3A_1665 = arith.index_cast %add3A_1439 : i32 to index
          %swap3A_1666 = arith.index_cast %add3A_1656 : i32 to index
          %swap3A_1667 = tpu.vector_load %arg7[%swap3A_1664, %swap3A_1665, %swap3A_1666] {strides = array<i32>} : memref<4x8x2048xf32, #tpu.memory_space<vmem>>, vector<1x1x16xf32>,
          %swap3A_1668 = vector.shape_cast %swap3A_1667 : vector<1x1x16xf32> to vector<16xf32>
          %swap3A_1669 = vector.shape_cast %get3A_1662 : vector<16xf32> to vector<1x1x16xf32>
          tpu.vector_store %arg7[%swap3A_1664, %swap3A_1665, %swap3A_1666], %swap3A_1669 {add = true, strides = array<i32>} : memref<4x8x2048xf32, #tpu.memory_space<vmem>>, vector<1x1x16xf32>,
          %scan3A_1670 = arith.constant 12 : i32
          %scan3A_1671 = arith.addi %scan3A_1445, %scan3A_1670 : i32
          %mul3A_1672 = arith.constant 16 : i32
          %mul3A_1673 = arith.muli %scan3A_1671, %mul3A_1672 : i32
          %add3A_1674 = arith.constant 0 : i32
          %add3A_1675 = arith.addi %add3A_1674, %mul3A_1673 : i32
          %get3A_1676 = arith.constant 1 : i32
          %get3A_1677 = arith.index_cast %get3A_1676 : i32 to index
          %get3A_1678 = arith.index_cast %add3A_1439 : i32 to index
          %get3A_1679 = arith.index_cast %add3A_1675 : i32 to index
          %get3A_1680 = tpu.vector_load %arg8[%get3A_1677, %get3A_1678, %get3A_1679] {strides = array<i32>} : memref<2x8x2048xf32, #tpu.memory_space<vmem>>, vector<1x1x16xf32>,
          %get3A_1681 = vector.shape_cast %get3A_1680 : vector<1x1x16xf32> to vector<16xf32>
          %swap3A_1682 = arith.constant 2 : i32
          %swap3A_1683 = arith.index_cast %swap3A_1682 : i32 to index
          %swap3A_1684 = arith.index_cast %add3A_1439 : i32 to index
          %swap3A_1685 = arith.index_cast %add3A_1675 : i32 to index
          %swap3A_1686 = tpu.vector_load %arg7[%swap3A_1683, %swap3A_1684, %swap3A_1685] {strides = array<i32>} : memref<4x8x2048xf32, #tpu.memory_space<vmem>>, vector<1x1x16xf32>,
          %swap3A_1687 = vector.shape_cast %swap3A_1686 : vector<1x1x16xf32> to vector<16xf32>
          %swap3A_1688 = vector.shape_cast %get3A_1681 : vector<16xf32> to vector<1x1x16xf32>
          tpu.vector_store %arg7[%swap3A_1683, %swap3A_1684, %swap3A_1685], %swap3A_1688 {add = true, strides = array<i32>} : memref<4x8x2048xf32, #tpu.memory_space<vmem>>, vector<1x1x16xf32>,
          %scan3A_1689 = arith.constant 13 : i32
          %scan3A_1690 = arith.addi %scan3A_1445, %scan3A_1689 : i32
          %mul3A_1691 = arith.constant 16 : i32
          %mul3A_1692 = arith.muli %scan3A_1690, %mul3A_1691 : i32
          %add3A_1693 = arith.constant 0 : i32
          %add3A_1694 = arith.addi %add3A_1693, %mul3A_1692 : i32
          %get3A_1695 = arith.constant 1 : i32
          %get3A_1696 = arith.index_cast %get3A_1695 : i32 to index
          %get3A_1697 = arith.index_cast %add3A_1439 : i32 to index
          %get3A_1698 = arith.index_cast %add3A_1694 : i32 to index
          %get3A_1699 = tpu.vector_load %arg8[%get3A_1696, %get3A_1697, %get3A_1698] {strides = array<i32>} : memref<2x8x2048xf32, #tpu.memory_space<vmem>>, vector<1x1x16xf32>,
          %get3A_1700 = vector.shape_cast %get3A_1699 : vector<1x1x16xf32> to vector<16xf32>
          %swap3A_1701 = arith.constant 2 : i32
          %swap3A_1702 = arith.index_cast %swap3A_1701 : i32 to index
          %swap3A_1703 = arith.index_cast %add3A_1439 : i32 to index
          %swap3A_1704 = arith.index_cast %add3A_1694 : i32 to index
          %swap3A_1705 = tpu.vector_load %arg7[%swap3A_1702, %swap3A_1703, %swap3A_1704] {strides = array<i32>} : memref<4x8x2048xf32, #tpu.memory_space<vmem>>, vector<1x1x16xf32>,
          %swap3A_1706 = vector.shape_cast %swap3A_1705 : vector<1x1x16xf32> to vector<16xf32>
          %swap3A_1707 = vector.shape_cast %get3A_1700 : vector<16xf32> to vector<1x1x16xf32>
          tpu.vector_store %arg7[%swap3A_1702, %swap3A_1703, %swap3A_1704], %swap3A_1707 {add = true, strides = array<i32>} : memref<4x8x2048xf32, #tpu.memory_space<vmem>>, vector<1x1x16xf32>,
          %scan3A_1708 = arith.constant 14 : i32
          %scan3A_1709 = arith.addi %scan3A_1445, %scan3A_1708 : i32
          %mul3A_1710 = arith.constant 16 : i32
          %mul3A_1711 = arith.muli %scan3A_1709, %mul3A_1710 : i32
          %add3A_1712 = arith.constant 0 : i32
          %add3A_1713 = arith.addi %add3A_1712, %mul3A_1711 : i32
          %get3A_1714 = arith.constant 1 : i32
          %get3A_1715 = arith.index_cast %get3A_1714 : i32 to index
          %get3A_1716 = arith.index_cast %add3A_1439 : i32 to index
          %get3A_1717 = arith.index_cast %add3A_1713 : i32 to index
          %get3A_1718 = tpu.vector_load %arg8[%get3A_1715, %get3A_1716, %get3A_1717] {strides = array<i32>} : memref<2x8x2048xf32, #tpu.memory_space<vmem>>, vector<1x1x16xf32>,
          %get3A_1719 = vector.shape_cast %get3A_1718 : vector<1x1x16xf32> to vector<16xf32>
          %swap3A_1720 = arith.constant 2 : i32
          %swap3A_1721 = arith.index_cast %swap3A_1720 : i32 to index
          %swap3A_1722 = arith.index_cast %add3A_1439 : i32 to index
          %swap3A_1723 = arith.index_cast %add3A_1713 : i32 to index
          %swap3A_1724 = tpu.vector_load %arg7[%swap3A_1721, %swap3A_1722, %swap3A_1723] {strides = array<i32>} : memref<4x8x2048xf32, #tpu.memory_space<vmem>>, vector<1x1x16xf32>,
          %swap3A_1725 = vector.shape_cast %swap3A_1724 : vector<1x1x16xf32> to vector<16xf32>
          %swap3A_1726 = vector.shape_cast %get3A_1719 : vector<16xf32> to vector<1x1x16xf32>
          tpu.vector_store %arg7[%swap3A_1721, %swap3A_1722, %swap3A_1723], %swap3A_1726 {add = true, strides = array<i32>} : memref<4x8x2048xf32, #tpu.memory_space<vmem>>, vector<1x1x16xf32>,
          %scan3A_1727 = arith.constant 15 : i32
          %scan3A_1728 = arith.addi %scan3A_1445, %scan3A_1727 : i32
          %mul3A_1729 = arith.constant 16 : i32
          %mul3A_1730 = arith.muli %scan3A_1728, %mul3A_1729 : i32
          %add3A_1731 = arith.constant 0 : i32
          %add3A_1732 = arith.addi %add3A_1731, %mul3A_1730 : i32
          %get3A_1733 = arith.constant 1 : i32
          %get3A_1734 = arith.index_cast %get3A_1733 : i32 to index
          %get3A_1735 = arith.index_cast %add3A_1439 : i32 to index
          %get3A_1736 = arith.index_cast %add3A_1732 : i32 to index
          %get3A_1737 = tpu.vector_load %arg8[%get3A_1734, %get3A_1735, %get3A_1736] {strides = array<i32>} : memref<2x8x2048xf32, #tpu.memory_space<vmem>>, vector<1x1x16xf32>,
          %get3A_1738 = vector.shape_cast %get3A_1737 : vector<1x1x16xf32> to vector<16xf32>
          %swap3A_1739 = arith.constant 2 : i32
          %swap3A_1740 = arith.index_cast %swap3A_1739 : i32 to index
          %swap3A_1741 = arith.index_cast %add3A_1439 : i32 to index
          %swap3A_1742 = arith.index_cast %add3A_1732 : i32 to index
          %swap3A_1743 = tpu.vector_load %arg7[%swap3A_1740, %swap3A_1741, %swap3A_1742] {strides = array<i32>} : memref<4x8x2048xf32, #tpu.memory_space<vmem>>, vector<1x1x16xf32>,
          %swap3A_1744 = vector.shape_cast %swap3A_1743 : vector<1x1x16xf32> to vector<16xf32>
          %swap3A_1745 = vector.shape_cast %get3A_1738 : vector<16xf32> to vector<1x1x16xf32>
          tpu.vector_store %arg7[%swap3A_1740, %swap3A_1741, %swap3A_1742], %swap3A_1745 {add = true, strides = array<i32>} : memref<4x8x2048xf32, #tpu.memory_space<vmem>>, vector<1x1x16xf32>,
        }
        %scan3A_1444 = arith.constant 128 : i32
      }
      %scan3A_1226 = arith.constant 8 : i32
      %jit3A_1227 = arith.constant 4 : i32
      %div3A_1228 = arith.divsi %add3A_1138, %jit3A_1227 : i32
      %sign3A_1229 = arith.constant 0 : i32
      %sign3A_1230 = arith.cmpi sgt, %add3A_1138, %sign3A_1229 : i32
      %sign3A_1231 = arith.extui %sign3A_1230 : i1 to i32
      %sign3A_1232 = arith.constant 0 : i32
      %sign3A_1233 = arith.cmpi slt, %add3A_1138, %sign3A_1232 : i32
      %sign3A_1234 = arith.extui %sign3A_1233 : i1 to i32
      %sign3A_1235 = arith.subi %sign3A_1231, %sign3A_1234 : i32
      %sign3A_1236 = arith.constant 0 : i32
      %sign3A_1237 = arith.cmpi sgt, %jit3A_1227, %sign3A_1236 : i32
      %sign3A_1238 = arith.extui %sign3A_1237 : i1 to i32
      %sign3A_1239 = arith.constant 0 : i32
      %sign3A_1240 = arith.cmpi slt, %jit3A_1227, %sign3A_1239 : i32
      %sign3A_1241 = arith.extui %sign3A_1240 : i1 to i32
      %sign3A_1242 = arith.subi %sign3A_1238, %sign3A_1241 : i32
      %ne3A_1243 = arith.cmpi ne, %sign3A_1235, %sign3A_1242 : i32
      %rem3A_1244 = arith.remsi %add3A_1138, %jit3A_1227 : i32
      %ne3A_1245 = arith.constant 0 : i32
      %ne3A_1246 = arith.cmpi ne, %rem3A_1244, %ne3A_1245 : i32
      %and3A_1247 = arith.andi %ne3A_1243, %ne3A_1246 : i1
      %sub3A_1248 = arith.constant 1 : i32
      %sub3A_1249 = arith.subi %div3A_1228, %sub3A_1248 : i32
      %select_n3A_1250 = arith.select %and3A_1247, %sub3A_1249, %div3A_1228 : i32
      %jit3A_1251 = arith.constant 4 : i32
      %eq3A_1252 = arith.constant 0 : i32
      %eq3A_1253 = arith.cmpi eq, %jit3A_1251, %eq3A_1252 : i32
      %jit3A_1254 = arith.constant 1 : i32
      %select_n3A_1255 = arith.select %eq3A_1253, %jit3A_1254, %jit3A_1251 : i32
      %rem3A_1256 = arith.remsi %add3A_1138, %select_n3A_1255 : i32
      %ne3A_1257 = arith.constant 0 : i32
      %ne3A_1258 = arith.cmpi ne, %rem3A_1256, %ne3A_1257 : i32
      %lt3A_1259 = arith.constant 0 : i32
      %lt3A_1260 = arith.cmpi slt, %rem3A_1256, %lt3A_1259 : i32
      %lt3A_1261 = arith.constant 0 : i32
      %lt3A_1262 = arith.cmpi slt, %select_n3A_1255, %lt3A_1261 : i32
      %ne3A_1263 = arith.xori %lt3A_1260, %lt3A_1262 : i1
      %and3A_1264 = arith.andi %ne3A_1263, %ne3A_1258 : i1
      %add3A_1265 = arith.addi %rem3A_1256, %select_n3A_1255 : i32
      %select_n3A_1266 = arith.select %and3A_1264, %add3A_1265, %rem3A_1256 : i32
      %mul3A_1267 = arith.constant 2048 : i32
      %mul3A_1268 = arith.muli %select_n3A_1266, %mul3A_1267 : i32
      %add3A_1269 = arith.addi %mul3A_1268, %mul3A_2 : i32
      %mul3A_1270 = arith.constant 8 : i32
      %mul3A_1271 = arith.muli %select_n3A_1250, %mul3A_1270 : i32
      %add3A_1272 = arith.addi %add3A_1269, %mul3A_1271 : i32
      %dma_start3A_1273 = arith.constant 2 : i32
      %dma_start3A_1274 = arith.constant 0 : i32
      %dma_start3A_1275 = arith.constant 0 : i32
      %dma_start3A_1276 = tpu.memref_slice %arg7[%dma_start3A_1273, %dma_start3A_1274, %dma_start3A_1275] : memref<4x8x2048xf32, #tpu.memory_space<vmem>> -> memref<1x8x2048xf32, #tpu.memory_space<vmem>>
      %dma_start3A_1277 = tpu.memref_squeeze %dma_start3A_1276 : memref<1x8x2048xf32, #tpu.memory_space<vmem>> -> memref<8x2048xf32, #tpu.memory_space<vmem>>
      %dma_start3A_1278 = arith.constant 0 : i32
      %dma_start3A_1279 = tpu.memref_slice %arg5[%add3A_1272, %dma_start3A_1278] : memref<8192x2048xf32, #tpu.memory_space<hbm>> -> memref<8x2048xf32, #tpu.memory_space<hbm>>
      %dma_start3A_1280 = arith.constant 0 : i32
      %dma_start3A_1281 = tpu.memref_slice %arg5[%add3A_1272, %dma_start3A_1280] : memref<8192x2048xf32, #tpu.memory_space<hbm>> -> memref<8x2048xf32, #tpu.memory_space<hbm>>
      %dma_start3A_1282 = arith.constant 0 : i32
      %dma_start3A_1283 = arith.constant 0 : i32
      %dma_start3A_1284 = tpu.memref_slice %arg7[%dma_start3A_1273, %dma_start3A_1282, %dma_start3A_1283] : memref<4x8x2048xf32, #tpu.memory_space<vmem>> -> memref<1x8x2048xf32, #tpu.memory_space<vmem>>
      %dma_start3A_1285 = tpu.memref_squeeze %dma_start3A_1284 : memref<1x8x2048xf32, #tpu.memory_space<vmem>> -> memref<8x2048xf32, #tpu.memory_space<vmem>>
      tpu.enqueue_dma source(%dma_start3A_1285 : memref<8x2048xf32, #tpu.memory_space<vmem>>) target(%dma_start3A_1281 : memref<8x2048xf32, #tpu.memory_space<hbm>>) target_semaphore(%arg15 : memref<!tpu.dma_semaphore, #tpu.memory_space<semaphore_mem>>)
      %add3A_1286 = arith.constant 7 : i32
      %add3A_1287 = arith.addi %add3A_212, %add3A_1286 : i32
      %jit3A_1288 = arith.constant 4 : i32
      %div3A_1289 = arith.divsi %add3A_1287, %jit3A_1288 : i32
      %sign3A_1290 = arith.constant 0 : i32
      %sign3A_1291 = arith.cmpi sgt, %add3A_1287, %sign3A_1290 : i32
      %sign3A_1292 = arith.extui %sign3A_1291 : i1 to i32
      %sign3A_1293 = arith.constant 0 : i32
      %sign3A_1294 = arith.cmpi slt, %add3A_1287, %sign3A_1293 : i32
      %sign3A_1295 = arith.extui %sign3A_1294 : i1 to i32
      %sign3A_1296 = arith.subi %sign3A_1292, %sign3A_1295 : i32
      %sign3A_1297 = arith.constant 0 : i32
      %sign3A_1298 = arith.cmpi sgt, %jit3A_1288, %sign3A_1297 : i32
      %sign3A_1299 = arith.extui %sign3A_1298 : i1 to i32
      %sign3A_1300 = arith.constant 0 : i32
      %sign3A_1301 = arith.cmpi slt, %jit3A_1288, %sign3A_1300 : i32
      %sign3A_1302 = arith.extui %sign3A_1301 : i1 to i32
      %sign3A_1303 = arith.subi %sign3A_1299, %sign3A_1302 : i32
      %ne3A_1304 = arith.cmpi ne, %sign3A_1296, %sign3A_1303 : i32
      %rem3A_1305 = arith.remsi %add3A_1287, %jit3A_1288 : i32
      %ne3A_1306 = arith.constant 0 : i32
      %ne3A_1307 = arith.cmpi ne, %rem3A_1305, %ne3A_1306 : i32
      %and3A_1308 = arith.andi %ne3A_1304, %ne3A_1307 : i1
      %sub3A_1309 = arith.constant 1 : i32
      %sub3A_1310 = arith.subi %div3A_1289, %sub3A_1309 : i32
      %select_n3A_1311 = arith.select %and3A_1308, %sub3A_1310, %div3A_1289 : i32
      %jit3A_1312 = arith.constant 4 : i32
      %div3A_1313 = arith.divsi %add3A_1287, %jit3A_1312 : i32
      %sign3A_1314 = arith.constant 0 : i32
      %sign3A_1315 = arith.cmpi sgt, %add3A_1287, %sign3A_1314 : i32
      %sign3A_1316 = arith.extui %sign3A_1315 : i1 to i32
      %sign3A_1317 = arith.constant 0 : i32
      %sign3A_1318 = arith.cmpi slt, %add3A_1287, %sign3A_1317 : i32
      %sign3A_1319 = arith.extui %sign3A_1318 : i1 to i32
      %sign3A_1320 = arith.subi %sign3A_1316, %sign3A_1319 : i32
      %sign3A_1321 = arith.constant 0 : i32
      %sign3A_1322 = arith.cmpi sgt, %jit3A_1312, %sign3A_1321 : i32
      %sign3A_1323 = arith.extui %sign3A_1322 : i1 to i32
      %sign3A_1324 = arith.constant 0 : i32
      %sign3A_1325 = arith.cmpi slt, %jit3A_1312, %sign3A_1324 : i32
      %sign3A_1326 = arith.extui %sign3A_1325 : i1 to i32
      %sign3A_1327 = arith.subi %sign3A_1323, %sign3A_1326 : i32
      %ne3A_1328 = arith.cmpi ne, %sign3A_1320, %sign3A_1327 : i32
      %rem3A_1329 = arith.remsi %add3A_1287, %jit3A_1312 : i32
      %ne3A_1330 = arith.constant 0 : i32
      %ne3A_1331 = arith.cmpi ne, %rem3A_1329, %ne3A_1330 : i32
      %and3A_1332 = arith.andi %ne3A_1328, %ne3A_1331 : i1
      %sub3A_1333 = arith.constant 1 : i32
      %sub3A_1334 = arith.subi %div3A_1313, %sub3A_1333 : i32
      %select_n3A_1335 = arith.select %and3A_1332, %sub3A_1334, %div3A_1313 : i32
      %jit3A_1336 = arith.constant 4 : i32
      %eq3A_1337 = arith.constant 0 : i32
      %eq3A_1338 = arith.cmpi eq, %jit3A_1336, %eq3A_1337 : i32
      %jit3A_1339 = arith.constant 1 : i32
      %select_n3A_1340 = arith.select %eq3A_1338, %jit3A_1339, %jit3A_1336 : i32
      %rem3A_1341 = arith.remsi %add3A_1287, %select_n3A_1340 : i32
      %ne3A_1342 = arith.constant 0 : i32
      %ne3A_1343 = arith.cmpi ne, %rem3A_1341, %ne3A_1342 : i32
      %lt3A_1344 = arith.constant 0 : i32
      %lt3A_1345 = arith.cmpi slt, %rem3A_1341, %lt3A_1344 : i32
      %lt3A_1346 = arith.constant 0 : i32
      %lt3A_1347 = arith.cmpi slt, %select_n3A_1340, %lt3A_1346 : i32
      %ne3A_1348 = arith.xori %lt3A_1345, %lt3A_1347 : i1
      %and3A_1349 = arith.andi %ne3A_1348, %ne3A_1343 : i1
      %add3A_1350 = arith.addi %rem3A_1341, %select_n3A_1340 : i32
      %select_n3A_1351 = arith.select %and3A_1349, %add3A_1350, %rem3A_1341 : i32
      %mul3A_1352 = arith.constant 8 : i32
      %mul3A_1353 = arith.muli %select_n3A_1335, %mul3A_1352 : i32
      %dma_wait3A_1354 = arith.constant 3 : i32
      %dma_wait3A_1355 = arith.constant 0 : i32
      %dma_wait3A_1356 = arith.constant 0 : i32
      %dma_wait3A_1357 = tpu.memref_slice %arg7[%dma_wait3A_1354, %dma_wait3A_1355, %dma_wait3A_1356] : memref<4x8x2048xf32, #tpu.memory_space<vmem>> -> memref<1x8x2048xf32, #tpu.memory_space<vmem>>
      %dma_wait3A_1358 = tpu.memref_squeeze %dma_wait3A_1357 : memref<1x8x2048xf32, #tpu.memory_space<vmem>> -> memref<8x2048xf32, #tpu.memory_space<vmem>>
      %dma_wait3A_1359 = tpu.memref_slice %arg6[%select_n3A_1351, %mul3A_1353] : memref<4x64xi32, #tpu.memory_space<vmem>> -> memref<1x8xi32, #tpu.memory_space<vmem>>
      %dma_wait3A_1360 = tpu.memref_squeeze %dma_wait3A_1359 : memref<1x8xi32, #tpu.memory_space<vmem>> -> memref<8xi32, #tpu.memory_space<vmem>>
      %dma_wait3A_1361 = arith.constant 0 : i32
      %dma_wait3A_1362 = arith.constant 0 : i32
      %dma_wait3A_1363 = tpu.memref_slice %arg2[%dma_wait3A_1361, %dma_wait3A_1362] : memref<100000x2048xf32, #tpu.memory_space<hbm>> -> memref<100000x2048xf32, #tpu.memory_space<hbm>>
      tpu.wait_indirect_dma semaphore(%arg12 : memref<!tpu.dma_semaphore, #tpu.memory_space<semaphore_mem>>) src(%dma_wait3A_1363 : memref<100000x2048xf32, #tpu.memory_space<hbm>>) dst(%dma_wait3A_1358 : memref<8x2048xf32, #tpu.memory_space<vmem>>)
      %add3A_1364 = arith.constant 2 : i32
      %add3A_1365 = arith.addi %add3A_1287, %add3A_1364 : i32
      %lt3A_1366 = arith.constant 32 : i32
      %lt3A_1367 = arith.cmpi slt, %add3A_1365, %lt3A_1366 : i32
      %convert_element_type3A_1368 = arith.extui %lt3A_1367 : i1 to i32
      %cond3A_1369 = arith.constant 0 : i32
      %cond3A_1370 = arith.cmpi ne, %convert_element_type3A_1368, %cond3A_1369 : i32
      scf.if %cond3A_1370 {
        %ge3A = arith.constant 2 : i32
        %ge3A_1435 = arith.cmpi sge, %add3A_1287, %ge3A : i32
        %convert_element_type3A_1436 = arith.extui %ge3A_1435 : i1 to i32
        %cond3A_1437 = arith.constant 0 : i32
        %cond3A_1438 = arith.cmpi ne, %convert_element_type3A_1436, %cond3A_1437 : i32
        scf.if %cond3A_1438 {
          %sub3A_1493 = arith.constant 2 : i32
          %sub3A_1494 = arith.subi %add3A_1287, %sub3A_1493 : i32
          %jit3A_1495 = arith.constant 4 : i32
          %div3A_1496 = arith.divsi %sub3A_1494, %jit3A_1495 : i32
          %sign3A_1497 = arith.constant 0 : i32
          %sign3A_1498 = arith.cmpi sgt, %sub3A_1494, %sign3A_1497 : i32
          %sign3A_1499 = arith.extui %sign3A_1498 : i1 to i32
          %sign3A_1500 = arith.constant 0 : i32
          %sign3A_1501 = arith.cmpi slt, %sub3A_1494, %sign3A_1500 : i32
          %sign3A_1502 = arith.extui %sign3A_1501 : i1 to i32
          %sign3A_1503 = arith.subi %sign3A_1499, %sign3A_1502 : i32
          %sign3A_1504 = arith.constant 0 : i32
          %sign3A_1505 = arith.cmpi sgt, %jit3A_1495, %sign3A_1504 : i32
          %sign3A_1506 = arith.extui %sign3A_1505 : i1 to i32
          %sign3A_1507 = arith.constant 0 : i32
          %sign3A_1508 = arith.cmpi slt, %jit3A_1495, %sign3A_1507 : i32
          %sign3A_1509 = arith.extui %sign3A_1508 : i1 to i32
          %sign3A_1510 = arith.subi %sign3A_1506, %sign3A_1509 : i32
          %ne3A_1511 = arith.cmpi ne, %sign3A_1503, %sign3A_1510 : i32
          %rem3A_1512 = arith.remsi %sub3A_1494, %jit3A_1495 : i32
          %ne3A_1513 = arith.constant 0 : i32
          %ne3A_1514 = arith.cmpi ne, %rem3A_1512, %ne3A_1513 : i32
          %and3A_1515 = arith.andi %ne3A_1511, %ne3A_1514 : i1
          %sub3A_1516 = arith.constant 1 : i32
          %sub3A_1517 = arith.subi %div3A_1496, %sub3A_1516 : i32
          %select_n3A_1518 = arith.select %and3A_1515, %sub3A_1517, %div3A_1496 : i32
          %jit3A_1519 = arith.constant 4 : i32
          %eq3A_1520 = arith.constant 0 : i32
          %eq3A_1521 = arith.cmpi eq, %jit3A_1519, %eq3A_1520 : i32
          %jit3A_1522 = arith.constant 1 : i32
          %select_n3A_1523 = arith.select %eq3A_1521, %jit3A_1522, %jit3A_1519 : i32
          %rem3A_1524 = arith.remsi %sub3A_1494, %select_n3A_1523 : i32
          %ne3A_1525 = arith.constant 0 : i32
          %ne3A_1526 = arith.cmpi ne, %rem3A_1524, %ne3A_1525 : i32
          %lt3A_1527 = arith.constant 0 : i32
          %lt3A_1528 = arith.cmpi slt, %rem3A_1524, %lt3A_1527 : i32
          %lt3A_1529 = arith.constant 0 : i32
          %lt3A_1530 = arith.cmpi slt, %select_n3A_1523, %lt3A_1529 : i32
          %ne3A_1531 = arith.xori %lt3A_1528, %lt3A_1530 : i1
          %and3A_1532 = arith.andi %ne3A_1531, %ne3A_1526 : i1
          %add3A_1533 = arith.addi %rem3A_1524, %select_n3A_1523 : i32
          %select_n3A_1534 = arith.select %and3A_1532, %add3A_1533, %rem3A_1524 : i32
          %mul3A_1535 = arith.constant 2048 : i32
          %mul3A_1536 = arith.muli %select_n3A_1534, %mul3A_1535 : i32
          %add3A_1537 = arith.addi %mul3A_1536, %mul3A_2 : i32
          %mul3A_1538 = arith.constant 8 : i32
          %mul3A_1539 = arith.muli %select_n3A_1518, %mul3A_1538 : i32
          %add3A_1540 = arith.addi %add3A_1537, %mul3A_1539 : i32
          %dma_wait3A_1541 = arith.constant 1 : i32
          %dma_wait3A_1542 = arith.constant 0 : i32
          %dma_wait3A_1543 = arith.constant 0 : i32
          %dma_wait3A_1544 = tpu.memref_slice %arg7[%dma_wait3A_1541, %dma_wait3A_1542, %dma_wait3A_1543] : memref<4x8x2048xf32, #tpu.memory_space<vmem>> -> memref<1x8x2048xf32, #tpu.memory_space<vmem>>
          %dma_wait3A_1545 = tpu.memref_squeeze %dma_wait3A_1544 : memref<1x8x2048xf32, #tpu.memory_space<vmem>> -> memref<8x2048xf32, #tpu.memory_space<vmem>>
          %dma_wait3A_1546 = arith.constant 0 : i32
          %dma_wait3A_1547 = tpu.memref_slice %arg5[%add3A_1540, %dma_wait3A_1546] : memref<8192x2048xf32, #tpu.memory_space<hbm>> -> memref<8x2048xf32, #tpu.memory_space<hbm>>
          %dma_wait3A_1548 = arith.constant 0 : i32
          %dma_wait3A_1549 = tpu.memref_slice %arg5[%add3A_1540, %dma_wait3A_1548] : memref<8192x2048xf32, #tpu.memory_space<hbm>> -> memref<8x2048xf32, #tpu.memory_space<hbm>>
          %dma_wait3A_1550 = arith.constant 0 : i32
          %dma_wait3A_1551 = arith.constant 0 : i32
          %dma_wait3A_1552 = tpu.memref_slice %arg7[%dma_wait3A_1541, %dma_wait3A_1550, %dma_wait3A_1551] : memref<4x8x2048xf32, #tpu.memory_space<vmem>> -> memref<1x8x2048xf32, #tpu.memory_space<vmem>>
          %dma_wait3A_1553 = tpu.memref_squeeze %dma_wait3A_1552 : memref<1x8x2048xf32, #tpu.memory_space<vmem>> -> memref<8x2048xf32, #tpu.memory_space<vmem>>
          tpu.wait_dma2 semaphore(%arg14 : memref<!tpu.dma_semaphore, #tpu.memory_space<semaphore_mem>>) src(%dma_wait3A_1553 : memref<8x2048xf32, #tpu.memory_space<vmem>>) dst(%dma_wait3A_1549 : memref<8x2048xf32, #tpu.memory_space<hbm>>)
        } else {
        }
        %add3A_1439 = arith.constant 2 : i32
        %add3A_1440 = arith.addi %add3A_1287, %add3A_1439 : i32
        %jit3A_1441 = arith.constant 4 : i32
        %div3A_1442 = arith.divsi %add3A_1440, %jit3A_1441 : i32
        %sign3A_1443 = arith.constant 0 : i32
        %sign3A_1444 = arith.cmpi sgt, %add3A_1440, %sign3A_1443 : i32
        %sign3A_1445 = arith.extui %sign3A_1444 : i1 to i32
        %sign3A_1446 = arith.constant 0 : i32
        %sign3A_1447 = arith.cmpi slt, %add3A_1440, %sign3A_1446 : i32
        %sign3A_1448 = arith.extui %sign3A_1447 : i1 to i32
        %sign3A_1449 = arith.subi %sign3A_1445, %sign3A_1448 : i32
        %sign3A_1450 = arith.constant 0 : i32
        %sign3A_1451 = arith.cmpi sgt, %jit3A_1441, %sign3A_1450 : i32
        %sign3A_1452 = arith.extui %sign3A_1451 : i1 to i32
        %sign3A_1453 = arith.constant 0 : i32
        %sign3A_1454 = arith.cmpi slt, %jit3A_1441, %sign3A_1453 : i32
        %sign3A_1455 = arith.extui %sign3A_1454 : i1 to i32
        %sign3A_1456 = arith.subi %sign3A_1452, %sign3A_1455 : i32
        %ne3A_1457 = arith.cmpi ne, %sign3A_1449, %sign3A_1456 : i32
        %rem3A_1458 = arith.remsi %add3A_1440, %jit3A_1441 : i32
        %ne3A_1459 = arith.constant 0 : i32
        %ne3A_1460 = arith.cmpi ne, %rem3A_1458, %ne3A_1459 : i32
        %and3A_1461 = arith.andi %ne3A_1457, %ne3A_1460 : i1
        %sub3A_1462 = arith.constant 1 : i32
        %sub3A_1463 = arith.subi %div3A_1442, %sub3A_1462 : i32
        %select_n3A_1464 = arith.select %and3A_1461, %sub3A_1463, %div3A_1442 : i32
        %jit3A_1465 = arith.constant 4 : i32
        %eq3A_1466 = arith.constant 0 : i32
        %eq3A_1467 = arith.cmpi eq, %jit3A_1465, %eq3A_1466 : i32
        %jit3A_1468 = arith.constant 1 : i32
        %select_n3A_1469 = arith.select %eq3A_1467, %jit3A_1468, %jit3A_1465 : i32
        %rem3A_1470 = arith.remsi %add3A_1440, %select_n3A_1469 : i32
        %ne3A_1471 = arith.constant 0 : i32
        %ne3A_1472 = arith.cmpi ne, %rem3A_1470, %ne3A_1471 : i32
        %lt3A_1473 = arith.constant 0 : i32
        %lt3A_1474 = arith.cmpi slt, %rem3A_1470, %lt3A_1473 : i32
        %lt3A_1475 = arith.constant 0 : i32
        %lt3A_1476 = arith.cmpi slt, %select_n3A_1469, %lt3A_1475 : i32
        %ne3A_1477 = arith.xori %lt3A_1474, %lt3A_1476 : i1
        %and3A_1478 = arith.andi %ne3A_1477, %ne3A_1472 : i1
        %add3A_1479 = arith.addi %rem3A_1470, %select_n3A_1469 : i32
        %select_n3A_1480 = arith.select %and3A_1478, %add3A_1479, %rem3A_1470 : i32
        %mul3A_1481 = arith.constant 8 : i32
        %mul3A_1482 = arith.muli %select_n3A_1464, %mul3A_1481 : i32
        %dma_start3A_1483 = arith.constant 1 : i32
        %dma_start3A_1484 = arith.constant 0 : i32
        %dma_start3A_1485 = arith.constant 0 : i32
        %dma_start3A_1486 = tpu.memref_slice %arg7[%dma_start3A_1483, %dma_start3A_1484, %dma_start3A_1485] : memref<4x8x2048xf32, #tpu.memory_space<vmem>> -> memref<1x8x2048xf32, #tpu.memory_space<vmem>>
        %dma_start3A_1487 = tpu.memref_squeeze %dma_start3A_1486 : memref<1x8x2048xf32, #tpu.memory_space<vmem>> -> memref<8x2048xf32, #tpu.memory_space<vmem>>
        %dma_start3A_1488 = tpu.memref_slice %arg6[%select_n3A_1480, %mul3A_1482] : memref<4x64xi32, #tpu.memory_space<vmem>> -> memref<1x8xi32, #tpu.memory_space<vmem>>
        %dma_start3A_1489 = tpu.memref_squeeze %dma_start3A_1488 : memref<1x8xi32, #tpu.memory_space<vmem>> -> memref<8xi32, #tpu.memory_space<vmem>>
        %dma_start3A_1490 = arith.constant 0 : i32
        %dma_start3A_1491 = arith.constant 0 : i32
        %dma_start3A_1492 = tpu.memref_slice %arg2[%dma_start3A_1490, %dma_start3A_1491] : memref<100000x2048xf32, #tpu.memory_space<hbm>> -> memref<100000x2048xf32, #tpu.memory_space<hbm>>
        tpu.enqueue_indirect_dma source(%dma_start3A_1492 : memref<100000x2048xf32, #tpu.memory_space<hbm>>) target(%dma_start3A_1487 : memref<8x2048xf32, #tpu.memory_space<vmem>>) offsets(%dma_start3A_1489 : memref<8xi32, #tpu.memory_space<vmem>>) semaphore(%arg10 : memref<!tpu.dma_semaphore, #tpu.memory_space<semaphore_mem>>)
      } else {
      }
      %scan3A_1371 = arith.constant 0 : i32
      %scan3A_1372 = arith.constant 8 : i32
      %scan3A_1373 = arith.addi %scan3A_1371, %scan3A_1372 : i32
      %scan3A_1374 = arith.constant 1 : i32
      scf.for %scan3A_1435 = %scan3A_1371 to %scan3A_1373 step %scan3A_1374  : i32 {
        %mul3A_1436 = arith.constant 1 : i32
        %mul3A_1437 = arith.muli %scan3A_1435, %mul3A_1436 : i32
        %add3A_1438 = arith.constant 0 : i32
        %add3A_1439 = arith.addi %add3A_1438, %mul3A_1437 : i32
        %scan3A_1440 = arith.constant 0 : i32
        %scan3A_1441 = arith.constant 128 : i32
        %scan3A_1442 = arith.addi %scan3A_1440, %scan3A_1441 : i32
        %scan3A_1443 = arith.constant 16 : i32
        scf.for %scan3A_1445 = %scan3A_1440 to %scan3A_1442 step %scan3A_1443  : i32 {
          %mul3A_1446 = arith.constant 16 : i32
          %mul3A_1447 = arith.muli %scan3A_1445, %mul3A_1446 : i32
          %add3A_1448 = arith.constant 0 : i32
          %add3A_1449 = arith.addi %add3A_1448, %mul3A_1447 : i32
          %get3A = arith.constant 1 : i32
          %get3A_1450 = arith.index_cast %get3A : i32 to index
          %get3A_1451 = arith.index_cast %add3A_1439 : i32 to index
          %get3A_1452 = arith.index_cast %add3A_1449 : i32 to index
          %get3A_1453 = tpu.vector_load %arg8[%get3A_1450, %get3A_1451, %get3A_1452] {strides = array<i32>} : memref<2x8x2048xf32, #tpu.memory_space<vmem>>, vector<1x1x16xf32>,
          %get3A_1454 = vector.shape_cast %get3A_1453 : vector<1x1x16xf32> to vector<16xf32>
          %swap3A = arith.constant 3 : i32
          %swap3A_1455 = arith.index_cast %swap3A : i32 to index
          %swap3A_1456 = arith.index_cast %add3A_1439 : i32 to index
          %swap3A_1457 = arith.index_cast %add3A_1449 : i32 to index
          %swap3A_1458 = tpu.vector_load %arg7[%swap3A_1455, %swap3A_1456, %swap3A_1457] {strides = array<i32>} : memref<4x8x2048xf32, #tpu.memory_space<vmem>>, vector<1x1x16xf32>,
          %swap3A_1459 = vector.shape_cast %swap3A_1458 : vector<1x1x16xf32> to vector<16xf32>
          %swap3A_1460 = vector.shape_cast %get3A_1454 : vector<16xf32> to vector<1x1x16xf32>
          tpu.vector_store %arg7[%swap3A_1455, %swap3A_1456, %swap3A_1457], %swap3A_1460 {add = true, strides = array<i32>} : memref<4x8x2048xf32, #tpu.memory_space<vmem>>, vector<1x1x16xf32>,
          %scan3A_1461 = arith.constant 1 : i32
          %scan3A_1462 = arith.addi %scan3A_1445, %scan3A_1461 : i32
          %mul3A_1463 = arith.constant 16 : i32
          %mul3A_1464 = arith.muli %scan3A_1462, %mul3A_1463 : i32
          %add3A_1465 = arith.constant 0 : i32
          %add3A_1466 = arith.addi %add3A_1465, %mul3A_1464 : i32
          %get3A_1467 = arith.constant 1 : i32
          %get3A_1468 = arith.index_cast %get3A_1467 : i32 to index
          %get3A_1469 = arith.index_cast %add3A_1439 : i32 to index
          %get3A_1470 = arith.index_cast %add3A_1466 : i32 to index
          %get3A_1471 = tpu.vector_load %arg8[%get3A_1468, %get3A_1469, %get3A_1470] {strides = array<i32>} : memref<2x8x2048xf32, #tpu.memory_space<vmem>>, vector<1x1x16xf32>,
          %get3A_1472 = vector.shape_cast %get3A_1471 : vector<1x1x16xf32> to vector<16xf32>
          %swap3A_1473 = arith.constant 3 : i32
          %swap3A_1474 = arith.index_cast %swap3A_1473 : i32 to index
          %swap3A_1475 = arith.index_cast %add3A_1439 : i32 to index
          %swap3A_1476 = arith.index_cast %add3A_1466 : i32 to index
          %swap3A_1477 = tpu.vector_load %arg7[%swap3A_1474, %swap3A_1475, %swap3A_1476] {strides = array<i32>} : memref<4x8x2048xf32, #tpu.memory_space<vmem>>, vector<1x1x16xf32>,
          %swap3A_1478 = vector.shape_cast %swap3A_1477 : vector<1x1x16xf32> to vector<16xf32>
          %swap3A_1479 = vector.shape_cast %get3A_1472 : vector<16xf32> to vector<1x1x16xf32>
          tpu.vector_store %arg7[%swap3A_1474, %swap3A_1475, %swap3A_1476], %swap3A_1479 {add = true, strides = array<i32>} : memref<4x8x2048xf32, #tpu.memory_space<vmem>>, vector<1x1x16xf32>,
          %scan3A_1480 = arith.constant 2 : i32
          %scan3A_1481 = arith.addi %scan3A_1445, %scan3A_1480 : i32
          %mul3A_1482 = arith.constant 16 : i32
          %mul3A_1483 = arith.muli %scan3A_1481, %mul3A_1482 : i32
          %add3A_1484 = arith.constant 0 : i32
          %add3A_1485 = arith.addi %add3A_1484, %mul3A_1483 : i32
          %get3A_1486 = arith.constant 1 : i32
          %get3A_1487 = arith.index_cast %get3A_1486 : i32 to index
          %get3A_1488 = arith.index_cast %add3A_1439 : i32 to index
          %get3A_1489 = arith.index_cast %add3A_1485 : i32 to index
          %get3A_1490 = tpu.vector_load %arg8[%get3A_1487, %get3A_1488, %get3A_1489] {strides = array<i32>} : memref<2x8x2048xf32, #tpu.memory_space<vmem>>, vector<1x1x16xf32>,
          %get3A_1491 = vector.shape_cast %get3A_1490 : vector<1x1x16xf32> to vector<16xf32>
          %swap3A_1492 = arith.constant 3 : i32
          %swap3A_1493 = arith.index_cast %swap3A_1492 : i32 to index
          %swap3A_1494 = arith.index_cast %add3A_1439 : i32 to index
          %swap3A_1495 = arith.index_cast %add3A_1485 : i32 to index
          %swap3A_1496 = tpu.vector_load %arg7[%swap3A_1493, %swap3A_1494, %swap3A_1495] {strides = array<i32>} : memref<4x8x2048xf32, #tpu.memory_space<vmem>>, vector<1x1x16xf32>,
          %swap3A_1497 = vector.shape_cast %swap3A_1496 : vector<1x1x16xf32> to vector<16xf32>
          %swap3A_1498 = vector.shape_cast %get3A_1491 : vector<16xf32> to vector<1x1x16xf32>
          tpu.vector_store %arg7[%swap3A_1493, %swap3A_1494, %swap3A_1495], %swap3A_1498 {add = true, strides = array<i32>} : memref<4x8x2048xf32, #tpu.memory_space<vmem>>, vector<1x1x16xf32>,
          %scan3A_1499 = arith.constant 3 : i32
          %scan3A_1500 = arith.addi %scan3A_1445, %scan3A_1499 : i32
          %mul3A_1501 = arith.constant 16 : i32
          %mul3A_1502 = arith.muli %scan3A_1500, %mul3A_1501 : i32
          %add3A_1503 = arith.constant 0 : i32
          %add3A_1504 = arith.addi %add3A_1503, %mul3A_1502 : i32
          %get3A_1505 = arith.constant 1 : i32
          %get3A_1506 = arith.index_cast %get3A_1505 : i32 to index
          %get3A_1507 = arith.index_cast %add3A_1439 : i32 to index
          %get3A_1508 = arith.index_cast %add3A_1504 : i32 to index
          %get3A_1509 = tpu.vector_load %arg8[%get3A_1506, %get3A_1507, %get3A_1508] {strides = array<i32>} : memref<2x8x2048xf32, #tpu.memory_space<vmem>>, vector<1x1x16xf32>,
          %get3A_1510 = vector.shape_cast %get3A_1509 : vector<1x1x16xf32> to vector<16xf32>
          %swap3A_1511 = arith.constant 3 : i32
          %swap3A_1512 = arith.index_cast %swap3A_1511 : i32 to index
          %swap3A_1513 = arith.index_cast %add3A_1439 : i32 to index
          %swap3A_1514 = arith.index_cast %add3A_1504 : i32 to index
          %swap3A_1515 = tpu.vector_load %arg7[%swap3A_1512, %swap3A_1513, %swap3A_1514] {strides = array<i32>} : memref<4x8x2048xf32, #tpu.memory_space<vmem>>, vector<1x1x16xf32>,
          %swap3A_1516 = vector.shape_cast %swap3A_1515 : vector<1x1x16xf32> to vector<16xf32>
          %swap3A_1517 = vector.shape_cast %get3A_1510 : vector<16xf32> to vector<1x1x16xf32>
          tpu.vector_store %arg7[%swap3A_1512, %swap3A_1513, %swap3A_1514], %swap3A_1517 {add = true, strides = array<i32>} : memref<4x8x2048xf32, #tpu.memory_space<vmem>>, vector<1x1x16xf32>,
          %scan3A_1518 = arith.constant 4 : i32
          %scan3A_1519 = arith.addi %scan3A_1445, %scan3A_1518 : i32
          %mul3A_1520 = arith.constant 16 : i32
          %mul3A_1521 = arith.muli %scan3A_1519, %mul3A_1520 : i32
          %add3A_1522 = arith.constant 0 : i32
          %add3A_1523 = arith.addi %add3A_1522, %mul3A_1521 : i32
          %get3A_1524 = arith.constant 1 : i32
          %get3A_1525 = arith.index_cast %get3A_1524 : i32 to index
          %get3A_1526 = arith.index_cast %add3A_1439 : i32 to index
          %get3A_1527 = arith.index_cast %add3A_1523 : i32 to index
          %get3A_1528 = tpu.vector_load %arg8[%get3A_1525, %get3A_1526, %get3A_1527] {strides = array<i32>} : memref<2x8x2048xf32, #tpu.memory_space<vmem>>, vector<1x1x16xf32>,
          %get3A_1529 = vector.shape_cast %get3A_1528 : vector<1x1x16xf32> to vector<16xf32>
          %swap3A_1530 = arith.constant 3 : i32
          %swap3A_1531 = arith.index_cast %swap3A_1530 : i32 to index
          %swap3A_1532 = arith.index_cast %add3A_1439 : i32 to index
          %swap3A_1533 = arith.index_cast %add3A_1523 : i32 to index
          %swap3A_1534 = tpu.vector_load %arg7[%swap3A_1531, %swap3A_1532, %swap3A_1533] {strides = array<i32>} : memref<4x8x2048xf32, #tpu.memory_space<vmem>>, vector<1x1x16xf32>,
          %swap3A_1535 = vector.shape_cast %swap3A_1534 : vector<1x1x16xf32> to vector<16xf32>
          %swap3A_1536 = vector.shape_cast %get3A_1529 : vector<16xf32> to vector<1x1x16xf32>
          tpu.vector_store %arg7[%swap3A_1531, %swap3A_1532, %swap3A_1533], %swap3A_1536 {add = true, strides = array<i32>} : memref<4x8x2048xf32, #tpu.memory_space<vmem>>, vector<1x1x16xf32>,
          %scan3A_1537 = arith.constant 5 : i32
          %scan3A_1538 = arith.addi %scan3A_1445, %scan3A_1537 : i32
          %mul3A_1539 = arith.constant 16 : i32
          %mul3A_1540 = arith.muli %scan3A_1538, %mul3A_1539 : i32
          %add3A_1541 = arith.constant 0 : i32
          %add3A_1542 = arith.addi %add3A_1541, %mul3A_1540 : i32
          %get3A_1543 = arith.constant 1 : i32
          %get3A_1544 = arith.index_cast %get3A_1543 : i32 to index
          %get3A_1545 = arith.index_cast %add3A_1439 : i32 to index
          %get3A_1546 = arith.index_cast %add3A_1542 : i32 to index
          %get3A_1547 = tpu.vector_load %arg8[%get3A_1544, %get3A_1545, %get3A_1546] {strides = array<i32>} : memref<2x8x2048xf32, #tpu.memory_space<vmem>>, vector<1x1x16xf32>,
          %get3A_1548 = vector.shape_cast %get3A_1547 : vector<1x1x16xf32> to vector<16xf32>
          %swap3A_1549 = arith.constant 3 : i32
          %swap3A_1550 = arith.index_cast %swap3A_1549 : i32 to index
          %swap3A_1551 = arith.index_cast %add3A_1439 : i32 to index
          %swap3A_1552 = arith.index_cast %add3A_1542 : i32 to index
          %swap3A_1553 = tpu.vector_load %arg7[%swap3A_1550, %swap3A_1551, %swap3A_1552] {strides = array<i32>} : memref<4x8x2048xf32, #tpu.memory_space<vmem>>, vector<1x1x16xf32>,
          %swap3A_1554 = vector.shape_cast %swap3A_1553 : vector<1x1x16xf32> to vector<16xf32>
          %swap3A_1555 = vector.shape_cast %get3A_1548 : vector<16xf32> to vector<1x1x16xf32>
          tpu.vector_store %arg7[%swap3A_1550, %swap3A_1551, %swap3A_1552], %swap3A_1555 {add = true, strides = array<i32>} : memref<4x8x2048xf32, #tpu.memory_space<vmem>>, vector<1x1x16xf32>,
          %scan3A_1556 = arith.constant 6 : i32
          %scan3A_1557 = arith.addi %scan3A_1445, %scan3A_1556 : i32
          %mul3A_1558 = arith.constant 16 : i32
          %mul3A_1559 = arith.muli %scan3A_1557, %mul3A_1558 : i32
          %add3A_1560 = arith.constant 0 : i32
          %add3A_1561 = arith.addi %add3A_1560, %mul3A_1559 : i32
          %get3A_1562 = arith.constant 1 : i32
          %get3A_1563 = arith.index_cast %get3A_1562 : i32 to index
          %get3A_1564 = arith.index_cast %add3A_1439 : i32 to index
          %get3A_1565 = arith.index_cast %add3A_1561 : i32 to index
          %get3A_1566 = tpu.vector_load %arg8[%get3A_1563, %get3A_1564, %get3A_1565] {strides = array<i32>} : memref<2x8x2048xf32, #tpu.memory_space<vmem>>, vector<1x1x16xf32>,
          %get3A_1567 = vector.shape_cast %get3A_1566 : vector<1x1x16xf32> to vector<16xf32>
          %swap3A_1568 = arith.constant 3 : i32
          %swap3A_1569 = arith.index_cast %swap3A_1568 : i32 to index
          %swap3A_1570 = arith.index_cast %add3A_1439 : i32 to index
          %swap3A_1571 = arith.index_cast %add3A_1561 : i32 to index
          %swap3A_1572 = tpu.vector_load %arg7[%swap3A_1569, %swap3A_1570, %swap3A_1571] {strides = array<i32>} : memref<4x8x2048xf32, #tpu.memory_space<vmem>>, vector<1x1x16xf32>,
          %swap3A_1573 = vector.shape_cast %swap3A_1572 : vector<1x1x16xf32> to vector<16xf32>
          %swap3A_1574 = vector.shape_cast %get3A_1567 : vector<16xf32> to vector<1x1x16xf32>
          tpu.vector_store %arg7[%swap3A_1569, %swap3A_1570, %swap3A_1571], %swap3A_1574 {add = true, strides = array<i32>} : memref<4x8x2048xf32, #tpu.memory_space<vmem>>, vector<1x1x16xf32>,
          %scan3A_1575 = arith.constant 7 : i32
          %scan3A_1576 = arith.addi %scan3A_1445, %scan3A_1575 : i32
          %mul3A_1577 = arith.constant 16 : i32
          %mul3A_1578 = arith.muli %scan3A_1576, %mul3A_1577 : i32
          %add3A_1579 = arith.constant 0 : i32
          %add3A_1580 = arith.addi %add3A_1579, %mul3A_1578 : i32
          %get3A_1581 = arith.constant 1 : i32
          %get3A_1582 = arith.index_cast %get3A_1581 : i32 to index
          %get3A_1583 = arith.index_cast %add3A_1439 : i32 to index
          %get3A_1584 = arith.index_cast %add3A_1580 : i32 to index
          %get3A_1585 = tpu.vector_load %arg8[%get3A_1582, %get3A_1583, %get3A_1584] {strides = array<i32>} : memref<2x8x2048xf32, #tpu.memory_space<vmem>>, vector<1x1x16xf32>,
          %get3A_1586 = vector.shape_cast %get3A_1585 : vector<1x1x16xf32> to vector<16xf32>
          %swap3A_1587 = arith.constant 3 : i32
          %swap3A_1588 = arith.index_cast %swap3A_1587 : i32 to index
          %swap3A_1589 = arith.index_cast %add3A_1439 : i32 to index
          %swap3A_1590 = arith.index_cast %add3A_1580 : i32 to index
          %swap3A_1591 = tpu.vector_load %arg7[%swap3A_1588, %swap3A_1589, %swap3A_1590] {strides = array<i32>} : memref<4x8x2048xf32, #tpu.memory_space<vmem>>, vector<1x1x16xf32>,
          %swap3A_1592 = vector.shape_cast %swap3A_1591 : vector<1x1x16xf32> to vector<16xf32>
          %swap3A_1593 = vector.shape_cast %get3A_1586 : vector<16xf32> to vector<1x1x16xf32>
          tpu.vector_store %arg7[%swap3A_1588, %swap3A_1589, %swap3A_1590], %swap3A_1593 {add = true, strides = array<i32>} : memref<4x8x2048xf32, #tpu.memory_space<vmem>>, vector<1x1x16xf32>,
          %scan3A_1594 = arith.constant 8 : i32
          %scan3A_1595 = arith.addi %scan3A_1445, %scan3A_1594 : i32
          %mul3A_1596 = arith.constant 16 : i32
          %mul3A_1597 = arith.muli %scan3A_1595, %mul3A_1596 : i32
          %add3A_1598 = arith.constant 0 : i32
          %add3A_1599 = arith.addi %add3A_1598, %mul3A_1597 : i32
          %get3A_1600 = arith.constant 1 : i32
          %get3A_1601 = arith.index_cast %get3A_1600 : i32 to index
          %get3A_1602 = arith.index_cast %add3A_1439 : i32 to index
          %get3A_1603 = arith.index_cast %add3A_1599 : i32 to index
          %get3A_1604 = tpu.vector_load %arg8[%get3A_1601, %get3A_1602, %get3A_1603] {strides = array<i32>} : memref<2x8x2048xf32, #tpu.memory_space<vmem>>, vector<1x1x16xf32>,
          %get3A_1605 = vector.shape_cast %get3A_1604 : vector<1x1x16xf32> to vector<16xf32>
          %swap3A_1606 = arith.constant 3 : i32
          %swap3A_1607 = arith.index_cast %swap3A_1606 : i32 to index
          %swap3A_1608 = arith.index_cast %add3A_1439 : i32 to index
          %swap3A_1609 = arith.index_cast %add3A_1599 : i32 to index
          %swap3A_1610 = tpu.vector_load %arg7[%swap3A_1607, %swap3A_1608, %swap3A_1609] {strides = array<i32>} : memref<4x8x2048xf32, #tpu.memory_space<vmem>>, vector<1x1x16xf32>,
          %swap3A_1611 = vector.shape_cast %swap3A_1610 : vector<1x1x16xf32> to vector<16xf32>
          %swap3A_1612 = vector.shape_cast %get3A_1605 : vector<16xf32> to vector<1x1x16xf32>
          tpu.vector_store %arg7[%swap3A_1607, %swap3A_1608, %swap3A_1609], %swap3A_1612 {add = true, strides = array<i32>} : memref<4x8x2048xf32, #tpu.memory_space<vmem>>, vector<1x1x16xf32>,
          %scan3A_1613 = arith.constant 9 : i32
          %scan3A_1614 = arith.addi %scan3A_1445, %scan3A_1613 : i32
          %mul3A_1615 = arith.constant 16 : i32
          %mul3A_1616 = arith.muli %scan3A_1614, %mul3A_1615 : i32
          %add3A_1617 = arith.constant 0 : i32
          %add3A_1618 = arith.addi %add3A_1617, %mul3A_1616 : i32
          %get3A_1619 = arith.constant 1 : i32
          %get3A_1620 = arith.index_cast %get3A_1619 : i32 to index
          %get3A_1621 = arith.index_cast %add3A_1439 : i32 to index
          %get3A_1622 = arith.index_cast %add3A_1618 : i32 to index
          %get3A_1623 = tpu.vector_load %arg8[%get3A_1620, %get3A_1621, %get3A_1622] {strides = array<i32>} : memref<2x8x2048xf32, #tpu.memory_space<vmem>>, vector<1x1x16xf32>,
          %get3A_1624 = vector.shape_cast %get3A_1623 : vector<1x1x16xf32> to vector<16xf32>
          %swap3A_1625 = arith.constant 3 : i32
          %swap3A_1626 = arith.index_cast %swap3A_1625 : i32 to index
          %swap3A_1627 = arith.index_cast %add3A_1439 : i32 to index
          %swap3A_1628 = arith.index_cast %add3A_1618 : i32 to index
          %swap3A_1629 = tpu.vector_load %arg7[%swap3A_1626, %swap3A_1627, %swap3A_1628] {strides = array<i32>} : memref<4x8x2048xf32, #tpu.memory_space<vmem>>, vector<1x1x16xf32>,
          %swap3A_1630 = vector.shape_cast %swap3A_1629 : vector<1x1x16xf32> to vector<16xf32>
          %swap3A_1631 = vector.shape_cast %get3A_1624 : vector<16xf32> to vector<1x1x16xf32>
          tpu.vector_store %arg7[%swap3A_1626, %swap3A_1627, %swap3A_1628], %swap3A_1631 {add = true, strides = array<i32>} : memref<4x8x2048xf32, #tpu.memory_space<vmem>>, vector<1x1x16xf32>,
          %scan3A_1632 = arith.constant 10 : i32
          %scan3A_1633 = arith.addi %scan3A_1445, %scan3A_1632 : i32
          %mul3A_1634 = arith.constant 16 : i32
          %mul3A_1635 = arith.muli %scan3A_1633, %mul3A_1634 : i32
          %add3A_1636 = arith.constant 0 : i32
          %add3A_1637 = arith.addi %add3A_1636, %mul3A_1635 : i32
          %get3A_1638 = arith.constant 1 : i32
          %get3A_1639 = arith.index_cast %get3A_1638 : i32 to index
          %get3A_1640 = arith.index_cast %add3A_1439 : i32 to index
          %get3A_1641 = arith.index_cast %add3A_1637 : i32 to index
          %get3A_1642 = tpu.vector_load %arg8[%get3A_1639, %get3A_1640, %get3A_1641] {strides = array<i32>} : memref<2x8x2048xf32, #tpu.memory_space<vmem>>, vector<1x1x16xf32>,
          %get3A_1643 = vector.shape_cast %get3A_1642 : vector<1x1x16xf32> to vector<16xf32>
          %swap3A_1644 = arith.constant 3 : i32
          %swap3A_1645 = arith.index_cast %swap3A_1644 : i32 to index
          %swap3A_1646 = arith.index_cast %add3A_1439 : i32 to index
          %swap3A_1647 = arith.index_cast %add3A_1637 : i32 to index
          %swap3A_1648 = tpu.vector_load %arg7[%swap3A_1645, %swap3A_1646, %swap3A_1647] {strides = array<i32>} : memref<4x8x2048xf32, #tpu.memory_space<vmem>>, vector<1x1x16xf32>,
          %swap3A_1649 = vector.shape_cast %swap3A_1648 : vector<1x1x16xf32> to vector<16xf32>
          %swap3A_1650 = vector.shape_cast %get3A_1643 : vector<16xf32> to vector<1x1x16xf32>
          tpu.vector_store %arg7[%swap3A_1645, %swap3A_1646, %swap3A_1647], %swap3A_1650 {add = true, strides = array<i32>} : memref<4x8x2048xf32, #tpu.memory_space<vmem>>, vector<1x1x16xf32>,
          %scan3A_1651 = arith.constant 11 : i32
          %scan3A_1652 = arith.addi %scan3A_1445, %scan3A_1651 : i32
          %mul3A_1653 = arith.constant 16 : i32
          %mul3A_1654 = arith.muli %scan3A_1652, %mul3A_1653 : i32
          %add3A_1655 = arith.constant 0 : i32
          %add3A_1656 = arith.addi %add3A_1655, %mul3A_1654 : i32
          %get3A_1657 = arith.constant 1 : i32
          %get3A_1658 = arith.index_cast %get3A_1657 : i32 to index
          %get3A_1659 = arith.index_cast %add3A_1439 : i32 to index
          %get3A_1660 = arith.index_cast %add3A_1656 : i32 to index
          %get3A_1661 = tpu.vector_load %arg8[%get3A_1658, %get3A_1659, %get3A_1660] {strides = array<i32>} : memref<2x8x2048xf32, #tpu.memory_space<vmem>>, vector<1x1x16xf32>,
          %get3A_1662 = vector.shape_cast %get3A_1661 : vector<1x1x16xf32> to vector<16xf32>
          %swap3A_1663 = arith.constant 3 : i32
          %swap3A_1664 = arith.index_cast %swap3A_1663 : i32 to index
          %swap3A_1665 = arith.index_cast %add3A_1439 : i32 to index
          %swap3A_1666 = arith.index_cast %add3A_1656 : i32 to index
          %swap3A_1667 = tpu.vector_load %arg7[%swap3A_1664, %swap3A_1665, %swap3A_1666] {strides = array<i32>} : memref<4x8x2048xf32, #tpu.memory_space<vmem>>, vector<1x1x16xf32>,
          %swap3A_1668 = vector.shape_cast %swap3A_1667 : vector<1x1x16xf32> to vector<16xf32>
          %swap3A_1669 = vector.shape_cast %get3A_1662 : vector<16xf32> to vector<1x1x16xf32>
          tpu.vector_store %arg7[%swap3A_1664, %swap3A_1665, %swap3A_1666], %swap3A_1669 {add = true, strides = array<i32>} : memref<4x8x2048xf32, #tpu.memory_space<vmem>>, vector<1x1x16xf32>,
          %scan3A_1670 = arith.constant 12 : i32
          %scan3A_1671 = arith.addi %scan3A_1445, %scan3A_1670 : i32
          %mul3A_1672 = arith.constant 16 : i32
          %mul3A_1673 = arith.muli %scan3A_1671, %mul3A_1672 : i32
          %add3A_1674 = arith.constant 0 : i32
          %add3A_1675 = arith.addi %add3A_1674, %mul3A_1673 : i32
          %get3A_1676 = arith.constant 1 : i32
          %get3A_1677 = arith.index_cast %get3A_1676 : i32 to index
          %get3A_1678 = arith.index_cast %add3A_1439 : i32 to index
          %get3A_1679 = arith.index_cast %add3A_1675 : i32 to index
          %get3A_1680 = tpu.vector_load %arg8[%get3A_1677, %get3A_1678, %get3A_1679] {strides = array<i32>} : memref<2x8x2048xf32, #tpu.memory_space<vmem>>, vector<1x1x16xf32>,
          %get3A_1681 = vector.shape_cast %get3A_1680 : vector<1x1x16xf32> to vector<16xf32>
          %swap3A_1682 = arith.constant 3 : i32
          %swap3A_1683 = arith.index_cast %swap3A_1682 : i32 to index
          %swap3A_1684 = arith.index_cast %add3A_1439 : i32 to index
          %swap3A_1685 = arith.index_cast %add3A_1675 : i32 to index
          %swap3A_1686 = tpu.vector_load %arg7[%swap3A_1683, %swap3A_1684, %swap3A_1685] {strides = array<i32>} : memref<4x8x2048xf32, #tpu.memory_space<vmem>>, vector<1x1x16xf32>,
          %swap3A_1687 = vector.shape_cast %swap3A_1686 : vector<1x1x16xf32> to vector<16xf32>
          %swap3A_1688 = vector.shape_cast %get3A_1681 : vector<16xf32> to vector<1x1x16xf32>
          tpu.vector_store %arg7[%swap3A_1683, %swap3A_1684, %swap3A_1685], %swap3A_1688 {add = true, strides = array<i32>} : memref<4x8x2048xf32, #tpu.memory_space<vmem>>, vector<1x1x16xf32>,
          %scan3A_1689 = arith.constant 13 : i32
          %scan3A_1690 = arith.addi %scan3A_1445, %scan3A_1689 : i32
          %mul3A_1691 = arith.constant 16 : i32
          %mul3A_1692 = arith.muli %scan3A_1690, %mul3A_1691 : i32
          %add3A_1693 = arith.constant 0 : i32
          %add3A_1694 = arith.addi %add3A_1693, %mul3A_1692 : i32
          %get3A_1695 = arith.constant 1 : i32
          %get3A_1696 = arith.index_cast %get3A_1695 : i32 to index
          %get3A_1697 = arith.index_cast %add3A_1439 : i32 to index
          %get3A_1698 = arith.index_cast %add3A_1694 : i32 to index
          %get3A_1699 = tpu.vector_load %arg8[%get3A_1696, %get3A_1697, %get3A_1698] {strides = array<i32>} : memref<2x8x2048xf32, #tpu.memory_space<vmem>>, vector<1x1x16xf32>,
          %get3A_1700 = vector.shape_cast %get3A_1699 : vector<1x1x16xf32> to vector<16xf32>
          %swap3A_1701 = arith.constant 3 : i32
          %swap3A_1702 = arith.index_cast %swap3A_1701 : i32 to index
          %swap3A_1703 = arith.index_cast %add3A_1439 : i32 to index
          %swap3A_1704 = arith.index_cast %add3A_1694 : i32 to index
          %swap3A_1705 = tpu.vector_load %arg7[%swap3A_1702, %swap3A_1703, %swap3A_1704] {strides = array<i32>} : memref<4x8x2048xf32, #tpu.memory_space<vmem>>, vector<1x1x16xf32>,
          %swap3A_1706 = vector.shape_cast %swap3A_1705 : vector<1x1x16xf32> to vector<16xf32>
          %swap3A_1707 = vector.shape_cast %get3A_1700 : vector<16xf32> to vector<1x1x16xf32>
          tpu.vector_store %arg7[%swap3A_1702, %swap3A_1703, %swap3A_1704], %swap3A_1707 {add = true, strides = array<i32>} : memref<4x8x2048xf32, #tpu.memory_space<vmem>>, vector<1x1x16xf32>,
          %scan3A_1708 = arith.constant 14 : i32
          %scan3A_1709 = arith.addi %scan3A_1445, %scan3A_1708 : i32
          %mul3A_1710 = arith.constant 16 : i32
          %mul3A_1711 = arith.muli %scan3A_1709, %mul3A_1710 : i32
          %add3A_1712 = arith.constant 0 : i32
          %add3A_1713 = arith.addi %add3A_1712, %mul3A_1711 : i32
          %get3A_1714 = arith.constant 1 : i32
          %get3A_1715 = arith.index_cast %get3A_1714 : i32 to index
          %get3A_1716 = arith.index_cast %add3A_1439 : i32 to index
          %get3A_1717 = arith.index_cast %add3A_1713 : i32 to index
          %get3A_1718 = tpu.vector_load %arg8[%get3A_1715, %get3A_1716, %get3A_1717] {strides = array<i32>} : memref<2x8x2048xf32, #tpu.memory_space<vmem>>, vector<1x1x16xf32>,
          %get3A_1719 = vector.shape_cast %get3A_1718 : vector<1x1x16xf32> to vector<16xf32>
          %swap3A_1720 = arith.constant 3 : i32
          %swap3A_1721 = arith.index_cast %swap3A_1720 : i32 to index
          %swap3A_1722 = arith.index_cast %add3A_1439 : i32 to index
          %swap3A_1723 = arith.index_cast %add3A_1713 : i32 to index
          %swap3A_1724 = tpu.vector_load %arg7[%swap3A_1721, %swap3A_1722, %swap3A_1723] {strides = array<i32>} : memref<4x8x2048xf32, #tpu.memory_space<vmem>>, vector<1x1x16xf32>,
          %swap3A_1725 = vector.shape_cast %swap3A_1724 : vector<1x1x16xf32> to vector<16xf32>
          %swap3A_1726 = vector.shape_cast %get3A_1719 : vector<16xf32> to vector<1x1x16xf32>
          tpu.vector_store %arg7[%swap3A_1721, %swap3A_1722, %swap3A_1723], %swap3A_1726 {add = true, strides = array<i32>} : memref<4x8x2048xf32, #tpu.memory_space<vmem>>, vector<1x1x16xf32>,
          %scan3A_1727 = arith.constant 15 : i32
          %scan3A_1728 = arith.addi %scan3A_1445, %scan3A_1727 : i32
          %mul3A_1729 = arith.constant 16 : i32
          %mul3A_1730 = arith.muli %scan3A_1728, %mul3A_1729 : i32
          %add3A_1731 = arith.constant 0 : i32
          %add3A_1732 = arith.addi %add3A_1731, %mul3A_1730 : i32
          %get3A_1733 = arith.constant 1 : i32
          %get3A_1734 = arith.index_cast %get3A_1733 : i32 to index
          %get3A_1735 = arith.index_cast %add3A_1439 : i32 to index
          %get3A_1736 = arith.index_cast %add3A_1732 : i32 to index
          %get3A_1737 = tpu.vector_load %arg8[%get3A_1734, %get3A_1735, %get3A_1736] {strides = array<i32>} : memref<2x8x2048xf32, #tpu.memory_space<vmem>>, vector<1x1x16xf32>,
          %get3A_1738 = vector.shape_cast %get3A_1737 : vector<1x1x16xf32> to vector<16xf32>
          %swap3A_1739 = arith.constant 3 : i32
          %swap3A_1740 = arith.index_cast %swap3A_1739 : i32 to index
          %swap3A_1741 = arith.index_cast %add3A_1439 : i32 to index
          %swap3A_1742 = arith.index_cast %add3A_1732 : i32 to index
          %swap3A_1743 = tpu.vector_load %arg7[%swap3A_1740, %swap3A_1741, %swap3A_1742] {strides = array<i32>} : memref<4x8x2048xf32, #tpu.memory_space<vmem>>, vector<1x1x16xf32>,
          %swap3A_1744 = vector.shape_cast %swap3A_1743 : vector<1x1x16xf32> to vector<16xf32>
          %swap3A_1745 = vector.shape_cast %get3A_1738 : vector<16xf32> to vector<1x1x16xf32>
          tpu.vector_store %arg7[%swap3A_1740, %swap3A_1741, %swap3A_1742], %swap3A_1745 {add = true, strides = array<i32>} : memref<4x8x2048xf32, #tpu.memory_space<vmem>>, vector<1x1x16xf32>,
        }
        %scan3A_1444 = arith.constant 128 : i32
      }
      %scan3A_1375 = arith.constant 8 : i32
      %jit3A_1376 = arith.constant 4 : i32
      %div3A_1377 = arith.divsi %add3A_1287, %jit3A_1376 : i32
      %sign3A_1378 = arith.constant 0 : i32
      %sign3A_1379 = arith.cmpi sgt, %add3A_1287, %sign3A_1378 : i32
      %sign3A_1380 = arith.extui %sign3A_1379 : i1 to i32
      %sign3A_1381 = arith.constant 0 : i32
      %sign3A_1382 = arith.cmpi slt, %add3A_1287, %sign3A_1381 : i32
      %sign3A_1383 = arith.extui %sign3A_1382 : i1 to i32
      %sign3A_1384 = arith.subi %sign3A_1380, %sign3A_1383 : i32
      %sign3A_1385 = arith.constant 0 : i32
      %sign3A_1386 = arith.cmpi sgt, %jit3A_1376, %sign3A_1385 : i32
      %sign3A_1387 = arith.extui %sign3A_1386 : i1 to i32
      %sign3A_1388 = arith.constant 0 : i32
      %sign3A_1389 = arith.cmpi slt, %jit3A_1376, %sign3A_1388 : i32
      %sign3A_1390 = arith.extui %sign3A_1389 : i1 to i32
      %sign3A_1391 = arith.subi %sign3A_1387, %sign3A_1390 : i32
      %ne3A_1392 = arith.cmpi ne, %sign3A_1384, %sign3A_1391 : i32
      %rem3A_1393 = arith.remsi %add3A_1287, %jit3A_1376 : i32
      %ne3A_1394 = arith.constant 0 : i32
      %ne3A_1395 = arith.cmpi ne, %rem3A_1393, %ne3A_1394 : i32
      %and3A_1396 = arith.andi %ne3A_1392, %ne3A_1395 : i1
      %sub3A_1397 = arith.constant 1 : i32
      %sub3A_1398 = arith.subi %div3A_1377, %sub3A_1397 : i32
      %select_n3A_1399 = arith.select %and3A_1396, %sub3A_1398, %div3A_1377 : i32
      %jit3A_1400 = arith.constant 4 : i32
      %eq3A_1401 = arith.constant 0 : i32
      %eq3A_1402 = arith.cmpi eq, %jit3A_1400, %eq3A_1401 : i32
      %jit3A_1403 = arith.constant 1 : i32
      %select_n3A_1404 = arith.select %eq3A_1402, %jit3A_1403, %jit3A_1400 : i32
      %rem3A_1405 = arith.remsi %add3A_1287, %select_n3A_1404 : i32
      %ne3A_1406 = arith.constant 0 : i32
      %ne3A_1407 = arith.cmpi ne, %rem3A_1405, %ne3A_1406 : i32
      %lt3A_1408 = arith.constant 0 : i32
      %lt3A_1409 = arith.cmpi slt, %rem3A_1405, %lt3A_1408 : i32
      %lt3A_1410 = arith.constant 0 : i32
      %lt3A_1411 = arith.cmpi slt, %select_n3A_1404, %lt3A_1410 : i32
      %ne3A_1412 = arith.xori %lt3A_1409, %lt3A_1411 : i1
      %and3A_1413 = arith.andi %ne3A_1412, %ne3A_1407 : i1
      %add3A_1414 = arith.addi %rem3A_1405, %select_n3A_1404 : i32
      %select_n3A_1415 = arith.select %and3A_1413, %add3A_1414, %rem3A_1405 : i32
      %mul3A_1416 = arith.constant 2048 : i32
      %mul3A_1417 = arith.muli %select_n3A_1415, %mul3A_1416 : i32
      %add3A_1418 = arith.addi %mul3A_1417, %mul3A_2 : i32
      %mul3A_1419 = arith.constant 8 : i32
      %mul3A_1420 = arith.muli %select_n3A_1399, %mul3A_1419 : i32
      %add3A_1421 = arith.addi %add3A_1418, %mul3A_1420 : i32
      %dma_start3A_1422 = arith.constant 3 : i32
      %dma_start3A_1423 = arith.constant 0 : i32
      %dma_start3A_1424 = arith.constant 0 : i32
      %dma_start3A_1425 = tpu.memref_slice %arg7[%dma_start3A_1422, %dma_start3A_1423, %dma_start3A_1424] : memref<4x8x2048xf32, #tpu.memory_space<vmem>> -> memref<1x8x2048xf32, #tpu.memory_space<vmem>>
      %dma_start3A_1426 = tpu.memref_squeeze %dma_start3A_1425 : memref<1x8x2048xf32, #tpu.memory_space<vmem>> -> memref<8x2048xf32, #tpu.memory_space<vmem>>
      %dma_start3A_1427 = arith.constant 0 : i32
      %dma_start3A_1428 = tpu.memref_slice %arg5[%add3A_1421, %dma_start3A_1427] : memref<8192x2048xf32, #tpu.memory_space<hbm>> -> memref<8x2048xf32, #tpu.memory_space<hbm>>
      %dma_start3A_1429 = arith.constant 0 : i32
      %dma_start3A_1430 = tpu.memref_slice %arg5[%add3A_1421, %dma_start3A_1429] : memref<8192x2048xf32, #tpu.memory_space<hbm>> -> memref<8x2048xf32, #tpu.memory_space<hbm>>
      %dma_start3A_1431 = arith.constant 0 : i32
      %dma_start3A_1432 = arith.constant 0 : i32
      %dma_start3A_1433 = tpu.memref_slice %arg7[%dma_start3A_1422, %dma_start3A_1431, %dma_start3A_1432] : memref<4x8x2048xf32, #tpu.memory_space<vmem>> -> memref<1x8x2048xf32, #tpu.memory_space<vmem>>
      %dma_start3A_1434 = tpu.memref_squeeze %dma_start3A_1433 : memref<1x8x2048xf32, #tpu.memory_space<vmem>> -> memref<8x2048xf32, #tpu.memory_space<vmem>>
      tpu.enqueue_dma source(%dma_start3A_1434 : memref<8x2048xf32, #tpu.memory_space<vmem>>) target(%dma_start3A_1430 : memref<8x2048xf32, #tpu.memory_space<hbm>>) target_semaphore(%arg16 : memref<!tpu.dma_semaphore, #tpu.memory_space<semaphore_mem>>)
    }
    %scan3A_139 = arith.constant 4 : i32
    %add3A_140 = arith.constant 0 : i32
    %add3A_141 = arith.addi %add3A_140, %mul3A_2 : i32
    %add3A_142 = arith.constant 56 : i32
    %add3A_143 = arith.addi %add3A_141, %add3A_142 : i32
    %dma_wait3A_144 = arith.constant 0 : i32
    %dma_wait3A_145 = arith.constant 0 : i32
    %dma_wait3A_146 = arith.constant 0 : i32
    %dma_wait3A_147 = tpu.memref_slice %arg7[%dma_wait3A_144, %dma_wait3A_145, %dma_wait3A_146] : memref<4x8x2048xf32, #tpu.memory_space<vmem>> -> memref<1x8x2048xf32, #tpu.memory_space<vmem>>
    %dma_wait3A_148 = tpu.memref_squeeze %dma_wait3A_147 : memref<1x8x2048xf32, #tpu.memory_space<vmem>> -> memref<8x2048xf32, #tpu.memory_space<vmem>>
    %dma_wait3A_149 = arith.constant 0 : i32
    %dma_wait3A_150 = tpu.memref_slice %arg5[%add3A_143, %dma_wait3A_149] : memref<8192x2048xf32, #tpu.memory_space<hbm>> -> memref<8x2048xf32, #tpu.memory_space<hbm>>
    %dma_wait3A_151 = arith.constant 0 : i32
    %dma_wait3A_152 = tpu.memref_slice %arg5[%add3A_143, %dma_wait3A_151] : memref<8192x2048xf32, #tpu.memory_space<hbm>> -> memref<8x2048xf32, #tpu.memory_space<hbm>>
    %dma_wait3A_153 = arith.constant 0 : i32
    %dma_wait3A_154 = arith.constant 0 : i32
    %dma_wait3A_155 = tpu.memref_slice %arg7[%dma_wait3A_144, %dma_wait3A_153, %dma_wait3A_154] : memref<4x8x2048xf32, #tpu.memory_space<vmem>> -> memref<1x8x2048xf32, #tpu.memory_space<vmem>>
    %dma_wait3A_156 = tpu.memref_squeeze %dma_wait3A_155 : memref<1x8x2048xf32, #tpu.memory_space<vmem>> -> memref<8x2048xf32, #tpu.memory_space<vmem>>
    tpu.wait_dma2 semaphore(%arg13 : memref<!tpu.dma_semaphore, #tpu.memory_space<semaphore_mem>>) src(%dma_wait3A_156 : memref<8x2048xf32, #tpu.memory_space<vmem>>) dst(%dma_wait3A_152 : memref<8x2048xf32, #tpu.memory_space<hbm>>)
    %add3A_157 = arith.constant 2048 : i32
    %add3A_158 = arith.addi %add3A_157, %mul3A_2 : i32
    %add3A_159 = arith.constant 56 : i32
    %add3A_160 = arith.addi %add3A_158, %add3A_159 : i32
    %dma_wait3A_161 = arith.constant 1 : i32
    %dma_wait3A_162 = arith.constant 0 : i32
    %dma_wait3A_163 = arith.constant 0 : i32
    %dma_wait3A_164 = tpu.memref_slice %arg7[%dma_wait3A_161, %dma_wait3A_162, %dma_wait3A_163] : memref<4x8x2048xf32, #tpu.memory_space<vmem>> -> memref<1x8x2048xf32, #tpu.memory_space<vmem>>
    %dma_wait3A_165 = tpu.memref_squeeze %dma_wait3A_164 : memref<1x8x2048xf32, #tpu.memory_space<vmem>> -> memref<8x2048xf32, #tpu.memory_space<vmem>>
    %dma_wait3A_166 = arith.constant 0 : i32
    %dma_wait3A_167 = tpu.memref_slice %arg5[%add3A_160, %dma_wait3A_166] : memref<8192x2048xf32, #tpu.memory_space<hbm>> -> memref<8x2048xf32, #tpu.memory_space<hbm>>
    %dma_wait3A_168 = arith.constant 0 : i32
    %dma_wait3A_169 = tpu.memref_slice %arg5[%add3A_160, %dma_wait3A_168] : memref<8192x2048xf32, #tpu.memory_space<hbm>> -> memref<8x2048xf32, #tpu.memory_space<hbm>>
    %dma_wait3A_170 = arith.constant 0 : i32
    %dma_wait3A_171 = arith.constant 0 : i32
    %dma_wait3A_172 = tpu.memref_slice %arg7[%dma_wait3A_161, %dma_wait3A_170, %dma_wait3A_171] : memref<4x8x2048xf32, #tpu.memory_space<vmem>> -> memref<1x8x2048xf32, #tpu.memory_space<vmem>>
    %dma_wait3A_173 = tpu.memref_squeeze %dma_wait3A_172 : memref<1x8x2048xf32, #tpu.memory_space<vmem>> -> memref<8x2048xf32, #tpu.memory_space<vmem>>
    tpu.wait_dma2 semaphore(%arg14 : memref<!tpu.dma_semaphore, #tpu.memory_space<semaphore_mem>>) src(%dma_wait3A_173 : memref<8x2048xf32, #tpu.memory_space<vmem>>) dst(%dma_wait3A_169 : memref<8x2048xf32, #tpu.memory_space<hbm>>)
    %add3A_174 = arith.constant 4096 : i32
    %add3A_175 = arith.addi %add3A_174, %mul3A_2 : i32
    %add3A_176 = arith.constant 56 : i32
    %add3A_177 = arith.addi %add3A_175, %add3A_176 : i32
    %dma_wait3A_178 = arith.constant 2 : i32
    %dma_wait3A_179 = arith.constant 0 : i32
    %dma_wait3A_180 = arith.constant 0 : i32
    %dma_wait3A_181 = tpu.memref_slice %arg7[%dma_wait3A_178, %dma_wait3A_179, %dma_wait3A_180] : memref<4x8x2048xf32, #tpu.memory_space<vmem>> -> memref<1x8x2048xf32, #tpu.memory_space<vmem>>
    %dma_wait3A_182 = tpu.memref_squeeze %dma_wait3A_181 : memref<1x8x2048xf32, #tpu.memory_space<vmem>> -> memref<8x2048xf32, #tpu.memory_space<vmem>>
    %dma_wait3A_183 = arith.constant 0 : i32
    %dma_wait3A_184 = tpu.memref_slice %arg5[%add3A_177, %dma_wait3A_183] : memref<8192x2048xf32, #tpu.memory_space<hbm>> -> memref<8x2048xf32, #tpu.memory_space<hbm>>
    %dma_wait3A_185 = arith.constant 0 : i32
    %dma_wait3A_186 = tpu.memref_slice %arg5[%add3A_177, %dma_wait3A_185] : memref<8192x2048xf32, #tpu.memory_space<hbm>> -> memref<8x2048xf32, #tpu.memory_space<hbm>>
    %dma_wait3A_187 = arith.constant 0 : i32
    %dma_wait3A_188 = arith.constant 0 : i32
    %dma_wait3A_189 = tpu.memref_slice %arg7[%dma_wait3A_178, %dma_wait3A_187, %dma_wait3A_188] : memref<4x8x2048xf32, #tpu.memory_space<vmem>> -> memref<1x8x2048xf32, #tpu.memory_space<vmem>>
    %dma_wait3A_190 = tpu.memref_squeeze %dma_wait3A_189 : memref<1x8x2048xf32, #tpu.memory_space<vmem>> -> memref<8x2048xf32, #tpu.memory_space<vmem>>
    tpu.wait_dma2 semaphore(%arg15 : memref<!tpu.dma_semaphore, #tpu.memory_space<semaphore_mem>>) src(%dma_wait3A_190 : memref<8x2048xf32, #tpu.memory_space<vmem>>) dst(%dma_wait3A_186 : memref<8x2048xf32, #tpu.memory_space<hbm>>)
    %add3A_191 = arith.constant 6144 : i32
    %add3A_192 = arith.addi %add3A_191, %mul3A_2 : i32
    %add3A_193 = arith.constant 56 : i32
    %add3A_194 = arith.addi %add3A_192, %add3A_193 : i32
    %dma_wait3A_195 = arith.constant 3 : i32
    %dma_wait3A_196 = arith.constant 0 : i32
    %dma_wait3A_197 = arith.constant 0 : i32
    %dma_wait3A_198 = tpu.memref_slice %arg7[%dma_wait3A_195, %dma_wait3A_196, %dma_wait3A_197] : memref<4x8x2048xf32, #tpu.memory_space<vmem>> -> memref<1x8x2048xf32, #tpu.memory_space<vmem>>
    %dma_wait3A_199 = tpu.memref_squeeze %dma_wait3A_198 : memref<1x8x2048xf32, #tpu.memory_space<vmem>> -> memref<8x2048xf32, #tpu.memory_space<vmem>>
    %dma_wait3A_200 = arith.constant 0 : i32
    %dma_wait3A_201 = tpu.memref_slice %arg5[%add3A_194, %dma_wait3A_200] : memref<8192x2048xf32, #tpu.memory_space<hbm>> -> memref<8x2048xf32, #tpu.memory_space<hbm>>
    %dma_wait3A_202 = arith.constant 0 : i32
    %dma_wait3A_203 = tpu.memref_slice %arg5[%add3A_194, %dma_wait3A_202] : memref<8192x2048xf32, #tpu.memory_space<hbm>> -> memref<8x2048xf32, #tpu.memory_space<hbm>>
    %dma_wait3A_204 = arith.constant 0 : i32
    %dma_wait3A_205 = arith.constant 0 : i32
    %dma_wait3A_206 = tpu.memref_slice %arg7[%dma_wait3A_195, %dma_wait3A_204, %dma_wait3A_205] : memref<4x8x2048xf32, #tpu.memory_space<vmem>> -> memref<1x8x2048xf32, #tpu.memory_space<vmem>>
    %dma_wait3A_207 = tpu.memref_squeeze %dma_wait3A_206 : memref<1x8x2048xf32, #tpu.memory_space<vmem>> -> memref<8x2048xf32, #tpu.memory_space<vmem>>
    tpu.wait_dma2 semaphore(%arg16 : memref<!tpu.dma_semaphore, #tpu.memory_space<semaphore_mem>>) src(%dma_wait3A_207 : memref<8x2048xf32, #tpu.memory_space<vmem>>) dst(%dma_wait3A_203 : memref<8x2048xf32, #tpu.memory_space<hbm>>)
    return
  }
}

</mosaic_0001>

<sc_bundles>
// kernel: kernel.3.cloned.1.call-start
scs
__scs_entry_jumppad:
0x0: {  	(pc) =	sbr.rel $0x88, $3  }
0x1: {  	(tag) =	ssettag $0x0;
	lr =	simm.s32 $0x1  }
0x2: {  	[smem:$0x3F9E] =	sst lr;
	_ =	strace $0xD0000000  }
0x3: {  	_ = 	snop  }
0x4: {  	_ = 	snop  }
0x5: {  	_ = 	snop  }
0x6: {  	_ = 	snop  }
0x7: {  	_ = 	snop  }
__scs_overlays_trampoline_lowered:
0x8: {  	[smem:$0x3FAD] =	sst s0  }
0x9: {  	[smem:$0x3FAE] =	sst s1  }
0xa: {  	[smem:$0x3FAF] =	sst s2  }
0xb: {  	[smem:$0x3FB0] =	sst s3  }
0xc: {  	[smem:$0x3FB1] =	sst s4  }
0xd: {  	[smem:$0x3FB2] =	sst s5  }
0xe: {  	[smem:$0x3FB3] =	sst s6  }
0xf: {  	[smem:$0x3FB4] =	sst s7  }
0x10: {  	[smem:$0x3FB5] =	sst s8  }
0x11: {  	[smem:$0x3FB6] =	sst s9;
	s0 =	simm.s32 @!p0 $0x0  }
0x12: {  	s1 =	sld [smem:$0x3F9C];
	s0 =	simm.s32 @p0 $0x1  }
0x13: {  	[smem:$0x3FB7] =	sst s0;
	s0 =	simm.s32 @!p1 $0x0  }
0x14: {  	s2 =	sld [smem:$0x3F9B];
	s0 =	simm.s32 @p1 $0x1  }
0x15: {  	[smem:$0x3FB8] =	sst s0;
	s0 =	simm.s32 @!p2 $0x0  }
0x16: {  	s3 =	sld [smem:$0x3FDB];
	s0 =	simm.s32 @p2 $0x1  }
0x17: {  	s4 =	simm.s32 $0x1BF5;
	[smem:$0x3FBA] =	sst s0  }
0x18: {  	s0 =	sld [smem:$0x3F9D];
	_ =	swait.ge [sflag:s4], $0x0  }
0x19: {  	s7 =	sld [smem:$0x3F9E]  }
0x1a: {  	s8 =	sadd.s32 $0xFFFFE003, lr  }
0x1b: {  	s9 =	sadd.s32 $0xFFFFFEF7, lr;
	s5 =	simm.s32 $0xFFFFFFFF;
	p2 =	slt.u32 s8, $0xFFFFF086  }
0x1c: {  	p1 =	slt.u32 s9, $0xF7A;
	s5 =	simm.s32 @!p2 $0x0  }
0x1d: {  	s5 =	simm.s32 @p1 $0x1;
	p0 =	seq.s32 s7, s2  }
0x1e: {  	s7 =	smul.u32 @!p0 $0xF7A, s2;
	p2 =	seq.s32 @!p0 s5, $0x0  }
0x1f: {  	s9 =	smul.u32 $0xF7A, s1;
	s8 =	simm.s32 @!p0 $0x1BF5;
	p2 =	por !p2, p0  }
0x20: {  	[sflag:s8] =	ssyncset.s32 @!p0 $0xFFFFF086;
	s6 =	sadd.s32 @!p0 s3, s7;
	s7 =	simm.s32 @!p0 $0x108  }
0x21: {  	s3 =	sadd.s32 s3, s9;
	s6 =	sadd.s32 @!p0 $0x88, s6;
	s7 =	simm.s32 @p2 $0x1082  }
0x22: {  	[simem:s7], [sflag:s8] =	dma.local @!p0 [hbm:s6], $0xF7A  }
0x23: {  	s9 =	sor.u32 $0xD0000000, s2;
	s6 =	simm.s32 $0x108;
	_ =	swait.ge @!p0 [sflag:s8], $0x0  }
0x24: {  	s3 =	sadd.s32 $0x88, s3;
	s6 =	simm.s32 @!p1 $0x1082;
	[sflag:s4] =	ssyncset.s32 $0xFFFFF086  }
0x25: {  	[simem:s6], [sflag:s4] =	dma.local [hbm:s3], $0xF7A  }
0x26: {  	[smem:$0x3F9E] =	sst s1;
	(tag) =	ssettag s2;
	_ =	strace s9  }
0x27: {  	s1 =	sld [smem:$0x3FAE]  }
0x28: {  	s2 =	sld [smem:$0x3FAF]  }
0x29: {  	s4 =	sld [smem:$0x3FB1]  }
0x2a: {  	p0 =	seq.s32 s5, $0x0;
	s5 =	sld [smem:$0x3FB2]  }
0x2b: {  	s6 =	sld [smem:$0x3FB3]  }
0x2c: {  	s7 =	sld [smem:$0x3FB4]  }
0x2d: {  	s3 =	simm.s32 $0x108;
	s8 =	sld [smem:$0x3FB5]  }
0x2e: {  	s3 =	simm.s32 @!p0 $0x1082;
	s9 =	sld [smem:$0x3FB6]  }
0x2f: {  	lr =	sadd.s32 s0, s3;
	s0 =	sld [smem:$0x3FAD]  }
0x30: {  	s3 =	sld [smem:$0x3FB0]  }
0x31: {  	[smem:$0x3FB9] =	sst s10  }
0x32: {  	s10 =	sld [smem:$0x3FB7];
	_ =	sdelay $0x3  }
0x33: {  	p0 =	seq.s32 s10, $0x1;
	s10 =	sld [smem:$0x3FB9];
	_ =	sdelay $0x3  }
0x34: {  	[smem:$0x3FB9] =	sst s10  }
0x35: {  	s10 =	sld [smem:$0x3FB8];
	_ =	sdelay $0x3  }
0x36: {  	p1 =	seq.s32 s10, $0x1;
	s10 =	sld [smem:$0x3FB9];
	_ =	sdelay $0x3  }
0x37: {  	[smem:$0x3FB9] =	sst s10  }
0x38: {  	s10 =	sld [smem:$0x3FBA]  }
0x39: {  	_ = 	snop;
	(pc) =	sbr.ind lr, $3  }
0x3a: {  	_ = 	snop  }
0x3b: {  	_ = 	snop  }
0x3c: {  	p2 =	seq.s32 s10, $0x1;
	s10 =	sld [smem:$0x3FB9]  }
0x3d: {  	_ =	shalt  }
0x3e: {  	_ =	shalt  }
0x3f: {  	_ =	shalt  }
0x40: {  	_ =	shalt  }
0x41: {  	_ =	shalt  }
0x42: {  	_ =	shalt  }
0x43: {  	_ =	shalt  }
0x44: {  	_ =	shalt  }
0x45: {  	_ =	shalt  }
0x46: {  	_ =	shalt  }
0x47: {  	_ =	shalt  }
0x48: {  	_ =	shalt  }
0x49: {  	_ =	shalt  }
0x4a: {  	_ =	shalt  }
0x4b: {  	_ =	shalt  }
0x4c: {  	_ =	shalt  }
0x4d: {  	_ =	shalt  }
0x4e: {  	_ =	shalt  }
0x4f: {  	_ =	shalt  }
0x50: {  	_ =	shalt  }
0x51: {  	_ =	shalt  }
0x52: {  	_ =	shalt  }
0x53: {  	_ =	shalt  }
0x54: {  	_ =	shalt  }
0x55: {  	_ =	shalt  }
0x56: {  	_ =	shalt  }
0x57: {  	_ =	shalt  }
0x58: {  	_ =	shalt  }
0x59: {  	_ =	shalt  }
0x5a: {  	_ =	shalt  }
0x5b: {  	_ =	shalt  }
0x5c: {  	_ =	shalt  }
0x5d: {  	_ =	shalt  }
0x5e: {  	_ =	shalt  }
0x5f: {  	_ =	shalt  }
0x60: {  	_ =	shalt  }
0x61: {  	_ =	shalt  }
0x62: {  	_ =	shalt  }
0x63: {  	_ =	shalt  }
0x64: {  	_ =	shalt  }
0x65: {  	_ =	shalt  }
0x66: {  	_ =	shalt  }
0x67: {  	_ =	shalt  }
0x68: {  	_ =	shalt  }
0x69: {  	_ =	shalt  }
0x6a: {  	_ =	shalt  }
0x6b: {  	_ =	shalt  }
0x6c: {  	_ =	shalt  }
0x6d: {  	_ =	shalt  }
0x6e: {  	_ =	shalt  }
0x6f: {  	_ =	shalt  }
0x70: {  	_ =	shalt  }
0x71: {  	_ =	shalt  }
0x72: {  	_ =	shalt  }
0x73: {  	_ =	shalt  }
0x74: {  	_ =	shalt  }
0x75: {  	_ =	shalt  }
0x76: {  	_ =	shalt  }
0x77: {  	_ =	shalt  }
0x78: {  	_ =	shalt  }
0x79: {  	_ =	shalt  }
0x7a: {  	_ =	shalt  }
0x7b: {  	_ =	shalt  }
0x7c: {  	_ =	shalt  }
0x7d: {  	_ =	shalt  }
0x7e: {  	_ =	shalt  }
0x7f: {  	_ =	shalt  }
0x80: {  	_ =	shalt  }
0x81: {  	_ =	shalt  }
0x82: {  	_ =	shalt  }
0x83: {  	_ =	shalt  }
0x84: {  	_ =	shalt  }
0x85: {  	_ =	shalt  }
0x86: {  	_ =	shalt  }
0x87: {  	_ =	shalt  }
.Lfunc_end0:
.L_simem_size_0:
called_computation_lowered:
.L_overlay_start_0:
0x88: {  	s2 =	sld [smem:$0x3FD9]  }
0x89: {  	s3 =	sld [smem:$0x3FFE];
	_ =	sdelay $0x1  }
0x8a: {  	s1 =	srdreg.scid  }
0x8b: {  	s0 =	sand.u32 $0x1, s1  }
0x8c: {  	s18 =	sshll.u32 s0, $0xA;
	s2 =	sadd.s32 s3, s2  }
0x8d: {  	s2 =	sadd.s32 s2, s18  }
0x8e: {  	[smem:$0x3FC5] =	sst s2  }
0x8f: {  	_ = 	snop  }
0x90: {  	s2 =	sld [smem:$0x3FC9]  }
0x91: {  	s19 =	sld [smem:$0x3FC8]  }
0x92: {  	s4 =	sld [smem:$0x3FC7]  }
0x93: {  	s5 =	sld [smem:$0x3FD0];
	(tm) =	ssettm $0x1  }
0x94: {  	s6 =	sld [smem:$0x3FFB];
	_ =	sdelay $0x3  }
0x95: {  	_ =	strace s6  }
0x96: {  	s6 =	sld [smem:$0x3FFC];
	_ =	sdelay $0x3  }
0x97: {  	_ =	strace s6  }
0x98: {  	s6 =	sld [smem:$0x3FFD];
	_ =	sdelay $0x3  }
0x99: {  	_ =	strace s6  }
0x9a: {  	_ =	strace $0x8FFFFFFF  }
0x9b: {  	s20 =	sld [smem:$0x3FDB];
	_ =	sdelay $0x1  }
0x9c: {  	s7 =	simm.s32 $_scs_section_size  }
0x9d: {  	s8 =	simm.s32 $_size__tile_overlayer_lowered;
	s9 =	simm.s32 $_tile_overlayer_lowered  }
0x9e: {  	s23 =	simm.s32 $0x1BFF;
	s22 =	sshll.u32 s9, $0x1;
	s6 =	sadd.s32 s7, s20  }
0x9f: {  	s10 =	simm.s32 $0x0;
	s21 =	sshll.u32 s8, $0x1;
	s8 =	sadd.s32 s22, s6  }
0xa0: {  	[timem:s10], [sflag:s23] =	dma.local [hbm:s8], s21  }
0xa1: {  	_ =	swait.ge [sflag:s23], s21  }
0xa2: {  	s7 =	ssub.s32 $0x0, s21;
	[sflag:s23] =	ssyncset.done $0x0  }
0xa3: {  	[sflag:s23] =	ssyncadd.s32 s7;
	_ =	sdelay $0x1  }
0xa4: {  	s24 =	simm.s32 $0x1B8B  }
0xa5: {  	_ =	swait.ge [sflag:s24], $0x1  }
0xa6: {  	[sflag:s24] =	ssyncset.done $0x0  }
0xa7: {  	s25 =	simm.s32 $0x1B8E;
	[sflag:s24] =	ssyncadd.s32 $0xFFFFFFFF  }
0xa8: {  	s26 =	simm.s32 $execute0_lowered;
	[smem:$0x3FD2] =	sst s25  }
0xa9: {  	s7 =	sshll.u32 s26, $0x1;
	_ =	strace $0x80000046;
	[dreg:$0x1] =	wrdreg $0xFFFFFFFF  }
0xaa: {  	s28 =	simm.s32 $_size_execute0_lowered;
	s6 =	sadd.s32 s6, s7;
	[dreg:$0x0] =	wrdreg $0x0  }
0xab: {  	s7 =	sshll.u32 s28, $0x1;
	[dreg:$0x2] =	wrdreg s6  }
0xac: {  	[dreg:$0x3] =	wrdreg s7  }
0xad: {  	[dreg:$0x4] =	wrdreg $0xC0  }
0xae: {  	_ =	task [dreg:s10], $0x5FFFF  }
0xaf: {  	[dreg:$0x1] =	wrdreg $0xFFFFFFFF  }
0xb0: {  	[dreg:$0x0] =	wrdreg $0x60  }
0xb1: {  	[dreg:$0x2] =	wrdreg s19  }
0xb2: {  	[dreg:$0x3] =	wrdreg s2  }
0xb3: {  	[dreg:$0x4] =	wrdreg s4  }
0xb4: {  	[dreg:$0x5] =	wrdreg s5  }
0xb5: {  	[dreg:$0x6] =	wrdreg $0x9  }
0xb6: {  	_ =	task.clear_ibuf [dreg:s10], $0x7FFFF;
	_ =	strace $0x90000046  }
0xb7: {  	s29 =	simm.s32 $0x9;
	_ =	strace $0x80000048  }
0xb8: {  	_ =	swait.ge [sflag:s29], $0x1  }
0xb9: {  	[sflag:s29] =	ssyncadd.s32 $0xFFFFFFFF  }
0xba: {  	_ =	strace $0x90000048  }
0xbb: {  	_ =	sfence  }
0xbc: {  	s30 =	sld [smem:$0x0];
	_ =	sdelay $0x2  }
0xbd: {  	s31 =	sshll.u32 s1, $0xD;
	s1 =	sshrl.u32 s1, $0x2  }
0xbe: {  	s3 =	sand.u32 $0x4000, s31;
	s1 =	sadd.s32 s1, s30  }
0xbf: {  	s0 =	sor.u32 s3, s0;
	s1 =	sshll.u32 s1, $0x11  }
0xc0: {  	s0 =	sor.u32 s1, s0  }
0xc1: {  	s0 =	sadd.s32 $0x8F2B, s0  }
0xc2: {  	[sflag:s0] =	ssyncadd.remote.s32 $0x1  }
0xc3: {  	_ =	sfence.sel $0xFFFF  }
0xc4: {  	[dreg:$0x0] =	wrdreg $0xFFFFFFFF;
	(pc) =	sbr.abs _section_cstart, $3  }
0xc5: {  	[dreg:$0x1] =	wrdreg $0xFFFFFFFF  }
0xc6: {  	_ =	task.clear_ibuf [dreg:s10], $0x2FFFF;
	_ =	strace $0x9FFFFFFF  }
0xc7: {  	(tm) =	ssettm $0x7FFFFFFF  }
tec
execute0_lowered:
.L_overlay_start_1:
0x0: {  	(tag) =	ssettag $0x1  }
0x1: {  	s1 =	rddreg [dreg:$0x0]  }
0x2: {  	s0 =	rddreg [dreg:$0x1]  }
0x3: {  	s2 =	rddreg [dreg:$0x2]  }
0x4: {  	s10 =	rddreg [dreg:$0x3]  }
0x5: {  	s3 =	srdreg.scid;
	s6 =	stileid.u32;
	s4 =	simm.s32 $0x0  }
0x6: {  	s28 =	simm.s32 $0x5;
	s30 =	simm.s32 $0x8;
	s3 =	sand.u32 $0x1, s3  }
0x7: {  	s6 =	sshll.u32 s6, $0x6;
	[smem:$0x7FF] =	sst s4;
	s11 =	sadd.s32 $0x100, s1  }
0x8: {  	s12 =	sadd.s32 $0x200, s1;
	s13 =	sadd.s32 $0x300, s1;
	s14 =	sadd.s32 $0x400, s1  }
0x9: {  	s15 =	sadd.s32 $0x500, s1;
	s16 =	sadd.s32 $0x600, s1;
	s17 =	sadd.s32 $0x700, s1  }
0xa: {  	s18 =	sadd.s32 $0x80000, s10;
	s19 =	sadd.s32 $0x100000, s10;
	s20 =	sadd.s32 $0x180000, s10  }
0xb: {  	s5 =	sshll.u32 s3, $0xA;
	_ =	strace $0x80000047;
	s3 =	ssub.s32 $0x2, s3  }
0xc: {  	s5 =	sor.u32 s6, s5;
	s8 =	sshrl.u32 s3, $0x1;
	s6 =	sand.u32 $0x40, s6  }
0xd: {  	s7 =	sshll.u32 s5, $0x2;
	s3 =	ssub.s32 s3, s8;
	s22 =	sshll.u32 s5, $0x8  }
0xe: {  	s8 =	simm.s32 $0x1;
	s9 =	sand.u32 $0x1E00, s7;
	s24 =	sadd.s32 s2, s22  }
0xf: {  	[dreg:$0x5] =	wrdreg s22;
	s29 =	sadd.s32 s10, s22;
	s22 =	sshrl.u32 s5, $0x3  }
0x10: {  	s31 =	smax.u32 s3, $0x1;
	s3 =	simm.s32 $0x3;
	[dreg:$0xb] =	wrdreg s29  }
0x11: {  	s5 =	simm.s32 $0x0;
	s21 =	sor.u32 s6, s9;
	[dreg:$0xc] =	wrdreg s31  }
0x12: {  	s6 =	sor.u32 s6, s7;
	[dreg:$0x6] =	wrdreg s24;
	s24 =	sadd.s32 $0x800, s24  }
0x13: {  	s9 =	simm.s32 $0x7;
	s23 =	sshrl.u32 s21, $0x3;
	s6 =	sshrl.u32 s6, $0x3  }
0x14: {  	s21 =	simm.s32 $0x2;
	s7 =	sadd.s32 s0, s23;
	s25 =	sor.u32 $0x20, s6  }
0x15: {  	s26 =	sor.u32 $0x30, s6;
	[dreg:$0x7] =	wrdreg s7;
	s7 =	sadd.s32 $0x10, s7  }
0x16: {  	v0 =	vlaneseq.u32;
	s23 =	simm.s32 $0x8200;
	s2 =	sadd.s32 s0, s25;
	[dreg:$0x8] =	wrdreg s7  }
0x17: {  	v1 =	vshrl.u32 v0, $0x3;
	s6 =	simm.s32 $0xC200;
	s0 =	sadd.s32 s0, s26;
	[dreg:$0x9] =	wrdreg s2  }
0x18: {  	vm0 =	vmmov $0xffff;
	v0 =	vand.u32 $0x7, v0;
	v1 =	vmul.u32 $0x8, v1;
	[dreg:$0xa] =	wrdreg s0;
	s7 =	simm.s32 $0x6;
	s0 =	simm.s32 $0x4  }
.LBB2_1:
0x19: {  	[dreg:$0xd] =	wrdreg s5  }
0x1a: {  	s2 =	rddreg [dreg:$0x6];
	s31 =	simm.s32 $0x10200  }
0x1b: {  	[tilespmem:s31], [sflag:$0x9] =	stream.linear.gather [hbm4b:s2+s4], $0x4000, $0x38;
	[tilespmem:$0x18200] =	vst v63  }
0x1c: {  	s10 =	rddreg [dreg:$0x7]  }
0x1d: {  	[tilespmem:s4], [sflag:$0x5] =	stream.linear.gather [hbm4b:s10+s4], $0x40, $0x38;
	[tilespmem:$0x18200] =	vst v63  }
0x1e: {  	s25 =	rddreg [dreg:$0x8];
	s26 =	simm.s32 $0x80  }
0x1f: {  	[tilespmem:s26], [sflag:$0x6] =	stream.linear.gather [hbm4b:s25+s4], $0x40, $0x38;
	[tilespmem:$0x18200] =	vst v63  }
0x20: {  	s29 =	rddreg [dreg:$0x9];
	s31 =	simm.s32 $0x100  }
0x21: {  	[tilespmem:s31], [sflag:$0x7] =	stream.linear.gather [hbm4b:s29+s4], $0x40, $0x38;
	[tilespmem:$0x18200] =	vst v63  }
0x22: {  	s10 =	rddreg [dreg:$0xa];
	s25 =	simm.s32 $0x180  }
0x23: {  	[tilespmem:s25], [sflag:$0x8] =	stream.linear.gather [hbm4b:s10+s4], $0x40, $0x38;
	[tilespmem:$0x18200] =	vst v63  }
0x24: {  	_ =	swait.ge [sflag:s28], $0x40  }
0x25: {  	[sflag:s28] =	ssyncset.done $0x0  }
0x26: {  	[sflag:s28] =	ssyncadd.s32 $0xFFFFFFC0  }
0x27: {  	v2 =	vld.msk [tilespmem:$0x0], $0xff;
	_ =	sdelay $0x4  }
0x28: {  	v3 =	vshll.u32 v2, $0x4  }
0x29: {  	v2 =	vand.u32 $0x7, v2;
	v3 =	vand.u32 $0xFFFFFF80, v3  }
0x2a: {  	v2 =	vor.u32 v2, v3  }
0x2b: {  	v2 =	vperm.xlane v2, v0;
	_ =	sdelay $0x1  }
0x2c: {  	v2 =	vadd.s32 v1, v2;
	_ =	sdelay $0x3  }
0x2d: {  	s26 =	simm.s32 $0x200  }
0x2e: {  	[tilespmem:s26], [sflag:$0x1] =	stream.indirect_vreg.gather [hbm4b:s1+s4], $0x80, v2, vm0, $0xb8;
	[tilespmem:$0x18200] =	vst v63  }
0x2f: {  	s29 =	simm.s32 $0xA00  }
0x30: {  	[tilespmem:s29], [sflag:$0x1] =	stream.indirect_vreg.gather [hbm4b:s11+s4], $0x80, v2, vm0, $0xb8;
	[tilespmem:$0x18200] =	vst v63  }
0x31: {  	s31 =	simm.s32 $0x1200  }
0x32: {  	[tilespmem:s31], [sflag:$0x1] =	stream.indirect_vreg.gather [hbm4b:s12+s4], $0x80, v2, vm0, $0xb8;
	[tilespmem:$0x18200] =	vst v63  }
0x33: {  	s5 =	simm.s32 $0x1A00  }
0x34: {  	[tilespmem:s5], [sflag:$0x1] =	stream.indirect_vreg.gather [hbm4b:s13+s4], $0x80, v2, vm0, $0xb8;
	[tilespmem:$0x18200] =	vst v63  }
0x35: {  	s10 =	simm.s32 $0x2200  }
0x36: {  	[tilespmem:s10], [sflag:$0x1] =	stream.indirect_vreg.gather [hbm4b:s14+s4], $0x80, v2, vm0, $0xb8;
	[tilespmem:$0x18200] =	vst v63  }
0x37: {  	s25 =	simm.s32 $0x2A00  }
0x38: {  	[tilespmem:s25], [sflag:$0x1] =	stream.indirect_vreg.gather [hbm4b:s15+s4], $0x80, v2, vm0, $0xb8;
	[tilespmem:$0x18200] =	vst v63  }
0x39: {  	s26 =	simm.s32 $0x3200  }
0x3a: {  	[tilespmem:s26], [sflag:$0x1] =	stream.indirect_vreg.gather [hbm4b:s16+s4], $0x80, v2, vm0, $0xb8;
	[tilespmem:$0x18200] =	vst v63  }
0x3b: {  	s29 =	simm.s32 $0x3A00  }
0x3c: {  	[tilespmem:s29], [sflag:$0x1] =	stream.indirect_vreg.gather [hbm4b:s17+s4], $0x80, v2, vm0, $0xb8;
	[tilespmem:$0x18200] =	vst v63  }
0x3d: {  	_ =	swait.ge [sflag:s7], $0x40  }
0x3e: {  	[sflag:s7] =	ssyncset.done $0x0  }
0x3f: {  	[sflag:s7] =	ssyncadd.s32 $0xFFFFFFC0  }
0x40: {  	v2 =	vld.msk [tilespmem:$0x80], $0xff;
	_ =	sdelay $0x4  }
0x41: {  	v3 =	vshll.u32 v2, $0x4  }
0x42: {  	v2 =	vand.u32 $0x7, v2;
	v3 =	vand.u32 $0xFFFFFF80, v3  }
0x43: {  	v2 =	vor.u32 v2, v3  }
0x44: {  	v2 =	vperm.xlane v2, v0;
	_ =	sdelay $0x1  }
0x45: {  	v2 =	vadd.s32 v1, v2;
	_ =	sdelay $0x3  }
0x46: {  	s31 =	simm.s32 $0x4200  }
0x47: {  	[tilespmem:s31], [sflag:$0x2] =	stream.indirect_vreg.gather [hbm4b:s1+s4], $0x80, v2, vm0, $0xb8;
	[tilespmem:$0x18200] =	vst v63  }
0x48: {  	s5 =	simm.s32 $0x4A00  }
0x49: {  	[tilespmem:s5], [sflag:$0x2] =	stream.indirect_vreg.gather [hbm4b:s11+s4], $0x80, v2, vm0, $0xb8;
	[tilespmem:$0x18200] =	vst v63  }
0x4a: {  	s7 =	simm.s32 $0x5200  }
0x4b: {  	[tilespmem:s7], [sflag:$0x2] =	stream.indirect_vreg.gather [hbm4b:s12+s4], $0x80, v2, vm0, $0xb8;
	[tilespmem:$0x18200] =	vst v63  }
0x4c: {  	s10 =	simm.s32 $0x5A00  }
0x4d: {  	[tilespmem:s10], [sflag:$0x2] =	stream.indirect_vreg.gather [hbm4b:s13+s4], $0x80, v2, vm0, $0xb8;
	[tilespmem:$0x18200] =	vst v63  }
0x4e: {  	s25 =	simm.s32 $0x6200  }
0x4f: {  	[tilespmem:s25], [sflag:$0x2] =	stream.indirect_vreg.gather [hbm4b:s14+s4], $0x80, v2, vm0, $0xb8;
	[tilespmem:$0x18200] =	vst v63  }
0x50: {  	s26 =	simm.s32 $0x6A00  }
0x51: {  	[tilespmem:s26], [sflag:$0x2] =	stream.indirect_vreg.gather [hbm4b:s15+s4], $0x80, v2, vm0, $0xb8;
	[tilespmem:$0x18200] =	vst v63  }
0x52: {  	s29 =	simm.s32 $0x7200  }
0x53: {  	[tilespmem:s29], [sflag:$0x2] =	stream.indirect_vreg.gather [hbm4b:s16+s4], $0x80, v2, vm0, $0xb8;
	[tilespmem:$0x18200] =	vst v63  }
0x54: {  	s31 =	simm.s32 $0x7A00  }
0x55: {  	[tilespmem:s31], [sflag:$0x2] =	stream.indirect_vreg.gather [hbm4b:s17+s4], $0x80, v2, vm0, $0xb8;
	[tilespmem:$0x18200] =	vst v63  }
0x56: {  	_ =	swait.ge [sflag:s9], $0x40  }
0x57: {  	[sflag:s9] =	ssyncset.done $0x0  }
0x58: {  	[sflag:s9] =	ssyncadd.s32 $0xFFFFFFC0  }
0x59: {  	_ =	swait.ge [sflag:s30], $0x40  }
0x5a: {  	[sflag:s30] =	ssyncset.done $0x0  }
0x5b: {  	s25 =	simm.s32 $0x0;
	[sflag:s30] =	ssyncadd.s32 $0xFFFFFFC0  }
.LBB2_2:
0x5c: {  	s2 =	simm.s32 $0x9  }
0x5d: {  	_ =	swait.ge [sflag:s2], $0x4000  }
0x5e: {  	s10 =	sshll.u32 s25, $0xC;
	[sflag:s2] =	ssyncset.done $0x0  }
0x5f: {  	s5 =	simm.s32 $0x14200;
	s7 =	sadd.s32 s24, s10;
	[sflag:s2] =	ssyncadd.s32 $0xFFFFC000  }
0x60: {  	[tilespmem:s5], [sflag:$0xA] =	stream.linear.gather [hbm4b:s7+s4], $0x4000, $0x38;
	[tilespmem:$0x18200] =	vst v63  }
0x61: {  	_ =	swait.ge [sflag:s8], $0x4000  }
0x62: {  	p0 =	seq.s32 s25, $0x0;
	[sflag:s8] =	ssyncset.done $0x0  }
0x63: {  	s2 =	simm.s32 @!p0 $0x7;
	[sflag:s8] =	ssyncadd.s32 $0xFFFFC000  }
0x64: {  	_ =	swait.ge @!p0 [sflag:s2], $0x4000  }
0x65: {  	s5 =	sshll.u32 s25, $0x6;
	[sflag:s2] =	ssyncset.done @!p0 $0x0  }
0x66: {  	s29 =	sshrl.u32 s5, $0x2;
	[sflag:s2] =	ssyncadd.s32 @!p0 $0xFFFFC000  }
0x67: {  	v2 =	vld.msk [tilespmem:s29+$0x100], $0xff;
	_ =	sdelay $0x4  }
0x68: {  	v3 =	vshll.u32 v2, $0x4  }
0x69: {  	v2 =	vand.u32 $0x7, v2;
	v3 =	vand.u32 $0xFFFFFF80, v3  }
0x6a: {  	v2 =	vor.u32 v2, v3  }
0x6b: {  	v2 =	vperm.xlane v2, v0;
	_ =	sdelay $0x1  }
0x6c: {  	v2 =	vadd.s32 v1, v2;
	_ =	sdelay $0x3  }
0x6d: {  	s2 =	simm.s32 $0x0  }
0x6e: {  	[tilespmem:s23], [sflag:$0x3] =	stream.indirect_vreg.gather [hbm4b:s1+s2], $0x80, v2, vm0, $0xb8;
	[tilespmem:$0x18200] =	vst v63  }
0x6f: {  	s7 =	simm.s32 $0x8A00  }
0x70: {  	[tilespmem:s7], [sflag:$0x3] =	stream.indirect_vreg.gather [hbm4b:s11+s2], $0x80, v2, vm0, $0xb8;
	[tilespmem:$0x18200] =	vst v63  }
0x71: {  	s9 =	simm.s32 $0x9200  }
0x72: {  	[tilespmem:s9], [sflag:$0x3] =	stream.indirect_vreg.gather [hbm4b:s12+s2], $0x80, v2, vm0, $0xb8;
	[tilespmem:$0x18200] =	vst v63  }
0x73: {  	s26 =	simm.s32 $0x9A00  }
0x74: {  	[tilespmem:s26], [sflag:$0x3] =	stream.indirect_vreg.gather [hbm4b:s13+s2], $0x80, v2, vm0, $0xb8;
	[tilespmem:$0x18200] =	vst v63  }
0x75: {  	s30 =	simm.s32 $0xA200  }
0x76: {  	[tilespmem:s30], [sflag:$0x3] =	stream.indirect_vreg.gather [hbm4b:s14+s2], $0x80, v2, vm0, $0xb8;
	[tilespmem:$0x18200] =	vst v63  }
0x77: {  	s9 =	simm.s32 $0xAA00  }
0x78: {  	[tilespmem:s9], [sflag:$0x3] =	stream.indirect_vreg.gather [hbm4b:s15+s2], $0x80, v2, vm0, $0xb8;
	[tilespmem:$0x18200] =	vst v63  }
0x79: {  	s26 =	simm.s32 $0xB200  }
0x7a: {  	[tilespmem:s26], [sflag:$0x3] =	stream.indirect_vreg.gather [hbm4b:s16+s2], $0x80, v2, vm0, $0xb8;
	[tilespmem:$0x18200] =	vst v63  }
0x7b: {  	s31 =	simm.s32 $0x0;
	s7 =	sshll.u32 s25, $0x3;
	s30 =	simm.s32 $0xBA00  }
0x7c: {  	[tilespmem:s30], [sflag:$0x3] =	stream.indirect_vreg.gather [hbm4b:s17+s2], $0x80, v2, vm0, $0xb8;
	[tilespmem:$0x18200] =	vst v63  }
.LBB2_3:
0x7d: {  	s30 =	sshra.s32 s2, $0x2  }
0x7e: {  	v2 =	vld [tilespmem:s30+$0x10670]  }
0x7f: {  	v3 =	vld [tilespmem:s30+$0x10200]  }
0x80: {  	v4 =	vld [tilespmem:s30+$0x10210]  }
0x81: {  	v5 =	vld [tilespmem:s30+$0x10220]  }
0x82: {  	v6 =	vld [tilespmem:s30+$0x10230]  }
0x83: {  	v7 =	vld [tilespmem:s30+$0x10240]  }
0x84: {  	v8 =	vld [tilespmem:s30+$0x10250]  }
0x85: {  	v9 =	vld [tilespmem:s30+$0x10260]  }
0x86: {  	v10 =	vld [tilespmem:s30+$0x10270]  }
0x87: {  	v11 =	vld [tilespmem:s30+$0x10600]  }
0x88: {  	v12 =	vld [tilespmem:s30+$0x10610]  }
0x89: {  	v13 =	vld [tilespmem:s30+$0x10620]  }
0x8a: {  	v14 =	vld [tilespmem:s30+$0x10630]  }
0x8b: {  	v15 =	vld [tilespmem:s30+$0x10640]  }
0x8c: {  	v16 =	vld [tilespmem:s30+$0x10650]  }
0x8d: {  	[tilespmem:s30+$0x670] =	vst.add.f32.msk $0xffff, v2  }
0x8e: {  	v2 =	vld [tilespmem:s30+$0x10660]  }
0x8f: {  	[tilespmem:s30+$0x200] =	vst.add.f32.msk $0xffff, v3  }
0x90: {  	[tilespmem:s30+$0x210] =	vst.add.f32.msk $0xffff, v4  }
0x91: {  	[tilespmem:s30+$0x220] =	vst.add.f32.msk $0xffff, v5  }
0x92: {  	[tilespmem:s30+$0x230] =	vst.add.f32.msk $0xffff, v6  }
0x93: {  	[tilespmem:s30+$0x240] =	vst.add.f32.msk $0xffff, v7  }
0x94: {  	[tilespmem:s30+$0x250] =	vst.add.f32.msk $0xffff, v8  }
0x95: {  	[tilespmem:s30+$0x260] =	vst.add.f32.msk $0xffff, v9  }
0x96: {  	[tilespmem:s30+$0x270] =	vst.add.f32.msk $0xffff, v10  }
0x97: {  	[tilespmem:s30+$0x600] =	vst.add.f32.msk $0xffff, v11  }
0x98: {  	[tilespmem:s30+$0x610] =	vst.add.f32.msk $0xffff, v12  }
0x99: {  	[tilespmem:s30+$0x620] =	vst.add.f32.msk $0xffff, v13  }
0x9a: {  	[tilespmem:s30+$0x630] =	vst.add.f32.msk $0xffff, v14  }
0x9b: {  	[tilespmem:s30+$0x640] =	vst.add.f32.msk $0xffff, v15  }
0x9c: {  	s9 =	simm.s32 $0x0;
	s26 =	sadd.s32 $0x2000, s2;
	[tilespmem:s30+$0x650] =	vst.add.f32.msk $0xffff, v16  }
.LBB2_4:
0x9d: {  	s9 =	sadd.s32 $0x10, s9;
	[tilespmem:s30+$0x660] =	vst.add.f32.msk $0xffff, v2;
	s30 =	sshra.s32 s26, $0x2  }
0x9e: {  	v2 =	vld [tilespmem:s30+$0x10670];
	p1 =	slt.u32 s9, $0x70  }
0x9f: {  	v3 =	vld [tilespmem:s30+$0x10200]  }
0xa0: {  	v4 =	vld [tilespmem:s30+$0x10210]  }
0xa1: {  	v5 =	vld [tilespmem:s30+$0x10220]  }
0xa2: {  	v6 =	vld [tilespmem:s30+$0x10230]  }
0xa3: {  	[tilespmem:s30+$0x670] =	vst.add.f32.msk $0xffff, v2  }
0xa4: {  	v7 =	vld [tilespmem:s30+$0x10240]  }
0xa5: {  	v8 =	vld [tilespmem:s30+$0x10250]  }
0xa6: {  	v9 =	vld [tilespmem:s30+$0x10260]  }
0xa7: {  	v10 =	vld [tilespmem:s30+$0x10270]  }
0xa8: {  	v11 =	vld [tilespmem:s30+$0x10600]  }
0xa9: {  	v12 =	vld [tilespmem:s30+$0x10610]  }
0xaa: {  	v13 =	vld [tilespmem:s30+$0x10620]  }
0xab: {  	v14 =	vld [tilespmem:s30+$0x10630]  }
0xac: {  	v15 =	vld [tilespmem:s30+$0x10640]  }
0xad: {  	v16 =	vld [tilespmem:s30+$0x10650]  }
0xae: {  	v2 =	vld [tilespmem:s30+$0x10660]  }
0xaf: {  	[tilespmem:s30+$0x200] =	vst.add.f32.msk $0xffff, v3  }
0xb0: {  	[tilespmem:s30+$0x210] =	vst.add.f32.msk $0xffff, v4  }
0xb1: {  	[tilespmem:s30+$0x220] =	vst.add.f32.msk $0xffff, v5  }
0xb2: {  	[tilespmem:s30+$0x230] =	vst.add.f32.msk $0xffff, v6  }
0xb3: {  	[tilespmem:s30+$0x240] =	vst.add.f32.msk $0xffff, v7  }
0xb4: {  	[tilespmem:s30+$0x250] =	vst.add.f32.msk $0xffff, v8  }
0xb5: {  	[tilespmem:s30+$0x260] =	vst.add.f32.msk $0xffff, v9  }
0xb6: {  	[tilespmem:s30+$0x270] =	vst.add.f32.msk $0xffff, v10  }
0xb7: {  	[tilespmem:s30+$0x600] =	vst.add.f32.msk $0xffff, v11  }
.Ltmp0:
0xb8: {  	[tilespmem:s30+$0x610] =	vst.add.f32.msk $0xffff, v12;
	(pc) =	sbr.rel @p1 .LBB2_4-.Ltmp0, $4  }
0xb9: {  	[tilespmem:s30+$0x620] =	vst.add.f32.msk $0xffff, v13  }
0xba: {  	[tilespmem:s30+$0x630] =	vst.add.f32.msk $0xffff, v14  }
0xbb: {  	[tilespmem:s30+$0x640] =	vst.add.f32.msk $0xffff, v15  }
0xbc: {  	s26 =	sadd.s32 $0x2000, s26;
	[tilespmem:s30+$0x650] =	vst.add.f32.msk $0xffff, v16  }
0xbd: {  	s31 =	sadd.s32 $0x1, s31  }
0xbe: {  	p1 =	sne.s32 s31, $0x8  }
.Ltmp1:
0xbf: {  	_ = 	snop;
	(pc) =	sbr.rel @p1 .LBB2_3-.Ltmp1, $2  }
0xc0: {  	_ =	sdelay $0x2  }
0xc1: {  	[tilespmem:s30+$0x660] =	vst.add.f32.msk $0xffff, v2;
	s2 =	sadd.s32 $0x200, s2  }
0xc2: {  	s2 =	rddreg [dreg:$0x5]  }
0xc3: {  	s31 =	sadd.s32 s2, s10;
	s10 =	rddreg [dreg:$0x3]  }
0xc4: {  	s9 =	simm.s32 $0x200;
	s2 =	sadd.s32 s10, s31  }
0xc5: {  	[hbm4b:s2+s4] =	stream.linear.scatter [tilespmem:s9], [sflag:$0x5], $0x4000, $0x38;
	[tilespmem:$0x18200] =	vst v63  }
0xc6: {  	_ =	swait.ge [sflag:s21], $0x4000  }
0xc7: {  	[sflag:s21] =	ssyncset.done $0x0  }
0xc8: {  	s2 =	simm.s32 @!p0 $0x8;
	[sflag:s21] =	ssyncadd.s32 $0xFFFFC000  }
0xc9: {  	_ =	swait.ge @!p0 [sflag:s2], $0x4000  }
0xca: {  	[sflag:s2] =	ssyncset.done @!p0 $0x0  }
0xcb: {  	[sflag:s2] =	ssyncadd.s32 @!p0 $0xFFFFC000  }
0xcc: {  	v2 =	vld.msk [tilespmem:s29+$0x180], $0xff;
	_ =	sdelay $0x4  }
0xcd: {  	v3 =	vshll.u32 v2, $0x4  }
0xce: {  	v2 =	vand.u32 $0x7, v2;
	v3 =	vand.u32 $0xFFFFFF80, v3  }
0xcf: {  	v2 =	vor.u32 v2, v3  }
0xd0: {  	v2 =	vperm.xlane v2, v0;
	_ =	sdelay $0x1  }
0xd1: {  	v2 =	vadd.s32 v1, v2;
	_ =	sdelay $0x3  }
0xd2: {  	s2 =	simm.s32 $0x0  }
0xd3: {  	[tilespmem:s6], [sflag:$0x4] =	stream.indirect_vreg.gather [hbm4b:s1+s2], $0x80, v2, vm0, $0xb8;
	[tilespmem:$0x18200] =	vst v63  }
0xd4: {  	s26 =	simm.s32 $0xCA00  }
0xd5: {  	[tilespmem:s26], [sflag:$0x4] =	stream.indirect_vreg.gather [hbm4b:s11+s2], $0x80, v2, vm0, $0xb8;
	[tilespmem:$0x18200] =	vst v63  }
0xd6: {  	s29 =	simm.s32 $0xD200  }
0xd7: {  	[tilespmem:s29], [sflag:$0x4] =	stream.indirect_vreg.gather [hbm4b:s12+s2], $0x80, v2, vm0, $0xb8;
	[tilespmem:$0x18200] =	vst v63  }
0xd8: {  	s30 =	simm.s32 $0xDA00  }
0xd9: {  	[tilespmem:s30], [sflag:$0x4] =	stream.indirect_vreg.gather [hbm4b:s13+s2], $0x80, v2, vm0, $0xb8;
	[tilespmem:$0x18200] =	vst v63  }
0xda: {  	s10 =	simm.s32 $0xE200  }
0xdb: {  	[tilespmem:s10], [sflag:$0x4] =	stream.indirect_vreg.gather [hbm4b:s14+s2], $0x80, v2, vm0, $0xb8;
	[tilespmem:$0x18200] =	vst v63  }
0xdc: {  	s26 =	simm.s32 $0xEA00  }
0xdd: {  	[tilespmem:s26], [sflag:$0x4] =	stream.indirect_vreg.gather [hbm4b:s15+s2], $0x80, v2, vm0, $0xb8;
	[tilespmem:$0x18200] =	vst v63  }
0xde: {  	s29 =	simm.s32 $0xF200  }
0xdf: {  	[tilespmem:s29], [sflag:$0x4] =	stream.indirect_vreg.gather [hbm4b:s16+s2], $0x80, v2, vm0, $0xb8;
	[tilespmem:$0x18200] =	vst v63  }
0xe0: {  	s30 =	simm.s32 $0xFA00;
	s10 =	simm.s32 $0x0  }
0xe1: {  	[tilespmem:s30], [sflag:$0x4] =	stream.indirect_vreg.gather [hbm4b:s17+s2], $0x80, v2, vm0, $0xb8;
	[tilespmem:$0x18200] =	vst v63  }
.LBB2_7:
0xe2: {  	s29 =	sshra.s32 s2, $0x2  }
0xe3: {  	v2 =	vld [tilespmem:s29+$0x10670]  }
0xe4: {  	v3 =	vld [tilespmem:s29+$0x10200]  }
0xe5: {  	v4 =	vld [tilespmem:s29+$0x10210]  }
0xe6: {  	v5 =	vld [tilespmem:s29+$0x10220]  }
0xe7: {  	v6 =	vld [tilespmem:s29+$0x10230]  }
0xe8: {  	v7 =	vld [tilespmem:s29+$0x10240]  }
0xe9: {  	v8 =	vld [tilespmem:s29+$0x10250]  }
0xea: {  	v9 =	vld [tilespmem:s29+$0x10260]  }
0xeb: {  	v10 =	vld [tilespmem:s29+$0x10270]  }
0xec: {  	v11 =	vld [tilespmem:s29+$0x10600]  }
0xed: {  	v12 =	vld [tilespmem:s29+$0x10610]  }
0xee: {  	v13 =	vld [tilespmem:s29+$0x10620]  }
0xef: {  	v14 =	vld [tilespmem:s29+$0x10630]  }
0xf0: {  	v15 =	vld [tilespmem:s29+$0x10640]  }
0xf1: {  	v16 =	vld [tilespmem:s29+$0x10650]  }
0xf2: {  	[tilespmem:s29+$0x4670] =	vst.add.f32.msk $0xffff, v2  }
0xf3: {  	v2 =	vld [tilespmem:s29+$0x10660]  }
0xf4: {  	[tilespmem:s29+$0x4200] =	vst.add.f32.msk $0xffff, v3  }
0xf5: {  	[tilespmem:s29+$0x4210] =	vst.add.f32.msk $0xffff, v4  }
0xf6: {  	[tilespmem:s29+$0x4220] =	vst.add.f32.msk $0xffff, v5  }
0xf7: {  	[tilespmem:s29+$0x4230] =	vst.add.f32.msk $0xffff, v6  }
0xf8: {  	[tilespmem:s29+$0x4240] =	vst.add.f32.msk $0xffff, v7  }
0xf9: {  	[tilespmem:s29+$0x4250] =	vst.add.f32.msk $0xffff, v8  }
0xfa: {  	[tilespmem:s29+$0x4260] =	vst.add.f32.msk $0xffff, v9  }
0xfb: {  	[tilespmem:s29+$0x4270] =	vst.add.f32.msk $0xffff, v10  }
0xfc: {  	[tilespmem:s29+$0x4600] =	vst.add.f32.msk $0xffff, v11  }
0xfd: {  	[tilespmem:s29+$0x4610] =	vst.add.f32.msk $0xffff, v12  }
0xfe: {  	[tilespmem:s29+$0x4620] =	vst.add.f32.msk $0xffff, v13  }
0xff: {  	[tilespmem:s29+$0x4630] =	vst.add.f32.msk $0xffff, v14  }
0x100: {  	[tilespmem:s29+$0x4640] =	vst.add.f32.msk $0xffff, v15  }
0x101: {  	s9 =	simm.s32 $0x0;
	s26 =	sadd.s32 $0x2000, s2;
	[tilespmem:s29+$0x4650] =	vst.add.f32.msk $0xffff, v16  }
.LBB2_8:
0x102: {  	s9 =	sadd.s32 $0x10, s9;
	[tilespmem:s29+$0x4660] =	vst.add.f32.msk $0xffff, v2;
	s29 =	sshra.s32 s26, $0x2  }
0x103: {  	v2 =	vld [tilespmem:s29+$0x10670];
	p0 =	slt.u32 s9, $0x70  }
0x104: {  	v3 =	vld [tilespmem:s29+$0x10200]  }
0x105: {  	v4 =	vld [tilespmem:s29+$0x10210]  }
0x106: {  	v5 =	vld [tilespmem:s29+$0x10220]  }
0x107: {  	v6 =	vld [tilespmem:s29+$0x10230]  }
0x108: {  	[tilespmem:s29+$0x4670] =	vst.add.f32.msk $0xffff, v2  }
0x109: {  	v7 =	vld [tilespmem:s29+$0x10240]  }
0x10a: {  	v8 =	vld [tilespmem:s29+$0x10250]  }
0x10b: {  	v9 =	vld [tilespmem:s29+$0x10260]  }
0x10c: {  	v10 =	vld [tilespmem:s29+$0x10270]  }
0x10d: {  	v11 =	vld [tilespmem:s29+$0x10600]  }
0x10e: {  	v12 =	vld [tilespmem:s29+$0x10610]  }
0x10f: {  	v13 =	vld [tilespmem:s29+$0x10620]  }
0x110: {  	v14 =	vld [tilespmem:s29+$0x10630]  }
0x111: {  	v15 =	vld [tilespmem:s29+$0x10640]  }
0x112: {  	v16 =	vld [tilespmem:s29+$0x10650]  }
0x113: {  	v2 =	vld [tilespmem:s29+$0x10660]  }
0x114: {  	[tilespmem:s29+$0x4200] =	vst.add.f32.msk $0xffff, v3  }
0x115: {  	[tilespmem:s29+$0x4210] =	vst.add.f32.msk $0xffff, v4  }
0x116: {  	[tilespmem:s29+$0x4220] =	vst.add.f32.msk $0xffff, v5  }
0x117: {  	[tilespmem:s29+$0x4230] =	vst.add.f32.msk $0xffff, v6  }
0x118: {  	[tilespmem:s29+$0x4240] =	vst.add.f32.msk $0xffff, v7  }
0x119: {  	[tilespmem:s29+$0x4250] =	vst.add.f32.msk $0xffff, v8  }
0x11a: {  	[tilespmem:s29+$0x4260] =	vst.add.f32.msk $0xffff, v9  }
0x11b: {  	[tilespmem:s29+$0x4270] =	vst.add.f32.msk $0xffff, v10  }
0x11c: {  	[tilespmem:s29+$0x4600] =	vst.add.f32.msk $0xffff, v11  }
.Ltmp2:
0x11d: {  	[tilespmem:s29+$0x4610] =	vst.add.f32.msk $0xffff, v12;
	(pc) =	sbr.rel @p0 .LBB2_8-.Ltmp2, $4  }
0x11e: {  	[tilespmem:s29+$0x4620] =	vst.add.f32.msk $0xffff, v13  }
0x11f: {  	[tilespmem:s29+$0x4630] =	vst.add.f32.msk $0xffff, v14  }
0x120: {  	[tilespmem:s29+$0x4640] =	vst.add.f32.msk $0xffff, v15  }
0x121: {  	s26 =	sadd.s32 $0x2000, s26;
	[tilespmem:s29+$0x4650] =	vst.add.f32.msk $0xffff, v16  }
0x122: {  	s10 =	sadd.s32 $0x1, s10  }
0x123: {  	p0 =	sne.s32 s10, $0x8  }
.Ltmp3:
0x124: {  	_ = 	snop;
	(pc) =	sbr.rel @p0 .LBB2_7-.Ltmp3, $2  }
0x125: {  	_ =	sdelay $0x2  }
0x126: {  	[tilespmem:s29+$0x4660] =	vst.add.f32.msk $0xffff, v2;
	s2 =	sadd.s32 $0x200, s2  }
0x127: {  	s9 =	sadd.s32 s31, s18;
	s2 =	simm.s32 $0x0;
	s10 =	simm.s32 $0x4200  }
0x128: {  	[hbm4b:s9+s2] =	stream.linear.scatter [tilespmem:s10], [sflag:$0x6], $0x4000, $0x38;
	[tilespmem:$0x18200] =	vst v63  }
0x129: {  	_ =	swait.ge [sflag:s3], $0x4000  }
0x12a: {  	[sflag:s3] =	ssyncset.done $0x0  }
0x12b: {  	[sflag:s3] =	ssyncadd.s32 $0xFFFFC000  }
0x12c: {  	s10 =	sor.u32 $0x4, s7;
	_ =	swait.ge [sflag:s28], $0x4000  }
0x12d: {  	s26 =	sshll.u32 s10, $0x1;
	[sflag:s28] =	ssyncset.done $0x0  }
0x12e: {  	s9 =	sand.u32 $0x3FFFFFFE, s26;
	[sflag:s28] =	ssyncadd.s32 $0xFFFFC000  }
0x12f: {  	v2 =	vld.msk [tilespmem:s9+$0x0], $0xff;
	_ =	sdelay $0x4  }
0x130: {  	v3 =	vshll.u32 v2, $0x4  }
0x131: {  	v2 =	vand.u32 $0x7, v2;
	v3 =	vand.u32 $0xFFFFFF80, v3  }
0x132: {  	v2 =	vor.u32 v2, v3  }
0x133: {  	v2 =	vperm.xlane v2, v0;
	_ =	sdelay $0x1  }
0x134: {  	v2 =	vadd.s32 v1, v2;
	_ =	sdelay $0x3  }
0x135: {  	s28 =	simm.s32 $0x200  }
0x136: {  	[tilespmem:s28], [sflag:$0x1] =	stream.indirect_vreg.gather [hbm4b:s1+s2], $0x80, v2, vm0, $0xb8;
	[tilespmem:$0x18200] =	vst v63  }
0x137: {  	s30 =	simm.s32 $0xA00  }
0x138: {  	[tilespmem:s30], [sflag:$0x1] =	stream.indirect_vreg.gather [hbm4b:s11+s2], $0x80, v2, vm0, $0xb8;
	[tilespmem:$0x18200] =	vst v63  }
0x139: {  	s26 =	simm.s32 $0x1200  }
0x13a: {  	[tilespmem:s26], [sflag:$0x1] =	stream.indirect_vreg.gather [hbm4b:s12+s2], $0x80, v2, vm0, $0xb8;
	[tilespmem:$0x18200] =	vst v63  }
0x13b: {  	s28 =	simm.s32 $0x1A00  }
0x13c: {  	[tilespmem:s28], [sflag:$0x1] =	stream.indirect_vreg.gather [hbm4b:s13+s2], $0x80, v2, vm0, $0xb8;
	[tilespmem:$0x18200] =	vst v63  }
0x13d: {  	s30 =	simm.s32 $0x2200  }
0x13e: {  	[tilespmem:s30], [sflag:$0x1] =	stream.indirect_vreg.gather [hbm4b:s14+s2], $0x80, v2, vm0, $0xb8;
	[tilespmem:$0x18200] =	vst v63  }
0x13f: {  	s26 =	simm.s32 $0x2A00  }
0x140: {  	[tilespmem:s26], [sflag:$0x1] =	stream.indirect_vreg.gather [hbm4b:s15+s2], $0x80, v2, vm0, $0xb8;
	[tilespmem:$0x18200] =	vst v63  }
0x141: {  	s28 =	simm.s32 $0x3200  }
0x142: {  	[tilespmem:s28], [sflag:$0x1] =	stream.indirect_vreg.gather [hbm4b:s16+s2], $0x80, v2, vm0, $0xb8;
	[tilespmem:$0x18200] =	vst v63  }
0x143: {  	s29 =	simm.s32 $0x0;
	s30 =	simm.s32 $0x3A00  }
0x144: {  	[tilespmem:s30], [sflag:$0x1] =	stream.indirect_vreg.gather [hbm4b:s17+s2], $0x80, v2, vm0, $0xb8;
	[tilespmem:$0x18200] =	vst v63  }
.LBB2_11:
0x145: {  	s30 =	sshra.s32 s2, $0x2  }
0x146: {  	v2 =	vld [tilespmem:s30+$0x10670]  }
0x147: {  	v3 =	vld [tilespmem:s30+$0x10200]  }
0x148: {  	v4 =	vld [tilespmem:s30+$0x10210]  }
0x149: {  	v5 =	vld [tilespmem:s30+$0x10220]  }
0x14a: {  	v6 =	vld [tilespmem:s30+$0x10230]  }
0x14b: {  	v7 =	vld [tilespmem:s30+$0x10240]  }
0x14c: {  	v8 =	vld [tilespmem:s30+$0x10250]  }
0x14d: {  	v9 =	vld [tilespmem:s30+$0x10260]  }
0x14e: {  	v10 =	vld [tilespmem:s30+$0x10270]  }
0x14f: {  	v11 =	vld [tilespmem:s30+$0x10600]  }
0x150: {  	v12 =	vld [tilespmem:s30+$0x10610]  }
0x151: {  	v13 =	vld [tilespmem:s30+$0x10620]  }
0x152: {  	v14 =	vld [tilespmem:s30+$0x10630]  }
0x153: {  	v15 =	vld [tilespmem:s30+$0x10640]  }
0x154: {  	v16 =	vld [tilespmem:s30+$0x10650]  }
0x155: {  	[tilespmem:s30+$0x8670] =	vst.add.f32.msk $0xffff, v2  }
0x156: {  	v2 =	vld [tilespmem:s30+$0x10660]  }
0x157: {  	[tilespmem:s30+$0x8200] =	vst.add.f32.msk $0xffff, v3  }
0x158: {  	[tilespmem:s30+$0x8210] =	vst.add.f32.msk $0xffff, v4  }
0x159: {  	[tilespmem:s30+$0x8220] =	vst.add.f32.msk $0xffff, v5  }
0x15a: {  	[tilespmem:s30+$0x8230] =	vst.add.f32.msk $0xffff, v6  }
0x15b: {  	[tilespmem:s30+$0x8240] =	vst.add.f32.msk $0xffff, v7  }
0x15c: {  	[tilespmem:s30+$0x8250] =	vst.add.f32.msk $0xffff, v8  }
0x15d: {  	[tilespmem:s30+$0x8260] =	vst.add.f32.msk $0xffff, v9  }
0x15e: {  	[tilespmem:s30+$0x8270] =	vst.add.f32.msk $0xffff, v10  }
0x15f: {  	[tilespmem:s30+$0x8600] =	vst.add.f32.msk $0xffff, v11  }
0x160: {  	[tilespmem:s30+$0x8610] =	vst.add.f32.msk $0xffff, v12  }
0x161: {  	[tilespmem:s30+$0x8620] =	vst.add.f32.msk $0xffff, v13  }
0x162: {  	[tilespmem:s30+$0x8630] =	vst.add.f32.msk $0xffff, v14  }
0x163: {  	[tilespmem:s30+$0x8640] =	vst.add.f32.msk $0xffff, v15  }
0x164: {  	s9 =	simm.s32 $0x0;
	s26 =	sadd.s32 $0x2000, s2;
	[tilespmem:s30+$0x8650] =	vst.add.f32.msk $0xffff, v16  }
.LBB2_12:
0x165: {  	s9 =	sadd.s32 $0x10, s9;
	[tilespmem:s30+$0x8660] =	vst.add.f32.msk $0xffff, v2;
	s30 =	sshra.s32 s26, $0x2  }
0x166: {  	v2 =	vld [tilespmem:s30+$0x10670];
	p0 =	slt.u32 s9, $0x70  }
0x167: {  	v3 =	vld [tilespmem:s30+$0x10200]  }
0x168: {  	v4 =	vld [tilespmem:s30+$0x10210]  }
0x169: {  	v5 =	vld [tilespmem:s30+$0x10220]  }
0x16a: {  	v6 =	vld [tilespmem:s30+$0x10230]  }
0x16b: {  	[tilespmem:s30+$0x8670] =	vst.add.f32.msk $0xffff, v2  }
0x16c: {  	v7 =	vld [tilespmem:s30+$0x10240]  }
0x16d: {  	v8 =	vld [tilespmem:s30+$0x10250]  }
0x16e: {  	v9 =	vld [tilespmem:s30+$0x10260]  }
0x16f: {  	v10 =	vld [tilespmem:s30+$0x10270]  }
0x170: {  	v11 =	vld [tilespmem:s30+$0x10600]  }
0x171: {  	v12 =	vld [tilespmem:s30+$0x10610]  }
0x172: {  	v13 =	vld [tilespmem:s30+$0x10620]  }
0x173: {  	v14 =	vld [tilespmem:s30+$0x10630]  }
0x174: {  	v15 =	vld [tilespmem:s30+$0x10640]  }
0x175: {  	v16 =	vld [tilespmem:s30+$0x10650]  }
0x176: {  	v2 =	vld [tilespmem:s30+$0x10660]  }
0x177: {  	[tilespmem:s30+$0x8200] =	vst.add.f32.msk $0xffff, v3  }
0x178: {  	[tilespmem:s30+$0x8210] =	vst.add.f32.msk $0xffff, v4  }
0x179: {  	[tilespmem:s30+$0x8220] =	vst.add.f32.msk $0xffff, v5  }
0x17a: {  	[tilespmem:s30+$0x8230] =	vst.add.f32.msk $0xffff, v6  }
0x17b: {  	[tilespmem:s30+$0x8240] =	vst.add.f32.msk $0xffff, v7  }
0x17c: {  	[tilespmem:s30+$0x8250] =	vst.add.f32.msk $0xffff, v8  }
0x17d: {  	[tilespmem:s30+$0x8260] =	vst.add.f32.msk $0xffff, v9  }
0x17e: {  	[tilespmem:s30+$0x8270] =	vst.add.f32.msk $0xffff, v10  }
0x17f: {  	[tilespmem:s30+$0x8600] =	vst.add.f32.msk $0xffff, v11  }
.Ltmp4:
0x180: {  	[tilespmem:s30+$0x8610] =	vst.add.f32.msk $0xffff, v12;
	(pc) =	sbr.rel @p0 .LBB2_12-.Ltmp4, $4  }
0x181: {  	[tilespmem:s30+$0x8620] =	vst.add.f32.msk $0xffff, v13  }
0x182: {  	[tilespmem:s30+$0x8630] =	vst.add.f32.msk $0xffff, v14  }
0x183: {  	[tilespmem:s30+$0x8640] =	vst.add.f32.msk $0xffff, v15  }
0x184: {  	s26 =	sadd.s32 $0x2000, s26;
	[tilespmem:s30+$0x8650] =	vst.add.f32.msk $0xffff, v16  }
0x185: {  	s29 =	sadd.s32 $0x1, s29  }
0x186: {  	p0 =	sne.s32 s29, $0x8  }
.Ltmp5:
0x187: {  	_ = 	snop;
	(pc) =	sbr.rel @p0 .LBB2_11-.Ltmp5, $2  }
0x188: {  	_ =	sdelay $0x2  }
0x189: {  	[tilespmem:s30+$0x8660] =	vst.add.f32.msk $0xffff, v2;
	s2 =	sadd.s32 $0x200, s2  }
0x18a: {  	s9 =	sadd.s32 s31, s19;
	s2 =	simm.s32 $0x0  }
0x18b: {  	[hbm4b:s9+s2] =	stream.linear.scatter [tilespmem:s23], [sflag:$0x7], $0x4000, $0x38;
	[tilespmem:$0x18200] =	vst v63  }
0x18c: {  	_ =	swait.ge [sflag:s0], $0x4000  }
0x18d: {  	[sflag:s0] =	ssyncset.done $0x0  }
0x18e: {  	s29 =	sor.u32 $0x5, s7;
	s26 =	simm.s32 $0x6;
	[sflag:s0] =	ssyncadd.s32 $0xFFFFC000  }
0x18f: {  	s28 =	sshll.u32 s29, $0x1;
	_ =	swait.ge [sflag:s26], $0x4000  }
0x190: {  	s9 =	sand.u32 $0x38, s28;
	[sflag:s26] =	ssyncset.done $0x0  }
0x191: {  	s9 =	sor.u32 $0x80, s9;
	[sflag:s26] =	ssyncadd.s32 $0xFFFFC000  }
0x192: {  	v2 =	vld.msk [tilespmem:s9+$0x0], $0xff;
	_ =	sdelay $0x4  }
0x193: {  	v3 =	vshll.u32 v2, $0x4  }
0x194: {  	v2 =	vand.u32 $0x7, v2;
	v3 =	vand.u32 $0xFFFFFF80, v3  }
0x195: {  	v2 =	vor.u32 v2, v3  }
0x196: {  	v2 =	vperm.xlane v2, v0;
	_ =	sdelay $0x1  }
0x197: {  	v2 =	vadd.s32 v1, v2;
	_ =	sdelay $0x3  }
0x198: {  	s26 =	simm.s32 $0x4200  }
0x199: {  	[tilespmem:s26], [sflag:$0x2] =	stream.indirect_vreg.gather [hbm4b:s1+s2], $0x80, v2, vm0, $0xb8;
	[tilespmem:$0x18200] =	vst v63  }
0x19a: {  	s28 =	simm.s32 $0x4A00  }
0x19b: {  	[tilespmem:s28], [sflag:$0x2] =	stream.indirect_vreg.gather [hbm4b:s11+s2], $0x80, v2, vm0, $0xb8;
	[tilespmem:$0x18200] =	vst v63  }
0x19c: {  	s26 =	simm.s32 $0x5200  }
0x19d: {  	[tilespmem:s26], [sflag:$0x2] =	stream.indirect_vreg.gather [hbm4b:s12+s2], $0x80, v2, vm0, $0xb8;
	[tilespmem:$0x18200] =	vst v63  }
0x19e: {  	s28 =	simm.s32 $0x5A00  }
0x19f: {  	[tilespmem:s28], [sflag:$0x2] =	stream.indirect_vreg.gather [hbm4b:s13+s2], $0x80, v2, vm0, $0xb8;
	[tilespmem:$0x18200] =	vst v63  }
0x1a0: {  	s26 =	simm.s32 $0x6200  }
0x1a1: {  	[tilespmem:s26], [sflag:$0x2] =	stream.indirect_vreg.gather [hbm4b:s14+s2], $0x80, v2, vm0, $0xb8;
	[tilespmem:$0x18200] =	vst v63  }
0x1a2: {  	s28 =	simm.s32 $0x6A00  }
0x1a3: {  	[tilespmem:s28], [sflag:$0x2] =	stream.indirect_vreg.gather [hbm4b:s15+s2], $0x80, v2, vm0, $0xb8;
	[tilespmem:$0x18200] =	vst v63  }
0x1a4: {  	s26 =	simm.s32 $0x7200  }
0x1a5: {  	[tilespmem:s26], [sflag:$0x2] =	stream.indirect_vreg.gather [hbm4b:s16+s2], $0x80, v2, vm0, $0xb8;
	[tilespmem:$0x18200] =	vst v63  }
0x1a6: {  	s30 =	simm.s32 $0x0;
	s28 =	simm.s32 $0x7A00  }
0x1a7: {  	[tilespmem:s28], [sflag:$0x2] =	stream.indirect_vreg.gather [hbm4b:s17+s2], $0x80, v2, vm0, $0xb8;
	[tilespmem:$0x18200] =	vst v63  }
.LBB2_15:
0x1a8: {  	s9 =	sshra.s32 s2, $0x2  }
0x1a9: {  	v2 =	vld [tilespmem:s9+$0x10670]  }
0x1aa: {  	v3 =	vld [tilespmem:s9+$0x10200]  }
0x1ab: {  	v4 =	vld [tilespmem:s9+$0x10210]  }
0x1ac: {  	v5 =	vld [tilespmem:s9+$0x10220]  }
0x1ad: {  	v6 =	vld [tilespmem:s9+$0x10230]  }
0x1ae: {  	v7 =	vld [tilespmem:s9+$0x10240]  }
0x1af: {  	v8 =	vld [tilespmem:s9+$0x10250]  }
0x1b0: {  	v9 =	vld [tilespmem:s9+$0x10260]  }
0x1b1: {  	v10 =	vld [tilespmem:s9+$0x10270]  }
0x1b2: {  	v11 =	vld [tilespmem:s9+$0x10600]  }
0x1b3: {  	v12 =	vld [tilespmem:s9+$0x10610]  }
0x1b4: {  	v13 =	vld [tilespmem:s9+$0x10620]  }
0x1b5: {  	v14 =	vld [tilespmem:s9+$0x10630]  }
0x1b6: {  	v15 =	vld [tilespmem:s9+$0x10640]  }
0x1b7: {  	v16 =	vld [tilespmem:s9+$0x10650]  }
0x1b8: {  	[tilespmem:s9+$0xC670] =	vst.add.f32.msk $0xffff, v2  }
0x1b9: {  	v2 =	vld [tilespmem:s9+$0x10660]  }
0x1ba: {  	[tilespmem:s9+$0xC200] =	vst.add.f32.msk $0xffff, v3  }
0x1bb: {  	[tilespmem:s9+$0xC210] =	vst.add.f32.msk $0xffff, v4  }
0x1bc: {  	[tilespmem:s9+$0xC220] =	vst.add.f32.msk $0xffff, v5  }
0x1bd: {  	[tilespmem:s9+$0xC230] =	vst.add.f32.msk $0xffff, v6  }
0x1be: {  	[tilespmem:s9+$0xC240] =	vst.add.f32.msk $0xffff, v7  }
0x1bf: {  	[tilespmem:s9+$0xC250] =	vst.add.f32.msk $0xffff, v8  }
0x1c0: {  	[tilespmem:s9+$0xC260] =	vst.add.f32.msk $0xffff, v9  }
0x1c1: {  	[tilespmem:s9+$0xC270] =	vst.add.f32.msk $0xffff, v10  }
0x1c2: {  	[tilespmem:s9+$0xC600] =	vst.add.f32.msk $0xffff, v11  }
0x1c3: {  	[tilespmem:s9+$0xC610] =	vst.add.f32.msk $0xffff, v12  }
0x1c4: {  	[tilespmem:s9+$0xC620] =	vst.add.f32.msk $0xffff, v13  }
0x1c5: {  	[tilespmem:s9+$0xC630] =	vst.add.f32.msk $0xffff, v14  }
0x1c6: {  	[tilespmem:s9+$0xC640] =	vst.add.f32.msk $0xffff, v15  }
0x1c7: {  	s26 =	simm.s32 $0x0;
	s28 =	sadd.s32 $0x2000, s2;
	[tilespmem:s9+$0xC650] =	vst.add.f32.msk $0xffff, v16  }
.LBB2_16:
0x1c8: {  	s26 =	sadd.s32 $0x10, s26;
	[tilespmem:s9+$0xC660] =	vst.add.f32.msk $0xffff, v2;
	s9 =	sshra.s32 s28, $0x2  }
0x1c9: {  	v2 =	vld [tilespmem:s9+$0x10670];
	p0 =	slt.u32 s26, $0x70  }
0x1ca: {  	v3 =	vld [tilespmem:s9+$0x10200]  }
0x1cb: {  	v4 =	vld [tilespmem:s9+$0x10210]  }
0x1cc: {  	v5 =	vld [tilespmem:s9+$0x10220]  }
0x1cd: {  	v6 =	vld [tilespmem:s9+$0x10230]  }
0x1ce: {  	[tilespmem:s9+$0xC670] =	vst.add.f32.msk $0xffff, v2  }
0x1cf: {  	v7 =	vld [tilespmem:s9+$0x10240]  }
0x1d0: {  	v8 =	vld [tilespmem:s9+$0x10250]  }
0x1d1: {  	v9 =	vld [tilespmem:s9+$0x10260]  }
0x1d2: {  	v10 =	vld [tilespmem:s9+$0x10270]  }
0x1d3: {  	v11 =	vld [tilespmem:s9+$0x10600]  }
0x1d4: {  	v12 =	vld [tilespmem:s9+$0x10610]  }
0x1d5: {  	v13 =	vld [tilespmem:s9+$0x10620]  }
0x1d6: {  	v14 =	vld [tilespmem:s9+$0x10630]  }
0x1d7: {  	v15 =	vld [tilespmem:s9+$0x10640]  }
0x1d8: {  	v16 =	vld [tilespmem:s9+$0x10650]  }
0x1d9: {  	v2 =	vld [tilespmem:s9+$0x10660]  }
0x1da: {  	[tilespmem:s9+$0xC200] =	vst.add.f32.msk $0xffff, v3  }
0x1db: {  	[tilespmem:s9+$0xC210] =	vst.add.f32.msk $0xffff, v4  }
0x1dc: {  	[tilespmem:s9+$0xC220] =	vst.add.f32.msk $0xffff, v5  }
0x1dd: {  	[tilespmem:s9+$0xC230] =	vst.add.f32.msk $0xffff, v6  }
0x1de: {  	[tilespmem:s9+$0xC240] =	vst.add.f32.msk $0xffff, v7  }
0x1df: {  	[tilespmem:s9+$0xC250] =	vst.add.f32.msk $0xffff, v8  }
0x1e0: {  	[tilespmem:s9+$0xC260] =	vst.add.f32.msk $0xffff, v9  }
0x1e1: {  	[tilespmem:s9+$0xC270] =	vst.add.f32.msk $0xffff, v10  }
0x1e2: {  	[tilespmem:s9+$0xC600] =	vst.add.f32.msk $0xffff, v11  }
.Ltmp6:
0x1e3: {  	[tilespmem:s9+$0xC610] =	vst.add.f32.msk $0xffff, v12;
	(pc) =	sbr.rel @p0 .LBB2_16-.Ltmp6, $4  }
0x1e4: {  	[tilespmem:s9+$0xC620] =	vst.add.f32.msk $0xffff, v13  }
0x1e5: {  	[tilespmem:s9+$0xC630] =	vst.add.f32.msk $0xffff, v14  }
0x1e6: {  	[tilespmem:s9+$0xC640] =	vst.add.f32.msk $0xffff, v15  }
0x1e7: {  	s28 =	sadd.s32 $0x2000, s28;
	[tilespmem:s9+$0xC650] =	vst.add.f32.msk $0xffff, v16  }
0x1e8: {  	s30 =	sadd.s32 $0x1, s30  }
0x1e9: {  	p0 =	sne.s32 s30, $0x8  }
.Ltmp7:
0x1ea: {  	_ = 	snop;
	(pc) =	sbr.rel @p0 .LBB2_15-.Ltmp7, $2  }
0x1eb: {  	_ =	sdelay $0x2  }
0x1ec: {  	[tilespmem:s9+$0xC660] =	vst.add.f32.msk $0xffff, v2;
	s2 =	sadd.s32 $0x200, s2  }
0x1ed: {  	s2 =	sadd.s32 s31, s20;
	s26 =	simm.s32 $0xA  }
0x1ee: {  	[hbm4b:s2+s4] =	stream.linear.scatter [tilespmem:s6], [sflag:$0x8], $0x4000, $0x38;
	[tilespmem:$0x18200] =	vst v63  }
0x1ef: {  	p0 =	sgt.u32 s10, $0x1B;
	_ =	swait.ge [sflag:s26], $0x4000  }
0x1f0: {  	s2 =	sshll.u32 @!p0 s10, $0x9;
	s9 =	simm.s32 @!p0 $0x0;
	[sflag:s26] =	ssyncset.done $0x0  }
0x1f1: {  	s2 =	sadd.s32 @!p0 s24, s2;
	[sflag:s26] =	ssyncadd.s32 $0xFFFFC000;
	s26 =	simm.s32 @!p0 $0x10200  }
0x1f2: {  	[tilespmem:s26], [sflag:$0x9] =	stream.linear.gather @!p0 [hbm4b:s2+s9], $0x4000, $0x38;
	[tilespmem:$0x18200] =	vst v63  }
0x1f3: {  	_ =	swait.ge [sflag:s8], $0x4000  }
0x1f4: {  	[sflag:s8] =	ssyncset.done $0x0  }
0x1f5: {  	s31 =	sor.u32 $0x6, s7;
	s28 =	simm.s32 $0x7;
	[sflag:s8] =	ssyncadd.s32 $0xFFFFC000  }
0x1f6: {  	s26 =	sshll.u32 s31, $0x1;
	_ =	swait.ge [sflag:s28], $0x4000  }
0x1f7: {  	s2 =	sand.u32 $0x38, s26;
	[sflag:s28] =	ssyncset.done $0x0  }
0x1f8: {  	s2 =	sor.u32 $0x100, s2;
	[sflag:s28] =	ssyncadd.s32 $0xFFFFC000  }
0x1f9: {  	v2 =	vld.msk [tilespmem:s2+$0x0], $0xff;
	_ =	sdelay $0x4  }
0x1fa: {  	v3 =	vshll.u32 v2, $0x4  }
0x1fb: {  	v2 =	vand.u32 $0x7, v2;
	v3 =	vand.u32 $0xFFFFFF80, v3  }
0x1fc: {  	v2 =	vor.u32 v2, v3  }
0x1fd: {  	v2 =	vperm.xlane v2, v0;
	_ =	sdelay $0x1  }
0x1fe: {  	v2 =	vadd.s32 v1, v2;
	_ =	sdelay $0x3  }
0x1ff: {  	s2 =	simm.s32 $0x0  }
0x200: {  	[tilespmem:s23], [sflag:$0x3] =	stream.indirect_vreg.gather [hbm4b:s1+s2], $0x80, v2, vm0, $0xb8;
	[tilespmem:$0x18200] =	vst v63  }
0x201: {  	s28 =	simm.s32 $0x8A00  }
0x202: {  	[tilespmem:s28], [sflag:$0x3] =	stream.indirect_vreg.gather [hbm4b:s11+s2], $0x80, v2, vm0, $0xb8;
	[tilespmem:$0x18200] =	vst v63  }
0x203: {  	s26 =	simm.s32 $0x9200  }
0x204: {  	[tilespmem:s26], [sflag:$0x3] =	stream.indirect_vreg.gather [hbm4b:s12+s2], $0x80, v2, vm0, $0xb8;
	[tilespmem:$0x18200] =	vst v63  }
0x205: {  	s28 =	simm.s32 $0x9A00  }
0x206: {  	[tilespmem:s28], [sflag:$0x3] =	stream.indirect_vreg.gather [hbm4b:s13+s2], $0x80, v2, vm0, $0xb8;
	[tilespmem:$0x18200] =	vst v63  }
0x207: {  	s26 =	simm.s32 $0xA200  }
0x208: {  	[tilespmem:s26], [sflag:$0x3] =	stream.indirect_vreg.gather [hbm4b:s14+s2], $0x80, v2, vm0, $0xb8;
	[tilespmem:$0x18200] =	vst v63  }
0x209: {  	s28 =	simm.s32 $0xAA00  }
0x20a: {  	[tilespmem:s28], [sflag:$0x3] =	stream.indirect_vreg.gather [hbm4b:s15+s2], $0x80, v2, vm0, $0xb8;
	[tilespmem:$0x18200] =	vst v63  }
0x20b: {  	s26 =	simm.s32 $0xB200  }
0x20c: {  	[tilespmem:s26], [sflag:$0x3] =	stream.indirect_vreg.gather [hbm4b:s16+s2], $0x80, v2, vm0, $0xb8;
	[tilespmem:$0x18200] =	vst v63  }
0x20d: {  	s30 =	simm.s32 $0x0;
	s28 =	simm.s32 $0xBA00  }
0x20e: {  	[tilespmem:s28], [sflag:$0x3] =	stream.indirect_vreg.gather [hbm4b:s17+s2], $0x80, v2, vm0, $0xb8;
	[tilespmem:$0x18200] =	vst v63  }
.LBB2_19:
0x20f: {  	s9 =	sshra.s32 s2, $0x2  }
0x210: {  	v2 =	vld [tilespmem:s9+$0x14670]  }
0x211: {  	v3 =	vld [tilespmem:s9+$0x14200]  }
0x212: {  	v4 =	vld [tilespmem:s9+$0x14210]  }
0x213: {  	v5 =	vld [tilespmem:s9+$0x14220]  }
0x214: {  	v6 =	vld [tilespmem:s9+$0x14230]  }
0x215: {  	v7 =	vld [tilespmem:s9+$0x14240]  }
0x216: {  	v8 =	vld [tilespmem:s9+$0x14250]  }
0x217: {  	v9 =	vld [tilespmem:s9+$0x14260]  }
0x218: {  	v10 =	vld [tilespmem:s9+$0x14270]  }
0x219: {  	v11 =	vld [tilespmem:s9+$0x14600]  }
0x21a: {  	v12 =	vld [tilespmem:s9+$0x14610]  }
0x21b: {  	v13 =	vld [tilespmem:s9+$0x14620]  }
0x21c: {  	v14 =	vld [tilespmem:s9+$0x14630]  }
0x21d: {  	v15 =	vld [tilespmem:s9+$0x14640]  }
0x21e: {  	v16 =	vld [tilespmem:s9+$0x14650]  }
0x21f: {  	[tilespmem:s9+$0x670] =	vst.add.f32.msk $0xffff, v2  }
0x220: {  	v2 =	vld [tilespmem:s9+$0x14660]  }
0x221: {  	[tilespmem:s9+$0x200] =	vst.add.f32.msk $0xffff, v3  }
0x222: {  	[tilespmem:s9+$0x210] =	vst.add.f32.msk $0xffff, v4  }
0x223: {  	[tilespmem:s9+$0x220] =	vst.add.f32.msk $0xffff, v5  }
0x224: {  	[tilespmem:s9+$0x230] =	vst.add.f32.msk $0xffff, v6  }
0x225: {  	[tilespmem:s9+$0x240] =	vst.add.f32.msk $0xffff, v7  }
0x226: {  	[tilespmem:s9+$0x250] =	vst.add.f32.msk $0xffff, v8  }
0x227: {  	[tilespmem:s9+$0x260] =	vst.add.f32.msk $0xffff, v9  }
0x228: {  	[tilespmem:s9+$0x270] =	vst.add.f32.msk $0xffff, v10  }
0x229: {  	[tilespmem:s9+$0x600] =	vst.add.f32.msk $0xffff, v11  }
0x22a: {  	[tilespmem:s9+$0x610] =	vst.add.f32.msk $0xffff, v12  }
0x22b: {  	[tilespmem:s9+$0x620] =	vst.add.f32.msk $0xffff, v13  }
0x22c: {  	[tilespmem:s9+$0x630] =	vst.add.f32.msk $0xffff, v14  }
0x22d: {  	[tilespmem:s9+$0x640] =	vst.add.f32.msk $0xffff, v15  }
0x22e: {  	s26 =	simm.s32 $0x0;
	s28 =	sadd.s32 $0x2000, s2;
	[tilespmem:s9+$0x650] =	vst.add.f32.msk $0xffff, v16  }
.LBB2_20:
0x22f: {  	s26 =	sadd.s32 $0x10, s26;
	[tilespmem:s9+$0x660] =	vst.add.f32.msk $0xffff, v2;
	s9 =	sshra.s32 s28, $0x2  }
0x230: {  	v2 =	vld [tilespmem:s9+$0x14670];
	p0 =	slt.u32 s26, $0x70  }
0x231: {  	v3 =	vld [tilespmem:s9+$0x14200]  }
0x232: {  	v4 =	vld [tilespmem:s9+$0x14210]  }
0x233: {  	v5 =	vld [tilespmem:s9+$0x14220]  }
0x234: {  	v6 =	vld [tilespmem:s9+$0x14230]  }
0x235: {  	[tilespmem:s9+$0x670] =	vst.add.f32.msk $0xffff, v2  }
0x236: {  	v7 =	vld [tilespmem:s9+$0x14240]  }
0x237: {  	v8 =	vld [tilespmem:s9+$0x14250]  }
0x238: {  	v9 =	vld [tilespmem:s9+$0x14260]  }
0x239: {  	v10 =	vld [tilespmem:s9+$0x14270]  }
0x23a: {  	v11 =	vld [tilespmem:s9+$0x14600]  }
0x23b: {  	v12 =	vld [tilespmem:s9+$0x14610]  }
0x23c: {  	v13 =	vld [tilespmem:s9+$0x14620]  }
0x23d: {  	v14 =	vld [tilespmem:s9+$0x14630]  }
0x23e: {  	v15 =	vld [tilespmem:s9+$0x14640]  }
0x23f: {  	v16 =	vld [tilespmem:s9+$0x14650]  }
0x240: {  	v2 =	vld [tilespmem:s9+$0x14660]  }
0x241: {  	[tilespmem:s9+$0x200] =	vst.add.f32.msk $0xffff, v3  }
0x242: {  	[tilespmem:s9+$0x210] =	vst.add.f32.msk $0xffff, v4  }
0x243: {  	[tilespmem:s9+$0x220] =	vst.add.f32.msk $0xffff, v5  }
0x244: {  	[tilespmem:s9+$0x230] =	vst.add.f32.msk $0xffff, v6  }
0x245: {  	[tilespmem:s9+$0x240] =	vst.add.f32.msk $0xffff, v7  }
0x246: {  	[tilespmem:s9+$0x250] =	vst.add.f32.msk $0xffff, v8  }
0x247: {  	[tilespmem:s9+$0x260] =	vst.add.f32.msk $0xffff, v9  }
0x248: {  	[tilespmem:s9+$0x270] =	vst.add.f32.msk $0xffff, v10  }
0x249: {  	[tilespmem:s9+$0x600] =	vst.add.f32.msk $0xffff, v11  }
.Ltmp8:
0x24a: {  	[tilespmem:s9+$0x610] =	vst.add.f32.msk $0xffff, v12;
	(pc) =	sbr.rel @p0 .LBB2_20-.Ltmp8, $4  }
0x24b: {  	[tilespmem:s9+$0x620] =	vst.add.f32.msk $0xffff, v13  }
0x24c: {  	[tilespmem:s9+$0x630] =	vst.add.f32.msk $0xffff, v14  }
0x24d: {  	[tilespmem:s9+$0x640] =	vst.add.f32.msk $0xffff, v15  }
0x24e: {  	s28 =	sadd.s32 $0x2000, s28;
	[tilespmem:s9+$0x650] =	vst.add.f32.msk $0xffff, v16  }
0x24f: {  	s30 =	sadd.s32 $0x1, s30  }
0x250: {  	p0 =	sne.s32 s30, $0x8  }
.Ltmp9:
0x251: {  	_ = 	snop;
	(pc) =	sbr.rel @p0 .LBB2_19-.Ltmp9, $2  }
0x252: {  	_ =	sdelay $0x2  }
0x253: {  	[tilespmem:s9+$0x660] =	vst.add.f32.msk $0xffff, v2;
	s2 =	sadd.s32 $0x200, s2  }
0x254: {  	s2 =	sshll.u32 s10, $0x9;
	s9 =	rddreg [dreg:$0xb]  }
0x255: {  	s28 =	simm.s32 $0x200;
	s9 =	sadd.s32 s2, s9;
	s2 =	simm.s32 $0x0  }
0x256: {  	[hbm4b:s9+s2] =	stream.linear.scatter [tilespmem:s28], [sflag:$0x5], $0x4000, $0x38;
	[tilespmem:$0x18200] =	vst v63  }
0x257: {  	_ =	swait.ge [sflag:s21], $0x4000  }
0x258: {  	[sflag:s21] =	ssyncset.done $0x0  }
0x259: {  	s7 =	sor.u32 $0x7, s7;
	s30 =	simm.s32 $0x8;
	[sflag:s21] =	ssyncadd.s32 $0xFFFFC000  }
0x25a: {  	s26 =	sshll.u32 s7, $0x1;
	_ =	swait.ge [sflag:s30], $0x4000  }
0x25b: {  	s9 =	sand.u32 $0x38, s26;
	[sflag:s30] =	ssyncset.done $0x0  }
0x25c: {  	s9 =	sor.u32 $0x180, s9;
	[sflag:s30] =	ssyncadd.s32 $0xFFFFC000  }
0x25d: {  	v2 =	vld.msk [tilespmem:s9+$0x0], $0xff;
	_ =	sdelay $0x4  }
0x25e: {  	v3 =	vshll.u32 v2, $0x4  }
0x25f: {  	v2 =	vand.u32 $0x7, v2;
	v3 =	vand.u32 $0xFFFFFF80, v3  }
0x260: {  	v2 =	vor.u32 v2, v3  }
0x261: {  	v2 =	vperm.xlane v2, v0;
	_ =	sdelay $0x1  }
0x262: {  	v2 =	vadd.s32 v1, v2;
	_ =	sdelay $0x4  }
0x263: {  	[tilespmem:s6], [sflag:$0x4] =	stream.indirect_vreg.gather [hbm4b:s1+s2], $0x80, v2, vm0, $0xb8;
	[tilespmem:$0x18200] =	vst v63  }
0x264: {  	s28 =	simm.s32 $0xCA00  }
0x265: {  	[tilespmem:s28], [sflag:$0x4] =	stream.indirect_vreg.gather [hbm4b:s11+s2], $0x80, v2, vm0, $0xb8;
	[tilespmem:$0x18200] =	vst v63  }
0x266: {  	s10 =	simm.s32 $0xD200  }
0x267: {  	[tilespmem:s10], [sflag:$0x4] =	stream.indirect_vreg.gather [hbm4b:s12+s2], $0x80, v2, vm0, $0xb8;
	[tilespmem:$0x18200] =	vst v63  }
0x268: {  	s26 =	simm.s32 $0xDA00  }
0x269: {  	[tilespmem:s26], [sflag:$0x4] =	stream.indirect_vreg.gather [hbm4b:s13+s2], $0x80, v2, vm0, $0xb8;
	[tilespmem:$0x18200] =	vst v63  }
0x26a: {  	s28 =	simm.s32 $0xE200  }
0x26b: {  	[tilespmem:s28], [sflag:$0x4] =	stream.indirect_vreg.gather [hbm4b:s14+s2], $0x80, v2, vm0, $0xb8;
	[tilespmem:$0x18200] =	vst v63  }
0x26c: {  	s10 =	simm.s32 $0xEA00  }
0x26d: {  	[tilespmem:s10], [sflag:$0x4] =	stream.indirect_vreg.gather [hbm4b:s15+s2], $0x80, v2, vm0, $0xb8;
	[tilespmem:$0x18200] =	vst v63  }
0x26e: {  	s26 =	simm.s32 $0xF200  }
0x26f: {  	[tilespmem:s26], [sflag:$0x4] =	stream.indirect_vreg.gather [hbm4b:s16+s2], $0x80, v2, vm0, $0xb8;
	[tilespmem:$0x18200] =	vst v63  }
0x270: {  	s28 =	simm.s32 $0xFA00;
	s10 =	simm.s32 $0x0  }
0x271: {  	[tilespmem:s28], [sflag:$0x4] =	stream.indirect_vreg.gather [hbm4b:s17+s2], $0x80, v2, vm0, $0xb8;
	[tilespmem:$0x18200] =	vst v63  }
.LBB2_23:
0x272: {  	s9 =	sshra.s32 s2, $0x2  }
0x273: {  	v2 =	vld [tilespmem:s9+$0x14670]  }
0x274: {  	v3 =	vld [tilespmem:s9+$0x14200]  }
0x275: {  	v4 =	vld [tilespmem:s9+$0x14210]  }
0x276: {  	v5 =	vld [tilespmem:s9+$0x14220]  }
0x277: {  	v6 =	vld [tilespmem:s9+$0x14230]  }
0x278: {  	v7 =	vld [tilespmem:s9+$0x14240]  }
0x279: {  	v8 =	vld [tilespmem:s9+$0x14250]  }
0x27a: {  	v9 =	vld [tilespmem:s9+$0x14260]  }
0x27b: {  	v10 =	vld [tilespmem:s9+$0x14270]  }
0x27c: {  	v11 =	vld [tilespmem:s9+$0x14600]  }
0x27d: {  	v12 =	vld [tilespmem:s9+$0x14610]  }
0x27e: {  	v13 =	vld [tilespmem:s9+$0x14620]  }
0x27f: {  	v14 =	vld [tilespmem:s9+$0x14630]  }
0x280: {  	v15 =	vld [tilespmem:s9+$0x14640]  }
0x281: {  	v16 =	vld [tilespmem:s9+$0x14650]  }
0x282: {  	[tilespmem:s9+$0x4670] =	vst.add.f32.msk $0xffff, v2  }
0x283: {  	v2 =	vld [tilespmem:s9+$0x14660]  }
0x284: {  	[tilespmem:s9+$0x4200] =	vst.add.f32.msk $0xffff, v3  }
0x285: {  	[tilespmem:s9+$0x4210] =	vst.add.f32.msk $0xffff, v4  }
0x286: {  	[tilespmem:s9+$0x4220] =	vst.add.f32.msk $0xffff, v5  }
0x287: {  	[tilespmem:s9+$0x4230] =	vst.add.f32.msk $0xffff, v6  }
0x288: {  	[tilespmem:s9+$0x4240] =	vst.add.f32.msk $0xffff, v7  }
0x289: {  	[tilespmem:s9+$0x4250] =	vst.add.f32.msk $0xffff, v8  }
0x28a: {  	[tilespmem:s9+$0x4260] =	vst.add.f32.msk $0xffff, v9  }
0x28b: {  	[tilespmem:s9+$0x4270] =	vst.add.f32.msk $0xffff, v10  }
0x28c: {  	[tilespmem:s9+$0x4600] =	vst.add.f32.msk $0xffff, v11  }
0x28d: {  	[tilespmem:s9+$0x4610] =	vst.add.f32.msk $0xffff, v12  }
0x28e: {  	[tilespmem:s9+$0x4620] =	vst.add.f32.msk $0xffff, v13  }
0x28f: {  	[tilespmem:s9+$0x4630] =	vst.add.f32.msk $0xffff, v14  }
0x290: {  	[tilespmem:s9+$0x4640] =	vst.add.f32.msk $0xffff, v15  }
0x291: {  	s26 =	simm.s32 $0x0;
	s28 =	sadd.s32 $0x2000, s2;
	[tilespmem:s9+$0x4650] =	vst.add.f32.msk $0xffff, v16  }
.LBB2_24:
0x292: {  	s26 =	sadd.s32 $0x10, s26;
	[tilespmem:s9+$0x4660] =	vst.add.f32.msk $0xffff, v2;
	s9 =	sshra.s32 s28, $0x2  }
0x293: {  	v2 =	vld [tilespmem:s9+$0x14670];
	p0 =	slt.u32 s26, $0x70  }
0x294: {  	v3 =	vld [tilespmem:s9+$0x14200]  }
0x295: {  	v4 =	vld [tilespmem:s9+$0x14210]  }
0x296: {  	v5 =	vld [tilespmem:s9+$0x14220]  }
0x297: {  	v6 =	vld [tilespmem:s9+$0x14230]  }
0x298: {  	[tilespmem:s9+$0x4670] =	vst.add.f32.msk $0xffff, v2  }
0x299: {  	v7 =	vld [tilespmem:s9+$0x14240]  }
0x29a: {  	v8 =	vld [tilespmem:s9+$0x14250]  }
0x29b: {  	v9 =	vld [tilespmem:s9+$0x14260]  }
0x29c: {  	v10 =	vld [tilespmem:s9+$0x14270]  }
0x29d: {  	v11 =	vld [tilespmem:s9+$0x14600]  }
0x29e: {  	v12 =	vld [tilespmem:s9+$0x14610]  }
0x29f: {  	v13 =	vld [tilespmem:s9+$0x14620]  }
0x2a0: {  	v14 =	vld [tilespmem:s9+$0x14630]  }
0x2a1: {  	v15 =	vld [tilespmem:s9+$0x14640]  }
0x2a2: {  	v16 =	vld [tilespmem:s9+$0x14650]  }
0x2a3: {  	v2 =	vld [tilespmem:s9+$0x14660]  }
0x2a4: {  	[tilespmem:s9+$0x4200] =	vst.add.f32.msk $0xffff, v3  }
0x2a5: {  	[tilespmem:s9+$0x4210] =	vst.add.f32.msk $0xffff, v4  }
0x2a6: {  	[tilespmem:s9+$0x4220] =	vst.add.f32.msk $0xffff, v5  }
0x2a7: {  	[tilespmem:s9+$0x4230] =	vst.add.f32.msk $0xffff, v6  }
0x2a8: {  	[tilespmem:s9+$0x4240] =	vst.add.f32.msk $0xffff, v7  }
0x2a9: {  	[tilespmem:s9+$0x4250] =	vst.add.f32.msk $0xffff, v8  }
0x2aa: {  	[tilespmem:s9+$0x4260] =	vst.add.f32.msk $0xffff, v9  }
0x2ab: {  	[tilespmem:s9+$0x4270] =	vst.add.f32.msk $0xffff, v10  }
0x2ac: {  	[tilespmem:s9+$0x4600] =	vst.add.f32.msk $0xffff, v11  }
.Ltmp10:
0x2ad: {  	[tilespmem:s9+$0x4610] =	vst.add.f32.msk $0xffff, v12;
	(pc) =	sbr.rel @p0 .LBB2_24-.Ltmp10, $4  }
0x2ae: {  	[tilespmem:s9+$0x4620] =	vst.add.f32.msk $0xffff, v13  }
0x2af: {  	[tilespmem:s9+$0x4630] =	vst.add.f32.msk $0xffff, v14  }
0x2b0: {  	[tilespmem:s9+$0x4640] =	vst.add.f32.msk $0xffff, v15  }
0x2b1: {  	s28 =	sadd.s32 $0x2000, s28;
	[tilespmem:s9+$0x4650] =	vst.add.f32.msk $0xffff, v16  }
0x2b2: {  	s10 =	sadd.s32 $0x1, s10  }
0x2b3: {  	p0 =	sne.s32 s10, $0x8  }
.Ltmp11:
0x2b4: {  	_ = 	snop;
	(pc) =	sbr.rel @p0 .LBB2_23-.Ltmp11, $2  }
0x2b5: {  	_ =	sdelay $0x2  }
0x2b6: {  	[tilespmem:s9+$0x4660] =	vst.add.f32.msk $0xffff, v2;
	s2 =	sadd.s32 $0x200, s2  }
0x2b7: {  	s2 =	sshrl.u32 s29, $0x2  }
0x2b8: {  	s2 =	sadd.s32 s22, s2  }
0x2b9: {  	s2 =	sshll.u32 s2, $0xB  }
0x2ba: {  	s2 =	sand.u32 $0x1FF7F800, s2  }
0x2bb: {  	s9 =	simm.s32 $0x4200;
	s2 =	sadd.s32 s2, s18  }
0x2bc: {  	[hbm4b:s2+s4] =	stream.linear.scatter [tilespmem:s9], [sflag:$0x6], $0x4000, $0x38;
	[tilespmem:$0x18200] =	vst v63  }
0x2bd: {  	_ =	swait.ge [sflag:s3], $0x4000  }
0x2be: {  	p0 =	seq.s32 s25, $0x3;
	[sflag:s3] =	ssyncset.done $0x0  }
0x2bf: {  	s2 =	simm.s32 @!p0 $0x5;
	[sflag:s3] =	ssyncadd.s32 $0xFFFFC000  }
0x2c0: {  	_ =	swait.ge @!p0 [sflag:s2], $0x4000  }
0x2c1: {  	[sflag:s2] =	ssyncset.done @!p0 $0x0  }
0x2c2: {  	s5 =	sshrl.u32 @!p0 s5, $0x2;
	[sflag:s2] =	ssyncadd.s32 @!p0 $0xFFFFC000  }
0x2c3: {  	v2 =	vld.msk @!p0 [tilespmem:s5+$0x10], $0xff;
	_ =	sdelay $0x4  }
0x2c4: {  	v3 =	vshll.u32 @!p0 v2, $0x4  }
0x2c5: {  	v4 =	vlaneseq.u32 @!p0;
	v2 =	vand.u32 @!p0 $0x7, v2;
	v3 =	vand.u32 @!p0 $0xFFFFFF80, v3  }
0x2c6: {  	v2 =	vor.u32 @!p0 v2, v3;
	v3 =	vand.u32 @!p0 $0x7, v4;
	v4 =	vshrl.u32 @!p0 v4, $0x3  }
0x2c7: {  	v2 =	vperm.xlane @!p0 v2, v3;
	v3 =	vmul.u32 @!p0 $0x8, v4;
	_ =	sdelay $0x1  }
0x2c8: {  	v2 =	vadd.s32 @!p0 v3, v2;
	_ =	sdelay $0x3  }
0x2c9: {  	vm1 =	vmmov @!p0 $0xffff;
	s9 =	simm.s32 @!p0 $0x200;
	s2 =	simm.s32 @!p0 $0x0  }
0x2ca: {  	[tilespmem:s9], [sflag:$0x1] =	stream.indirect_vreg.gather @!p0 [hbm4b:s1+s2], $0x80, v2, vm1, $0xb8;
	[tilespmem:$0x18200] =	vst v63  }
0x2cb: {  	s9 =	simm.s32 @!p0 $0xA00  }
0x2cc: {  	[tilespmem:s9], [sflag:$0x1] =	stream.indirect_vreg.gather @!p0 [hbm4b:s11+s2], $0x80, v2, vm1, $0xb8;
	[tilespmem:$0x18200] =	vst v63  }
0x2cd: {  	s9 =	simm.s32 @!p0 $0x1200  }
0x2ce: {  	[tilespmem:s9], [sflag:$0x1] =	stream.indirect_vreg.gather @!p0 [hbm4b:s12+s2], $0x80, v2, vm1, $0xb8;
	[tilespmem:$0x18200] =	vst v63  }
0x2cf: {  	s9 =	simm.s32 @!p0 $0x1A00  }
0x2d0: {  	[tilespmem:s9], [sflag:$0x1] =	stream.indirect_vreg.gather @!p0 [hbm4b:s13+s2], $0x80, v2, vm1, $0xb8;
	[tilespmem:$0x18200] =	vst v63  }
0x2d1: {  	s9 =	simm.s32 @!p0 $0x2200  }
0x2d2: {  	[tilespmem:s9], [sflag:$0x1] =	stream.indirect_vreg.gather @!p0 [hbm4b:s14+s2], $0x80, v2, vm1, $0xb8;
	[tilespmem:$0x18200] =	vst v63  }
0x2d3: {  	s9 =	simm.s32 @!p0 $0x2A00  }
0x2d4: {  	[tilespmem:s9], [sflag:$0x1] =	stream.indirect_vreg.gather @!p0 [hbm4b:s15+s2], $0x80, v2, vm1, $0xb8;
	[tilespmem:$0x18200] =	vst v63  }
0x2d5: {  	s9 =	simm.s32 @!p0 $0x3200  }
0x2d6: {  	[tilespmem:s9], [sflag:$0x1] =	stream.indirect_vreg.gather @!p0 [hbm4b:s16+s2], $0x80, v2, vm1, $0xb8;
	[tilespmem:$0x18200] =	vst v63  }
0x2d7: {  	s9 =	simm.s32 @!p0 $0x3A00  }
0x2d8: {  	[tilespmem:s9], [sflag:$0x1] =	stream.indirect_vreg.gather @!p0 [hbm4b:s17+s2], $0x80, v2, vm1, $0xb8;
	[tilespmem:$0x18200] =	vst v63  }
0x2d9: {  	s10 =	simm.s32 $0x0;
	s2 =	simm.s32 $0x0  }
.LBB2_27:
0x2da: {  	s9 =	sshra.s32 s2, $0x2  }
0x2db: {  	v2 =	vld [tilespmem:s9+$0x14670]  }
0x2dc: {  	v3 =	vld [tilespmem:s9+$0x14200]  }
0x2dd: {  	v4 =	vld [tilespmem:s9+$0x14210]  }
0x2de: {  	v5 =	vld [tilespmem:s9+$0x14220]  }
0x2df: {  	v6 =	vld [tilespmem:s9+$0x14230]  }
0x2e0: {  	v7 =	vld [tilespmem:s9+$0x14240]  }
0x2e1: {  	v8 =	vld [tilespmem:s9+$0x14250]  }
0x2e2: {  	v9 =	vld [tilespmem:s9+$0x14260]  }
0x2e3: {  	v10 =	vld [tilespmem:s9+$0x14270]  }
0x2e4: {  	v11 =	vld [tilespmem:s9+$0x14600]  }
0x2e5: {  	v12 =	vld [tilespmem:s9+$0x14610]  }
0x2e6: {  	v13 =	vld [tilespmem:s9+$0x14620]  }
0x2e7: {  	v14 =	vld [tilespmem:s9+$0x14630]  }
0x2e8: {  	v15 =	vld [tilespmem:s9+$0x14640]  }
0x2e9: {  	v16 =	vld [tilespmem:s9+$0x14650]  }
0x2ea: {  	[tilespmem:s9+$0x8670] =	vst.add.f32.msk $0xffff, v2  }
0x2eb: {  	v2 =	vld [tilespmem:s9+$0x14660]  }
0x2ec: {  	[tilespmem:s9+$0x8200] =	vst.add.f32.msk $0xffff, v3  }
0x2ed: {  	[tilespmem:s9+$0x8210] =	vst.add.f32.msk $0xffff, v4  }
0x2ee: {  	[tilespmem:s9+$0x8220] =	vst.add.f32.msk $0xffff, v5  }
0x2ef: {  	[tilespmem:s9+$0x8230] =	vst.add.f32.msk $0xffff, v6  }
0x2f0: {  	[tilespmem:s9+$0x8240] =	vst.add.f32.msk $0xffff, v7  }
0x2f1: {  	[tilespmem:s9+$0x8250] =	vst.add.f32.msk $0xffff, v8  }
0x2f2: {  	[tilespmem:s9+$0x8260] =	vst.add.f32.msk $0xffff, v9  }
0x2f3: {  	[tilespmem:s9+$0x8270] =	vst.add.f32.msk $0xffff, v10  }
0x2f4: {  	[tilespmem:s9+$0x8600] =	vst.add.f32.msk $0xffff, v11  }
0x2f5: {  	[tilespmem:s9+$0x8610] =	vst.add.f32.msk $0xffff, v12  }
0x2f6: {  	[tilespmem:s9+$0x8620] =	vst.add.f32.msk $0xffff, v13  }
0x2f7: {  	[tilespmem:s9+$0x8630] =	vst.add.f32.msk $0xffff, v14  }
0x2f8: {  	[tilespmem:s9+$0x8640] =	vst.add.f32.msk $0xffff, v15  }
0x2f9: {  	s26 =	simm.s32 $0x0;
	s28 =	sadd.s32 $0x2000, s2;
	[tilespmem:s9+$0x8650] =	vst.add.f32.msk $0xffff, v16  }
.LBB2_28:
0x2fa: {  	s26 =	sadd.s32 $0x10, s26;
	[tilespmem:s9+$0x8660] =	vst.add.f32.msk $0xffff, v2;
	s9 =	sshra.s32 s28, $0x2  }
0x2fb: {  	v2 =	vld [tilespmem:s9+$0x14670];
	p1 =	slt.u32 s26, $0x70  }
0x2fc: {  	v3 =	vld [tilespmem:s9+$0x14200]  }
0x2fd: {  	v4 =	vld [tilespmem:s9+$0x14210]  }
0x2fe: {  	v5 =	vld [tilespmem:s9+$0x14220]  }
0x2ff: {  	v6 =	vld [tilespmem:s9+$0x14230]  }
0x300: {  	[tilespmem:s9+$0x8670] =	vst.add.f32.msk $0xffff, v2  }
0x301: {  	v7 =	vld [tilespmem:s9+$0x14240]  }
0x302: {  	v8 =	vld [tilespmem:s9+$0x14250]  }
0x303: {  	v9 =	vld [tilespmem:s9+$0x14260]  }
0x304: {  	v10 =	vld [tilespmem:s9+$0x14270]  }
0x305: {  	v11 =	vld [tilespmem:s9+$0x14600]  }
0x306: {  	v12 =	vld [tilespmem:s9+$0x14610]  }
0x307: {  	v13 =	vld [tilespmem:s9+$0x14620]  }
0x308: {  	v14 =	vld [tilespmem:s9+$0x14630]  }
0x309: {  	v15 =	vld [tilespmem:s9+$0x14640]  }
0x30a: {  	v16 =	vld [tilespmem:s9+$0x14650]  }
0x30b: {  	v2 =	vld [tilespmem:s9+$0x14660]  }
0x30c: {  	[tilespmem:s9+$0x8200] =	vst.add.f32.msk $0xffff, v3  }
0x30d: {  	[tilespmem:s9+$0x8210] =	vst.add.f32.msk $0xffff, v4  }
0x30e: {  	[tilespmem:s9+$0x8220] =	vst.add.f32.msk $0xffff, v5  }
0x30f: {  	[tilespmem:s9+$0x8230] =	vst.add.f32.msk $0xffff, v6  }
0x310: {  	[tilespmem:s9+$0x8240] =	vst.add.f32.msk $0xffff, v7  }
0x311: {  	[tilespmem:s9+$0x8250] =	vst.add.f32.msk $0xffff, v8  }
0x312: {  	[tilespmem:s9+$0x8260] =	vst.add.f32.msk $0xffff, v9  }
0x313: {  	[tilespmem:s9+$0x8270] =	vst.add.f32.msk $0xffff, v10  }
0x314: {  	[tilespmem:s9+$0x8600] =	vst.add.f32.msk $0xffff, v11  }
.Ltmp12:
0x315: {  	[tilespmem:s9+$0x8610] =	vst.add.f32.msk $0xffff, v12;
	(pc) =	sbr.rel @p1 .LBB2_28-.Ltmp12, $4  }
0x316: {  	[tilespmem:s9+$0x8620] =	vst.add.f32.msk $0xffff, v13  }
0x317: {  	[tilespmem:s9+$0x8630] =	vst.add.f32.msk $0xffff, v14  }
0x318: {  	[tilespmem:s9+$0x8640] =	vst.add.f32.msk $0xffff, v15  }
0x319: {  	s28 =	sadd.s32 $0x2000, s28;
	[tilespmem:s9+$0x8650] =	vst.add.f32.msk $0xffff, v16  }
0x31a: {  	s10 =	sadd.s32 $0x1, s10  }
0x31b: {  	p1 =	sne.s32 s10, $0x8  }
.Ltmp13:
0x31c: {  	_ = 	snop;
	(pc) =	sbr.rel @p1 .LBB2_27-.Ltmp13, $2  }
0x31d: {  	_ =	sdelay $0x2  }
0x31e: {  	[tilespmem:s9+$0x8660] =	vst.add.f32.msk $0xffff, v2;
	s2 =	sadd.s32 $0x200, s2  }
0x31f: {  	s2 =	sshrl.u32 s31, $0x2  }
0x320: {  	s2 =	sadd.s32 s22, s2  }
0x321: {  	s2 =	sshll.u32 s2, $0xB  }
0x322: {  	s2 =	sand.u32 $0x1FEFF800, s2  }
0x323: {  	s2 =	sadd.s32 s2, s19  }
0x324: {  	[hbm4b:s2+s4] =	stream.linear.scatter [tilespmem:s23], [sflag:$0x7], $0x4000, $0x38;
	[tilespmem:$0x18200] =	vst v63  }
0x325: {  	_ =	swait.ge [sflag:s0], $0x4000  }
0x326: {  	[sflag:s0] =	ssyncset.done $0x0  }
0x327: {  	s2 =	simm.s32 @!p0 $0x6;
	[sflag:s0] =	ssyncadd.s32 $0xFFFFC000  }
0x328: {  	_ =	swait.ge @!p0 [sflag:s2], $0x4000  }
0x329: {  	[sflag:s2] =	ssyncset.done @!p0 $0x0  }
0x32a: {  	[sflag:s2] =	ssyncadd.s32 @!p0 $0xFFFFC000  }
0x32b: {  	v2 =	vld.msk @!p0 [tilespmem:s5+$0x90], $0xff;
	_ =	sdelay $0x4  }
0x32c: {  	v3 =	vshll.u32 @!p0 v2, $0x4  }
0x32d: {  	v4 =	vlaneseq.u32 @!p0;
	v2 =	vand.u32 @!p0 $0x7, v2;
	v3 =	vand.u32 @!p0 $0xFFFFFF80, v3  }
0x32e: {  	v2 =	vor.u32 @!p0 v2, v3;
	v3 =	vand.u32 @!p0 $0x7, v4;
	v4 =	vshrl.u32 @!p0 v4, $0x3  }
0x32f: {  	v2 =	vperm.xlane @!p0 v2, v3;
	v3 =	vmul.u32 @!p0 $0x8, v4;
	_ =	sdelay $0x1  }
0x330: {  	v2 =	vadd.s32 @!p0 v3, v2;
	_ =	sdelay $0x3  }
0x331: {  	s2 =	simm.s32 @!p0 $0x0;
	s5 =	simm.s32 @!p0 $0x4200  }
0x332: {  	[tilespmem:s5], [sflag:$0x2] =	stream.indirect_vreg.gather @!p0 [hbm4b:s1+s2], $0x80, v2, vm1, $0xb8;
	[tilespmem:$0x18200] =	vst v63  }
0x333: {  	s5 =	simm.s32 @!p0 $0x4A00  }
0x334: {  	[tilespmem:s5], [sflag:$0x2] =	stream.indirect_vreg.gather @!p0 [hbm4b:s11+s2], $0x80, v2, vm1, $0xb8;
	[tilespmem:$0x18200] =	vst v63  }
0x335: {  	s5 =	simm.s32 @!p0 $0x5200  }
0x336: {  	[tilespmem:s5], [sflag:$0x2] =	stream.indirect_vreg.gather @!p0 [hbm4b:s12+s2], $0x80, v2, vm1, $0xb8;
	[tilespmem:$0x18200] =	vst v63  }
0x337: {  	s5 =	simm.s32 @!p0 $0x5A00  }
0x338: {  	[tilespmem:s5], [sflag:$0x2] =	stream.indirect_vreg.gather @!p0 [hbm4b:s13+s2], $0x80, v2, vm1, $0xb8;
	[tilespmem:$0x18200] =	vst v63  }
0x339: {  	s5 =	simm.s32 @!p0 $0x6200  }
0x33a: {  	[tilespmem:s5], [sflag:$0x2] =	stream.indirect_vreg.gather @!p0 [hbm4b:s14+s2], $0x80, v2, vm1, $0xb8;
	[tilespmem:$0x18200] =	vst v63  }
0x33b: {  	s5 =	simm.s32 @!p0 $0x6A00  }
0x33c: {  	[tilespmem:s5], [sflag:$0x2] =	stream.indirect_vreg.gather @!p0 [hbm4b:s15+s2], $0x80, v2, vm1, $0xb8;
	[tilespmem:$0x18200] =	vst v63  }
0x33d: {  	s5 =	simm.s32 @!p0 $0x7200  }
0x33e: {  	[tilespmem:s5], [sflag:$0x2] =	stream.indirect_vreg.gather @!p0 [hbm4b:s16+s2], $0x80, v2, vm1, $0xb8;
	[tilespmem:$0x18200] =	vst v63  }
0x33f: {  	s5 =	simm.s32 @!p0 $0x7A00  }
0x340: {  	[tilespmem:s5], [sflag:$0x2] =	stream.indirect_vreg.gather @!p0 [hbm4b:s17+s2], $0x80, v2, vm1, $0xb8;
	[tilespmem:$0x18200] =	vst v63  }
0x341: {  	s28 =	simm.s32 $0x5;
	s2 =	simm.s32 $0x0;
	s5 =	simm.s32 $0x0  }
.LBB2_31:
0x342: {  	s9 =	sshra.s32 s2, $0x2  }
0x343: {  	v2 =	vld [tilespmem:s9+$0x14670]  }
0x344: {  	v3 =	vld [tilespmem:s9+$0x14200]  }
0x345: {  	v4 =	vld [tilespmem:s9+$0x14210]  }
0x346: {  	v5 =	vld [tilespmem:s9+$0x14220]  }
0x347: {  	v6 =	vld [tilespmem:s9+$0x14230]  }
0x348: {  	v7 =	vld [tilespmem:s9+$0x14240]  }
0x349: {  	v8 =	vld [tilespmem:s9+$0x14250]  }
0x34a: {  	v9 =	vld [tilespmem:s9+$0x14260]  }
0x34b: {  	v10 =	vld [tilespmem:s9+$0x14270]  }
0x34c: {  	v11 =	vld [tilespmem:s9+$0x14600]  }
0x34d: {  	v12 =	vld [tilespmem:s9+$0x14610]  }
0x34e: {  	v13 =	vld [tilespmem:s9+$0x14620]  }
0x34f: {  	v14 =	vld [tilespmem:s9+$0x14630]  }
0x350: {  	v15 =	vld [tilespmem:s9+$0x14640]  }
0x351: {  	v16 =	vld [tilespmem:s9+$0x14650]  }
0x352: {  	[tilespmem:s9+$0xC670] =	vst.add.f32.msk $0xffff, v2  }
0x353: {  	v2 =	vld [tilespmem:s9+$0x14660]  }
0x354: {  	[tilespmem:s9+$0xC200] =	vst.add.f32.msk $0xffff, v3  }
0x355: {  	[tilespmem:s9+$0xC210] =	vst.add.f32.msk $0xffff, v4  }
0x356: {  	[tilespmem:s9+$0xC220] =	vst.add.f32.msk $0xffff, v5  }
0x357: {  	[tilespmem:s9+$0xC230] =	vst.add.f32.msk $0xffff, v6  }
0x358: {  	[tilespmem:s9+$0xC240] =	vst.add.f32.msk $0xffff, v7  }
0x359: {  	[tilespmem:s9+$0xC250] =	vst.add.f32.msk $0xffff, v8  }
0x35a: {  	[tilespmem:s9+$0xC260] =	vst.add.f32.msk $0xffff, v9  }
0x35b: {  	[tilespmem:s9+$0xC270] =	vst.add.f32.msk $0xffff, v10  }
0x35c: {  	[tilespmem:s9+$0xC600] =	vst.add.f32.msk $0xffff, v11  }
0x35d: {  	[tilespmem:s9+$0xC610] =	vst.add.f32.msk $0xffff, v12  }
0x35e: {  	[tilespmem:s9+$0xC620] =	vst.add.f32.msk $0xffff, v13  }
0x35f: {  	[tilespmem:s9+$0xC630] =	vst.add.f32.msk $0xffff, v14  }
0x360: {  	[tilespmem:s9+$0xC640] =	vst.add.f32.msk $0xffff, v15  }
0x361: {  	s10 =	simm.s32 $0x0;
	s26 =	sadd.s32 $0x2000, s2;
	[tilespmem:s9+$0xC650] =	vst.add.f32.msk $0xffff, v16  }
.LBB2_32:
0x362: {  	s10 =	sadd.s32 $0x10, s10;
	[tilespmem:s9+$0xC660] =	vst.add.f32.msk $0xffff, v2;
	s9 =	sshra.s32 s26, $0x2  }
0x363: {  	v2 =	vld [tilespmem:s9+$0x14670];
	p0 =	slt.u32 s10, $0x70  }
0x364: {  	v3 =	vld [tilespmem:s9+$0x14200]  }
0x365: {  	v4 =	vld [tilespmem:s9+$0x14210]  }
0x366: {  	v5 =	vld [tilespmem:s9+$0x14220]  }
0x367: {  	v6 =	vld [tilespmem:s9+$0x14230]  }
0x368: {  	[tilespmem:s9+$0xC670] =	vst.add.f32.msk $0xffff, v2  }
0x369: {  	v7 =	vld [tilespmem:s9+$0x14240]  }
0x36a: {  	v8 =	vld [tilespmem:s9+$0x14250]  }
0x36b: {  	v9 =	vld [tilespmem:s9+$0x14260]  }
0x36c: {  	v10 =	vld [tilespmem:s9+$0x14270]  }
0x36d: {  	v11 =	vld [tilespmem:s9+$0x14600]  }
0x36e: {  	v12 =	vld [tilespmem:s9+$0x14610]  }
0x36f: {  	v13 =	vld [tilespmem:s9+$0x14620]  }
0x370: {  	v14 =	vld [tilespmem:s9+$0x14630]  }
0x371: {  	v15 =	vld [tilespmem:s9+$0x14640]  }
0x372: {  	v16 =	vld [tilespmem:s9+$0x14650]  }
0x373: {  	v2 =	vld [tilespmem:s9+$0x14660]  }
0x374: {  	[tilespmem:s9+$0xC200] =	vst.add.f32.msk $0xffff, v3  }
0x375: {  	[tilespmem:s9+$0xC210] =	vst.add.f32.msk $0xffff, v4  }
0x376: {  	[tilespmem:s9+$0xC220] =	vst.add.f32.msk $0xffff, v5  }
0x377: {  	[tilespmem:s9+$0xC230] =	vst.add.f32.msk $0xffff, v6  }
0x378: {  	[tilespmem:s9+$0xC240] =	vst.add.f32.msk $0xffff, v7  }
0x379: {  	[tilespmem:s9+$0xC250] =	vst.add.f32.msk $0xffff, v8  }
0x37a: {  	[tilespmem:s9+$0xC260] =	vst.add.f32.msk $0xffff, v9  }
0x37b: {  	[tilespmem:s9+$0xC270] =	vst.add.f32.msk $0xffff, v10  }
0x37c: {  	[tilespmem:s9+$0xC600] =	vst.add.f32.msk $0xffff, v11  }
.Ltmp14:
0x37d: {  	[tilespmem:s9+$0xC610] =	vst.add.f32.msk $0xffff, v12;
	(pc) =	sbr.rel @p0 .LBB2_32-.Ltmp14, $4  }
0x37e: {  	[tilespmem:s9+$0xC620] =	vst.add.f32.msk $0xffff, v13  }
0x37f: {  	[tilespmem:s9+$0xC630] =	vst.add.f32.msk $0xffff, v14  }
0x380: {  	[tilespmem:s9+$0xC640] =	vst.add.f32.msk $0xffff, v15  }
0x381: {  	s26 =	sadd.s32 $0x2000, s26;
	[tilespmem:s9+$0xC650] =	vst.add.f32.msk $0xffff, v16  }
0x382: {  	s5 =	sadd.s32 $0x1, s5  }
0x383: {  	p0 =	sne.s32 s5, $0x8  }
.Ltmp15:
0x384: {  	_ = 	snop;
	(pc) =	sbr.rel @p0 .LBB2_31-.Ltmp15, $2  }
0x385: {  	_ =	sdelay $0x2  }
0x386: {  	[tilespmem:s9+$0xC660] =	vst.add.f32.msk $0xffff, v2;
	s2 =	sadd.s32 $0x200, s2  }
0x387: {  	s25 =	sadd.s32 $0x1, s25  }
0x388: {  	s2 =	sshrl.u32 s7, $0x2;
	p0 =	sne.s32 s25, $0x4  }
.Ltmp16:
0x389: {  	s2 =	sadd.s32 s22, s2;
	(pc) =	sbr.rel @p0 .LBB2_2-.Ltmp16, $4  }
0x38a: {  	s2 =	sshll.u32 s2, $0xB  }
0x38b: {  	s2 =	sand.u32 $0x1FE7F800, s2  }
0x38c: {  	s2 =	sadd.s32 s2, s20  }
0x38d: {  	[hbm4b:s2+s4] =	stream.linear.scatter [tilespmem:s6], [sflag:$0x8], $0x4000, $0x38;
	[tilespmem:$0x18200] =	vst v63  }
0x38e: {  	_ =	swait.ge [sflag:s28], $0x4000  }
0x38f: {  	[sflag:s28] =	ssyncset.done $0x0  }
0x390: {  	s7 =	simm.s32 $0x6;
	[sflag:s28] =	ssyncadd.s32 $0xFFFFC000  }
0x391: {  	_ =	swait.ge [sflag:s7], $0x4000  }
0x392: {  	[sflag:s7] =	ssyncset.done $0x0  }
0x393: {  	s9 =	simm.s32 $0x7;
	[sflag:s7] =	ssyncadd.s32 $0xFFFFC000  }
0x394: {  	_ =	swait.ge [sflag:s9], $0x4000  }
0x395: {  	[sflag:s9] =	ssyncset.done $0x0  }
0x396: {  	[sflag:s9] =	ssyncadd.s32 $0xFFFFC000  }
0x397: {  	_ =	swait.ge [sflag:s30], $0x4000  }
0x398: {  	s5 =	rddreg [dreg:$0xd]  }
0x399: {  	s2 =	rddreg [dreg:$0xc];
	s5 =	sadd.s32 $0x1, s5  }
0x39a: {  	p0 =	sne.s32 s5, s2  }
.Ltmp17:
0x39b: {  	_ = 	snop;
	(pc) =	sbr.rel @p0 .LBB2_1-.Ltmp17, $3  }
0x39c: {  	_ =	sdelay $0x1  }
0x39d: {  	[sflag:s30] =	ssyncset.done $0x0  }
0x39e: {  	[sflag:s30] =	ssyncadd.s32 $0xFFFFC000  }
0x39f: {  	_ =	sfence.sel $0x180000  }
0x3a0: {  	[bflag:$0x0] =	sbarrier.arrive $0xFFFF  }
0x3a1: {  	_ =	strace $0x90000047  }
0x3a2: {  	s0 =	stileid.u32;
	[bflag:$0x2] =	sbarrier.arrive $0xFFFF  }
0x3a3: {  	p0 =	sne.s32 s0, $0x0;
	s0 =	rddreg [dreg:$0x4]  }
0x3a4: {  	s0 =	sadd.s32 @!p0 $0x100000, s0  }
0x3a5: {  	[sflag:s0] =	ssyncadd.tile.s32 @!p0 $0x1;
	_ =	shalt  }
.Lfunc_end2:
_tile_overlayer_lowered:
.L_overlay_start_2:
0x3a6: {  	(tag) =	ssettag $0x2  }
0x3a7: {  	s0 =	rddreg [dreg:$0x0];
	s2 =	stileid.u32  }
0x3a8: {  	s1 =	rddreg [dreg:$0x1];
	p0 =	sne.s32 s2, $0x0  }
0x3a9: {  	s3 =	rddreg [dreg:$0x2];
	[bflag:$0x3] =	sbarrier.arrive $0xFFFF;
	s2 =	simm.s32 @!p0 $0x1C0B  }
0x3aa: {  	[timem:s3], [sflag:s2] =	dma.local @!p0 [hbm:s0], s1  }
0x3ab: {  	s0 =	simm.s32 @!p0 $0xB  }
0x3ac: {  	_ =	swait.ge @!p0 [sflag:s0], s1  }
0x3ad: {  	s1 =	ssub.s32 @!p0 $0x0, s1;
	[sflag:s0] =	ssyncset.done @!p0 $0x0  }
0x3ae: {  	[sflag:s0] =	ssyncadd.s32 @!p0 s1  }
0x3af: {  	[bflag:$0x3] =	sbarrier.arrive $0xFFFF  }
0x3b0: {  	_ =	shalt  }

</sc_bundles>
